<compile_context>
chip_gen: v7x
topology: tpu7x:2x2x1
jax: 0.10.2.dev20260603
libtpu: 0.0.44.dev20260713+nightly
codegen_flags: <defaults>
</compile_context>

<pallas_src>
import functools

import jax
import jax.numpy as jnp
from jax import lax
from jax.experimental import pallas as pl
from jax.experimental.pallas import tpu as pltpu
from jax.experimental.pallas import tpu_sc as plsc


def _gelu(v):
    return 0.5 * v * (1.0 + lax.erf(v * 0.7071067811865476))


def _sigmoid(v):
    return 1.0 / (1.0 + jnp.exp(-v))


def _dot_t(a, b):
    return lax.dot_general(a.astype(jnp.bfloat16), b.astype(jnp.bfloat16),
                           (((1,), (1,)), ((), ())),
                           preferred_element_type=jnp.float32)


def _dot(a, b):
    return lax.dot_general(a.astype(jnp.bfloat16), b.astype(jnp.bfloat16),
                           (((1,), (0,)), ((), ())),
                           preferred_element_type=jnp.float32)



def _tc_pre(x, W_ig, b_ig, W_og, b_og, W_in, b_in, arma_w, arma_root):
    N, C = x.shape
    BM = 1000

    def body(x_r, wig_r, big_r, wog_r, bog_r, win_r, bin_r, aw_r, ar_r,
             og_r, hr_r, tp_r):
        xb = x_r[...]
        ig = _sigmoid(_dot_t(xb, wig_r[...]) + big_r[...])
        og_r[...] = _sigmoid(_dot_t(xb, wog_r[...]) + bog_r[...])
        h = _gelu(_dot_t(ig * xb, win_r[...]) + bin_r[...])
        tp_r[...] = _dot(h, aw_r[...])
        hr_r[...] = _dot(h, ar_r[...])

    full = pl.BlockSpec((C, C), lambda i: (0, 0))
    bias = pl.BlockSpec((1, C), lambda i: (0, 0))
    blk = pl.BlockSpec((BM, C), lambda i: (i, 0))
    return pl.pallas_call(
        body,
        grid=(N // BM,),
        in_specs=[blk, full, bias, full, bias, full, bias, full, full],
        out_specs=[blk, blk, blk],
        out_shape=[jax.ShapeDtypeStruct((N, C), jnp.float32)] * 3,
    )(x, W_ig, b_ig.reshape(1, C), W_og, b_og.reshape(1, C),
      W_in, b_in.reshape(1, C), arma_w, arma_root)


def _tc_scale(deg_parts, t_pre):
    N, C = t_pre.shape

    def body(dp_r, tp_r, tpo_r, dinv_r):
        deg = jnp.sum(dp_r[...], axis=0, keepdims=True)
        dinv = jnp.where(deg > 0.0,
                         lax.rsqrt(jnp.maximum(deg, 1e-12)), 0.0)
        dcol = jnp.transpose(dinv, (1, 0))
        tpo_r[...] = tp_r[...] * dcol
        dinv_r[...] = dcol

    return pl.pallas_call(
        body,
        out_shape=[jax.ShapeDtypeStruct((N, C), jnp.float32),
                   jax.ShapeDtypeStruct((N, 1), jnp.float32)],
    )(deg_parts, t_pre)


def _tc_post(parts, dinv2d, hr, og, W_gw, b_gw, W_out, b_out, arma_bias):
    N, C = hr.shape
    BM = 1000

    def body(p_r, dv_r, hr_r, og_r, wgw_r, bgw_r, wo_r, bo_r, ab_r, out_r):
        agg = (p_r[0] + p_r[1]) * dv_r[...]
        a = jnp.maximum(agg + hr_r[...] + ab_r[...], 0.0)
        g = _gelu(_dot_t(a, wgw_r[...]) + bgw_r[...])
        out_r[...] = og_r[...] * (_dot_t(g, wo_r[...]) + bo_r[...])

    full = pl.BlockSpec((C, C), lambda i: (0, 0))
    bias = pl.BlockSpec((1, C), lambda i: (0, 0))
    blk = pl.BlockSpec((BM, C), lambda i: (i, 0))
    return pl.pallas_call(
        body,
        grid=(N // BM,),
        in_specs=[pl.BlockSpec((2, BM, C), lambda i: (0, i, 0)),
                  pl.BlockSpec((BM, 1), lambda i: (i, 0)),
                  blk, blk, full, bias, full, bias, bias],
        out_specs=blk,
        out_shape=jax.ShapeDtypeStruct((N, C), jnp.float32),
    )(parts, dinv2d, hr, og, W_gw, b_gw.reshape(1, C),
      W_out, b_out.reshape(1, C), arma_bias.reshape(1, C))



_MESH = dict(core_axis_name="c", subcore_axis_name="s")


def _sc_degree(ei_flat, n_nodes):
    E = ei_flat.shape[0] // 2
    mesh = plsc.VectorSubcoreMesh(**_MESH)
    NW = mesh.num_cores * mesh.num_subcores
    EPW = E // NW
    CH = 2000

    @functools.partial(
        pl.kernel,
        out_type=jax.ShapeDtypeStruct((NW, n_nodes), jnp.float32),
        mesh=mesh,
        compiler_params=pltpu.CompilerParams(needs_layout_passes=False),
        scratch_types=[pltpu.VMEM((CH,), jnp.int32),
                       pltpu.VMEM((n_nodes,), jnp.float32)],
    )
    def k(ei_hbm, out_hbm, idx_v, deg_v):
        cid = lax.axis_index("c")
        sid = lax.axis_index("s")
        wid = sid * mesh.num_cores + cid
        z16 = jnp.zeros((16,), jnp.float32)
        one16 = jnp.ones((16,), jnp.float32)

        @pl.loop(0, n_nodes, step=16)
        def _(i):
            deg_v[pl.ds(i, 16)] = z16

        base = wid * EPW

        @pl.loop(0, EPW, step=CH)
        def _(off):
            pltpu.sync_copy(ei_hbm.at[pl.ds(E + base + off, CH)], idx_v)

            @pl.loop(0, CH, step=16)
            def _(j):
                plsc.addupdate_scatter(deg_v, [idx_v[pl.ds(j, 16)]], one16)

        pltpu.sync_copy(deg_v, out_hbm.at[wid])

    return k(ei_flat)


def _sc_aggregate(tprime, ei_flat):
    N, C = tprime.shape
    E = ei_flat.shape[0] // 2
    mesh = plsc.VectorSubcoreMesh(**_MESH)
    NC, NS = mesh.num_cores, mesh.num_subcores
    NW = NC * NS
    EPW = E // NW
    CH = 80
    ZR = 80
    RB = 4
    IR = 2 * RB
    NCH = EPW // CH
    WARM = RB
    MAIN = NCH - WARM - RB - 1
    MAIN -= MAIN % IR
    MAIN += WARM

    @functools.partial(
        pl.kernel,
        out_type=jax.ShapeDtypeStruct((NC, N, C), jnp.float32),
        mesh=mesh,
        scratch_types=([pltpu.VMEM((IR, CH), jnp.int32),
                        pltpu.VMEM((IR, CH), jnp.int32),
                        pltpu.VMEM((RB, CH, C), jnp.float32),
                        pltpu.VMEM_SHARED((N, C), jnp.float32)]
                       + [pltpu.SemaphoreType.DMA] * (IR + 2 * RB)),
    )
    def k(t_hbm, ei_hbm, out_hbm, ridx, cidx, rows,
          agg_sh, *sems):
        isem = sems[:IR]
        gsem = sems[IR:IR + RB]
        ssem = sems[IR + RB:]
        cid = lax.axis_index("c")
        sid = lax.axis_index("s")
        wid = sid * NC + cid
        z16 = jnp.zeros((16,), jnp.float32)

        @pl.loop(0, ZR)
        def _(r):
            @pl.loop(0, C, step=16)
            def _(cc):
                rows[0, r, pl.ds(cc, 16)] = z16

        @pl.loop(sid * ZR, N, step=NS * ZR)
        def _(rr):
            pltpu.sync_copy(rows.at[0], agg_sh.at[pl.ds(rr, ZR)])

        plsc.subcore_barrier()

        base = wid * EPW

        def idx_start(kk, isl):
            off = base + kk * CH
            pltpu.async_copy(ei_hbm.at[pl.ds(off, CH)], ridx.at[isl],
                             isem[isl])
            pltpu.async_copy(ei_hbm.at[pl.ds(E + off, CH)], cidx.at[isl],
                             isem[isl])

        def idx_wait(isl):
            pltpu.make_async_copy(ei_hbm.at[pl.ds(0, CH)], ridx.at[isl],
                                  isem[isl]).wait()
            pltpu.make_async_copy(ei_hbm.at[pl.ds(0, CH)], cidx.at[isl],
                                  isem[isl]).wait()

        def gath_start(isl, b):
            pltpu.async_copy(t_hbm.at[ridx.at[isl]], rows.at[b], gsem[b])

        def gath_wait(isl, b):
            pltpu.make_async_copy(t_hbm.at[ridx.at[isl]], rows.at[b],
                                  gsem[b]).wait()

        def scat_start(isl, b):
            pltpu.async_copy(rows.at[b], agg_sh.at[cidx.at[isl]],
                             ssem[b], add=True)

        def scat_wait(isl, b):
            pltpu.make_async_copy(rows.at[b], agg_sh.at[cidx.at[isl]],
                                  ssem[b]).wait()

        for j in range(RB):
            idx_start(j, j)
        for j in range(RB - 1):
            idx_wait(j)
            gath_start(j, j)

        def body(kk, r, tail=False):
            b = r % RB
            isl = r % IR
            gath_wait(isl, b)
            scat_start(isl, b)
            if not isinstance(kk, int) or kk >= 1:
                scat_wait((r - 1) % IR, (r - 1) % RB)
            if not tail or r + RB - 1 < NCH:
                idx_wait((r + RB - 1) % IR)
                gath_start((r + RB - 1) % IR, (r + RB - 1) % RB)
            if not tail or r + RB < NCH:
                idx_start(kk + RB, (r + RB) % IR)

        for j in range(WARM):
            body(j, j)

        @pl.loop(WARM, MAIN, step=IR)
        def _(outer):
            for r in range(IR):
                body(outer + r, WARM + r)

        for j in range(MAIN, NCH):
            body(j, j, tail=True)
        scat_wait((NCH - 1) % IR, (NCH - 1) % RB)

        plsc.subcore_barrier()

        @pl.loop(sid * ZR, N, step=NS * ZR)
        def _(rr):
            pltpu.sync_copy(agg_sh.at[pl.ds(rr, ZR)],
                            out_hbm.at[cid, pl.ds(rr, ZR)])

    return k(tprime, ei_flat)



def kernel(x, edge_index, W_ig, b_ig, W_og, b_og, W_in, b_in, W_gw, b_gw,
           W_out, b_out, arma_w, arma_root, arma_bias):
    N, C = x.shape
    ei_flat = edge_index.reshape(-1)

    og, hr, t_pre = _tc_pre(x, W_ig, b_ig, W_og, b_og, W_in, b_in,
                            arma_w, arma_root)
    deg_parts = _sc_degree(ei_flat, N)
    tprime, dinv2d = _tc_scale(deg_parts, t_pre)
    parts = _sc_aggregate(tprime, ei_flat)
    return _tc_post(parts, dinv2d, hr, og, W_gw, b_gw, W_out, b_out,
                    arma_bias)

# --- scband reference (transcript-rebuilt; emitter-appended) ---
"""Pipeline reference for scband-spatial-conv-463856468395 (READ-ONLY COPY).

The authoritative reference and input builder live on the scoring server;
editing this copy changes nothing except your own understanding.
"""

import jax, jax.numpy as jnp
import numpy as np

N = 10000
E = 320000
C = 128


def _lin(k, scale=None):
    k1, k2 = jax.random.split(k)
    s = (1.0 / np.sqrt(C)) if scale is None else scale
    W = jax.random.normal(k1, (C, C), dtype=jnp.float32) * s
    b = jax.random.normal(k2, (C,), dtype=jnp.float32) * 0.01
    return W, b


def setup_inputs(seed: int = 0) -> dict:
    key = jax.random.key(seed)
    ks = jax.random.split(key, 10)
    inp = {}
    inp["x"] = jax.random.normal(ks[0], (N, C), dtype=jnp.float32)
    inp["edge_index"] = jax.random.randint(ks[1], (2, E), 0, N, dtype=jnp.int32)
    inp["W_ig"], inp["b_ig"] = _lin(ks[2])
    inp["W_og"], inp["b_og"] = _lin(ks[3])
    inp["W_in"], inp["b_in"] = _lin(ks[4])
    inp["W_gw"], inp["b_gw"] = _lin(ks[5])
    inp["W_out"], inp["b_out"] = _lin(ks[6])
    # ARMAConv (num_stacks=1, num_layers=1, shared_weights=False) parameters
    inp["arma_w"] = jax.random.normal(ks[7], (C, C), dtype=jnp.float32) * (1.0 / np.sqrt(C))
    inp["arma_root"] = jax.random.normal(ks[8], (C, C), dtype=jnp.float32) * (1.0 / np.sqrt(C))
    inp["arma_bias"] = jax.random.normal(ks[9], (C,), dtype=jnp.float32) * 0.01
    return inp


def reference(x, edge_index, W_ig, b_ig, W_og, b_og, W_in, b_in, W_gw, b_gw, W_out, b_out, arma_w, arma_root, arma_bias):
    gelu = lambda v: jax.nn.gelu(v, approximate=False)
    ig = jax.nn.sigmoid(x @ W_ig.T + b_ig)
    og = jax.nn.sigmoid(x @ W_og.T + b_og)
    h = ig * x
    h = gelu(h @ W_in.T + b_in)
    # ARMAConv, K=1, T=1: out = relu(L_hat @ (h @ W) + h @ V + b), gcn_norm without self-loops
    row = edge_index[0]
    col = edge_index[1]
    deg = jnp.zeros((N,), jnp.float32).at[col].add(jnp.ones((E,), jnp.float32))
    dinv = jnp.where(deg > 0, jax.lax.rsqrt(jnp.maximum(deg, 1e-12)), 0.0)
    norm = dinv[row] * dinv[col]
    t = h @ arma_w
    agg = jnp.zeros((N, C), jnp.float32).at[col].add(norm[:, None] * t[row])
    h = jax.nn.relu(agg + h @ arma_root + arma_bias)
    h = gelu(h @ W_gw.T + b_gw)
    h = h @ W_out.T + b_out
    return og * h

if __name__ == "__main__":
    import jax
    _d = setup_inputs()
    print(jax.jit(kernel)(*tuple(_d.values())))

</pallas_src>

<mosaic_0001>
#map = affine_map<(d0, d1) -> (0, 0)>
#map1 = affine_map<(d0, d1) -> (0)>
#map2 = affine_map<(d0, d1) -> (0, 0, 0)>
module attributes {stable_mosaic.version = 14 : i64} {
  func.func @k(%arg0: i32, %arg1: i32, %arg2: memref<10000x128xf32, #tpu.memory_space<hbm>>, %arg3: memref<640000xi32, #tpu.memory_space<hbm>>, %arg4: memref<2x10000x128xf32, #tpu.memory_space<hbm>>, %arg5: memref<8x80xi32, #tpu.memory_space<vmem>>, %arg6: memref<8x80xi32, #tpu.memory_space<vmem>>, %arg7: memref<4x80x128xf32, #tpu.memory_space<vmem>>, %arg8: memref<10000x128xf32, #tpu.memory_space<vmem_shared>>, %arg9: memref<!tpu.dma_semaphore, #tpu.memory_space<semaphore_mem>>, %arg10: memref<!tpu.dma_semaphore, #tpu.memory_space<semaphore_mem>>, %arg11: memref<!tpu.dma_semaphore, #tpu.memory_space<semaphore_mem>>, %arg12: memref<!tpu.dma_semaphore, #tpu.memory_space<semaphore_mem>>, %arg13: memref<!tpu.dma_semaphore, #tpu.memory_space<semaphore_mem>>, %arg14: memref<!tpu.dma_semaphore, #tpu.memory_space<semaphore_mem>>, %arg15: memref<!tpu.dma_semaphore, #tpu.memory_space<semaphore_mem>>, %arg16: memref<!tpu.dma_semaphore, #tpu.memory_space<semaphore_mem>>, %arg17: memref<!tpu.dma_semaphore, #tpu.memory_space<semaphore_mem>>, %arg18: memref<!tpu.dma_semaphore, #tpu.memory_space<semaphore_mem>>, %arg19: memref<!tpu.dma_semaphore, #tpu.memory_space<semaphore_mem>>, %arg20: memref<!tpu.dma_semaphore, #tpu.memory_space<semaphore_mem>>, %arg21: memref<!tpu.dma_semaphore, #tpu.memory_space<semaphore_mem>>, %arg22: memref<!tpu.dma_semaphore, #tpu.memory_space<semaphore_mem>>, %arg23: memref<!tpu.dma_semaphore, #tpu.memory_space<semaphore_mem>>, %arg24: memref<!tpu.dma_semaphore, #tpu.memory_space<semaphore_mem>>) attributes {dimension_semantics = [#tpu.dimension_semantics<core_parallel>, #tpu.dimension_semantics<subcore_parallel>], iteration_bounds = array<i64: 2, 16>, scalar_prefetch = 0 : i64, scratch_operands = 20 : i64, tpu.core_type = #tpu.core_type<sc_vector_subcore>, window_params = [{transform_indices = #map}, {transform_indices = #map1}, {transform_indices = #map2}]} {
    %mul3A = arith.constant 2 : i32
    %mul3A_0 = arith.muli %arg1, %mul3A : i32
    %add3A = arith.addi %mul3A_0, %arg0 : i32
    %broadcast_in_dim3A = arith.constant 0.000000e+00 : f32
    %broadcast_in_dim3A_1 = vector.broadcast %broadcast_in_dim3A : f32 to vector<16xf32>
    %scan3A = arith.constant 0 : i32
    %scan3A_2 = arith.constant 80 : i32
    %scan3A_3 = arith.addi %scan3A, %scan3A_2 : i32
    %scan3A_4 = arith.constant 1 : i32
    scf.for %scan3A_1245 = %scan3A to %scan3A_3 step %scan3A_4  : i32 {
      %mul3A_1246 = arith.constant 1 : i32
      %mul3A_1247 = arith.muli %scan3A_1245, %mul3A_1246 : i32
      %add3A_1248 = arith.constant 0 : i32
      %add3A_1249 = arith.addi %add3A_1248, %mul3A_1247 : i32
      %scan3A_1250 = arith.constant 0 : i32
      %scan3A_1251 = arith.constant 8 : i32
      %scan3A_1252 = arith.addi %scan3A_1250, %scan3A_1251 : i32
      %scan3A_1253 = arith.constant 1 : i32
      scf.for %scan3A_1255 = %scan3A_1250 to %scan3A_1252 step %scan3A_1253  : i32 {
        %mul3A_1256 = arith.constant 16 : i32
        %mul3A_1257 = arith.muli %scan3A_1255, %mul3A_1256 : i32
        %add3A_1258 = arith.constant 0 : i32
        %add3A_1259 = arith.addi %add3A_1258, %mul3A_1257 : i32
        %swap3A = arith.constant 0 : i32
        %swap3A_1260 = arith.index_cast %swap3A : i32 to index
        %swap3A_1261 = arith.index_cast %add3A_1249 : i32 to index
        %swap3A_1262 = arith.index_cast %add3A_1259 : i32 to index
        %swap3A_1263 = tpu.vector_load %arg7[%swap3A_1260, %swap3A_1261, %swap3A_1262] {strides = array<i32>} : memref<4x80x128xf32, #tpu.memory_space<vmem>>, vector<1x1x16xf32>,
        %swap3A_1264 = vector.shape_cast %swap3A_1263 : vector<1x1x16xf32> to vector<16xf32>
        %swap3A_1265 = vector.shape_cast %broadcast_in_dim3A_1 : vector<16xf32> to vector<1x1x16xf32>
        tpu.vector_store %arg7[%swap3A_1260, %swap3A_1261, %swap3A_1262], %swap3A_1265 {strides = array<i32>} : memref<4x80x128xf32, #tpu.memory_space<vmem>>, vector<1x1x16xf32>,
      }
      %scan3A_1254 = arith.constant 8 : i32
    }
    %scan3A_5 = arith.constant 80 : i32
    %mul3A_6 = arith.constant 80 : i32
    %mul3A_7 = arith.muli %arg1, %mul3A_6 : i32
    %sub3A = arith.constant 10000 : i32
    %sub3A_8 = arith.subi %sub3A, %mul3A_7 : i32
    %sub3A_9 = arith.constant 1280 : i32
    %sub3A_10 = arith.constant 1 : i32
    %sub3A_11 = arith.subi %sub3A_9, %sub3A_10 : i32
    %add3A_12 = arith.addi %sub3A_8, %sub3A_11 : i32
    %div3A = arith.constant 1280 : i32
    %div3A_13 = arith.divsi %add3A_12, %div3A : i32
    %while3A = arith.constant 1280 : i32
    %while3A_14 = arith.constant 0 : i32
    %while3A_15 = arith.subi %div3A_13, %while3A_14 : i32
    %while3A_16 = arith.addi %while3A_14, %while3A_15 : i32
    %while3A_17 = arith.constant 1 : i32
    %while3A_18 = arith.divsi %while3A_15, %while3A_17 : i32
    %while3A_19 = arith.muli %while3A_18, %while3A_17 : i32
    %while3A_20 = arith.addi %while3A_14, %while3A_19 : i32
    %while3A_21 = arith.constant 1 : i32
    scf.for %while3A_1245 = %while3A_14 to %while3A_20 step %while3A_21  : i32 {
      %mul3A_1246 = arith.muli %while3A_1245, %while3A : i32
      %add3A_1247 = arith.addi %mul3A_7, %mul3A_1246 : i32
      %run_scoped3A = arith.constant 0 : i32
      "tpu.region"() ({
        %run_scoped3A_1248 = tpu.sem_alloc : memref<!tpu.dma_semaphore, #tpu.memory_space<semaphore_mem>>
        %dma_start3A_1249 = arith.constant 0 : i32
        %dma_start3A_1250 = arith.constant 0 : i32
        %dma_start3A_1251 = tpu.memref_slice %arg7[%run_scoped3A, %dma_start3A_1249, %dma_start3A_1250] : memref<4x80x128xf32, #tpu.memory_space<vmem>> -> memref<1x80x128xf32, #tpu.memory_space<vmem>>
        %dma_start3A_1252 = tpu.memref_squeeze %dma_start3A_1251 : memref<1x80x128xf32, #tpu.memory_space<vmem>> -> memref<80x128xf32, #tpu.memory_space<vmem>>
        %dma_start3A_1253 = arith.constant 0 : i32
        %dma_start3A_1254 = tpu.memref_slice %arg8[%add3A_1247, %dma_start3A_1253] : memref<10000x128xf32, #tpu.memory_space<vmem_shared>> -> memref<80x128xf32, #tpu.memory_space<vmem_shared>>
        %dma_start3A_1255 = arith.constant 0 : i32
        %dma_start3A_1256 = tpu.memref_slice %arg8[%add3A_1247, %dma_start3A_1255] : memref<10000x128xf32, #tpu.memory_space<vmem_shared>> -> memref<80x128xf32, #tpu.memory_space<vmem_shared>>
        %dma_start3A_1257 = arith.constant 0 : i32
        %dma_start3A_1258 = arith.constant 0 : i32
        %dma_start3A_1259 = tpu.memref_slice %arg7[%run_scoped3A, %dma_start3A_1257, %dma_start3A_1258] : memref<4x80x128xf32, #tpu.memory_space<vmem>> -> memref<1x80x128xf32, #tpu.memory_space<vmem>>
        %dma_start3A_1260 = tpu.memref_squeeze %dma_start3A_1259 : memref<1x80x128xf32, #tpu.memory_space<vmem>> -> memref<80x128xf32, #tpu.memory_space<vmem>>
        tpu.enqueue_dma source(%dma_start3A_1260 : memref<80x128xf32, #tpu.memory_space<vmem>>) target(%dma_start3A_1256 : memref<80x128xf32, #tpu.memory_space<vmem_shared>>) target_semaphore(%run_scoped3A_1248 : memref<!tpu.dma_semaphore, #tpu.memory_space<semaphore_mem>>)
        %dma_wait3A_1261 = arith.constant 0 : i32
        %dma_wait3A_1262 = arith.constant 0 : i32
        %dma_wait3A_1263 = tpu.memref_slice %arg7[%run_scoped3A, %dma_wait3A_1261, %dma_wait3A_1262] : memref<4x80x128xf32, #tpu.memory_space<vmem>> -> memref<1x80x128xf32, #tpu.memory_space<vmem>>
        %dma_wait3A_1264 = tpu.memref_squeeze %dma_wait3A_1263 : memref<1x80x128xf32, #tpu.memory_space<vmem>> -> memref<80x128xf32, #tpu.memory_space<vmem>>
        %dma_wait3A_1265 = arith.constant 0 : i32
        %dma_wait3A_1266 = tpu.memref_slice %arg8[%add3A_1247, %dma_wait3A_1265] : memref<10000x128xf32, #tpu.memory_space<vmem_shared>> -> memref<80x128xf32, #tpu.memory_space<vmem_shared>>
        %dma_wait3A_1267 = arith.constant 0 : i32
        %dma_wait3A_1268 = tpu.memref_slice %arg8[%add3A_1247, %dma_wait3A_1267] : memref<10000x128xf32, #tpu.memory_space<vmem_shared>> -> memref<80x128xf32, #tpu.memory_space<vmem_shared>>
        %dma_wait3A_1269 = arith.constant 0 : i32
        %dma_wait3A_1270 = arith.constant 0 : i32
        %dma_wait3A_1271 = tpu.memref_slice %arg7[%run_scoped3A, %dma_wait3A_1269, %dma_wait3A_1270] : memref<4x80x128xf32, #tpu.memory_space<vmem>> -> memref<1x80x128xf32, #tpu.memory_space<vmem>>
        %dma_wait3A_1272 = tpu.memref_squeeze %dma_wait3A_1271 : memref<1x80x128xf32, #tpu.memory_space<vmem>> -> memref<80x128xf32, #tpu.memory_space<vmem>>
        tpu.wait_dma2 semaphore(%run_scoped3A_1248 : memref<!tpu.dma_semaphore, #tpu.memory_space<semaphore_mem>>) src(%dma_wait3A_1272 : memref<80x128xf32, #tpu.memory_space<vmem>>) dst(%dma_wait3A_1268 : memref<80x128xf32, #tpu.memory_space<vmem_shared>>)
        tpu.yield
      }) : () -> ()
    }
    %while3A_22 = arith.constant 1 : i32
    scf.for %while3A_1245 = %while3A_20 to %while3A_16 step %while3A_22  : i32 {
      %mul3A_1246 = arith.muli %while3A_1245, %while3A : i32
      %add3A_1247 = arith.addi %mul3A_7, %mul3A_1246 : i32
      %run_scoped3A = arith.constant 0 : i32
      "tpu.region"() ({
        %run_scoped3A_1248 = tpu.sem_alloc : memref<!tpu.dma_semaphore, #tpu.memory_space<semaphore_mem>>
        %dma_start3A_1249 = arith.constant 0 : i32
        %dma_start3A_1250 = arith.constant 0 : i32
        %dma_start3A_1251 = tpu.memref_slice %arg7[%run_scoped3A, %dma_start3A_1249, %dma_start3A_1250] : memref<4x80x128xf32, #tpu.memory_space<vmem>> -> memref<1x80x128xf32, #tpu.memory_space<vmem>>
        %dma_start3A_1252 = tpu.memref_squeeze %dma_start3A_1251 : memref<1x80x128xf32, #tpu.memory_space<vmem>> -> memref<80x128xf32, #tpu.memory_space<vmem>>
        %dma_start3A_1253 = arith.constant 0 : i32
        %dma_start3A_1254 = tpu.memref_slice %arg8[%add3A_1247, %dma_start3A_1253] : memref<10000x128xf32, #tpu.memory_space<vmem_shared>> -> memref<80x128xf32, #tpu.memory_space<vmem_shared>>
        %dma_start3A_1255 = arith.constant 0 : i32
        %dma_start3A_1256 = tpu.memref_slice %arg8[%add3A_1247, %dma_start3A_1255] : memref<10000x128xf32, #tpu.memory_space<vmem_shared>> -> memref<80x128xf32, #tpu.memory_space<vmem_shared>>
        %dma_start3A_1257 = arith.constant 0 : i32
        %dma_start3A_1258 = arith.constant 0 : i32
        %dma_start3A_1259 = tpu.memref_slice %arg7[%run_scoped3A, %dma_start3A_1257, %dma_start3A_1258] : memref<4x80x128xf32, #tpu.memory_space<vmem>> -> memref<1x80x128xf32, #tpu.memory_space<vmem>>
        %dma_start3A_1260 = tpu.memref_squeeze %dma_start3A_1259 : memref<1x80x128xf32, #tpu.memory_space<vmem>> -> memref<80x128xf32, #tpu.memory_space<vmem>>
        tpu.enqueue_dma source(%dma_start3A_1260 : memref<80x128xf32, #tpu.memory_space<vmem>>) target(%dma_start3A_1256 : memref<80x128xf32, #tpu.memory_space<vmem_shared>>) target_semaphore(%run_scoped3A_1248 : memref<!tpu.dma_semaphore, #tpu.memory_space<semaphore_mem>>)
        %dma_wait3A_1261 = arith.constant 0 : i32
        %dma_wait3A_1262 = arith.constant 0 : i32
        %dma_wait3A_1263 = tpu.memref_slice %arg7[%run_scoped3A, %dma_wait3A_1261, %dma_wait3A_1262] : memref<4x80x128xf32, #tpu.memory_space<vmem>> -> memref<1x80x128xf32, #tpu.memory_space<vmem>>
        %dma_wait3A_1264 = tpu.memref_squeeze %dma_wait3A_1263 : memref<1x80x128xf32, #tpu.memory_space<vmem>> -> memref<80x128xf32, #tpu.memory_space<vmem>>
        %dma_wait3A_1265 = arith.constant 0 : i32
        %dma_wait3A_1266 = tpu.memref_slice %arg8[%add3A_1247, %dma_wait3A_1265] : memref<10000x128xf32, #tpu.memory_space<vmem_shared>> -> memref<80x128xf32, #tpu.memory_space<vmem_shared>>
        %dma_wait3A_1267 = arith.constant 0 : i32
        %dma_wait3A_1268 = tpu.memref_slice %arg8[%add3A_1247, %dma_wait3A_1267] : memref<10000x128xf32, #tpu.memory_space<vmem_shared>> -> memref<80x128xf32, #tpu.memory_space<vmem_shared>>
        %dma_wait3A_1269 = arith.constant 0 : i32
        %dma_wait3A_1270 = arith.constant 0 : i32
        %dma_wait3A_1271 = tpu.memref_slice %arg7[%run_scoped3A, %dma_wait3A_1269, %dma_wait3A_1270] : memref<4x80x128xf32, #tpu.memory_space<vmem>> -> memref<1x80x128xf32, #tpu.memory_space<vmem>>
        %dma_wait3A_1272 = tpu.memref_squeeze %dma_wait3A_1271 : memref<1x80x128xf32, #tpu.memory_space<vmem>> -> memref<80x128xf32, #tpu.memory_space<vmem>>
        tpu.wait_dma2 semaphore(%run_scoped3A_1248 : memref<!tpu.dma_semaphore, #tpu.memory_space<semaphore_mem>>) src(%dma_wait3A_1272 : memref<80x128xf32, #tpu.memory_space<vmem>>) dst(%dma_wait3A_1268 : memref<80x128xf32, #tpu.memory_space<vmem_shared>>)
        tpu.yield
      }) : () -> ()
    }
    %barrier3A = arith.constant 0 : index
    tpu.barrier barrier_id(%barrier3A)
    %mul3A_23 = arith.constant 10000 : i32
    %mul3A_24 = arith.muli %add3A, %mul3A_23 : i32
    %add3A_25 = arith.constant 0 : i32
    %add3A_26 = arith.addi %mul3A_24, %add3A_25 : i32
    %dma_start3A = arith.constant 0 : i32
    %dma_start3A_27 = arith.constant 0 : i32
    %dma_start3A_28 = tpu.memref_slice %arg5[%dma_start3A, %dma_start3A_27] : memref<8x80xi32, #tpu.memory_space<vmem>> -> memref<1x80xi32, #tpu.memory_space<vmem>>
    %dma_start3A_29 = tpu.memref_squeeze %dma_start3A_28 : memref<1x80xi32, #tpu.memory_space<vmem>> -> memref<80xi32, #tpu.memory_space<vmem>>
    %dma_start3A_30 = tpu.memref_slice %arg3[%add3A_26] : memref<640000xi32, #tpu.memory_space<hbm>> -> memref<80xi32, #tpu.memory_space<hbm>>
    %dma_start3A_31 = arith.constant 0 : i32
    %dma_start3A_32 = tpu.memref_slice %arg5[%dma_start3A, %dma_start3A_31] : memref<8x80xi32, #tpu.memory_space<vmem>> -> memref<1x80xi32, #tpu.memory_space<vmem>>
    %dma_start3A_33 = tpu.memref_squeeze %dma_start3A_32 : memref<1x80xi32, #tpu.memory_space<vmem>> -> memref<80xi32, #tpu.memory_space<vmem>>
    %dma_start3A_34 = tpu.memref_slice %arg3[%add3A_26] : memref<640000xi32, #tpu.memory_space<hbm>> -> memref<80xi32, #tpu.memory_space<hbm>>
    tpu.enqueue_dma source(%dma_start3A_34 : memref<80xi32, #tpu.memory_space<hbm>>) target(%dma_start3A_33 : memref<80xi32, #tpu.memory_space<vmem>>) target_semaphore(%arg9 : memref<!tpu.dma_semaphore, #tpu.memory_space<semaphore_mem>>)
    %add3A_35 = arith.constant 320000 : i32
    %add3A_36 = arith.addi %add3A_35, %add3A_26 : i32
    %dma_start3A_37 = arith.constant 0 : i32
    %dma_start3A_38 = arith.constant 0 : i32
    %dma_start3A_39 = tpu.memref_slice %arg6[%dma_start3A_37, %dma_start3A_38] : memref<8x80xi32, #tpu.memory_space<vmem>> -> memref<1x80xi32, #tpu.memory_space<vmem>>
    %dma_start3A_40 = tpu.memref_squeeze %dma_start3A_39 : memref<1x80xi32, #tpu.memory_space<vmem>> -> memref<80xi32, #tpu.memory_space<vmem>>
    %dma_start3A_41 = tpu.memref_slice %arg3[%add3A_36] : memref<640000xi32, #tpu.memory_space<hbm>> -> memref<80xi32, #tpu.memory_space<hbm>>
    %dma_start3A_42 = arith.constant 0 : i32
    %dma_start3A_43 = tpu.memref_slice %arg6[%dma_start3A_37, %dma_start3A_42] : memref<8x80xi32, #tpu.memory_space<vmem>> -> memref<1x80xi32, #tpu.memory_space<vmem>>
    %dma_start3A_44 = tpu.memref_squeeze %dma_start3A_43 : memref<1x80xi32, #tpu.memory_space<vmem>> -> memref<80xi32, #tpu.memory_space<vmem>>
    %dma_start3A_45 = tpu.memref_slice %arg3[%add3A_36] : memref<640000xi32, #tpu.memory_space<hbm>> -> memref<80xi32, #tpu.memory_space<hbm>>
    tpu.enqueue_dma source(%dma_start3A_45 : memref<80xi32, #tpu.memory_space<hbm>>) target(%dma_start3A_44 : memref<80xi32, #tpu.memory_space<vmem>>) target_semaphore(%arg9 : memref<!tpu.dma_semaphore, #tpu.memory_space<semaphore_mem>>)
    %add3A_46 = arith.constant 80 : i32
    %add3A_47 = arith.addi %mul3A_24, %add3A_46 : i32
    %dma_start3A_48 = arith.constant 1 : i32
    %dma_start3A_49 = arith.constant 0 : i32
    %dma_start3A_50 = tpu.memref_slice %arg5[%dma_start3A_48, %dma_start3A_49] : memref<8x80xi32, #tpu.memory_space<vmem>> -> memref<1x80xi32, #tpu.memory_space<vmem>>
    %dma_start3A_51 = tpu.memref_squeeze %dma_start3A_50 : memref<1x80xi32, #tpu.memory_space<vmem>> -> memref<80xi32, #tpu.memory_space<vmem>>
    %dma_start3A_52 = tpu.memref_slice %arg3[%add3A_47] : memref<640000xi32, #tpu.memory_space<hbm>> -> memref<80xi32, #tpu.memory_space<hbm>>
    %dma_start3A_53 = arith.constant 0 : i32
    %dma_start3A_54 = tpu.memref_slice %arg5[%dma_start3A_48, %dma_start3A_53] : memref<8x80xi32, #tpu.memory_space<vmem>> -> memref<1x80xi32, #tpu.memory_space<vmem>>
    %dma_start3A_55 = tpu.memref_squeeze %dma_start3A_54 : memref<1x80xi32, #tpu.memory_space<vmem>> -> memref<80xi32, #tpu.memory_space<vmem>>
    %dma_start3A_56 = tpu.memref_slice %arg3[%add3A_47] : memref<640000xi32, #tpu.memory_space<hbm>> -> memref<80xi32, #tpu.memory_space<hbm>>
    tpu.enqueue_dma source(%dma_start3A_56 : memref<80xi32, #tpu.memory_space<hbm>>) target(%dma_start3A_55 : memref<80xi32, #tpu.memory_space<vmem>>) target_semaphore(%arg10 : memref<!tpu.dma_semaphore, #tpu.memory_space<semaphore_mem>>)
    %add3A_57 = arith.constant 320000 : i32
    %add3A_58 = arith.addi %add3A_57, %add3A_47 : i32
    %dma_start3A_59 = arith.constant 1 : i32
    %dma_start3A_60 = arith.constant 0 : i32
    %dma_start3A_61 = tpu.memref_slice %arg6[%dma_start3A_59, %dma_start3A_60] : memref<8x80xi32, #tpu.memory_space<vmem>> -> memref<1x80xi32, #tpu.memory_space<vmem>>
    %dma_start3A_62 = tpu.memref_squeeze %dma_start3A_61 : memref<1x80xi32, #tpu.memory_space<vmem>> -> memref<80xi32, #tpu.memory_space<vmem>>
    %dma_start3A_63 = tpu.memref_slice %arg3[%add3A_58] : memref<640000xi32, #tpu.memory_space<hbm>> -> memref<80xi32, #tpu.memory_space<hbm>>
    %dma_start3A_64 = arith.constant 0 : i32
    %dma_start3A_65 = tpu.memref_slice %arg6[%dma_start3A_59, %dma_start3A_64] : memref<8x80xi32, #tpu.memory_space<vmem>> -> memref<1x80xi32, #tpu.memory_space<vmem>>
    %dma_start3A_66 = tpu.memref_squeeze %dma_start3A_65 : memref<1x80xi32, #tpu.memory_space<vmem>> -> memref<80xi32, #tpu.memory_space<vmem>>
    %dma_start3A_67 = tpu.memref_slice %arg3[%add3A_58] : memref<640000xi32, #tpu.memory_space<hbm>> -> memref<80xi32, #tpu.memory_space<hbm>>
    tpu.enqueue_dma source(%dma_start3A_67 : memref<80xi32, #tpu.memory_space<hbm>>) target(%dma_start3A_66 : memref<80xi32, #tpu.memory_space<vmem>>) target_semaphore(%arg10 : memref<!tpu.dma_semaphore, #tpu.memory_space<semaphore_mem>>)
    %add3A_68 = arith.constant 160 : i32
    %add3A_69 = arith.addi %mul3A_24, %add3A_68 : i32
    %dma_start3A_70 = arith.constant 2 : i32
    %dma_start3A_71 = arith.constant 0 : i32
    %dma_start3A_72 = tpu.memref_slice %arg5[%dma_start3A_70, %dma_start3A_71] : memref<8x80xi32, #tpu.memory_space<vmem>> -> memref<1x80xi32, #tpu.memory_space<vmem>>
    %dma_start3A_73 = tpu.memref_squeeze %dma_start3A_72 : memref<1x80xi32, #tpu.memory_space<vmem>> -> memref<80xi32, #tpu.memory_space<vmem>>
    %dma_start3A_74 = tpu.memref_slice %arg3[%add3A_69] : memref<640000xi32, #tpu.memory_space<hbm>> -> memref<80xi32, #tpu.memory_space<hbm>>
    %dma_start3A_75 = arith.constant 0 : i32
    %dma_start3A_76 = tpu.memref_slice %arg5[%dma_start3A_70, %dma_start3A_75] : memref<8x80xi32, #tpu.memory_space<vmem>> -> memref<1x80xi32, #tpu.memory_space<vmem>>
    %dma_start3A_77 = tpu.memref_squeeze %dma_start3A_76 : memref<1x80xi32, #tpu.memory_space<vmem>> -> memref<80xi32, #tpu.memory_space<vmem>>
    %dma_start3A_78 = tpu.memref_slice %arg3[%add3A_69] : memref<640000xi32, #tpu.memory_space<hbm>> -> memref<80xi32, #tpu.memory_space<hbm>>
    tpu.enqueue_dma source(%dma_start3A_78 : memref<80xi32, #tpu.memory_space<hbm>>) target(%dma_start3A_77 : memref<80xi32, #tpu.memory_space<vmem>>) target_semaphore(%arg11 : memref<!tpu.dma_semaphore, #tpu.memory_space<semaphore_mem>>)
    %add3A_79 = arith.constant 320000 : i32
    %add3A_80 = arith.addi %add3A_79, %add3A_69 : i32
    %dma_start3A_81 = arith.constant 2 : i32
    %dma_start3A_82 = arith.constant 0 : i32
    %dma_start3A_83 = tpu.memref_slice %arg6[%dma_start3A_81, %dma_start3A_82] : memref<8x80xi32, #tpu.memory_space<vmem>> -> memref<1x80xi32, #tpu.memory_space<vmem>>
    %dma_start3A_84 = tpu.memref_squeeze %dma_start3A_83 : memref<1x80xi32, #tpu.memory_space<vmem>> -> memref<80xi32, #tpu.memory_space<vmem>>
    %dma_start3A_85 = tpu.memref_slice %arg3[%add3A_80] : memref<640000xi32, #tpu.memory_space<hbm>> -> memref<80xi32, #tpu.memory_space<hbm>>
    %dma_start3A_86 = arith.constant 0 : i32
    %dma_start3A_87 = tpu.memref_slice %arg6[%dma_start3A_81, %dma_start3A_86] : memref<8x80xi32, #tpu.memory_space<vmem>> -> memref<1x80xi32, #tpu.memory_space<vmem>>
    %dma_start3A_88 = tpu.memref_squeeze %dma_start3A_87 : memref<1x80xi32, #tpu.memory_space<vmem>> -> memref<80xi32, #tpu.memory_space<vmem>>
    %dma_start3A_89 = tpu.memref_slice %arg3[%add3A_80] : memref<640000xi32, #tpu.memory_space<hbm>> -> memref<80xi32, #tpu.memory_space<hbm>>
    tpu.enqueue_dma source(%dma_start3A_89 : memref<80xi32, #tpu.memory_space<hbm>>) target(%dma_start3A_88 : memref<80xi32, #tpu.memory_space<vmem>>) target_semaphore(%arg11 : memref<!tpu.dma_semaphore, #tpu.memory_space<semaphore_mem>>)
    %add3A_90 = arith.constant 240 : i32
    %add3A_91 = arith.addi %mul3A_24, %add3A_90 : i32
    %dma_start3A_92 = arith.constant 3 : i32
    %dma_start3A_93 = arith.constant 0 : i32
    %dma_start3A_94 = tpu.memref_slice %arg5[%dma_start3A_92, %dma_start3A_93] : memref<8x80xi32, #tpu.memory_space<vmem>> -> memref<1x80xi32, #tpu.memory_space<vmem>>
    %dma_start3A_95 = tpu.memref_squeeze %dma_start3A_94 : memref<1x80xi32, #tpu.memory_space<vmem>> -> memref<80xi32, #tpu.memory_space<vmem>>
    %dma_start3A_96 = tpu.memref_slice %arg3[%add3A_91] : memref<640000xi32, #tpu.memory_space<hbm>> -> memref<80xi32, #tpu.memory_space<hbm>>
    %dma_start3A_97 = arith.constant 0 : i32
    %dma_start3A_98 = tpu.memref_slice %arg5[%dma_start3A_92, %dma_start3A_97] : memref<8x80xi32, #tpu.memory_space<vmem>> -> memref<1x80xi32, #tpu.memory_space<vmem>>
    %dma_start3A_99 = tpu.memref_squeeze %dma_start3A_98 : memref<1x80xi32, #tpu.memory_space<vmem>> -> memref<80xi32, #tpu.memory_space<vmem>>
    %dma_start3A_100 = tpu.memref_slice %arg3[%add3A_91] : memref<640000xi32, #tpu.memory_space<hbm>> -> memref<80xi32, #tpu.memory_space<hbm>>
    tpu.enqueue_dma source(%dma_start3A_100 : memref<80xi32, #tpu.memory_space<hbm>>) target(%dma_start3A_99 : memref<80xi32, #tpu.memory_space<vmem>>) target_semaphore(%arg12 : memref<!tpu.dma_semaphore, #tpu.memory_space<semaphore_mem>>)
    %add3A_101 = arith.constant 320000 : i32
    %add3A_102 = arith.addi %add3A_101, %add3A_91 : i32
    %dma_start3A_103 = arith.constant 3 : i32
    %dma_start3A_104 = arith.constant 0 : i32
    %dma_start3A_105 = tpu.memref_slice %arg6[%dma_start3A_103, %dma_start3A_104] : memref<8x80xi32, #tpu.memory_space<vmem>> -> memref<1x80xi32, #tpu.memory_space<vmem>>
    %dma_start3A_106 = tpu.memref_squeeze %dma_start3A_105 : memref<1x80xi32, #tpu.memory_space<vmem>> -> memref<80xi32, #tpu.memory_space<vmem>>
    %dma_start3A_107 = tpu.memref_slice %arg3[%add3A_102] : memref<640000xi32, #tpu.memory_space<hbm>> -> memref<80xi32, #tpu.memory_space<hbm>>
    %dma_start3A_108 = arith.constant 0 : i32
    %dma_start3A_109 = tpu.memref_slice %arg6[%dma_start3A_103, %dma_start3A_108] : memref<8x80xi32, #tpu.memory_space<vmem>> -> memref<1x80xi32, #tpu.memory_space<vmem>>
    %dma_start3A_110 = tpu.memref_squeeze %dma_start3A_109 : memref<1x80xi32, #tpu.memory_space<vmem>> -> memref<80xi32, #tpu.memory_space<vmem>>
    %dma_start3A_111 = tpu.memref_slice %arg3[%add3A_102] : memref<640000xi32, #tpu.memory_space<hbm>> -> memref<80xi32, #tpu.memory_space<hbm>>
    tpu.enqueue_dma source(%dma_start3A_111 : memref<80xi32, #tpu.memory_space<hbm>>) target(%dma_start3A_110 : memref<80xi32, #tpu.memory_space<vmem>>) target_semaphore(%arg12 : memref<!tpu.dma_semaphore, #tpu.memory_space<semaphore_mem>>)
    %dma_wait3A = arith.constant 0 : i32
    %dma_wait3A_112 = arith.constant 0 : i32
    %dma_wait3A_113 = tpu.memref_slice %arg5[%dma_wait3A, %dma_wait3A_112] : memref<8x80xi32, #tpu.memory_space<vmem>> -> memref<1x80xi32, #tpu.memory_space<vmem>>
    %dma_wait3A_114 = tpu.memref_squeeze %dma_wait3A_113 : memref<1x80xi32, #tpu.memory_space<vmem>> -> memref<80xi32, #tpu.memory_space<vmem>>
    %dma_wait3A_115 = arith.constant 0 : i32
    %dma_wait3A_116 = tpu.memref_slice %arg3[%dma_wait3A_115] : memref<640000xi32, #tpu.memory_space<hbm>> -> memref<80xi32, #tpu.memory_space<hbm>>
    %dma_wait3A_117 = arith.constant 0 : i32
    %dma_wait3A_118 = tpu.memref_slice %arg5[%dma_wait3A, %dma_wait3A_117] : memref<8x80xi32, #tpu.memory_space<vmem>> -> memref<1x80xi32, #tpu.memory_space<vmem>>
    %dma_wait3A_119 = tpu.memref_squeeze %dma_wait3A_118 : memref<1x80xi32, #tpu.memory_space<vmem>> -> memref<80xi32, #tpu.memory_space<vmem>>
    %dma_wait3A_120 = arith.constant 0 : i32
    %dma_wait3A_121 = tpu.memref_slice %arg3[%dma_wait3A_120] : memref<640000xi32, #tpu.memory_space<hbm>> -> memref<80xi32, #tpu.memory_space<hbm>>
    tpu.wait_dma2 semaphore(%arg9 : memref<!tpu.dma_semaphore, #tpu.memory_space<semaphore_mem>>) src(%dma_wait3A_121 : memref<80xi32, #tpu.memory_space<hbm>>) dst(%dma_wait3A_119 : memref<80xi32, #tpu.memory_space<vmem>>)
    %dma_wait3A_122 = arith.constant 0 : i32
    %dma_wait3A_123 = arith.constant 0 : i32
    %dma_wait3A_124 = tpu.memref_slice %arg6[%dma_wait3A_122, %dma_wait3A_123] : memref<8x80xi32, #tpu.memory_space<vmem>> -> memref<1x80xi32, #tpu.memory_space<vmem>>
    %dma_wait3A_125 = tpu.memref_squeeze %dma_wait3A_124 : memref<1x80xi32, #tpu.memory_space<vmem>> -> memref<80xi32, #tpu.memory_space<vmem>>
    %dma_wait3A_126 = arith.constant 0 : i32
    %dma_wait3A_127 = tpu.memref_slice %arg3[%dma_wait3A_126] : memref<640000xi32, #tpu.memory_space<hbm>> -> memref<80xi32, #tpu.memory_space<hbm>>
    %dma_wait3A_128 = arith.constant 0 : i32
    %dma_wait3A_129 = tpu.memref_slice %arg6[%dma_wait3A_122, %dma_wait3A_128] : memref<8x80xi32, #tpu.memory_space<vmem>> -> memref<1x80xi32, #tpu.memory_space<vmem>>
    %dma_wait3A_130 = tpu.memref_squeeze %dma_wait3A_129 : memref<1x80xi32, #tpu.memory_space<vmem>> -> memref<80xi32, #tpu.memory_space<vmem>>
    %dma_wait3A_131 = arith.constant 0 : i32
    %dma_wait3A_132 = tpu.memref_slice %arg3[%dma_wait3A_131] : memref<640000xi32, #tpu.memory_space<hbm>> -> memref<80xi32, #tpu.memory_space<hbm>>
    tpu.wait_dma2 semaphore(%arg9 : memref<!tpu.dma_semaphore, #tpu.memory_space<semaphore_mem>>) src(%dma_wait3A_132 : memref<80xi32, #tpu.memory_space<hbm>>) dst(%dma_wait3A_130 : memref<80xi32, #tpu.memory_space<vmem>>)
    %dma_start3A_133 = arith.constant 0 : i32
    %dma_start3A_134 = arith.constant 0 : i32
    %dma_start3A_135 = arith.constant 0 : i32
    %dma_start3A_136 = arith.constant 0 : i32
    %dma_start3A_137 = tpu.memref_slice %arg7[%dma_start3A_134, %dma_start3A_135, %dma_start3A_136] : memref<4x80x128xf32, #tpu.memory_space<vmem>> -> memref<1x80x128xf32, #tpu.memory_space<vmem>>
    %dma_start3A_138 = tpu.memref_squeeze %dma_start3A_137 : memref<1x80x128xf32, #tpu.memory_space<vmem>> -> memref<80x128xf32, #tpu.memory_space<vmem>>
    %dma_start3A_139 = arith.constant 0 : i32
    %dma_start3A_140 = tpu.memref_slice %arg5[%dma_start3A_133, %dma_start3A_139] : memref<8x80xi32, #tpu.memory_space<vmem>> -> memref<1x80xi32, #tpu.memory_space<vmem>>
    %dma_start3A_141 = tpu.memref_squeeze %dma_start3A_140 : memref<1x80xi32, #tpu.memory_space<vmem>> -> memref<80xi32, #tpu.memory_space<vmem>>
    %dma_start3A_142 = arith.constant 0 : i32
    %dma_start3A_143 = arith.constant 0 : i32
    %dma_start3A_144 = tpu.memref_slice %arg2[%dma_start3A_142, %dma_start3A_143] : memref<10000x128xf32, #tpu.memory_space<hbm>> -> memref<10000x128xf32, #tpu.memory_space<hbm>>
    tpu.enqueue_indirect_dma source(%dma_start3A_144 : memref<10000x128xf32, #tpu.memory_space<hbm>>) target(%dma_start3A_138 : memref<80x128xf32, #tpu.memory_space<vmem>>) offsets(%dma_start3A_141 : memref<80xi32, #tpu.memory_space<vmem>>) semaphore(%arg17 : memref<!tpu.dma_semaphore, #tpu.memory_space<semaphore_mem>>)
    %dma_wait3A_145 = arith.constant 1 : i32
    %dma_wait3A_146 = arith.constant 0 : i32
    %dma_wait3A_147 = tpu.memref_slice %arg5[%dma_wait3A_145, %dma_wait3A_146] : memref<8x80xi32, #tpu.memory_space<vmem>> -> memref<1x80xi32, #tpu.memory_space<vmem>>
    %dma_wait3A_148 = tpu.memref_squeeze %dma_wait3A_147 : memref<1x80xi32, #tpu.memory_space<vmem>> -> memref<80xi32, #tpu.memory_space<vmem>>
    %dma_wait3A_149 = arith.constant 0 : i32
    %dma_wait3A_150 = tpu.memref_slice %arg3[%dma_wait3A_149] : memref<640000xi32, #tpu.memory_space<hbm>> -> memref<80xi32, #tpu.memory_space<hbm>>
    %dma_wait3A_151 = arith.constant 0 : i32
    %dma_wait3A_152 = tpu.memref_slice %arg5[%dma_wait3A_145, %dma_wait3A_151] : memref<8x80xi32, #tpu.memory_space<vmem>> -> memref<1x80xi32, #tpu.memory_space<vmem>>
    %dma_wait3A_153 = tpu.memref_squeeze %dma_wait3A_152 : memref<1x80xi32, #tpu.memory_space<vmem>> -> memref<80xi32, #tpu.memory_space<vmem>>
    %dma_wait3A_154 = arith.constant 0 : i32
    %dma_wait3A_155 = tpu.memref_slice %arg3[%dma_wait3A_154] : memref<640000xi32, #tpu.memory_space<hbm>> -> memref<80xi32, #tpu.memory_space<hbm>>
    tpu.wait_dma2 semaphore(%arg10 : memref<!tpu.dma_semaphore, #tpu.memory_space<semaphore_mem>>) src(%dma_wait3A_155 : memref<80xi32, #tpu.memory_space<hbm>>) dst(%dma_wait3A_153 : memref<80xi32, #tpu.memory_space<vmem>>)
    %dma_wait3A_156 = arith.constant 1 : i32
    %dma_wait3A_157 = arith.constant 0 : i32
    %dma_wait3A_158 = tpu.memref_slice %arg6[%dma_wait3A_156, %dma_wait3A_157] : memref<8x80xi32, #tpu.memory_space<vmem>> -> memref<1x80xi32, #tpu.memory_space<vmem>>
    %dma_wait3A_159 = tpu.memref_squeeze %dma_wait3A_158 : memref<1x80xi32, #tpu.memory_space<vmem>> -> memref<80xi32, #tpu.memory_space<vmem>>
    %dma_wait3A_160 = arith.constant 0 : i32
    %dma_wait3A_161 = tpu.memref_slice %arg3[%dma_wait3A_160] : memref<640000xi32, #tpu.memory_space<hbm>> -> memref<80xi32, #tpu.memory_space<hbm>>
    %dma_wait3A_162 = arith.constant 0 : i32
    %dma_wait3A_163 = tpu.memref_slice %arg6[%dma_wait3A_156, %dma_wait3A_162] : memref<8x80xi32, #tpu.memory_space<vmem>> -> memref<1x80xi32, #tpu.memory_space<vmem>>
    %dma_wait3A_164 = tpu.memref_squeeze %dma_wait3A_163 : memref<1x80xi32, #tpu.memory_space<vmem>> -> memref<80xi32, #tpu.memory_space<vmem>>
    %dma_wait3A_165 = arith.constant 0 : i32
    %dma_wait3A_166 = tpu.memref_slice %arg3[%dma_wait3A_165] : memref<640000xi32, #tpu.memory_space<hbm>> -> memref<80xi32, #tpu.memory_space<hbm>>
    tpu.wait_dma2 semaphore(%arg10 : memref<!tpu.dma_semaphore, #tpu.memory_space<semaphore_mem>>) src(%dma_wait3A_166 : memref<80xi32, #tpu.memory_space<hbm>>) dst(%dma_wait3A_164 : memref<80xi32, #tpu.memory_space<vmem>>)
    %dma_start3A_167 = arith.constant 1 : i32
    %dma_start3A_168 = arith.constant 1 : i32
    %dma_start3A_169 = arith.constant 0 : i32
    %dma_start3A_170 = arith.constant 0 : i32
    %dma_start3A_171 = tpu.memref_slice %arg7[%dma_start3A_168, %dma_start3A_169, %dma_start3A_170] : memref<4x80x128xf32, #tpu.memory_space<vmem>> -> memref<1x80x128xf32, #tpu.memory_space<vmem>>
    %dma_start3A_172 = tpu.memref_squeeze %dma_start3A_171 : memref<1x80x128xf32, #tpu.memory_space<vmem>> -> memref<80x128xf32, #tpu.memory_space<vmem>>
    %dma_start3A_173 = arith.constant 0 : i32
    %dma_start3A_174 = tpu.memref_slice %arg5[%dma_start3A_167, %dma_start3A_173] : memref<8x80xi32, #tpu.memory_space<vmem>> -> memref<1x80xi32, #tpu.memory_space<vmem>>
    %dma_start3A_175 = tpu.memref_squeeze %dma_start3A_174 : memref<1x80xi32, #tpu.memory_space<vmem>> -> memref<80xi32, #tpu.memory_space<vmem>>
    %dma_start3A_176 = arith.constant 0 : i32
    %dma_start3A_177 = arith.constant 0 : i32
    %dma_start3A_178 = tpu.memref_slice %arg2[%dma_start3A_176, %dma_start3A_177] : memref<10000x128xf32, #tpu.memory_space<hbm>> -> memref<10000x128xf32, #tpu.memory_space<hbm>>
    tpu.enqueue_indirect_dma source(%dma_start3A_178 : memref<10000x128xf32, #tpu.memory_space<hbm>>) target(%dma_start3A_172 : memref<80x128xf32, #tpu.memory_space<vmem>>) offsets(%dma_start3A_175 : memref<80xi32, #tpu.memory_space<vmem>>) semaphore(%arg18 : memref<!tpu.dma_semaphore, #tpu.memory_space<semaphore_mem>>)
    %dma_wait3A_179 = arith.constant 2 : i32
    %dma_wait3A_180 = arith.constant 0 : i32
    %dma_wait3A_181 = tpu.memref_slice %arg5[%dma_wait3A_179, %dma_wait3A_180] : memref<8x80xi32, #tpu.memory_space<vmem>> -> memref<1x80xi32, #tpu.memory_space<vmem>>
    %dma_wait3A_182 = tpu.memref_squeeze %dma_wait3A_181 : memref<1x80xi32, #tpu.memory_space<vmem>> -> memref<80xi32, #tpu.memory_space<vmem>>
    %dma_wait3A_183 = arith.constant 0 : i32
    %dma_wait3A_184 = tpu.memref_slice %arg3[%dma_wait3A_183] : memref<640000xi32, #tpu.memory_space<hbm>> -> memref<80xi32, #tpu.memory_space<hbm>>
    %dma_wait3A_185 = arith.constant 0 : i32
    %dma_wait3A_186 = tpu.memref_slice %arg5[%dma_wait3A_179, %dma_wait3A_185] : memref<8x80xi32, #tpu.memory_space<vmem>> -> memref<1x80xi32, #tpu.memory_space<vmem>>
    %dma_wait3A_187 = tpu.memref_squeeze %dma_wait3A_186 : memref<1x80xi32, #tpu.memory_space<vmem>> -> memref<80xi32, #tpu.memory_space<vmem>>
    %dma_wait3A_188 = arith.constant 0 : i32
    %dma_wait3A_189 = tpu.memref_slice %arg3[%dma_wait3A_188] : memref<640000xi32, #tpu.memory_space<hbm>> -> memref<80xi32, #tpu.memory_space<hbm>>
    tpu.wait_dma2 semaphore(%arg11 : memref<!tpu.dma_semaphore, #tpu.memory_space<semaphore_mem>>) src(%dma_wait3A_189 : memref<80xi32, #tpu.memory_space<hbm>>) dst(%dma_wait3A_187 : memref<80xi32, #tpu.memory_space<vmem>>)
    %dma_wait3A_190 = arith.constant 2 : i32
    %dma_wait3A_191 = arith.constant 0 : i32
    %dma_wait3A_192 = tpu.memref_slice %arg6[%dma_wait3A_190, %dma_wait3A_191] : memref<8x80xi32, #tpu.memory_space<vmem>> -> memref<1x80xi32, #tpu.memory_space<vmem>>
    %dma_wait3A_193 = tpu.memref_squeeze %dma_wait3A_192 : memref<1x80xi32, #tpu.memory_space<vmem>> -> memref<80xi32, #tpu.memory_space<vmem>>
    %dma_wait3A_194 = arith.constant 0 : i32
    %dma_wait3A_195 = tpu.memref_slice %arg3[%dma_wait3A_194] : memref<640000xi32, #tpu.memory_space<hbm>> -> memref<80xi32, #tpu.memory_space<hbm>>
    %dma_wait3A_196 = arith.constant 0 : i32
    %dma_wait3A_197 = tpu.memref_slice %arg6[%dma_wait3A_190, %dma_wait3A_196] : memref<8x80xi32, #tpu.memory_space<vmem>> -> memref<1x80xi32, #tpu.memory_space<vmem>>
    %dma_wait3A_198 = tpu.memref_squeeze %dma_wait3A_197 : memref<1x80xi32, #tpu.memory_space<vmem>> -> memref<80xi32, #tpu.memory_space<vmem>>
    %dma_wait3A_199 = arith.constant 0 : i32
    %dma_wait3A_200 = tpu.memref_slice %arg3[%dma_wait3A_199] : memref<640000xi32, #tpu.memory_space<hbm>> -> memref<80xi32, #tpu.memory_space<hbm>>
    tpu.wait_dma2 semaphore(%arg11 : memref<!tpu.dma_semaphore, #tpu.memory_space<semaphore_mem>>) src(%dma_wait3A_200 : memref<80xi32, #tpu.memory_space<hbm>>) dst(%dma_wait3A_198 : memref<80xi32, #tpu.memory_space<vmem>>)
    %dma_start3A_201 = arith.constant 2 : i32
    %dma_start3A_202 = arith.constant 2 : i32
    %dma_start3A_203 = arith.constant 0 : i32
    %dma_start3A_204 = arith.constant 0 : i32
    %dma_start3A_205 = tpu.memref_slice %arg7[%dma_start3A_202, %dma_start3A_203, %dma_start3A_204] : memref<4x80x128xf32, #tpu.memory_space<vmem>> -> memref<1x80x128xf32, #tpu.memory_space<vmem>>
    %dma_start3A_206 = tpu.memref_squeeze %dma_start3A_205 : memref<1x80x128xf32, #tpu.memory_space<vmem>> -> memref<80x128xf32, #tpu.memory_space<vmem>>
    %dma_start3A_207 = arith.constant 0 : i32
    %dma_start3A_208 = tpu.memref_slice %arg5[%dma_start3A_201, %dma_start3A_207] : memref<8x80xi32, #tpu.memory_space<vmem>> -> memref<1x80xi32, #tpu.memory_space<vmem>>
    %dma_start3A_209 = tpu.memref_squeeze %dma_start3A_208 : memref<1x80xi32, #tpu.memory_space<vmem>> -> memref<80xi32, #tpu.memory_space<vmem>>
    %dma_start3A_210 = arith.constant 0 : i32
    %dma_start3A_211 = arith.constant 0 : i32
    %dma_start3A_212 = tpu.memref_slice %arg2[%dma_start3A_210, %dma_start3A_211] : memref<10000x128xf32, #tpu.memory_space<hbm>> -> memref<10000x128xf32, #tpu.memory_space<hbm>>
    tpu.enqueue_indirect_dma source(%dma_start3A_212 : memref<10000x128xf32, #tpu.memory_space<hbm>>) target(%dma_start3A_206 : memref<80x128xf32, #tpu.memory_space<vmem>>) offsets(%dma_start3A_209 : memref<80xi32, #tpu.memory_space<vmem>>) semaphore(%arg19 : memref<!tpu.dma_semaphore, #tpu.memory_space<semaphore_mem>>)
    %dma_wait3A_213 = arith.constant 0 : i32
    %dma_wait3A_214 = arith.constant 0 : i32
    %dma_wait3A_215 = arith.constant 0 : i32
    %dma_wait3A_216 = arith.constant 0 : i32
    %dma_wait3A_217 = tpu.memref_slice %arg7[%dma_wait3A_214, %dma_wait3A_215, %dma_wait3A_216] : memref<4x80x128xf32, #tpu.memory_space<vmem>> -> memref<1x80x128xf32, #tpu.memory_space<vmem>>
    %dma_wait3A_218 = tpu.memref_squeeze %dma_wait3A_217 : memref<1x80x128xf32, #tpu.memory_space<vmem>> -> memref<80x128xf32, #tpu.memory_space<vmem>>
    %dma_wait3A_219 = arith.constant 0 : i32
    %dma_wait3A_220 = tpu.memref_slice %arg5[%dma_wait3A_213, %dma_wait3A_219] : memref<8x80xi32, #tpu.memory_space<vmem>> -> memref<1x80xi32, #tpu.memory_space<vmem>>
    %dma_wait3A_221 = tpu.memref_squeeze %dma_wait3A_220 : memref<1x80xi32, #tpu.memory_space<vmem>> -> memref<80xi32, #tpu.memory_space<vmem>>
    %dma_wait3A_222 = arith.constant 0 : i32
    %dma_wait3A_223 = arith.constant 0 : i32
    %dma_wait3A_224 = tpu.memref_slice %arg2[%dma_wait3A_222, %dma_wait3A_223] : memref<10000x128xf32, #tpu.memory_space<hbm>> -> memref<10000x128xf32, #tpu.memory_space<hbm>>
    tpu.wait_indirect_dma semaphore(%arg17 : memref<!tpu.dma_semaphore, #tpu.memory_space<semaphore_mem>>) src(%dma_wait3A_224 : memref<10000x128xf32, #tpu.memory_space<hbm>>) dst(%dma_wait3A_218 : memref<80x128xf32, #tpu.memory_space<vmem>>)
    %dma_start3A_225 = arith.constant 0 : i32
    %dma_start3A_226 = arith.constant 0 : i32
    %dma_start3A_227 = arith.constant 0 : i32
    %dma_start3A_228 = arith.constant 0 : i32
    %dma_start3A_229 = tpu.memref_slice %arg7[%dma_start3A_225, %dma_start3A_227, %dma_start3A_228] : memref<4x80x128xf32, #tpu.memory_space<vmem>> -> memref<1x80x128xf32, #tpu.memory_space<vmem>>
    %dma_start3A_230 = tpu.memref_squeeze %dma_start3A_229 : memref<1x80x128xf32, #tpu.memory_space<vmem>> -> memref<80x128xf32, #tpu.memory_space<vmem>>
    %dma_start3A_231 = arith.constant 0 : i32
    %dma_start3A_232 = tpu.memref_slice %arg6[%dma_start3A_226, %dma_start3A_231] : memref<8x80xi32, #tpu.memory_space<vmem>> -> memref<1x80xi32, #tpu.memory_space<vmem>>
    %dma_start3A_233 = tpu.memref_squeeze %dma_start3A_232 : memref<1x80xi32, #tpu.memory_space<vmem>> -> memref<80xi32, #tpu.memory_space<vmem>>
    %dma_start3A_234 = arith.constant 0 : i32
    %dma_start3A_235 = arith.constant 0 : i32
    %dma_start3A_236 = tpu.memref_slice %arg8[%dma_start3A_234, %dma_start3A_235] : memref<10000x128xf32, #tpu.memory_space<vmem_shared>> -> memref<10000x128xf32, #tpu.memory_space<vmem_shared>>
    tpu.enqueue_indirect_dma source(%dma_start3A_230 : memref<80x128xf32, #tpu.memory_space<vmem>>) target(%dma_start3A_236 : memref<10000x128xf32, #tpu.memory_space<vmem_shared>>) offsets(%dma_start3A_233 : memref<80xi32, #tpu.memory_space<vmem>>) semaphore(%arg21 : memref<!tpu.dma_semaphore, #tpu.memory_space<semaphore_mem>>) {add = true}
    %dma_wait3A_237 = arith.constant 3 : i32
    %dma_wait3A_238 = arith.constant 0 : i32
    %dma_wait3A_239 = tpu.memref_slice %arg5[%dma_wait3A_237, %dma_wait3A_238] : memref<8x80xi32, #tpu.memory_space<vmem>> -> memref<1x80xi32, #tpu.memory_space<vmem>>
    %dma_wait3A_240 = tpu.memref_squeeze %dma_wait3A_239 : memref<1x80xi32, #tpu.memory_space<vmem>> -> memref<80xi32, #tpu.memory_space<vmem>>
    %dma_wait3A_241 = arith.constant 0 : i32
    %dma_wait3A_242 = tpu.memref_slice %arg3[%dma_wait3A_241] : memref<640000xi32, #tpu.memory_space<hbm>> -> memref<80xi32, #tpu.memory_space<hbm>>
    %dma_wait3A_243 = arith.constant 0 : i32
    %dma_wait3A_244 = tpu.memref_slice %arg5[%dma_wait3A_237, %dma_wait3A_243] : memref<8x80xi32, #tpu.memory_space<vmem>> -> memref<1x80xi32, #tpu.memory_space<vmem>>
    %dma_wait3A_245 = tpu.memref_squeeze %dma_wait3A_244 : memref<1x80xi32, #tpu.memory_space<vmem>> -> memref<80xi32, #tpu.memory_space<vmem>>
    %dma_wait3A_246 = arith.constant 0 : i32
    %dma_wait3A_247 = tpu.memref_slice %arg3[%dma_wait3A_246] : memref<640000xi32, #tpu.memory_space<hbm>> -> memref<80xi32, #tpu.memory_space<hbm>>
    tpu.wait_dma2 semaphore(%arg12 : memref<!tpu.dma_semaphore, #tpu.memory_space<semaphore_mem>>) src(%dma_wait3A_247 : memref<80xi32, #tpu.memory_space<hbm>>) dst(%dma_wait3A_245 : memref<80xi32, #tpu.memory_space<vmem>>)
    %dma_wait3A_248 = arith.constant 3 : i32
    %dma_wait3A_249 = arith.constant 0 : i32
    %dma_wait3A_250 = tpu.memref_slice %arg6[%dma_wait3A_248, %dma_wait3A_249] : memref<8x80xi32, #tpu.memory_space<vmem>> -> memref<1x80xi32, #tpu.memory_space<vmem>>
    %dma_wait3A_251 = tpu.memref_squeeze %dma_wait3A_250 : memref<1x80xi32, #tpu.memory_space<vmem>> -> memref<80xi32, #tpu.memory_space<vmem>>
    %dma_wait3A_252 = arith.constant 0 : i32
    %dma_wait3A_253 = tpu.memref_slice %arg3[%dma_wait3A_252] : memref<640000xi32, #tpu.memory_space<hbm>> -> memref<80xi32, #tpu.memory_space<hbm>>
    %dma_wait3A_254 = arith.constant 0 : i32
    %dma_wait3A_255 = tpu.memref_slice %arg6[%dma_wait3A_248, %dma_wait3A_254] : memref<8x80xi32, #tpu.memory_space<vmem>> -> memref<1x80xi32, #tpu.memory_space<vmem>>
    %dma_wait3A_256 = tpu.memref_squeeze %dma_wait3A_255 : memref<1x80xi32, #tpu.memory_space<vmem>> -> memref<80xi32, #tpu.memory_space<vmem>>
    %dma_wait3A_257 = arith.constant 0 : i32
    %dma_wait3A_258 = tpu.memref_slice %arg3[%dma_wait3A_257] : memref<640000xi32, #tpu.memory_space<hbm>> -> memref<80xi32, #tpu.memory_space<hbm>>
    tpu.wait_dma2 semaphore(%arg12 : memref<!tpu.dma_semaphore, #tpu.memory_space<semaphore_mem>>) src(%dma_wait3A_258 : memref<80xi32, #tpu.memory_space<hbm>>) dst(%dma_wait3A_256 : memref<80xi32, #tpu.memory_space<vmem>>)
    %dma_start3A_259 = arith.constant 3 : i32
    %dma_start3A_260 = arith.constant 3 : i32
    %dma_start3A_261 = arith.constant 0 : i32
    %dma_start3A_262 = arith.constant 0 : i32
    %dma_start3A_263 = tpu.memref_slice %arg7[%dma_start3A_260, %dma_start3A_261, %dma_start3A_262] : memref<4x80x128xf32, #tpu.memory_space<vmem>> -> memref<1x80x128xf32, #tpu.memory_space<vmem>>
    %dma_start3A_264 = tpu.memref_squeeze %dma_start3A_263 : memref<1x80x128xf32, #tpu.memory_space<vmem>> -> memref<80x128xf32, #tpu.memory_space<vmem>>
    %dma_start3A_265 = arith.constant 0 : i32
    %dma_start3A_266 = tpu.memref_slice %arg5[%dma_start3A_259, %dma_start3A_265] : memref<8x80xi32, #tpu.memory_space<vmem>> -> memref<1x80xi32, #tpu.memory_space<vmem>>
    %dma_start3A_267 = tpu.memref_squeeze %dma_start3A_266 : memref<1x80xi32, #tpu.memory_space<vmem>> -> memref<80xi32, #tpu.memory_space<vmem>>
    %dma_start3A_268 = arith.constant 0 : i32
    %dma_start3A_269 = arith.constant 0 : i32
    %dma_start3A_270 = tpu.memref_slice %arg2[%dma_start3A_268, %dma_start3A_269] : memref<10000x128xf32, #tpu.memory_space<hbm>> -> memref<10000x128xf32, #tpu.memory_space<hbm>>
    tpu.enqueue_indirect_dma source(%dma_start3A_270 : memref<10000x128xf32, #tpu.memory_space<hbm>>) target(%dma_start3A_264 : memref<80x128xf32, #tpu.memory_space<vmem>>) offsets(%dma_start3A_267 : memref<80xi32, #tpu.memory_space<vmem>>) semaphore(%arg20 : memref<!tpu.dma_semaphore, #tpu.memory_space<semaphore_mem>>)
    %add3A_271 = arith.constant 320 : i32
    %add3A_272 = arith.addi %mul3A_24, %add3A_271 : i32
    %dma_start3A_273 = arith.constant 4 : i32
    %dma_start3A_274 = arith.constant 0 : i32
    %dma_start3A_275 = tpu.memref_slice %arg5[%dma_start3A_273, %dma_start3A_274] : memref<8x80xi32, #tpu.memory_space<vmem>> -> memref<1x80xi32, #tpu.memory_space<vmem>>
    %dma_start3A_276 = tpu.memref_squeeze %dma_start3A_275 : memref<1x80xi32, #tpu.memory_space<vmem>> -> memref<80xi32, #tpu.memory_space<vmem>>
    %dma_start3A_277 = tpu.memref_slice %arg3[%add3A_272] : memref<640000xi32, #tpu.memory_space<hbm>> -> memref<80xi32, #tpu.memory_space<hbm>>
    %dma_start3A_278 = arith.constant 0 : i32
    %dma_start3A_279 = tpu.memref_slice %arg5[%dma_start3A_273, %dma_start3A_278] : memref<8x80xi32, #tpu.memory_space<vmem>> -> memref<1x80xi32, #tpu.memory_space<vmem>>
    %dma_start3A_280 = tpu.memref_squeeze %dma_start3A_279 : memref<1x80xi32, #tpu.memory_space<vmem>> -> memref<80xi32, #tpu.memory_space<vmem>>
    %dma_start3A_281 = tpu.memref_slice %arg3[%add3A_272] : memref<640000xi32, #tpu.memory_space<hbm>> -> memref<80xi32, #tpu.memory_space<hbm>>
    tpu.enqueue_dma source(%dma_start3A_281 : memref<80xi32, #tpu.memory_space<hbm>>) target(%dma_start3A_280 : memref<80xi32, #tpu.memory_space<vmem>>) target_semaphore(%arg13 : memref<!tpu.dma_semaphore, #tpu.memory_space<semaphore_mem>>)
    %add3A_282 = arith.constant 320000 : i32
    %add3A_283 = arith.addi %add3A_282, %add3A_272 : i32
    %dma_start3A_284 = arith.constant 4 : i32
    %dma_start3A_285 = arith.constant 0 : i32
    %dma_start3A_286 = tpu.memref_slice %arg6[%dma_start3A_284, %dma_start3A_285] : memref<8x80xi32, #tpu.memory_space<vmem>> -> memref<1x80xi32, #tpu.memory_space<vmem>>
    %dma_start3A_287 = tpu.memref_squeeze %dma_start3A_286 : memref<1x80xi32, #tpu.memory_space<vmem>> -> memref<80xi32, #tpu.memory_space<vmem>>
    %dma_start3A_288 = tpu.memref_slice %arg3[%add3A_283] : memref<640000xi32, #tpu.memory_space<hbm>> -> memref<80xi32, #tpu.memory_space<hbm>>
    %dma_start3A_289 = arith.constant 0 : i32
    %dma_start3A_290 = tpu.memref_slice %arg6[%dma_start3A_284, %dma_start3A_289] : memref<8x80xi32, #tpu.memory_space<vmem>> -> memref<1x80xi32, #tpu.memory_space<vmem>>
    %dma_start3A_291 = tpu.memref_squeeze %dma_start3A_290 : memref<1x80xi32, #tpu.memory_space<vmem>> -> memref<80xi32, #tpu.memory_space<vmem>>
    %dma_start3A_292 = tpu.memref_slice %arg3[%add3A_283] : memref<640000xi32, #tpu.memory_space<hbm>> -> memref<80xi32, #tpu.memory_space<hbm>>
    tpu.enqueue_dma source(%dma_start3A_292 : memref<80xi32, #tpu.memory_space<hbm>>) target(%dma_start3A_291 : memref<80xi32, #tpu.memory_space<vmem>>) target_semaphore(%arg13 : memref<!tpu.dma_semaphore, #tpu.memory_space<semaphore_mem>>)
    %dma_wait3A_293 = arith.constant 1 : i32
    %dma_wait3A_294 = arith.constant 1 : i32
    %dma_wait3A_295 = arith.constant 0 : i32
    %dma_wait3A_296 = arith.constant 0 : i32
    %dma_wait3A_297 = tpu.memref_slice %arg7[%dma_wait3A_294, %dma_wait3A_295, %dma_wait3A_296] : memref<4x80x128xf32, #tpu.memory_space<vmem>> -> memref<1x80x128xf32, #tpu.memory_space<vmem>>
    %dma_wait3A_298 = tpu.memref_squeeze %dma_wait3A_297 : memref<1x80x128xf32, #tpu.memory_space<vmem>> -> memref<80x128xf32, #tpu.memory_space<vmem>>
    %dma_wait3A_299 = arith.constant 0 : i32
    %dma_wait3A_300 = tpu.memref_slice %arg5[%dma_wait3A_293, %dma_wait3A_299] : memref<8x80xi32, #tpu.memory_space<vmem>> -> memref<1x80xi32, #tpu.memory_space<vmem>>
    %dma_wait3A_301 = tpu.memref_squeeze %dma_wait3A_300 : memref<1x80xi32, #tpu.memory_space<vmem>> -> memref<80xi32, #tpu.memory_space<vmem>>
    %dma_wait3A_302 = arith.constant 0 : i32
    %dma_wait3A_303 = arith.constant 0 : i32
    %dma_wait3A_304 = tpu.memref_slice %arg2[%dma_wait3A_302, %dma_wait3A_303] : memref<10000x128xf32, #tpu.memory_space<hbm>> -> memref<10000x128xf32, #tpu.memory_space<hbm>>
    tpu.wait_indirect_dma semaphore(%arg18 : memref<!tpu.dma_semaphore, #tpu.memory_space<semaphore_mem>>) src(%dma_wait3A_304 : memref<10000x128xf32, #tpu.memory_space<hbm>>) dst(%dma_wait3A_298 : memref<80x128xf32, #tpu.memory_space<vmem>>)
    %dma_start3A_305 = arith.constant 1 : i32
    %dma_start3A_306 = arith.constant 1 : i32
    %dma_start3A_307 = arith.constant 0 : i32
    %dma_start3A_308 = arith.constant 0 : i32
    %dma_start3A_309 = tpu.memref_slice %arg7[%dma_start3A_305, %dma_start3A_307, %dma_start3A_308] : memref<4x80x128xf32, #tpu.memory_space<vmem>> -> memref<1x80x128xf32, #tpu.memory_space<vmem>>
    %dma_start3A_310 = tpu.memref_squeeze %dma_start3A_309 : memref<1x80x128xf32, #tpu.memory_space<vmem>> -> memref<80x128xf32, #tpu.memory_space<vmem>>
    %dma_start3A_311 = arith.constant 0 : i32
    %dma_start3A_312 = tpu.memref_slice %arg6[%dma_start3A_306, %dma_start3A_311] : memref<8x80xi32, #tpu.memory_space<vmem>> -> memref<1x80xi32, #tpu.memory_space<vmem>>
    %dma_start3A_313 = tpu.memref_squeeze %dma_start3A_312 : memref<1x80xi32, #tpu.memory_space<vmem>> -> memref<80xi32, #tpu.memory_space<vmem>>
    %dma_start3A_314 = arith.constant 0 : i32
    %dma_start3A_315 = arith.constant 0 : i32
    %dma_start3A_316 = tpu.memref_slice %arg8[%dma_start3A_314, %dma_start3A_315] : memref<10000x128xf32, #tpu.memory_space<vmem_shared>> -> memref<10000x128xf32, #tpu.memory_space<vmem_shared>>
    tpu.enqueue_indirect_dma source(%dma_start3A_310 : memref<80x128xf32, #tpu.memory_space<vmem>>) target(%dma_start3A_316 : memref<10000x128xf32, #tpu.memory_space<vmem_shared>>) offsets(%dma_start3A_313 : memref<80xi32, #tpu.memory_space<vmem>>) semaphore(%arg22 : memref<!tpu.dma_semaphore, #tpu.memory_space<semaphore_mem>>) {add = true}
    %dma_wait3A_317 = arith.constant 0 : i32
    %dma_wait3A_318 = arith.constant 0 : i32
    %dma_wait3A_319 = arith.constant 0 : i32
    %dma_wait3A_320 = arith.constant 0 : i32
    %dma_wait3A_321 = tpu.memref_slice %arg7[%dma_wait3A_317, %dma_wait3A_319, %dma_wait3A_320] : memref<4x80x128xf32, #tpu.memory_space<vmem>> -> memref<1x80x128xf32, #tpu.memory_space<vmem>>
    %dma_wait3A_322 = tpu.memref_squeeze %dma_wait3A_321 : memref<1x80x128xf32, #tpu.memory_space<vmem>> -> memref<80x128xf32, #tpu.memory_space<vmem>>
    %dma_wait3A_323 = arith.constant 0 : i32
    %dma_wait3A_324 = tpu.memref_slice %arg6[%dma_wait3A_318, %dma_wait3A_323] : memref<8x80xi32, #tpu.memory_space<vmem>> -> memref<1x80xi32, #tpu.memory_space<vmem>>
    %dma_wait3A_325 = tpu.memref_squeeze %dma_wait3A_324 : memref<1x80xi32, #tpu.memory_space<vmem>> -> memref<80xi32, #tpu.memory_space<vmem>>
    %dma_wait3A_326 = arith.constant 0 : i32
    %dma_wait3A_327 = arith.constant 0 : i32
    %dma_wait3A_328 = tpu.memref_slice %arg8[%dma_wait3A_326, %dma_wait3A_327] : memref<10000x128xf32, #tpu.memory_space<vmem_shared>> -> memref<10000x128xf32, #tpu.memory_space<vmem_shared>>
    tpu.wait_indirect_dma semaphore(%arg21 : memref<!tpu.dma_semaphore, #tpu.memory_space<semaphore_mem>>) src(%dma_wait3A_322 : memref<80x128xf32, #tpu.memory_space<vmem>>) dst(%dma_wait3A_328 : memref<10000x128xf32, #tpu.memory_space<vmem_shared>>)
    %dma_wait3A_329 = arith.constant 4 : i32
    %dma_wait3A_330 = arith.constant 0 : i32
    %dma_wait3A_331 = tpu.memref_slice %arg5[%dma_wait3A_329, %dma_wait3A_330] : memref<8x80xi32, #tpu.memory_space<vmem>> -> memref<1x80xi32, #tpu.memory_space<vmem>>
    %dma_wait3A_332 = tpu.memref_squeeze %dma_wait3A_331 : memref<1x80xi32, #tpu.memory_space<vmem>> -> memref<80xi32, #tpu.memory_space<vmem>>
    %dma_wait3A_333 = arith.constant 0 : i32
    %dma_wait3A_334 = tpu.memref_slice %arg3[%dma_wait3A_333] : memref<640000xi32, #tpu.memory_space<hbm>> -> memref<80xi32, #tpu.memory_space<hbm>>
    %dma_wait3A_335 = arith.constant 0 : i32
    %dma_wait3A_336 = tpu.memref_slice %arg5[%dma_wait3A_329, %dma_wait3A_335] : memref<8x80xi32, #tpu.memory_space<vmem>> -> memref<1x80xi32, #tpu.memory_space<vmem>>
    %dma_wait3A_337 = tpu.memref_squeeze %dma_wait3A_336 : memref<1x80xi32, #tpu.memory_space<vmem>> -> memref<80xi32, #tpu.memory_space<vmem>>
    %dma_wait3A_338 = arith.constant 0 : i32
    %dma_wait3A_339 = tpu.memref_slice %arg3[%dma_wait3A_338] : memref<640000xi32, #tpu.memory_space<hbm>> -> memref<80xi32, #tpu.memory_space<hbm>>
    tpu.wait_dma2 semaphore(%arg13 : memref<!tpu.dma_semaphore, #tpu.memory_space<semaphore_mem>>) src(%dma_wait3A_339 : memref<80xi32, #tpu.memory_space<hbm>>) dst(%dma_wait3A_337 : memref<80xi32, #tpu.memory_space<vmem>>)
    %dma_wait3A_340 = arith.constant 4 : i32
    %dma_wait3A_341 = arith.constant 0 : i32
    %dma_wait3A_342 = tpu.memref_slice %arg6[%dma_wait3A_340, %dma_wait3A_341] : memref<8x80xi32, #tpu.memory_space<vmem>> -> memref<1x80xi32, #tpu.memory_space<vmem>>
    %dma_wait3A_343 = tpu.memref_squeeze %dma_wait3A_342 : memref<1x80xi32, #tpu.memory_space<vmem>> -> memref<80xi32, #tpu.memory_space<vmem>>
    %dma_wait3A_344 = arith.constant 0 : i32
    %dma_wait3A_345 = tpu.memref_slice %arg3[%dma_wait3A_344] : memref<640000xi32, #tpu.memory_space<hbm>> -> memref<80xi32, #tpu.memory_space<hbm>>
    %dma_wait3A_346 = arith.constant 0 : i32
    %dma_wait3A_347 = tpu.memref_slice %arg6[%dma_wait3A_340, %dma_wait3A_346] : memref<8x80xi32, #tpu.memory_space<vmem>> -> memref<1x80xi32, #tpu.memory_space<vmem>>
    %dma_wait3A_348 = tpu.memref_squeeze %dma_wait3A_347 : memref<1x80xi32, #tpu.memory_space<vmem>> -> memref<80xi32, #tpu.memory_space<vmem>>
    %dma_wait3A_349 = arith.constant 0 : i32
    %dma_wait3A_350 = tpu.memref_slice %arg3[%dma_wait3A_349] : memref<640000xi32, #tpu.memory_space<hbm>> -> memref<80xi32, #tpu.memory_space<hbm>>
    tpu.wait_dma2 semaphore(%arg13 : memref<!tpu.dma_semaphore, #tpu.memory_space<semaphore_mem>>) src(%dma_wait3A_350 : memref<80xi32, #tpu.memory_space<hbm>>) dst(%dma_wait3A_348 : memref<80xi32, #tpu.memory_space<vmem>>)
    %dma_start3A_351 = arith.constant 4 : i32
    %dma_start3A_352 = arith.constant 0 : i32
    %dma_start3A_353 = arith.constant 0 : i32
    %dma_start3A_354 = arith.constant 0 : i32
    %dma_start3A_355 = tpu.memref_slice %arg7[%dma_start3A_352, %dma_start3A_353, %dma_start3A_354] : memref<4x80x128xf32, #tpu.memory_space<vmem>> -> memref<1x80x128xf32, #tpu.memory_space<vmem>>
    %dma_start3A_356 = tpu.memref_squeeze %dma_start3A_355 : memref<1x80x128xf32, #tpu.memory_space<vmem>> -> memref<80x128xf32, #tpu.memory_space<vmem>>
    %dma_start3A_357 = arith.constant 0 : i32
    %dma_start3A_358 = tpu.memref_slice %arg5[%dma_start3A_351, %dma_start3A_357] : memref<8x80xi32, #tpu.memory_space<vmem>> -> memref<1x80xi32, #tpu.memory_space<vmem>>
    %dma_start3A_359 = tpu.memref_squeeze %dma_start3A_358 : memref<1x80xi32, #tpu.memory_space<vmem>> -> memref<80xi32, #tpu.memory_space<vmem>>
    %dma_start3A_360 = arith.constant 0 : i32
    %dma_start3A_361 = arith.constant 0 : i32
    %dma_start3A_362 = tpu.memref_slice %arg2[%dma_start3A_360, %dma_start3A_361] : memref<10000x128xf32, #tpu.memory_space<hbm>> -> memref<10000x128xf32, #tpu.memory_space<hbm>>
    tpu.enqueue_indirect_dma source(%dma_start3A_362 : memref<10000x128xf32, #tpu.memory_space<hbm>>) target(%dma_start3A_356 : memref<80x128xf32, #tpu.memory_space<vmem>>) offsets(%dma_start3A_359 : memref<80xi32, #tpu.memory_space<vmem>>) semaphore(%arg17 : memref<!tpu.dma_semaphore, #tpu.memory_space<semaphore_mem>>)
    %add3A_363 = arith.constant 400 : i32
    %add3A_364 = arith.addi %mul3A_24, %add3A_363 : i32
    %dma_start3A_365 = arith.constant 5 : i32
    %dma_start3A_366 = arith.constant 0 : i32
    %dma_start3A_367 = tpu.memref_slice %arg5[%dma_start3A_365, %dma_start3A_366] : memref<8x80xi32, #tpu.memory_space<vmem>> -> memref<1x80xi32, #tpu.memory_space<vmem>>
    %dma_start3A_368 = tpu.memref_squeeze %dma_start3A_367 : memref<1x80xi32, #tpu.memory_space<vmem>> -> memref<80xi32, #tpu.memory_space<vmem>>
    %dma_start3A_369 = tpu.memref_slice %arg3[%add3A_364] : memref<640000xi32, #tpu.memory_space<hbm>> -> memref<80xi32, #tpu.memory_space<hbm>>
    %dma_start3A_370 = arith.constant 0 : i32
    %dma_start3A_371 = tpu.memref_slice %arg5[%dma_start3A_365, %dma_start3A_370] : memref<8x80xi32, #tpu.memory_space<vmem>> -> memref<1x80xi32, #tpu.memory_space<vmem>>
    %dma_start3A_372 = tpu.memref_squeeze %dma_start3A_371 : memref<1x80xi32, #tpu.memory_space<vmem>> -> memref<80xi32, #tpu.memory_space<vmem>>
    %dma_start3A_373 = tpu.memref_slice %arg3[%add3A_364] : memref<640000xi32, #tpu.memory_space<hbm>> -> memref<80xi32, #tpu.memory_space<hbm>>
    tpu.enqueue_dma source(%dma_start3A_373 : memref<80xi32, #tpu.memory_space<hbm>>) target(%dma_start3A_372 : memref<80xi32, #tpu.memory_space<vmem>>) target_semaphore(%arg14 : memref<!tpu.dma_semaphore, #tpu.memory_space<semaphore_mem>>)
    %add3A_374 = arith.constant 320000 : i32
    %add3A_375 = arith.addi %add3A_374, %add3A_364 : i32
    %dma_start3A_376 = arith.constant 5 : i32
    %dma_start3A_377 = arith.constant 0 : i32
    %dma_start3A_378 = tpu.memref_slice %arg6[%dma_start3A_376, %dma_start3A_377] : memref<8x80xi32, #tpu.memory_space<vmem>> -> memref<1x80xi32, #tpu.memory_space<vmem>>
    %dma_start3A_379 = tpu.memref_squeeze %dma_start3A_378 : memref<1x80xi32, #tpu.memory_space<vmem>> -> memref<80xi32, #tpu.memory_space<vmem>>
    %dma_start3A_380 = tpu.memref_slice %arg3[%add3A_375] : memref<640000xi32, #tpu.memory_space<hbm>> -> memref<80xi32, #tpu.memory_space<hbm>>
    %dma_start3A_381 = arith.constant 0 : i32
    %dma_start3A_382 = tpu.memref_slice %arg6[%dma_start3A_376, %dma_start3A_381] : memref<8x80xi32, #tpu.memory_space<vmem>> -> memref<1x80xi32, #tpu.memory_space<vmem>>
    %dma_start3A_383 = tpu.memref_squeeze %dma_start3A_382 : memref<1x80xi32, #tpu.memory_space<vmem>> -> memref<80xi32, #tpu.memory_space<vmem>>
    %dma_start3A_384 = tpu.memref_slice %arg3[%add3A_375] : memref<640000xi32, #tpu.memory_space<hbm>> -> memref<80xi32, #tpu.memory_space<hbm>>
    tpu.enqueue_dma source(%dma_start3A_384 : memref<80xi32, #tpu.memory_space<hbm>>) target(%dma_start3A_383 : memref<80xi32, #tpu.memory_space<vmem>>) target_semaphore(%arg14 : memref<!tpu.dma_semaphore, #tpu.memory_space<semaphore_mem>>)
    %dma_wait3A_385 = arith.constant 2 : i32
    %dma_wait3A_386 = arith.constant 2 : i32
    %dma_wait3A_387 = arith.constant 0 : i32
    %dma_wait3A_388 = arith.constant 0 : i32
    %dma_wait3A_389 = tpu.memref_slice %arg7[%dma_wait3A_386, %dma_wait3A_387, %dma_wait3A_388] : memref<4x80x128xf32, #tpu.memory_space<vmem>> -> memref<1x80x128xf32, #tpu.memory_space<vmem>>
    %dma_wait3A_390 = tpu.memref_squeeze %dma_wait3A_389 : memref<1x80x128xf32, #tpu.memory_space<vmem>> -> memref<80x128xf32, #tpu.memory_space<vmem>>
    %dma_wait3A_391 = arith.constant 0 : i32
    %dma_wait3A_392 = tpu.memref_slice %arg5[%dma_wait3A_385, %dma_wait3A_391] : memref<8x80xi32, #tpu.memory_space<vmem>> -> memref<1x80xi32, #tpu.memory_space<vmem>>
    %dma_wait3A_393 = tpu.memref_squeeze %dma_wait3A_392 : memref<1x80xi32, #tpu.memory_space<vmem>> -> memref<80xi32, #tpu.memory_space<vmem>>
    %dma_wait3A_394 = arith.constant 0 : i32
    %dma_wait3A_395 = arith.constant 0 : i32
    %dma_wait3A_396 = tpu.memref_slice %arg2[%dma_wait3A_394, %dma_wait3A_395] : memref<10000x128xf32, #tpu.memory_space<hbm>> -> memref<10000x128xf32, #tpu.memory_space<hbm>>
    tpu.wait_indirect_dma semaphore(%arg19 : memref<!tpu.dma_semaphore, #tpu.memory_space<semaphore_mem>>) src(%dma_wait3A_396 : memref<10000x128xf32, #tpu.memory_space<hbm>>) dst(%dma_wait3A_390 : memref<80x128xf32, #tpu.memory_space<vmem>>)
    %dma_start3A_397 = arith.constant 2 : i32
    %dma_start3A_398 = arith.constant 2 : i32
    %dma_start3A_399 = arith.constant 0 : i32
    %dma_start3A_400 = arith.constant 0 : i32
    %dma_start3A_401 = tpu.memref_slice %arg7[%dma_start3A_397, %dma_start3A_399, %dma_start3A_400] : memref<4x80x128xf32, #tpu.memory_space<vmem>> -> memref<1x80x128xf32, #tpu.memory_space<vmem>>
    %dma_start3A_402 = tpu.memref_squeeze %dma_start3A_401 : memref<1x80x128xf32, #tpu.memory_space<vmem>> -> memref<80x128xf32, #tpu.memory_space<vmem>>
    %dma_start3A_403 = arith.constant 0 : i32
    %dma_start3A_404 = tpu.memref_slice %arg6[%dma_start3A_398, %dma_start3A_403] : memref<8x80xi32, #tpu.memory_space<vmem>> -> memref<1x80xi32, #tpu.memory_space<vmem>>
    %dma_start3A_405 = tpu.memref_squeeze %dma_start3A_404 : memref<1x80xi32, #tpu.memory_space<vmem>> -> memref<80xi32, #tpu.memory_space<vmem>>
    %dma_start3A_406 = arith.constant 0 : i32
    %dma_start3A_407 = arith.constant 0 : i32
    %dma_start3A_408 = tpu.memref_slice %arg8[%dma_start3A_406, %dma_start3A_407] : memref<10000x128xf32, #tpu.memory_space<vmem_shared>> -> memref<10000x128xf32, #tpu.memory_space<vmem_shared>>
    tpu.enqueue_indirect_dma source(%dma_start3A_402 : memref<80x128xf32, #tpu.memory_space<vmem>>) target(%dma_start3A_408 : memref<10000x128xf32, #tpu.memory_space<vmem_shared>>) offsets(%dma_start3A_405 : memref<80xi32, #tpu.memory_space<vmem>>) semaphore(%arg23 : memref<!tpu.dma_semaphore, #tpu.memory_space<semaphore_mem>>) {add = true}
    %dma_wait3A_409 = arith.constant 1 : i32
    %dma_wait3A_410 = arith.constant 1 : i32
    %dma_wait3A_411 = arith.constant 0 : i32
    %dma_wait3A_412 = arith.constant 0 : i32
    %dma_wait3A_413 = tpu.memref_slice %arg7[%dma_wait3A_409, %dma_wait3A_411, %dma_wait3A_412] : memref<4x80x128xf32, #tpu.memory_space<vmem>> -> memref<1x80x128xf32, #tpu.memory_space<vmem>>
    %dma_wait3A_414 = tpu.memref_squeeze %dma_wait3A_413 : memref<1x80x128xf32, #tpu.memory_space<vmem>> -> memref<80x128xf32, #tpu.memory_space<vmem>>
    %dma_wait3A_415 = arith.constant 0 : i32
    %dma_wait3A_416 = tpu.memref_slice %arg6[%dma_wait3A_410, %dma_wait3A_415] : memref<8x80xi32, #tpu.memory_space<vmem>> -> memref<1x80xi32, #tpu.memory_space<vmem>>
    %dma_wait3A_417 = tpu.memref_squeeze %dma_wait3A_416 : memref<1x80xi32, #tpu.memory_space<vmem>> -> memref<80xi32, #tpu.memory_space<vmem>>
    %dma_wait3A_418 = arith.constant 0 : i32
    %dma_wait3A_419 = arith.constant 0 : i32
    %dma_wait3A_420 = tpu.memref_slice %arg8[%dma_wait3A_418, %dma_wait3A_419] : memref<10000x128xf32, #tpu.memory_space<vmem_shared>> -> memref<10000x128xf32, #tpu.memory_space<vmem_shared>>
    tpu.wait_indirect_dma semaphore(%arg22 : memref<!tpu.dma_semaphore, #tpu.memory_space<semaphore_mem>>) src(%dma_wait3A_414 : memref<80x128xf32, #tpu.memory_space<vmem>>) dst(%dma_wait3A_420 : memref<10000x128xf32, #tpu.memory_space<vmem_shared>>)
    %dma_wait3A_421 = arith.constant 5 : i32
    %dma_wait3A_422 = arith.constant 0 : i32
    %dma_wait3A_423 = tpu.memref_slice %arg5[%dma_wait3A_421, %dma_wait3A_422] : memref<8x80xi32, #tpu.memory_space<vmem>> -> memref<1x80xi32, #tpu.memory_space<vmem>>
    %dma_wait3A_424 = tpu.memref_squeeze %dma_wait3A_423 : memref<1x80xi32, #tpu.memory_space<vmem>> -> memref<80xi32, #tpu.memory_space<vmem>>
    %dma_wait3A_425 = arith.constant 0 : i32
    %dma_wait3A_426 = tpu.memref_slice %arg3[%dma_wait3A_425] : memref<640000xi32, #tpu.memory_space<hbm>> -> memref<80xi32, #tpu.memory_space<hbm>>
    %dma_wait3A_427 = arith.constant 0 : i32
    %dma_wait3A_428 = tpu.memref_slice %arg5[%dma_wait3A_421, %dma_wait3A_427] : memref<8x80xi32, #tpu.memory_space<vmem>> -> memref<1x80xi32, #tpu.memory_space<vmem>>
    %dma_wait3A_429 = tpu.memref_squeeze %dma_wait3A_428 : memref<1x80xi32, #tpu.memory_space<vmem>> -> memref<80xi32, #tpu.memory_space<vmem>>
    %dma_wait3A_430 = arith.constant 0 : i32
    %dma_wait3A_431 = tpu.memref_slice %arg3[%dma_wait3A_430] : memref<640000xi32, #tpu.memory_space<hbm>> -> memref<80xi32, #tpu.memory_space<hbm>>
    tpu.wait_dma2 semaphore(%arg14 : memref<!tpu.dma_semaphore, #tpu.memory_space<semaphore_mem>>) src(%dma_wait3A_431 : memref<80xi32, #tpu.memory_space<hbm>>) dst(%dma_wait3A_429 : memref<80xi32, #tpu.memory_space<vmem>>)
    %dma_wait3A_432 = arith.constant 5 : i32
    %dma_wait3A_433 = arith.constant 0 : i32
    %dma_wait3A_434 = tpu.memref_slice %arg6[%dma_wait3A_432, %dma_wait3A_433] : memref<8x80xi32, #tpu.memory_space<vmem>> -> memref<1x80xi32, #tpu.memory_space<vmem>>
    %dma_wait3A_435 = tpu.memref_squeeze %dma_wait3A_434 : memref<1x80xi32, #tpu.memory_space<vmem>> -> memref<80xi32, #tpu.memory_space<vmem>>
    %dma_wait3A_436 = arith.constant 0 : i32
    %dma_wait3A_437 = tpu.memref_slice %arg3[%dma_wait3A_436] : memref<640000xi32, #tpu.memory_space<hbm>> -> memref<80xi32, #tpu.memory_space<hbm>>
    %dma_wait3A_438 = arith.constant 0 : i32
    %dma_wait3A_439 = tpu.memref_slice %arg6[%dma_wait3A_432, %dma_wait3A_438] : memref<8x80xi32, #tpu.memory_space<vmem>> -> memref<1x80xi32, #tpu.memory_space<vmem>>
    %dma_wait3A_440 = tpu.memref_squeeze %dma_wait3A_439 : memref<1x80xi32, #tpu.memory_space<vmem>> -> memref<80xi32, #tpu.memory_space<vmem>>
    %dma_wait3A_441 = arith.constant 0 : i32
    %dma_wait3A_442 = tpu.memref_slice %arg3[%dma_wait3A_441] : memref<640000xi32, #tpu.memory_space<hbm>> -> memref<80xi32, #tpu.memory_space<hbm>>
    tpu.wait_dma2 semaphore(%arg14 : memref<!tpu.dma_semaphore, #tpu.memory_space<semaphore_mem>>) src(%dma_wait3A_442 : memref<80xi32, #tpu.memory_space<hbm>>) dst(%dma_wait3A_440 : memref<80xi32, #tpu.memory_space<vmem>>)
    %dma_start3A_443 = arith.constant 5 : i32
    %dma_start3A_444 = arith.constant 1 : i32
    %dma_start3A_445 = arith.constant 0 : i32
    %dma_start3A_446 = arith.constant 0 : i32
    %dma_start3A_447 = tpu.memref_slice %arg7[%dma_start3A_444, %dma_start3A_445, %dma_start3A_446] : memref<4x80x128xf32, #tpu.memory_space<vmem>> -> memref<1x80x128xf32, #tpu.memory_space<vmem>>
    %dma_start3A_448 = tpu.memref_squeeze %dma_start3A_447 : memref<1x80x128xf32, #tpu.memory_space<vmem>> -> memref<80x128xf32, #tpu.memory_space<vmem>>
    %dma_start3A_449 = arith.constant 0 : i32
    %dma_start3A_450 = tpu.memref_slice %arg5[%dma_start3A_443, %dma_start3A_449] : memref<8x80xi32, #tpu.memory_space<vmem>> -> memref<1x80xi32, #tpu.memory_space<vmem>>
    %dma_start3A_451 = tpu.memref_squeeze %dma_start3A_450 : memref<1x80xi32, #tpu.memory_space<vmem>> -> memref<80xi32, #tpu.memory_space<vmem>>
    %dma_start3A_452 = arith.constant 0 : i32
    %dma_start3A_453 = arith.constant 0 : i32
    %dma_start3A_454 = tpu.memref_slice %arg2[%dma_start3A_452, %dma_start3A_453] : memref<10000x128xf32, #tpu.memory_space<hbm>> -> memref<10000x128xf32, #tpu.memory_space<hbm>>
    tpu.enqueue_indirect_dma source(%dma_start3A_454 : memref<10000x128xf32, #tpu.memory_space<hbm>>) target(%dma_start3A_448 : memref<80x128xf32, #tpu.memory_space<vmem>>) offsets(%dma_start3A_451 : memref<80xi32, #tpu.memory_space<vmem>>) semaphore(%arg18 : memref<!tpu.dma_semaphore, #tpu.memory_space<semaphore_mem>>)
    %add3A_455 = arith.constant 480 : i32
    %add3A_456 = arith.addi %mul3A_24, %add3A_455 : i32
    %dma_start3A_457 = arith.constant 6 : i32
    %dma_start3A_458 = arith.constant 0 : i32
    %dma_start3A_459 = tpu.memref_slice %arg5[%dma_start3A_457, %dma_start3A_458] : memref<8x80xi32, #tpu.memory_space<vmem>> -> memref<1x80xi32, #tpu.memory_space<vmem>>
    %dma_start3A_460 = tpu.memref_squeeze %dma_start3A_459 : memref<1x80xi32, #tpu.memory_space<vmem>> -> memref<80xi32, #tpu.memory_space<vmem>>
    %dma_start3A_461 = tpu.memref_slice %arg3[%add3A_456] : memref<640000xi32, #tpu.memory_space<hbm>> -> memref<80xi32, #tpu.memory_space<hbm>>
    %dma_start3A_462 = arith.constant 0 : i32
    %dma_start3A_463 = tpu.memref_slice %arg5[%dma_start3A_457, %dma_start3A_462] : memref<8x80xi32, #tpu.memory_space<vmem>> -> memref<1x80xi32, #tpu.memory_space<vmem>>
    %dma_start3A_464 = tpu.memref_squeeze %dma_start3A_463 : memref<1x80xi32, #tpu.memory_space<vmem>> -> memref<80xi32, #tpu.memory_space<vmem>>
    %dma_start3A_465 = tpu.memref_slice %arg3[%add3A_456] : memref<640000xi32, #tpu.memory_space<hbm>> -> memref<80xi32, #tpu.memory_space<hbm>>
    tpu.enqueue_dma source(%dma_start3A_465 : memref<80xi32, #tpu.memory_space<hbm>>) target(%dma_start3A_464 : memref<80xi32, #tpu.memory_space<vmem>>) target_semaphore(%arg15 : memref<!tpu.dma_semaphore, #tpu.memory_space<semaphore_mem>>)
    %add3A_466 = arith.constant 320000 : i32
    %add3A_467 = arith.addi %add3A_466, %add3A_456 : i32
    %dma_start3A_468 = arith.constant 6 : i32
    %dma_start3A_469 = arith.constant 0 : i32
    %dma_start3A_470 = tpu.memref_slice %arg6[%dma_start3A_468, %dma_start3A_469] : memref<8x80xi32, #tpu.memory_space<vmem>> -> memref<1x80xi32, #tpu.memory_space<vmem>>
    %dma_start3A_471 = tpu.memref_squeeze %dma_start3A_470 : memref<1x80xi32, #tpu.memory_space<vmem>> -> memref<80xi32, #tpu.memory_space<vmem>>
    %dma_start3A_472 = tpu.memref_slice %arg3[%add3A_467] : memref<640000xi32, #tpu.memory_space<hbm>> -> memref<80xi32, #tpu.memory_space<hbm>>
    %dma_start3A_473 = arith.constant 0 : i32
    %dma_start3A_474 = tpu.memref_slice %arg6[%dma_start3A_468, %dma_start3A_473] : memref<8x80xi32, #tpu.memory_space<vmem>> -> memref<1x80xi32, #tpu.memory_space<vmem>>
    %dma_start3A_475 = tpu.memref_squeeze %dma_start3A_474 : memref<1x80xi32, #tpu.memory_space<vmem>> -> memref<80xi32, #tpu.memory_space<vmem>>
    %dma_start3A_476 = tpu.memref_slice %arg3[%add3A_467] : memref<640000xi32, #tpu.memory_space<hbm>> -> memref<80xi32, #tpu.memory_space<hbm>>
    tpu.enqueue_dma source(%dma_start3A_476 : memref<80xi32, #tpu.memory_space<hbm>>) target(%dma_start3A_475 : memref<80xi32, #tpu.memory_space<vmem>>) target_semaphore(%arg15 : memref<!tpu.dma_semaphore, #tpu.memory_space<semaphore_mem>>)
    %dma_wait3A_477 = arith.constant 3 : i32
    %dma_wait3A_478 = arith.constant 3 : i32
    %dma_wait3A_479 = arith.constant 0 : i32
    %dma_wait3A_480 = arith.constant 0 : i32
    %dma_wait3A_481 = tpu.memref_slice %arg7[%dma_wait3A_478, %dma_wait3A_479, %dma_wait3A_480] : memref<4x80x128xf32, #tpu.memory_space<vmem>> -> memref<1x80x128xf32, #tpu.memory_space<vmem>>
    %dma_wait3A_482 = tpu.memref_squeeze %dma_wait3A_481 : memref<1x80x128xf32, #tpu.memory_space<vmem>> -> memref<80x128xf32, #tpu.memory_space<vmem>>
    %dma_wait3A_483 = arith.constant 0 : i32
    %dma_wait3A_484 = tpu.memref_slice %arg5[%dma_wait3A_477, %dma_wait3A_483] : memref<8x80xi32, #tpu.memory_space<vmem>> -> memref<1x80xi32, #tpu.memory_space<vmem>>
    %dma_wait3A_485 = tpu.memref_squeeze %dma_wait3A_484 : memref<1x80xi32, #tpu.memory_space<vmem>> -> memref<80xi32, #tpu.memory_space<vmem>>
    %dma_wait3A_486 = arith.constant 0 : i32
    %dma_wait3A_487 = arith.constant 0 : i32
    %dma_wait3A_488 = tpu.memref_slice %arg2[%dma_wait3A_486, %dma_wait3A_487] : memref<10000x128xf32, #tpu.memory_space<hbm>> -> memref<10000x128xf32, #tpu.memory_space<hbm>>
    tpu.wait_indirect_dma semaphore(%arg20 : memref<!tpu.dma_semaphore, #tpu.memory_space<semaphore_mem>>) src(%dma_wait3A_488 : memref<10000x128xf32, #tpu.memory_space<hbm>>) dst(%dma_wait3A_482 : memref<80x128xf32, #tpu.memory_space<vmem>>)
    %dma_start3A_489 = arith.constant 3 : i32
    %dma_start3A_490 = arith.constant 3 : i32
    %dma_start3A_491 = arith.constant 0 : i32
    %dma_start3A_492 = arith.constant 0 : i32
    %dma_start3A_493 = tpu.memref_slice %arg7[%dma_start3A_489, %dma_start3A_491, %dma_start3A_492] : memref<4x80x128xf32, #tpu.memory_space<vmem>> -> memref<1x80x128xf32, #tpu.memory_space<vmem>>
    %dma_start3A_494 = tpu.memref_squeeze %dma_start3A_493 : memref<1x80x128xf32, #tpu.memory_space<vmem>> -> memref<80x128xf32, #tpu.memory_space<vmem>>
    %dma_start3A_495 = arith.constant 0 : i32
    %dma_start3A_496 = tpu.memref_slice %arg6[%dma_start3A_490, %dma_start3A_495] : memref<8x80xi32, #tpu.memory_space<vmem>> -> memref<1x80xi32, #tpu.memory_space<vmem>>
    %dma_start3A_497 = tpu.memref_squeeze %dma_start3A_496 : memref<1x80xi32, #tpu.memory_space<vmem>> -> memref<80xi32, #tpu.memory_space<vmem>>
    %dma_start3A_498 = arith.constant 0 : i32
    %dma_start3A_499 = arith.constant 0 : i32
    %dma_start3A_500 = tpu.memref_slice %arg8[%dma_start3A_498, %dma_start3A_499] : memref<10000x128xf32, #tpu.memory_space<vmem_shared>> -> memref<10000x128xf32, #tpu.memory_space<vmem_shared>>
    tpu.enqueue_indirect_dma source(%dma_start3A_494 : memref<80x128xf32, #tpu.memory_space<vmem>>) target(%dma_start3A_500 : memref<10000x128xf32, #tpu.memory_space<vmem_shared>>) offsets(%dma_start3A_497 : memref<80xi32, #tpu.memory_space<vmem>>) semaphore(%arg24 : memref<!tpu.dma_semaphore, #tpu.memory_space<semaphore_mem>>) {add = true}
    %dma_wait3A_501 = arith.constant 2 : i32
    %dma_wait3A_502 = arith.constant 2 : i32
    %dma_wait3A_503 = arith.constant 0 : i32
    %dma_wait3A_504 = arith.constant 0 : i32
    %dma_wait3A_505 = tpu.memref_slice %arg7[%dma_wait3A_501, %dma_wait3A_503, %dma_wait3A_504] : memref<4x80x128xf32, #tpu.memory_space<vmem>> -> memref<1x80x128xf32, #tpu.memory_space<vmem>>
    %dma_wait3A_506 = tpu.memref_squeeze %dma_wait3A_505 : memref<1x80x128xf32, #tpu.memory_space<vmem>> -> memref<80x128xf32, #tpu.memory_space<vmem>>
    %dma_wait3A_507 = arith.constant 0 : i32
    %dma_wait3A_508 = tpu.memref_slice %arg6[%dma_wait3A_502, %dma_wait3A_507] : memref<8x80xi32, #tpu.memory_space<vmem>> -> memref<1x80xi32, #tpu.memory_space<vmem>>
    %dma_wait3A_509 = tpu.memref_squeeze %dma_wait3A_508 : memref<1x80xi32, #tpu.memory_space<vmem>> -> memref<80xi32, #tpu.memory_space<vmem>>
    %dma_wait3A_510 = arith.constant 0 : i32
    %dma_wait3A_511 = arith.constant 0 : i32
    %dma_wait3A_512 = tpu.memref_slice %arg8[%dma_wait3A_510, %dma_wait3A_511] : memref<10000x128xf32, #tpu.memory_space<vmem_shared>> -> memref<10000x128xf32, #tpu.memory_space<vmem_shared>>
    tpu.wait_indirect_dma semaphore(%arg23 : memref<!tpu.dma_semaphore, #tpu.memory_space<semaphore_mem>>) src(%dma_wait3A_506 : memref<80x128xf32, #tpu.memory_space<vmem>>) dst(%dma_wait3A_512 : memref<10000x128xf32, #tpu.memory_space<vmem_shared>>)
    %dma_wait3A_513 = arith.constant 6 : i32
    %dma_wait3A_514 = arith.constant 0 : i32
    %dma_wait3A_515 = tpu.memref_slice %arg5[%dma_wait3A_513, %dma_wait3A_514] : memref<8x80xi32, #tpu.memory_space<vmem>> -> memref<1x80xi32, #tpu.memory_space<vmem>>
    %dma_wait3A_516 = tpu.memref_squeeze %dma_wait3A_515 : memref<1x80xi32, #tpu.memory_space<vmem>> -> memref<80xi32, #tpu.memory_space<vmem>>
    %dma_wait3A_517 = arith.constant 0 : i32
    %dma_wait3A_518 = tpu.memref_slice %arg3[%dma_wait3A_517] : memref<640000xi32, #tpu.memory_space<hbm>> -> memref<80xi32, #tpu.memory_space<hbm>>
    %dma_wait3A_519 = arith.constant 0 : i32
    %dma_wait3A_520 = tpu.memref_slice %arg5[%dma_wait3A_513, %dma_wait3A_519] : memref<8x80xi32, #tpu.memory_space<vmem>> -> memref<1x80xi32, #tpu.memory_space<vmem>>
    %dma_wait3A_521 = tpu.memref_squeeze %dma_wait3A_520 : memref<1x80xi32, #tpu.memory_space<vmem>> -> memref<80xi32, #tpu.memory_space<vmem>>
    %dma_wait3A_522 = arith.constant 0 : i32
    %dma_wait3A_523 = tpu.memref_slice %arg3[%dma_wait3A_522] : memref<640000xi32, #tpu.memory_space<hbm>> -> memref<80xi32, #tpu.memory_space<hbm>>
    tpu.wait_dma2 semaphore(%arg15 : memref<!tpu.dma_semaphore, #tpu.memory_space<semaphore_mem>>) src(%dma_wait3A_523 : memref<80xi32, #tpu.memory_space<hbm>>) dst(%dma_wait3A_521 : memref<80xi32, #tpu.memory_space<vmem>>)
    %dma_wait3A_524 = arith.constant 6 : i32
    %dma_wait3A_525 = arith.constant 0 : i32
    %dma_wait3A_526 = tpu.memref_slice %arg6[%dma_wait3A_524, %dma_wait3A_525] : memref<8x80xi32, #tpu.memory_space<vmem>> -> memref<1x80xi32, #tpu.memory_space<vmem>>
    %dma_wait3A_527 = tpu.memref_squeeze %dma_wait3A_526 : memref<1x80xi32, #tpu.memory_space<vmem>> -> memref<80xi32, #tpu.memory_space<vmem>>
    %dma_wait3A_528 = arith.constant 0 : i32
    %dma_wait3A_529 = tpu.memref_slice %arg3[%dma_wait3A_528] : memref<640000xi32, #tpu.memory_space<hbm>> -> memref<80xi32, #tpu.memory_space<hbm>>
    %dma_wait3A_530 = arith.constant 0 : i32
    %dma_wait3A_531 = tpu.memref_slice %arg6[%dma_wait3A_524, %dma_wait3A_530] : memref<8x80xi32, #tpu.memory_space<vmem>> -> memref<1x80xi32, #tpu.memory_space<vmem>>
    %dma_wait3A_532 = tpu.memref_squeeze %dma_wait3A_531 : memref<1x80xi32, #tpu.memory_space<vmem>> -> memref<80xi32, #tpu.memory_space<vmem>>
    %dma_wait3A_533 = arith.constant 0 : i32
    %dma_wait3A_534 = tpu.memref_slice %arg3[%dma_wait3A_533] : memref<640000xi32, #tpu.memory_space<hbm>> -> memref<80xi32, #tpu.memory_space<hbm>>
    tpu.wait_dma2 semaphore(%arg15 : memref<!tpu.dma_semaphore, #tpu.memory_space<semaphore_mem>>) src(%dma_wait3A_534 : memref<80xi32, #tpu.memory_space<hbm>>) dst(%dma_wait3A_532 : memref<80xi32, #tpu.memory_space<vmem>>)
    %dma_start3A_535 = arith.constant 6 : i32
    %dma_start3A_536 = arith.constant 2 : i32
    %dma_start3A_537 = arith.constant 0 : i32
    %dma_start3A_538 = arith.constant 0 : i32
    %dma_start3A_539 = tpu.memref_slice %arg7[%dma_start3A_536, %dma_start3A_537, %dma_start3A_538] : memref<4x80x128xf32, #tpu.memory_space<vmem>> -> memref<1x80x128xf32, #tpu.memory_space<vmem>>
    %dma_start3A_540 = tpu.memref_squeeze %dma_start3A_539 : memref<1x80x128xf32, #tpu.memory_space<vmem>> -> memref<80x128xf32, #tpu.memory_space<vmem>>
    %dma_start3A_541 = arith.constant 0 : i32
    %dma_start3A_542 = tpu.memref_slice %arg5[%dma_start3A_535, %dma_start3A_541] : memref<8x80xi32, #tpu.memory_space<vmem>> -> memref<1x80xi32, #tpu.memory_space<vmem>>
    %dma_start3A_543 = tpu.memref_squeeze %dma_start3A_542 : memref<1x80xi32, #tpu.memory_space<vmem>> -> memref<80xi32, #tpu.memory_space<vmem>>
    %dma_start3A_544 = arith.constant 0 : i32
    %dma_start3A_545 = arith.constant 0 : i32
    %dma_start3A_546 = tpu.memref_slice %arg2[%dma_start3A_544, %dma_start3A_545] : memref<10000x128xf32, #tpu.memory_space<hbm>> -> memref<10000x128xf32, #tpu.memory_space<hbm>>
    tpu.enqueue_indirect_dma source(%dma_start3A_546 : memref<10000x128xf32, #tpu.memory_space<hbm>>) target(%dma_start3A_540 : memref<80x128xf32, #tpu.memory_space<vmem>>) offsets(%dma_start3A_543 : memref<80xi32, #tpu.memory_space<vmem>>) semaphore(%arg19 : memref<!tpu.dma_semaphore, #tpu.memory_space<semaphore_mem>>)
    %add3A_547 = arith.constant 560 : i32
    %add3A_548 = arith.addi %mul3A_24, %add3A_547 : i32
    %dma_start3A_549 = arith.constant 7 : i32
    %dma_start3A_550 = arith.constant 0 : i32
    %dma_start3A_551 = tpu.memref_slice %arg5[%dma_start3A_549, %dma_start3A_550] : memref<8x80xi32, #tpu.memory_space<vmem>> -> memref<1x80xi32, #tpu.memory_space<vmem>>
    %dma_start3A_552 = tpu.memref_squeeze %dma_start3A_551 : memref<1x80xi32, #tpu.memory_space<vmem>> -> memref<80xi32, #tpu.memory_space<vmem>>
    %dma_start3A_553 = tpu.memref_slice %arg3[%add3A_548] : memref<640000xi32, #tpu.memory_space<hbm>> -> memref<80xi32, #tpu.memory_space<hbm>>
    %dma_start3A_554 = arith.constant 0 : i32
    %dma_start3A_555 = tpu.memref_slice %arg5[%dma_start3A_549, %dma_start3A_554] : memref<8x80xi32, #tpu.memory_space<vmem>> -> memref<1x80xi32, #tpu.memory_space<vmem>>
    %dma_start3A_556 = tpu.memref_squeeze %dma_start3A_555 : memref<1x80xi32, #tpu.memory_space<vmem>> -> memref<80xi32, #tpu.memory_space<vmem>>
    %dma_start3A_557 = tpu.memref_slice %arg3[%add3A_548] : memref<640000xi32, #tpu.memory_space<hbm>> -> memref<80xi32, #tpu.memory_space<hbm>>
    tpu.enqueue_dma source(%dma_start3A_557 : memref<80xi32, #tpu.memory_space<hbm>>) target(%dma_start3A_556 : memref<80xi32, #tpu.memory_space<vmem>>) target_semaphore(%arg16 : memref<!tpu.dma_semaphore, #tpu.memory_space<semaphore_mem>>)
    %add3A_558 = arith.constant 320000 : i32
    %add3A_559 = arith.addi %add3A_558, %add3A_548 : i32
    %dma_start3A_560 = arith.constant 7 : i32
    %dma_start3A_561 = arith.constant 0 : i32
    %dma_start3A_562 = tpu.memref_slice %arg6[%dma_start3A_560, %dma_start3A_561] : memref<8x80xi32, #tpu.memory_space<vmem>> -> memref<1x80xi32, #tpu.memory_space<vmem>>
    %dma_start3A_563 = tpu.memref_squeeze %dma_start3A_562 : memref<1x80xi32, #tpu.memory_space<vmem>> -> memref<80xi32, #tpu.memory_space<vmem>>
    %dma_start3A_564 = tpu.memref_slice %arg3[%add3A_559] : memref<640000xi32, #tpu.memory_space<hbm>> -> memref<80xi32, #tpu.memory_space<hbm>>
    %dma_start3A_565 = arith.constant 0 : i32
    %dma_start3A_566 = tpu.memref_slice %arg6[%dma_start3A_560, %dma_start3A_565] : memref<8x80xi32, #tpu.memory_space<vmem>> -> memref<1x80xi32, #tpu.memory_space<vmem>>
    %dma_start3A_567 = tpu.memref_squeeze %dma_start3A_566 : memref<1x80xi32, #tpu.memory_space<vmem>> -> memref<80xi32, #tpu.memory_space<vmem>>
    %dma_start3A_568 = tpu.memref_slice %arg3[%add3A_559] : memref<640000xi32, #tpu.memory_space<hbm>> -> memref<80xi32, #tpu.memory_space<hbm>>
    tpu.enqueue_dma source(%dma_start3A_568 : memref<80xi32, #tpu.memory_space<hbm>>) target(%dma_start3A_567 : memref<80xi32, #tpu.memory_space<vmem>>) target_semaphore(%arg16 : memref<!tpu.dma_semaphore, #tpu.memory_space<semaphore_mem>>)
    %scan3A_569 = arith.constant 0 : i32
    %scan3A_570 = arith.constant 14 : i32
    %scan3A_571 = arith.addi %scan3A_569, %scan3A_570 : i32
    %scan3A_572 = arith.constant 1 : i32
    scf.for %scan3A_1245 = %scan3A_569 to %scan3A_571 step %scan3A_572  : i32 {
      %mul3A_1246 = arith.constant 8 : i32
      %mul3A_1247 = arith.muli %scan3A_1245, %mul3A_1246 : i32
      %add3A_1248 = arith.constant 4 : i32
      %add3A_1249 = arith.addi %add3A_1248, %mul3A_1247 : i32
      %add3A_1250 = arith.constant 0 : i32
      %add3A_1251 = arith.addi %add3A_1249, %add3A_1250 : i32
      %dma_wait3A_1252 = arith.constant 4 : i32
      %dma_wait3A_1253 = arith.constant 0 : i32
      %dma_wait3A_1254 = arith.constant 0 : i32
      %dma_wait3A_1255 = arith.constant 0 : i32
      %dma_wait3A_1256 = tpu.memref_slice %arg7[%dma_wait3A_1253, %dma_wait3A_1254, %dma_wait3A_1255] : memref<4x80x128xf32, #tpu.memory_space<vmem>> -> memref<1x80x128xf32, #tpu.memory_space<vmem>>
      %dma_wait3A_1257 = tpu.memref_squeeze %dma_wait3A_1256 : memref<1x80x128xf32, #tpu.memory_space<vmem>> -> memref<80x128xf32, #tpu.memory_space<vmem>>
      %dma_wait3A_1258 = arith.constant 0 : i32
      %dma_wait3A_1259 = tpu.memref_slice %arg5[%dma_wait3A_1252, %dma_wait3A_1258] : memref<8x80xi32, #tpu.memory_space<vmem>> -> memref<1x80xi32, #tpu.memory_space<vmem>>
      %dma_wait3A_1260 = tpu.memref_squeeze %dma_wait3A_1259 : memref<1x80xi32, #tpu.memory_space<vmem>> -> memref<80xi32, #tpu.memory_space<vmem>>
      %dma_wait3A_1261 = arith.constant 0 : i32
      %dma_wait3A_1262 = arith.constant 0 : i32
      %dma_wait3A_1263 = tpu.memref_slice %arg2[%dma_wait3A_1261, %dma_wait3A_1262] : memref<10000x128xf32, #tpu.memory_space<hbm>> -> memref<10000x128xf32, #tpu.memory_space<hbm>>
      tpu.wait_indirect_dma semaphore(%arg17 : memref<!tpu.dma_semaphore, #tpu.memory_space<semaphore_mem>>) src(%dma_wait3A_1263 : memref<10000x128xf32, #tpu.memory_space<hbm>>) dst(%dma_wait3A_1257 : memref<80x128xf32, #tpu.memory_space<vmem>>)
      %dma_start3A_1264 = arith.constant 0 : i32
      %dma_start3A_1265 = arith.constant 4 : i32
      %dma_start3A_1266 = arith.constant 0 : i32
      %dma_start3A_1267 = arith.constant 0 : i32
      %dma_start3A_1268 = tpu.memref_slice %arg7[%dma_start3A_1264, %dma_start3A_1266, %dma_start3A_1267] : memref<4x80x128xf32, #tpu.memory_space<vmem>> -> memref<1x80x128xf32, #tpu.memory_space<vmem>>
      %dma_start3A_1269 = tpu.memref_squeeze %dma_start3A_1268 : memref<1x80x128xf32, #tpu.memory_space<vmem>> -> memref<80x128xf32, #tpu.memory_space<vmem>>
      %dma_start3A_1270 = arith.constant 0 : i32
      %dma_start3A_1271 = tpu.memref_slice %arg6[%dma_start3A_1265, %dma_start3A_1270] : memref<8x80xi32, #tpu.memory_space<vmem>> -> memref<1x80xi32, #tpu.memory_space<vmem>>
      %dma_start3A_1272 = tpu.memref_squeeze %dma_start3A_1271 : memref<1x80xi32, #tpu.memory_space<vmem>> -> memref<80xi32, #tpu.memory_space<vmem>>
      %dma_start3A_1273 = arith.constant 0 : i32
      %dma_start3A_1274 = arith.constant 0 : i32
      %dma_start3A_1275 = tpu.memref_slice %arg8[%dma_start3A_1273, %dma_start3A_1274] : memref<10000x128xf32, #tpu.memory_space<vmem_shared>> -> memref<10000x128xf32, #tpu.memory_space<vmem_shared>>
      tpu.enqueue_indirect_dma source(%dma_start3A_1269 : memref<80x128xf32, #tpu.memory_space<vmem>>) target(%dma_start3A_1275 : memref<10000x128xf32, #tpu.memory_space<vmem_shared>>) offsets(%dma_start3A_1272 : memref<80xi32, #tpu.memory_space<vmem>>) semaphore(%arg21 : memref<!tpu.dma_semaphore, #tpu.memory_space<semaphore_mem>>) {add = true}
      %dma_wait3A_1276 = arith.constant 3 : i32
      %dma_wait3A_1277 = arith.constant 3 : i32
      %dma_wait3A_1278 = arith.constant 0 : i32
      %dma_wait3A_1279 = arith.constant 0 : i32
      %dma_wait3A_1280 = tpu.memref_slice %arg7[%dma_wait3A_1276, %dma_wait3A_1278, %dma_wait3A_1279] : memref<4x80x128xf32, #tpu.memory_space<vmem>> -> memref<1x80x128xf32, #tpu.memory_space<vmem>>
      %dma_wait3A_1281 = tpu.memref_squeeze %dma_wait3A_1280 : memref<1x80x128xf32, #tpu.memory_space<vmem>> -> memref<80x128xf32, #tpu.memory_space<vmem>>
      %dma_wait3A_1282 = arith.constant 0 : i32
      %dma_wait3A_1283 = tpu.memref_slice %arg6[%dma_wait3A_1277, %dma_wait3A_1282] : memref<8x80xi32, #tpu.memory_space<vmem>> -> memref<1x80xi32, #tpu.memory_space<vmem>>
      %dma_wait3A_1284 = tpu.memref_squeeze %dma_wait3A_1283 : memref<1x80xi32, #tpu.memory_space<vmem>> -> memref<80xi32, #tpu.memory_space<vmem>>
      %dma_wait3A_1285 = arith.constant 0 : i32
      %dma_wait3A_1286 = arith.constant 0 : i32
      %dma_wait3A_1287 = tpu.memref_slice %arg8[%dma_wait3A_1285, %dma_wait3A_1286] : memref<10000x128xf32, #tpu.memory_space<vmem_shared>> -> memref<10000x128xf32, #tpu.memory_space<vmem_shared>>
      tpu.wait_indirect_dma semaphore(%arg24 : memref<!tpu.dma_semaphore, #tpu.memory_space<semaphore_mem>>) src(%dma_wait3A_1281 : memref<80x128xf32, #tpu.memory_space<vmem>>) dst(%dma_wait3A_1287 : memref<10000x128xf32, #tpu.memory_space<vmem_shared>>)
      %dma_wait3A_1288 = arith.constant 7 : i32
      %dma_wait3A_1289 = arith.constant 0 : i32
      %dma_wait3A_1290 = tpu.memref_slice %arg5[%dma_wait3A_1288, %dma_wait3A_1289] : memref<8x80xi32, #tpu.memory_space<vmem>> -> memref<1x80xi32, #tpu.memory_space<vmem>>
      %dma_wait3A_1291 = tpu.memref_squeeze %dma_wait3A_1290 : memref<1x80xi32, #tpu.memory_space<vmem>> -> memref<80xi32, #tpu.memory_space<vmem>>
      %dma_wait3A_1292 = arith.constant 0 : i32
      %dma_wait3A_1293 = tpu.memref_slice %arg3[%dma_wait3A_1292] : memref<640000xi32, #tpu.memory_space<hbm>> -> memref<80xi32, #tpu.memory_space<hbm>>
      %dma_wait3A_1294 = arith.constant 0 : i32
      %dma_wait3A_1295 = tpu.memref_slice %arg5[%dma_wait3A_1288, %dma_wait3A_1294] : memref<8x80xi32, #tpu.memory_space<vmem>> -> memref<1x80xi32, #tpu.memory_space<vmem>>
      %dma_wait3A_1296 = tpu.memref_squeeze %dma_wait3A_1295 : memref<1x80xi32, #tpu.memory_space<vmem>> -> memref<80xi32, #tpu.memory_space<vmem>>
      %dma_wait3A_1297 = arith.constant 0 : i32
      %dma_wait3A_1298 = tpu.memref_slice %arg3[%dma_wait3A_1297] : memref<640000xi32, #tpu.memory_space<hbm>> -> memref<80xi32, #tpu.memory_space<hbm>>
      tpu.wait_dma2 semaphore(%arg16 : memref<!tpu.dma_semaphore, #tpu.memory_space<semaphore_mem>>) src(%dma_wait3A_1298 : memref<80xi32, #tpu.memory_space<hbm>>) dst(%dma_wait3A_1296 : memref<80xi32, #tpu.memory_space<vmem>>)
      %dma_wait3A_1299 = arith.constant 7 : i32
      %dma_wait3A_1300 = arith.constant 0 : i32
      %dma_wait3A_1301 = tpu.memref_slice %arg6[%dma_wait3A_1299, %dma_wait3A_1300] : memref<8x80xi32, #tpu.memory_space<vmem>> -> memref<1x80xi32, #tpu.memory_space<vmem>>
      %dma_wait3A_1302 = tpu.memref_squeeze %dma_wait3A_1301 : memref<1x80xi32, #tpu.memory_space<vmem>> -> memref<80xi32, #tpu.memory_space<vmem>>
      %dma_wait3A_1303 = arith.constant 0 : i32
      %dma_wait3A_1304 = tpu.memref_slice %arg3[%dma_wait3A_1303] : memref<640000xi32, #tpu.memory_space<hbm>> -> memref<80xi32, #tpu.memory_space<hbm>>
      %dma_wait3A_1305 = arith.constant 0 : i32
      %dma_wait3A_1306 = tpu.memref_slice %arg6[%dma_wait3A_1299, %dma_wait3A_1305] : memref<8x80xi32, #tpu.memory_space<vmem>> -> memref<1x80xi32, #tpu.memory_space<vmem>>
      %dma_wait3A_1307 = tpu.memref_squeeze %dma_wait3A_1306 : memref<1x80xi32, #tpu.memory_space<vmem>> -> memref<80xi32, #tpu.memory_space<vmem>>
      %dma_wait3A_1308 = arith.constant 0 : i32
      %dma_wait3A_1309 = tpu.memref_slice %arg3[%dma_wait3A_1308] : memref<640000xi32, #tpu.memory_space<hbm>> -> memref<80xi32, #tpu.memory_space<hbm>>
      tpu.wait_dma2 semaphore(%arg16 : memref<!tpu.dma_semaphore, #tpu.memory_space<semaphore_mem>>) src(%dma_wait3A_1309 : memref<80xi32, #tpu.memory_space<hbm>>) dst(%dma_wait3A_1307 : memref<80xi32, #tpu.memory_space<vmem>>)
      %dma_start3A_1310 = arith.constant 7 : i32
      %dma_start3A_1311 = arith.constant 3 : i32
      %dma_start3A_1312 = arith.constant 0 : i32
      %dma_start3A_1313 = arith.constant 0 : i32
      %dma_start3A_1314 = tpu.memref_slice %arg7[%dma_start3A_1311, %dma_start3A_1312, %dma_start3A_1313] : memref<4x80x128xf32, #tpu.memory_space<vmem>> -> memref<1x80x128xf32, #tpu.memory_space<vmem>>
      %dma_start3A_1315 = tpu.memref_squeeze %dma_start3A_1314 : memref<1x80x128xf32, #tpu.memory_space<vmem>> -> memref<80x128xf32, #tpu.memory_space<vmem>>
      %dma_start3A_1316 = arith.constant 0 : i32
      %dma_start3A_1317 = tpu.memref_slice %arg5[%dma_start3A_1310, %dma_start3A_1316] : memref<8x80xi32, #tpu.memory_space<vmem>> -> memref<1x80xi32, #tpu.memory_space<vmem>>
      %dma_start3A_1318 = tpu.memref_squeeze %dma_start3A_1317 : memref<1x80xi32, #tpu.memory_space<vmem>> -> memref<80xi32, #tpu.memory_space<vmem>>
      %dma_start3A_1319 = arith.constant 0 : i32
      %dma_start3A_1320 = arith.constant 0 : i32
      %dma_start3A_1321 = tpu.memref_slice %arg2[%dma_start3A_1319, %dma_start3A_1320] : memref<10000x128xf32, #tpu.memory_space<hbm>> -> memref<10000x128xf32, #tpu.memory_space<hbm>>
      tpu.enqueue_indirect_dma source(%dma_start3A_1321 : memref<10000x128xf32, #tpu.memory_space<hbm>>) target(%dma_start3A_1315 : memref<80x128xf32, #tpu.memory_space<vmem>>) offsets(%dma_start3A_1318 : memref<80xi32, #tpu.memory_space<vmem>>) semaphore(%arg20 : memref<!tpu.dma_semaphore, #tpu.memory_space<semaphore_mem>>)
      %add3A_1322 = arith.constant 4 : i32
      %add3A_1323 = arith.addi %add3A_1251, %add3A_1322 : i32
      %mul3A_1324 = arith.constant 80 : i32
      %mul3A_1325 = arith.muli %add3A_1323, %mul3A_1324 : i32
      %add3A_1326 = arith.addi %mul3A_24, %mul3A_1325 : i32
      %dma_start3A_1327 = arith.constant 0 : i32
      %dma_start3A_1328 = arith.constant 0 : i32
      %dma_start3A_1329 = tpu.memref_slice %arg5[%dma_start3A_1327, %dma_start3A_1328] : memref<8x80xi32, #tpu.memory_space<vmem>> -> memref<1x80xi32, #tpu.memory_space<vmem>>
      %dma_start3A_1330 = tpu.memref_squeeze %dma_start3A_1329 : memref<1x80xi32, #tpu.memory_space<vmem>> -> memref<80xi32, #tpu.memory_space<vmem>>
      %dma_start3A_1331 = tpu.memref_slice %arg3[%add3A_1326] : memref<640000xi32, #tpu.memory_space<hbm>> -> memref<80xi32, #tpu.memory_space<hbm>>
      %dma_start3A_1332 = arith.constant 0 : i32
      %dma_start3A_1333 = tpu.memref_slice %arg5[%dma_start3A_1327, %dma_start3A_1332] : memref<8x80xi32, #tpu.memory_space<vmem>> -> memref<1x80xi32, #tpu.memory_space<vmem>>
      %dma_start3A_1334 = tpu.memref_squeeze %dma_start3A_1333 : memref<1x80xi32, #tpu.memory_space<vmem>> -> memref<80xi32, #tpu.memory_space<vmem>>
      %dma_start3A_1335 = tpu.memref_slice %arg3[%add3A_1326] : memref<640000xi32, #tpu.memory_space<hbm>> -> memref<80xi32, #tpu.memory_space<hbm>>
      tpu.enqueue_dma source(%dma_start3A_1335 : memref<80xi32, #tpu.memory_space<hbm>>) target(%dma_start3A_1334 : memref<80xi32, #tpu.memory_space<vmem>>) target_semaphore(%arg9 : memref<!tpu.dma_semaphore, #tpu.memory_space<semaphore_mem>>)
      %add3A_1336 = arith.constant 320000 : i32
      %add3A_1337 = arith.addi %add3A_1336, %add3A_1326 : i32
      %dma_start3A_1338 = arith.constant 0 : i32
      %dma_start3A_1339 = arith.constant 0 : i32
      %dma_start3A_1340 = tpu.memref_slice %arg6[%dma_start3A_1338, %dma_start3A_1339] : memref<8x80xi32, #tpu.memory_space<vmem>> -> memref<1x80xi32, #tpu.memory_space<vmem>>
      %dma_start3A_1341 = tpu.memref_squeeze %dma_start3A_1340 : memref<1x80xi32, #tpu.memory_space<vmem>> -> memref<80xi32, #tpu.memory_space<vmem>>
      %dma_start3A_1342 = tpu.memref_slice %arg3[%add3A_1337] : memref<640000xi32, #tpu.memory_space<hbm>> -> memref<80xi32, #tpu.memory_space<hbm>>
      %dma_start3A_1343 = arith.constant 0 : i32
      %dma_start3A_1344 = tpu.memref_slice %arg6[%dma_start3A_1338, %dma_start3A_1343] : memref<8x80xi32, #tpu.memory_space<vmem>> -> memref<1x80xi32, #tpu.memory_space<vmem>>
      %dma_start3A_1345 = tpu.memref_squeeze %dma_start3A_1344 : memref<1x80xi32, #tpu.memory_space<vmem>> -> memref<80xi32, #tpu.memory_space<vmem>>
      %dma_start3A_1346 = tpu.memref_slice %arg3[%add3A_1337] : memref<640000xi32, #tpu.memory_space<hbm>> -> memref<80xi32, #tpu.memory_space<hbm>>
      tpu.enqueue_dma source(%dma_start3A_1346 : memref<80xi32, #tpu.memory_space<hbm>>) target(%dma_start3A_1345 : memref<80xi32, #tpu.memory_space<vmem>>) target_semaphore(%arg9 : memref<!tpu.dma_semaphore, #tpu.memory_space<semaphore_mem>>)
      %add3A_1347 = arith.constant 1 : i32
      %add3A_1348 = arith.addi %add3A_1249, %add3A_1347 : i32
      %dma_wait3A_1349 = arith.constant 5 : i32
      %dma_wait3A_1350 = arith.constant 1 : i32
      %dma_wait3A_1351 = arith.constant 0 : i32
      %dma_wait3A_1352 = arith.constant 0 : i32
      %dma_wait3A_1353 = tpu.memref_slice %arg7[%dma_wait3A_1350, %dma_wait3A_1351, %dma_wait3A_1352] : memref<4x80x128xf32, #tpu.memory_space<vmem>> -> memref<1x80x128xf32, #tpu.memory_space<vmem>>
      %dma_wait3A_1354 = tpu.memref_squeeze %dma_wait3A_1353 : memref<1x80x128xf32, #tpu.memory_space<vmem>> -> memref<80x128xf32, #tpu.memory_space<vmem>>
      %dma_wait3A_1355 = arith.constant 0 : i32
      %dma_wait3A_1356 = tpu.memref_slice %arg5[%dma_wait3A_1349, %dma_wait3A_1355] : memref<8x80xi32, #tpu.memory_space<vmem>> -> memref<1x80xi32, #tpu.memory_space<vmem>>
      %dma_wait3A_1357 = tpu.memref_squeeze %dma_wait3A_1356 : memref<1x80xi32, #tpu.memory_space<vmem>> -> memref<80xi32, #tpu.memory_space<vmem>>
      %dma_wait3A_1358 = arith.constant 0 : i32
      %dma_wait3A_1359 = arith.constant 0 : i32
      %dma_wait3A_1360 = tpu.memref_slice %arg2[%dma_wait3A_1358, %dma_wait3A_1359] : memref<10000x128xf32, #tpu.memory_space<hbm>> -> memref<10000x128xf32, #tpu.memory_space<hbm>>
      tpu.wait_indirect_dma semaphore(%arg18 : memref<!tpu.dma_semaphore, #tpu.memory_space<semaphore_mem>>) src(%dma_wait3A_1360 : memref<10000x128xf32, #tpu.memory_space<hbm>>) dst(%dma_wait3A_1354 : memref<80x128xf32, #tpu.memory_space<vmem>>)
      %dma_start3A_1361 = arith.constant 1 : i32
      %dma_start3A_1362 = arith.constant 5 : i32
      %dma_start3A_1363 = arith.constant 0 : i32
      %dma_start3A_1364 = arith.constant 0 : i32
      %dma_start3A_1365 = tpu.memref_slice %arg7[%dma_start3A_1361, %dma_start3A_1363, %dma_start3A_1364] : memref<4x80x128xf32, #tpu.memory_space<vmem>> -> memref<1x80x128xf32, #tpu.memory_space<vmem>>
      %dma_start3A_1366 = tpu.memref_squeeze %dma_start3A_1365 : memref<1x80x128xf32, #tpu.memory_space<vmem>> -> memref<80x128xf32, #tpu.memory_space<vmem>>
      %dma_start3A_1367 = arith.constant 0 : i32
      %dma_start3A_1368 = tpu.memref_slice %arg6[%dma_start3A_1362, %dma_start3A_1367] : memref<8x80xi32, #tpu.memory_space<vmem>> -> memref<1x80xi32, #tpu.memory_space<vmem>>
      %dma_start3A_1369 = tpu.memref_squeeze %dma_start3A_1368 : memref<1x80xi32, #tpu.memory_space<vmem>> -> memref<80xi32, #tpu.memory_space<vmem>>
      %dma_start3A_1370 = arith.constant 0 : i32
      %dma_start3A_1371 = arith.constant 0 : i32
      %dma_start3A_1372 = tpu.memref_slice %arg8[%dma_start3A_1370, %dma_start3A_1371] : memref<10000x128xf32, #tpu.memory_space<vmem_shared>> -> memref<10000x128xf32, #tpu.memory_space<vmem_shared>>
      tpu.enqueue_indirect_dma source(%dma_start3A_1366 : memref<80x128xf32, #tpu.memory_space<vmem>>) target(%dma_start3A_1372 : memref<10000x128xf32, #tpu.memory_space<vmem_shared>>) offsets(%dma_start3A_1369 : memref<80xi32, #tpu.memory_space<vmem>>) semaphore(%arg22 : memref<!tpu.dma_semaphore, #tpu.memory_space<semaphore_mem>>) {add = true}
      %dma_wait3A_1373 = arith.constant 0 : i32
      %dma_wait3A_1374 = arith.constant 4 : i32
      %dma_wait3A_1375 = arith.constant 0 : i32
      %dma_wait3A_1376 = arith.constant 0 : i32
      %dma_wait3A_1377 = tpu.memref_slice %arg7[%dma_wait3A_1373, %dma_wait3A_1375, %dma_wait3A_1376] : memref<4x80x128xf32, #tpu.memory_space<vmem>> -> memref<1x80x128xf32, #tpu.memory_space<vmem>>
      %dma_wait3A_1378 = tpu.memref_squeeze %dma_wait3A_1377 : memref<1x80x128xf32, #tpu.memory_space<vmem>> -> memref<80x128xf32, #tpu.memory_space<vmem>>
      %dma_wait3A_1379 = arith.constant 0 : i32
      %dma_wait3A_1380 = tpu.memref_slice %arg6[%dma_wait3A_1374, %dma_wait3A_1379] : memref<8x80xi32, #tpu.memory_space<vmem>> -> memref<1x80xi32, #tpu.memory_space<vmem>>
      %dma_wait3A_1381 = tpu.memref_squeeze %dma_wait3A_1380 : memref<1x80xi32, #tpu.memory_space<vmem>> -> memref<80xi32, #tpu.memory_space<vmem>>
      %dma_wait3A_1382 = arith.constant 0 : i32
      %dma_wait3A_1383 = arith.constant 0 : i32
      %dma_wait3A_1384 = tpu.memref_slice %arg8[%dma_wait3A_1382, %dma_wait3A_1383] : memref<10000x128xf32, #tpu.memory_space<vmem_shared>> -> memref<10000x128xf32, #tpu.memory_space<vmem_shared>>
      tpu.wait_indirect_dma semaphore(%arg21 : memref<!tpu.dma_semaphore, #tpu.memory_space<semaphore_mem>>) src(%dma_wait3A_1378 : memref<80x128xf32, #tpu.memory_space<vmem>>) dst(%dma_wait3A_1384 : memref<10000x128xf32, #tpu.memory_space<vmem_shared>>)
      %dma_wait3A_1385 = arith.constant 0 : i32
      %dma_wait3A_1386 = arith.constant 0 : i32
      %dma_wait3A_1387 = tpu.memref_slice %arg5[%dma_wait3A_1385, %dma_wait3A_1386] : memref<8x80xi32, #tpu.memory_space<vmem>> -> memref<1x80xi32, #tpu.memory_space<vmem>>
      %dma_wait3A_1388 = tpu.memref_squeeze %dma_wait3A_1387 : memref<1x80xi32, #tpu.memory_space<vmem>> -> memref<80xi32, #tpu.memory_space<vmem>>
      %dma_wait3A_1389 = arith.constant 0 : i32
      %dma_wait3A_1390 = tpu.memref_slice %arg3[%dma_wait3A_1389] : memref<640000xi32, #tpu.memory_space<hbm>> -> memref<80xi32, #tpu.memory_space<hbm>>
      %dma_wait3A_1391 = arith.constant 0 : i32
      %dma_wait3A_1392 = tpu.memref_slice %arg5[%dma_wait3A_1385, %dma_wait3A_1391] : memref<8x80xi32, #tpu.memory_space<vmem>> -> memref<1x80xi32, #tpu.memory_space<vmem>>
      %dma_wait3A_1393 = tpu.memref_squeeze %dma_wait3A_1392 : memref<1x80xi32, #tpu.memory_space<vmem>> -> memref<80xi32, #tpu.memory_space<vmem>>
      %dma_wait3A_1394 = arith.constant 0 : i32
      %dma_wait3A_1395 = tpu.memref_slice %arg3[%dma_wait3A_1394] : memref<640000xi32, #tpu.memory_space<hbm>> -> memref<80xi32, #tpu.memory_space<hbm>>
      tpu.wait_dma2 semaphore(%arg9 : memref<!tpu.dma_semaphore, #tpu.memory_space<semaphore_mem>>) src(%dma_wait3A_1395 : memref<80xi32, #tpu.memory_space<hbm>>) dst(%dma_wait3A_1393 : memref<80xi32, #tpu.memory_space<vmem>>)
      %dma_wait3A_1396 = arith.constant 0 : i32
      %dma_wait3A_1397 = arith.constant 0 : i32
      %dma_wait3A_1398 = tpu.memref_slice %arg6[%dma_wait3A_1396, %dma_wait3A_1397] : memref<8x80xi32, #tpu.memory_space<vmem>> -> memref<1x80xi32, #tpu.memory_space<vmem>>
      %dma_wait3A_1399 = tpu.memref_squeeze %dma_wait3A_1398 : memref<1x80xi32, #tpu.memory_space<vmem>> -> memref<80xi32, #tpu.memory_space<vmem>>
      %dma_wait3A_1400 = arith.constant 0 : i32
      %dma_wait3A_1401 = tpu.memref_slice %arg3[%dma_wait3A_1400] : memref<640000xi32, #tpu.memory_space<hbm>> -> memref<80xi32, #tpu.memory_space<hbm>>
      %dma_wait3A_1402 = arith.constant 0 : i32
      %dma_wait3A_1403 = tpu.memref_slice %arg6[%dma_wait3A_1396, %dma_wait3A_1402] : memref<8x80xi32, #tpu.memory_space<vmem>> -> memref<1x80xi32, #tpu.memory_space<vmem>>
      %dma_wait3A_1404 = tpu.memref_squeeze %dma_wait3A_1403 : memref<1x80xi32, #tpu.memory_space<vmem>> -> memref<80xi32, #tpu.memory_space<vmem>>
      %dma_wait3A_1405 = arith.constant 0 : i32
      %dma_wait3A_1406 = tpu.memref_slice %arg3[%dma_wait3A_1405] : memref<640000xi32, #tpu.memory_space<hbm>> -> memref<80xi32, #tpu.memory_space<hbm>>
      tpu.wait_dma2 semaphore(%arg9 : memref<!tpu.dma_semaphore, #tpu.memory_space<semaphore_mem>>) src(%dma_wait3A_1406 : memref<80xi32, #tpu.memory_space<hbm>>) dst(%dma_wait3A_1404 : memref<80xi32, #tpu.memory_space<vmem>>)
      %dma_start3A_1407 = arith.constant 0 : i32
      %dma_start3A_1408 = arith.constant 0 : i32
      %dma_start3A_1409 = arith.constant 0 : i32
      %dma_start3A_1410 = arith.constant 0 : i32
      %dma_start3A_1411 = tpu.memref_slice %arg7[%dma_start3A_1408, %dma_start3A_1409, %dma_start3A_1410] : memref<4x80x128xf32, #tpu.memory_space<vmem>> -> memref<1x80x128xf32, #tpu.memory_space<vmem>>
      %dma_start3A_1412 = tpu.memref_squeeze %dma_start3A_1411 : memref<1x80x128xf32, #tpu.memory_space<vmem>> -> memref<80x128xf32, #tpu.memory_space<vmem>>
      %dma_start3A_1413 = arith.constant 0 : i32
      %dma_start3A_1414 = tpu.memref_slice %arg5[%dma_start3A_1407, %dma_start3A_1413] : memref<8x80xi32, #tpu.memory_space<vmem>> -> memref<1x80xi32, #tpu.memory_space<vmem>>
      %dma_start3A_1415 = tpu.memref_squeeze %dma_start3A_1414 : memref<1x80xi32, #tpu.memory_space<vmem>> -> memref<80xi32, #tpu.memory_space<vmem>>
      %dma_start3A_1416 = arith.constant 0 : i32
      %dma_start3A_1417 = arith.constant 0 : i32
      %dma_start3A_1418 = tpu.memref_slice %arg2[%dma_start3A_1416, %dma_start3A_1417] : memref<10000x128xf32, #tpu.memory_space<hbm>> -> memref<10000x128xf32, #tpu.memory_space<hbm>>
      tpu.enqueue_indirect_dma source(%dma_start3A_1418 : memref<10000x128xf32, #tpu.memory_space<hbm>>) target(%dma_start3A_1412 : memref<80x128xf32, #tpu.memory_space<vmem>>) offsets(%dma_start3A_1415 : memref<80xi32, #tpu.memory_space<vmem>>) semaphore(%arg17 : memref<!tpu.dma_semaphore, #tpu.memory_space<semaphore_mem>>)
      %add3A_1419 = arith.constant 4 : i32
      %add3A_1420 = arith.addi %add3A_1348, %add3A_1419 : i32
      %mul3A_1421 = arith.constant 80 : i32
      %mul3A_1422 = arith.muli %add3A_1420, %mul3A_1421 : i32
      %add3A_1423 = arith.addi %mul3A_24, %mul3A_1422 : i32
      %dma_start3A_1424 = arith.constant 1 : i32
      %dma_start3A_1425 = arith.constant 0 : i32
      %dma_start3A_1426 = tpu.memref_slice %arg5[%dma_start3A_1424, %dma_start3A_1425] : memref<8x80xi32, #tpu.memory_space<vmem>> -> memref<1x80xi32, #tpu.memory_space<vmem>>
      %dma_start3A_1427 = tpu.memref_squeeze %dma_start3A_1426 : memref<1x80xi32, #tpu.memory_space<vmem>> -> memref<80xi32, #tpu.memory_space<vmem>>
      %dma_start3A_1428 = tpu.memref_slice %arg3[%add3A_1423] : memref<640000xi32, #tpu.memory_space<hbm>> -> memref<80xi32, #tpu.memory_space<hbm>>
      %dma_start3A_1429 = arith.constant 0 : i32
      %dma_start3A_1430 = tpu.memref_slice %arg5[%dma_start3A_1424, %dma_start3A_1429] : memref<8x80xi32, #tpu.memory_space<vmem>> -> memref<1x80xi32, #tpu.memory_space<vmem>>
      %dma_start3A_1431 = tpu.memref_squeeze %dma_start3A_1430 : memref<1x80xi32, #tpu.memory_space<vmem>> -> memref<80xi32, #tpu.memory_space<vmem>>
      %dma_start3A_1432 = tpu.memref_slice %arg3[%add3A_1423] : memref<640000xi32, #tpu.memory_space<hbm>> -> memref<80xi32, #tpu.memory_space<hbm>>
      tpu.enqueue_dma source(%dma_start3A_1432 : memref<80xi32, #tpu.memory_space<hbm>>) target(%dma_start3A_1431 : memref<80xi32, #tpu.memory_space<vmem>>) target_semaphore(%arg10 : memref<!tpu.dma_semaphore, #tpu.memory_space<semaphore_mem>>)
      %add3A_1433 = arith.constant 320000 : i32
      %add3A_1434 = arith.addi %add3A_1433, %add3A_1423 : i32
      %dma_start3A_1435 = arith.constant 1 : i32
      %dma_start3A_1436 = arith.constant 0 : i32
      %dma_start3A_1437 = tpu.memref_slice %arg6[%dma_start3A_1435, %dma_start3A_1436] : memref<8x80xi32, #tpu.memory_space<vmem>> -> memref<1x80xi32, #tpu.memory_space<vmem>>
      %dma_start3A_1438 = tpu.memref_squeeze %dma_start3A_1437 : memref<1x80xi32, #tpu.memory_space<vmem>> -> memref<80xi32, #tpu.memory_space<vmem>>
      %dma_start3A_1439 = tpu.memref_slice %arg3[%add3A_1434] : memref<640000xi32, #tpu.memory_space<hbm>> -> memref<80xi32, #tpu.memory_space<hbm>>
      %dma_start3A_1440 = arith.constant 0 : i32
      %dma_start3A_1441 = tpu.memref_slice %arg6[%dma_start3A_1435, %dma_start3A_1440] : memref<8x80xi32, #tpu.memory_space<vmem>> -> memref<1x80xi32, #tpu.memory_space<vmem>>
      %dma_start3A_1442 = tpu.memref_squeeze %dma_start3A_1441 : memref<1x80xi32, #tpu.memory_space<vmem>> -> memref<80xi32, #tpu.memory_space<vmem>>
      %dma_start3A_1443 = tpu.memref_slice %arg3[%add3A_1434] : memref<640000xi32, #tpu.memory_space<hbm>> -> memref<80xi32, #tpu.memory_space<hbm>>
      tpu.enqueue_dma source(%dma_start3A_1443 : memref<80xi32, #tpu.memory_space<hbm>>) target(%dma_start3A_1442 : memref<80xi32, #tpu.memory_space<vmem>>) target_semaphore(%arg10 : memref<!tpu.dma_semaphore, #tpu.memory_space<semaphore_mem>>)
      %add3A_1444 = arith.constant 2 : i32
      %add3A_1445 = arith.addi %add3A_1249, %add3A_1444 : i32
      %dma_wait3A_1446 = arith.constant 6 : i32
      %dma_wait3A_1447 = arith.constant 2 : i32
      %dma_wait3A_1448 = arith.constant 0 : i32
      %dma_wait3A_1449 = arith.constant 0 : i32
      %dma_wait3A_1450 = tpu.memref_slice %arg7[%dma_wait3A_1447, %dma_wait3A_1448, %dma_wait3A_1449] : memref<4x80x128xf32, #tpu.memory_space<vmem>> -> memref<1x80x128xf32, #tpu.memory_space<vmem>>
      %dma_wait3A_1451 = tpu.memref_squeeze %dma_wait3A_1450 : memref<1x80x128xf32, #tpu.memory_space<vmem>> -> memref<80x128xf32, #tpu.memory_space<vmem>>
      %dma_wait3A_1452 = arith.constant 0 : i32
      %dma_wait3A_1453 = tpu.memref_slice %arg5[%dma_wait3A_1446, %dma_wait3A_1452] : memref<8x80xi32, #tpu.memory_space<vmem>> -> memref<1x80xi32, #tpu.memory_space<vmem>>
      %dma_wait3A_1454 = tpu.memref_squeeze %dma_wait3A_1453 : memref<1x80xi32, #tpu.memory_space<vmem>> -> memref<80xi32, #tpu.memory_space<vmem>>
      %dma_wait3A_1455 = arith.constant 0 : i32
      %dma_wait3A_1456 = arith.constant 0 : i32
      %dma_wait3A_1457 = tpu.memref_slice %arg2[%dma_wait3A_1455, %dma_wait3A_1456] : memref<10000x128xf32, #tpu.memory_space<hbm>> -> memref<10000x128xf32, #tpu.memory_space<hbm>>
      tpu.wait_indirect_dma semaphore(%arg19 : memref<!tpu.dma_semaphore, #tpu.memory_space<semaphore_mem>>) src(%dma_wait3A_1457 : memref<10000x128xf32, #tpu.memory_space<hbm>>) dst(%dma_wait3A_1451 : memref<80x128xf32, #tpu.memory_space<vmem>>)
      %dma_start3A_1458 = arith.constant 2 : i32
      %dma_start3A_1459 = arith.constant 6 : i32
      %dma_start3A_1460 = arith.constant 0 : i32
      %dma_start3A_1461 = arith.constant 0 : i32
      %dma_start3A_1462 = tpu.memref_slice %arg7[%dma_start3A_1458, %dma_start3A_1460, %dma_start3A_1461] : memref<4x80x128xf32, #tpu.memory_space<vmem>> -> memref<1x80x128xf32, #tpu.memory_space<vmem>>
      %dma_start3A_1463 = tpu.memref_squeeze %dma_start3A_1462 : memref<1x80x128xf32, #tpu.memory_space<vmem>> -> memref<80x128xf32, #tpu.memory_space<vmem>>
      %dma_start3A_1464 = arith.constant 0 : i32
      %dma_start3A_1465 = tpu.memref_slice %arg6[%dma_start3A_1459, %dma_start3A_1464] : memref<8x80xi32, #tpu.memory_space<vmem>> -> memref<1x80xi32, #tpu.memory_space<vmem>>
      %dma_start3A_1466 = tpu.memref_squeeze %dma_start3A_1465 : memref<1x80xi32, #tpu.memory_space<vmem>> -> memref<80xi32, #tpu.memory_space<vmem>>
      %dma_start3A_1467 = arith.constant 0 : i32
      %dma_start3A_1468 = arith.constant 0 : i32
      %dma_start3A_1469 = tpu.memref_slice %arg8[%dma_start3A_1467, %dma_start3A_1468] : memref<10000x128xf32, #tpu.memory_space<vmem_shared>> -> memref<10000x128xf32, #tpu.memory_space<vmem_shared>>
      tpu.enqueue_indirect_dma source(%dma_start3A_1463 : memref<80x128xf32, #tpu.memory_space<vmem>>) target(%dma_start3A_1469 : memref<10000x128xf32, #tpu.memory_space<vmem_shared>>) offsets(%dma_start3A_1466 : memref<80xi32, #tpu.memory_space<vmem>>) semaphore(%arg23 : memref<!tpu.dma_semaphore, #tpu.memory_space<semaphore_mem>>) {add = true}
      %dma_wait3A_1470 = arith.constant 1 : i32
      %dma_wait3A_1471 = arith.constant 5 : i32
      %dma_wait3A_1472 = arith.constant 0 : i32
      %dma_wait3A_1473 = arith.constant 0 : i32
      %dma_wait3A_1474 = tpu.memref_slice %arg7[%dma_wait3A_1470, %dma_wait3A_1472, %dma_wait3A_1473] : memref<4x80x128xf32, #tpu.memory_space<vmem>> -> memref<1x80x128xf32, #tpu.memory_space<vmem>>
      %dma_wait3A_1475 = tpu.memref_squeeze %dma_wait3A_1474 : memref<1x80x128xf32, #tpu.memory_space<vmem>> -> memref<80x128xf32, #tpu.memory_space<vmem>>
      %dma_wait3A_1476 = arith.constant 0 : i32
      %dma_wait3A_1477 = tpu.memref_slice %arg6[%dma_wait3A_1471, %dma_wait3A_1476] : memref<8x80xi32, #tpu.memory_space<vmem>> -> memref<1x80xi32, #tpu.memory_space<vmem>>
      %dma_wait3A_1478 = tpu.memref_squeeze %dma_wait3A_1477 : memref<1x80xi32, #tpu.memory_space<vmem>> -> memref<80xi32, #tpu.memory_space<vmem>>
      %dma_wait3A_1479 = arith.constant 0 : i32
      %dma_wait3A_1480 = arith.constant 0 : i32
      %dma_wait3A_1481 = tpu.memref_slice %arg8[%dma_wait3A_1479, %dma_wait3A_1480] : memref<10000x128xf32, #tpu.memory_space<vmem_shared>> -> memref<10000x128xf32, #tpu.memory_space<vmem_shared>>
      tpu.wait_indirect_dma semaphore(%arg22 : memref<!tpu.dma_semaphore, #tpu.memory_space<semaphore_mem>>) src(%dma_wait3A_1475 : memref<80x128xf32, #tpu.memory_space<vmem>>) dst(%dma_wait3A_1481 : memref<10000x128xf32, #tpu.memory_space<vmem_shared>>)
      %dma_wait3A_1482 = arith.constant 1 : i32
      %dma_wait3A_1483 = arith.constant 0 : i32
      %dma_wait3A_1484 = tpu.memref_slice %arg5[%dma_wait3A_1482, %dma_wait3A_1483] : memref<8x80xi32, #tpu.memory_space<vmem>> -> memref<1x80xi32, #tpu.memory_space<vmem>>
      %dma_wait3A_1485 = tpu.memref_squeeze %dma_wait3A_1484 : memref<1x80xi32, #tpu.memory_space<vmem>> -> memref<80xi32, #tpu.memory_space<vmem>>
      %dma_wait3A_1486 = arith.constant 0 : i32
      %dma_wait3A_1487 = tpu.memref_slice %arg3[%dma_wait3A_1486] : memref<640000xi32, #tpu.memory_space<hbm>> -> memref<80xi32, #tpu.memory_space<hbm>>
      %dma_wait3A_1488 = arith.constant 0 : i32
      %dma_wait3A_1489 = tpu.memref_slice %arg5[%dma_wait3A_1482, %dma_wait3A_1488] : memref<8x80xi32, #tpu.memory_space<vmem>> -> memref<1x80xi32, #tpu.memory_space<vmem>>
      %dma_wait3A_1490 = tpu.memref_squeeze %dma_wait3A_1489 : memref<1x80xi32, #tpu.memory_space<vmem>> -> memref<80xi32, #tpu.memory_space<vmem>>
      %dma_wait3A_1491 = arith.constant 0 : i32
      %dma_wait3A_1492 = tpu.memref_slice %arg3[%dma_wait3A_1491] : memref<640000xi32, #tpu.memory_space<hbm>> -> memref<80xi32, #tpu.memory_space<hbm>>
      tpu.wait_dma2 semaphore(%arg10 : memref<!tpu.dma_semaphore, #tpu.memory_space<semaphore_mem>>) src(%dma_wait3A_1492 : memref<80xi32, #tpu.memory_space<hbm>>) dst(%dma_wait3A_1490 : memref<80xi32, #tpu.memory_space<vmem>>)
      %dma_wait3A_1493 = arith.constant 1 : i32
      %dma_wait3A_1494 = arith.constant 0 : i32
      %dma_wait3A_1495 = tpu.memref_slice %arg6[%dma_wait3A_1493, %dma_wait3A_1494] : memref<8x80xi32, #tpu.memory_space<vmem>> -> memref<1x80xi32, #tpu.memory_space<vmem>>
      %dma_wait3A_1496 = tpu.memref_squeeze %dma_wait3A_1495 : memref<1x80xi32, #tpu.memory_space<vmem>> -> memref<80xi32, #tpu.memory_space<vmem>>
      %dma_wait3A_1497 = arith.constant 0 : i32
      %dma_wait3A_1498 = tpu.memref_slice %arg3[%dma_wait3A_1497] : memref<640000xi32, #tpu.memory_space<hbm>> -> memref<80xi32, #tpu.memory_space<hbm>>
      %dma_wait3A_1499 = arith.constant 0 : i32
      %dma_wait3A_1500 = tpu.memref_slice %arg6[%dma_wait3A_1493, %dma_wait3A_1499] : memref<8x80xi32, #tpu.memory_space<vmem>> -> memref<1x80xi32, #tpu.memory_space<vmem>>
      %dma_wait3A_1501 = tpu.memref_squeeze %dma_wait3A_1500 : memref<1x80xi32, #tpu.memory_space<vmem>> -> memref<80xi32, #tpu.memory_space<vmem>>
      %dma_wait3A_1502 = arith.constant 0 : i32
      %dma_wait3A_1503 = tpu.memref_slice %arg3[%dma_wait3A_1502] : memref<640000xi32, #tpu.memory_space<hbm>> -> memref<80xi32, #tpu.memory_space<hbm>>
      tpu.wait_dma2 semaphore(%arg10 : memref<!tpu.dma_semaphore, #tpu.memory_space<semaphore_mem>>) src(%dma_wait3A_1503 : memref<80xi32, #tpu.memory_space<hbm>>) dst(%dma_wait3A_1501 : memref<80xi32, #tpu.memory_space<vmem>>)
      %dma_start3A_1504 = arith.constant 1 : i32
      %dma_start3A_1505 = arith.constant 1 : i32
      %dma_start3A_1506 = arith.constant 0 : i32
      %dma_start3A_1507 = arith.constant 0 : i32
      %dma_start3A_1508 = tpu.memref_slice %arg7[%dma_start3A_1505, %dma_start3A_1506, %dma_start3A_1507] : memref<4x80x128xf32, #tpu.memory_space<vmem>> -> memref<1x80x128xf32, #tpu.memory_space<vmem>>
      %dma_start3A_1509 = tpu.memref_squeeze %dma_start3A_1508 : memref<1x80x128xf32, #tpu.memory_space<vmem>> -> memref<80x128xf32, #tpu.memory_space<vmem>>
      %dma_start3A_1510 = arith.constant 0 : i32
      %dma_start3A_1511 = tpu.memref_slice %arg5[%dma_start3A_1504, %dma_start3A_1510] : memref<8x80xi32, #tpu.memory_space<vmem>> -> memref<1x80xi32, #tpu.memory_space<vmem>>
      %dma_start3A_1512 = tpu.memref_squeeze %dma_start3A_1511 : memref<1x80xi32, #tpu.memory_space<vmem>> -> memref<80xi32, #tpu.memory_space<vmem>>
      %dma_start3A_1513 = arith.constant 0 : i32
      %dma_start3A_1514 = arith.constant 0 : i32
      %dma_start3A_1515 = tpu.memref_slice %arg2[%dma_start3A_1513, %dma_start3A_1514] : memref<10000x128xf32, #tpu.memory_space<hbm>> -> memref<10000x128xf32, #tpu.memory_space<hbm>>
      tpu.enqueue_indirect_dma source(%dma_start3A_1515 : memref<10000x128xf32, #tpu.memory_space<hbm>>) target(%dma_start3A_1509 : memref<80x128xf32, #tpu.memory_space<vmem>>) offsets(%dma_start3A_1512 : memref<80xi32, #tpu.memory_space<vmem>>) semaphore(%arg18 : memref<!tpu.dma_semaphore, #tpu.memory_space<semaphore_mem>>)
      %add3A_1516 = arith.constant 4 : i32
      %add3A_1517 = arith.addi %add3A_1445, %add3A_1516 : i32
      %mul3A_1518 = arith.constant 80 : i32
      %mul3A_1519 = arith.muli %add3A_1517, %mul3A_1518 : i32
      %add3A_1520 = arith.addi %mul3A_24, %mul3A_1519 : i32
      %dma_start3A_1521 = arith.constant 2 : i32
      %dma_start3A_1522 = arith.constant 0 : i32
      %dma_start3A_1523 = tpu.memref_slice %arg5[%dma_start3A_1521, %dma_start3A_1522] : memref<8x80xi32, #tpu.memory_space<vmem>> -> memref<1x80xi32, #tpu.memory_space<vmem>>
      %dma_start3A_1524 = tpu.memref_squeeze %dma_start3A_1523 : memref<1x80xi32, #tpu.memory_space<vmem>> -> memref<80xi32, #tpu.memory_space<vmem>>
      %dma_start3A_1525 = tpu.memref_slice %arg3[%add3A_1520] : memref<640000xi32, #tpu.memory_space<hbm>> -> memref<80xi32, #tpu.memory_space<hbm>>
      %dma_start3A_1526 = arith.constant 0 : i32
      %dma_start3A_1527 = tpu.memref_slice %arg5[%dma_start3A_1521, %dma_start3A_1526] : memref<8x80xi32, #tpu.memory_space<vmem>> -> memref<1x80xi32, #tpu.memory_space<vmem>>
      %dma_start3A_1528 = tpu.memref_squeeze %dma_start3A_1527 : memref<1x80xi32, #tpu.memory_space<vmem>> -> memref<80xi32, #tpu.memory_space<vmem>>
      %dma_start3A_1529 = tpu.memref_slice %arg3[%add3A_1520] : memref<640000xi32, #tpu.memory_space<hbm>> -> memref<80xi32, #tpu.memory_space<hbm>>
      tpu.enqueue_dma source(%dma_start3A_1529 : memref<80xi32, #tpu.memory_space<hbm>>) target(%dma_start3A_1528 : memref<80xi32, #tpu.memory_space<vmem>>) target_semaphore(%arg11 : memref<!tpu.dma_semaphore, #tpu.memory_space<semaphore_mem>>)
      %add3A_1530 = arith.constant 320000 : i32
      %add3A_1531 = arith.addi %add3A_1530, %add3A_1520 : i32
      %dma_start3A_1532 = arith.constant 2 : i32
      %dma_start3A_1533 = arith.constant 0 : i32
      %dma_start3A_1534 = tpu.memref_slice %arg6[%dma_start3A_1532, %dma_start3A_1533] : memref<8x80xi32, #tpu.memory_space<vmem>> -> memref<1x80xi32, #tpu.memory_space<vmem>>
      %dma_start3A_1535 = tpu.memref_squeeze %dma_start3A_1534 : memref<1x80xi32, #tpu.memory_space<vmem>> -> memref<80xi32, #tpu.memory_space<vmem>>
      %dma_start3A_1536 = tpu.memref_slice %arg3[%add3A_1531] : memref<640000xi32, #tpu.memory_space<hbm>> -> memref<80xi32, #tpu.memory_space<hbm>>
      %dma_start3A_1537 = arith.constant 0 : i32
      %dma_start3A_1538 = tpu.memref_slice %arg6[%dma_start3A_1532, %dma_start3A_1537] : memref<8x80xi32, #tpu.memory_space<vmem>> -> memref<1x80xi32, #tpu.memory_space<vmem>>
      %dma_start3A_1539 = tpu.memref_squeeze %dma_start3A_1538 : memref<1x80xi32, #tpu.memory_space<vmem>> -> memref<80xi32, #tpu.memory_space<vmem>>
      %dma_start3A_1540 = tpu.memref_slice %arg3[%add3A_1531] : memref<640000xi32, #tpu.memory_space<hbm>> -> memref<80xi32, #tpu.memory_space<hbm>>
      tpu.enqueue_dma source(%dma_start3A_1540 : memref<80xi32, #tpu.memory_space<hbm>>) target(%dma_start3A_1539 : memref<80xi32, #tpu.memory_space<vmem>>) target_semaphore(%arg11 : memref<!tpu.dma_semaphore, #tpu.memory_space<semaphore_mem>>)
      %add3A_1541 = arith.constant 3 : i32
      %add3A_1542 = arith.addi %add3A_1249, %add3A_1541 : i32
      %dma_wait3A_1543 = arith.constant 7 : i32
      %dma_wait3A_1544 = arith.constant 3 : i32
      %dma_wait3A_1545 = arith.constant 0 : i32
      %dma_wait3A_1546 = arith.constant 0 : i32
      %dma_wait3A_1547 = tpu.memref_slice %arg7[%dma_wait3A_1544, %dma_wait3A_1545, %dma_wait3A_1546] : memref<4x80x128xf32, #tpu.memory_space<vmem>> -> memref<1x80x128xf32, #tpu.memory_space<vmem>>
      %dma_wait3A_1548 = tpu.memref_squeeze %dma_wait3A_1547 : memref<1x80x128xf32, #tpu.memory_space<vmem>> -> memref<80x128xf32, #tpu.memory_space<vmem>>
      %dma_wait3A_1549 = arith.constant 0 : i32
      %dma_wait3A_1550 = tpu.memref_slice %arg5[%dma_wait3A_1543, %dma_wait3A_1549] : memref<8x80xi32, #tpu.memory_space<vmem>> -> memref<1x80xi32, #tpu.memory_space<vmem>>
      %dma_wait3A_1551 = tpu.memref_squeeze %dma_wait3A_1550 : memref<1x80xi32, #tpu.memory_space<vmem>> -> memref<80xi32, #tpu.memory_space<vmem>>
      %dma_wait3A_1552 = arith.constant 0 : i32
      %dma_wait3A_1553 = arith.constant 0 : i32
      %dma_wait3A_1554 = tpu.memref_slice %arg2[%dma_wait3A_1552, %dma_wait3A_1553] : memref<10000x128xf32, #tpu.memory_space<hbm>> -> memref<10000x128xf32, #tpu.memory_space<hbm>>
      tpu.wait_indirect_dma semaphore(%arg20 : memref<!tpu.dma_semaphore, #tpu.memory_space<semaphore_mem>>) src(%dma_wait3A_1554 : memref<10000x128xf32, #tpu.memory_space<hbm>>) dst(%dma_wait3A_1548 : memref<80x128xf32, #tpu.memory_space<vmem>>)
      %dma_start3A_1555 = arith.constant 3 : i32
      %dma_start3A_1556 = arith.constant 7 : i32
      %dma_start3A_1557 = arith.constant 0 : i32
      %dma_start3A_1558 = arith.constant 0 : i32
      %dma_start3A_1559 = tpu.memref_slice %arg7[%dma_start3A_1555, %dma_start3A_1557, %dma_start3A_1558] : memref<4x80x128xf32, #tpu.memory_space<vmem>> -> memref<1x80x128xf32, #tpu.memory_space<vmem>>
      %dma_start3A_1560 = tpu.memref_squeeze %dma_start3A_1559 : memref<1x80x128xf32, #tpu.memory_space<vmem>> -> memref<80x128xf32, #tpu.memory_space<vmem>>
      %dma_start3A_1561 = arith.constant 0 : i32
      %dma_start3A_1562 = tpu.memref_slice %arg6[%dma_start3A_1556, %dma_start3A_1561] : memref<8x80xi32, #tpu.memory_space<vmem>> -> memref<1x80xi32, #tpu.memory_space<vmem>>
      %dma_start3A_1563 = tpu.memref_squeeze %dma_start3A_1562 : memref<1x80xi32, #tpu.memory_space<vmem>> -> memref<80xi32, #tpu.memory_space<vmem>>
      %dma_start3A_1564 = arith.constant 0 : i32
      %dma_start3A_1565 = arith.constant 0 : i32
      %dma_start3A_1566 = tpu.memref_slice %arg8[%dma_start3A_1564, %dma_start3A_1565] : memref<10000x128xf32, #tpu.memory_space<vmem_shared>> -> memref<10000x128xf32, #tpu.memory_space<vmem_shared>>
      tpu.enqueue_indirect_dma source(%dma_start3A_1560 : memref<80x128xf32, #tpu.memory_space<vmem>>) target(%dma_start3A_1566 : memref<10000x128xf32, #tpu.memory_space<vmem_shared>>) offsets(%dma_start3A_1563 : memref<80xi32, #tpu.memory_space<vmem>>) semaphore(%arg24 : memref<!tpu.dma_semaphore, #tpu.memory_space<semaphore_mem>>) {add = true}
      %dma_wait3A_1567 = arith.constant 2 : i32
      %dma_wait3A_1568 = arith.constant 6 : i32
      %dma_wait3A_1569 = arith.constant 0 : i32
      %dma_wait3A_1570 = arith.constant 0 : i32
      %dma_wait3A_1571 = tpu.memref_slice %arg7[%dma_wait3A_1567, %dma_wait3A_1569, %dma_wait3A_1570] : memref<4x80x128xf32, #tpu.memory_space<vmem>> -> memref<1x80x128xf32, #tpu.memory_space<vmem>>
      %dma_wait3A_1572 = tpu.memref_squeeze %dma_wait3A_1571 : memref<1x80x128xf32, #tpu.memory_space<vmem>> -> memref<80x128xf32, #tpu.memory_space<vmem>>
      %dma_wait3A_1573 = arith.constant 0 : i32
      %dma_wait3A_1574 = tpu.memref_slice %arg6[%dma_wait3A_1568, %dma_wait3A_1573] : memref<8x80xi32, #tpu.memory_space<vmem>> -> memref<1x80xi32, #tpu.memory_space<vmem>>
      %dma_wait3A_1575 = tpu.memref_squeeze %dma_wait3A_1574 : memref<1x80xi32, #tpu.memory_space<vmem>> -> memref<80xi32, #tpu.memory_space<vmem>>
      %dma_wait3A_1576 = arith.constant 0 : i32
      %dma_wait3A_1577 = arith.constant 0 : i32
      %dma_wait3A_1578 = tpu.memref_slice %arg8[%dma_wait3A_1576, %dma_wait3A_1577] : memref<10000x128xf32, #tpu.memory_space<vmem_shared>> -> memref<10000x128xf32, #tpu.memory_space<vmem_shared>>
      tpu.wait_indirect_dma semaphore(%arg23 : memref<!tpu.dma_semaphore, #tpu.memory_space<semaphore_mem>>) src(%dma_wait3A_1572 : memref<80x128xf32, #tpu.memory_space<vmem>>) dst(%dma_wait3A_1578 : memref<10000x128xf32, #tpu.memory_space<vmem_shared>>)
      %dma_wait3A_1579 = arith.constant 2 : i32
      %dma_wait3A_1580 = arith.constant 0 : i32
      %dma_wait3A_1581 = tpu.memref_slice %arg5[%dma_wait3A_1579, %dma_wait3A_1580] : memref<8x80xi32, #tpu.memory_space<vmem>> -> memref<1x80xi32, #tpu.memory_space<vmem>>
      %dma_wait3A_1582 = tpu.memref_squeeze %dma_wait3A_1581 : memref<1x80xi32, #tpu.memory_space<vmem>> -> memref<80xi32, #tpu.memory_space<vmem>>
      %dma_wait3A_1583 = arith.constant 0 : i32
      %dma_wait3A_1584 = tpu.memref_slice %arg3[%dma_wait3A_1583] : memref<640000xi32, #tpu.memory_space<hbm>> -> memref<80xi32, #tpu.memory_space<hbm>>
      %dma_wait3A_1585 = arith.constant 0 : i32
      %dma_wait3A_1586 = tpu.memref_slice %arg5[%dma_wait3A_1579, %dma_wait3A_1585] : memref<8x80xi32, #tpu.memory_space<vmem>> -> memref<1x80xi32, #tpu.memory_space<vmem>>
      %dma_wait3A_1587 = tpu.memref_squeeze %dma_wait3A_1586 : memref<1x80xi32, #tpu.memory_space<vmem>> -> memref<80xi32, #tpu.memory_space<vmem>>
      %dma_wait3A_1588 = arith.constant 0 : i32
      %dma_wait3A_1589 = tpu.memref_slice %arg3[%dma_wait3A_1588] : memref<640000xi32, #tpu.memory_space<hbm>> -> memref<80xi32, #tpu.memory_space<hbm>>
      tpu.wait_dma2 semaphore(%arg11 : memref<!tpu.dma_semaphore, #tpu.memory_space<semaphore_mem>>) src(%dma_wait3A_1589 : memref<80xi32, #tpu.memory_space<hbm>>) dst(%dma_wait3A_1587 : memref<80xi32, #tpu.memory_space<vmem>>)
      %dma_wait3A_1590 = arith.constant 2 : i32
      %dma_wait3A_1591 = arith.constant 0 : i32
      %dma_wait3A_1592 = tpu.memref_slice %arg6[%dma_wait3A_1590, %dma_wait3A_1591] : memref<8x80xi32, #tpu.memory_space<vmem>> -> memref<1x80xi32, #tpu.memory_space<vmem>>
      %dma_wait3A_1593 = tpu.memref_squeeze %dma_wait3A_1592 : memref<1x80xi32, #tpu.memory_space<vmem>> -> memref<80xi32, #tpu.memory_space<vmem>>
      %dma_wait3A_1594 = arith.constant 0 : i32
      %dma_wait3A_1595 = tpu.memref_slice %arg3[%dma_wait3A_1594] : memref<640000xi32, #tpu.memory_space<hbm>> -> memref<80xi32, #tpu.memory_space<hbm>>
      %dma_wait3A_1596 = arith.constant 0 : i32
      %dma_wait3A_1597 = tpu.memref_slice %arg6[%dma_wait3A_1590, %dma_wait3A_1596] : memref<8x80xi32, #tpu.memory_space<vmem>> -> memref<1x80xi32, #tpu.memory_space<vmem>>
      %dma_wait3A_1598 = tpu.memref_squeeze %dma_wait3A_1597 : memref<1x80xi32, #tpu.memory_space<vmem>> -> memref<80xi32, #tpu.memory_space<vmem>>
      %dma_wait3A_1599 = arith.constant 0 : i32
      %dma_wait3A_1600 = tpu.memref_slice %arg3[%dma_wait3A_1599] : memref<640000xi32, #tpu.memory_space<hbm>> -> memref<80xi32, #tpu.memory_space<hbm>>
      tpu.wait_dma2 semaphore(%arg11 : memref<!tpu.dma_semaphore, #tpu.memory_space<semaphore_mem>>) src(%dma_wait3A_1600 : memref<80xi32, #tpu.memory_space<hbm>>) dst(%dma_wait3A_1598 : memref<80xi32, #tpu.memory_space<vmem>>)
      %dma_start3A_1601 = arith.constant 2 : i32
      %dma_start3A_1602 = arith.constant 2 : i32
      %dma_start3A_1603 = arith.constant 0 : i32
      %dma_start3A_1604 = arith.constant 0 : i32
      %dma_start3A_1605 = tpu.memref_slice %arg7[%dma_start3A_1602, %dma_start3A_1603, %dma_start3A_1604] : memref<4x80x128xf32, #tpu.memory_space<vmem>> -> memref<1x80x128xf32, #tpu.memory_space<vmem>>
      %dma_start3A_1606 = tpu.memref_squeeze %dma_start3A_1605 : memref<1x80x128xf32, #tpu.memory_space<vmem>> -> memref<80x128xf32, #tpu.memory_space<vmem>>
      %dma_start3A_1607 = arith.constant 0 : i32
      %dma_start3A_1608 = tpu.memref_slice %arg5[%dma_start3A_1601, %dma_start3A_1607] : memref<8x80xi32, #tpu.memory_space<vmem>> -> memref<1x80xi32, #tpu.memory_space<vmem>>
      %dma_start3A_1609 = tpu.memref_squeeze %dma_start3A_1608 : memref<1x80xi32, #tpu.memory_space<vmem>> -> memref<80xi32, #tpu.memory_space<vmem>>
      %dma_start3A_1610 = arith.constant 0 : i32
      %dma_start3A_1611 = arith.constant 0 : i32
      %dma_start3A_1612 = tpu.memref_slice %arg2[%dma_start3A_1610, %dma_start3A_1611] : memref<10000x128xf32, #tpu.memory_space<hbm>> -> memref<10000x128xf32, #tpu.memory_space<hbm>>
      tpu.enqueue_indirect_dma source(%dma_start3A_1612 : memref<10000x128xf32, #tpu.memory_space<hbm>>) target(%dma_start3A_1606 : memref<80x128xf32, #tpu.memory_space<vmem>>) offsets(%dma_start3A_1609 : memref<80xi32, #tpu.memory_space<vmem>>) semaphore(%arg19 : memref<!tpu.dma_semaphore, #tpu.memory_space<semaphore_mem>>)
      %add3A_1613 = arith.constant 4 : i32
      %add3A_1614 = arith.addi %add3A_1542, %add3A_1613 : i32
      %mul3A_1615 = arith.constant 80 : i32
      %mul3A_1616 = arith.muli %add3A_1614, %mul3A_1615 : i32
      %add3A_1617 = arith.addi %mul3A_24, %mul3A_1616 : i32
      %dma_start3A_1618 = arith.constant 3 : i32
      %dma_start3A_1619 = arith.constant 0 : i32
      %dma_start3A_1620 = tpu.memref_slice %arg5[%dma_start3A_1618, %dma_start3A_1619] : memref<8x80xi32, #tpu.memory_space<vmem>> -> memref<1x80xi32, #tpu.memory_space<vmem>>
      %dma_start3A_1621 = tpu.memref_squeeze %dma_start3A_1620 : memref<1x80xi32, #tpu.memory_space<vmem>> -> memref<80xi32, #tpu.memory_space<vmem>>
      %dma_start3A_1622 = tpu.memref_slice %arg3[%add3A_1617] : memref<640000xi32, #tpu.memory_space<hbm>> -> memref<80xi32, #tpu.memory_space<hbm>>
      %dma_start3A_1623 = arith.constant 0 : i32
      %dma_start3A_1624 = tpu.memref_slice %arg5[%dma_start3A_1618, %dma_start3A_1623] : memref<8x80xi32, #tpu.memory_space<vmem>> -> memref<1x80xi32, #tpu.memory_space<vmem>>
      %dma_start3A_1625 = tpu.memref_squeeze %dma_start3A_1624 : memref<1x80xi32, #tpu.memory_space<vmem>> -> memref<80xi32, #tpu.memory_space<vmem>>
      %dma_start3A_1626 = tpu.memref_slice %arg3[%add3A_1617] : memref<640000xi32, #tpu.memory_space<hbm>> -> memref<80xi32, #tpu.memory_space<hbm>>
      tpu.enqueue_dma source(%dma_start3A_1626 : memref<80xi32, #tpu.memory_space<hbm>>) target(%dma_start3A_1625 : memref<80xi32, #tpu.memory_space<vmem>>) target_semaphore(%arg12 : memref<!tpu.dma_semaphore, #tpu.memory_space<semaphore_mem>>)
      %add3A_1627 = arith.constant 320000 : i32
      %add3A_1628 = arith.addi %add3A_1627, %add3A_1617 : i32
      %dma_start3A_1629 = arith.constant 3 : i32
      %dma_start3A_1630 = arith.constant 0 : i32
      %dma_start3A_1631 = tpu.memref_slice %arg6[%dma_start3A_1629, %dma_start3A_1630] : memref<8x80xi32, #tpu.memory_space<vmem>> -> memref<1x80xi32, #tpu.memory_space<vmem>>
      %dma_start3A_1632 = tpu.memref_squeeze %dma_start3A_1631 : memref<1x80xi32, #tpu.memory_space<vmem>> -> memref<80xi32, #tpu.memory_space<vmem>>
      %dma_start3A_1633 = tpu.memref_slice %arg3[%add3A_1628] : memref<640000xi32, #tpu.memory_space<hbm>> -> memref<80xi32, #tpu.memory_space<hbm>>
      %dma_start3A_1634 = arith.constant 0 : i32
      %dma_start3A_1635 = tpu.memref_slice %arg6[%dma_start3A_1629, %dma_start3A_1634] : memref<8x80xi32, #tpu.memory_space<vmem>> -> memref<1x80xi32, #tpu.memory_space<vmem>>
      %dma_start3A_1636 = tpu.memref_squeeze %dma_start3A_1635 : memref<1x80xi32, #tpu.memory_space<vmem>> -> memref<80xi32, #tpu.memory_space<vmem>>
      %dma_start3A_1637 = tpu.memref_slice %arg3[%add3A_1628] : memref<640000xi32, #tpu.memory_space<hbm>> -> memref<80xi32, #tpu.memory_space<hbm>>
      tpu.enqueue_dma source(%dma_start3A_1637 : memref<80xi32, #tpu.memory_space<hbm>>) target(%dma_start3A_1636 : memref<80xi32, #tpu.memory_space<vmem>>) target_semaphore(%arg12 : memref<!tpu.dma_semaphore, #tpu.memory_space<semaphore_mem>>)
      %add3A_1638 = arith.constant 4 : i32
      %add3A_1639 = arith.addi %add3A_1249, %add3A_1638 : i32
      %dma_wait3A_1640 = arith.constant 0 : i32
      %dma_wait3A_1641 = arith.constant 0 : i32
      %dma_wait3A_1642 = arith.constant 0 : i32
      %dma_wait3A_1643 = arith.constant 0 : i32
      %dma_wait3A_1644 = tpu.memref_slice %arg7[%dma_wait3A_1641, %dma_wait3A_1642, %dma_wait3A_1643] : memref<4x80x128xf32, #tpu.memory_space<vmem>> -> memref<1x80x128xf32, #tpu.memory_space<vmem>>
      %dma_wait3A_1645 = tpu.memref_squeeze %dma_wait3A_1644 : memref<1x80x128xf32, #tpu.memory_space<vmem>> -> memref<80x128xf32, #tpu.memory_space<vmem>>
      %dma_wait3A_1646 = arith.constant 0 : i32
      %dma_wait3A_1647 = tpu.memref_slice %arg5[%dma_wait3A_1640, %dma_wait3A_1646] : memref<8x80xi32, #tpu.memory_space<vmem>> -> memref<1x80xi32, #tpu.memory_space<vmem>>
      %dma_wait3A_1648 = tpu.memref_squeeze %dma_wait3A_1647 : memref<1x80xi32, #tpu.memory_space<vmem>> -> memref<80xi32, #tpu.memory_space<vmem>>
      %dma_wait3A_1649 = arith.constant 0 : i32
      %dma_wait3A_1650 = arith.constant 0 : i32
      %dma_wait3A_1651 = tpu.memref_slice %arg2[%dma_wait3A_1649, %dma_wait3A_1650] : memref<10000x128xf32, #tpu.memory_space<hbm>> -> memref<10000x128xf32, #tpu.memory_space<hbm>>
      tpu.wait_indirect_dma semaphore(%arg17 : memref<!tpu.dma_semaphore, #tpu.memory_space<semaphore_mem>>) src(%dma_wait3A_1651 : memref<10000x128xf32, #tpu.memory_space<hbm>>) dst(%dma_wait3A_1645 : memref<80x128xf32, #tpu.memory_space<vmem>>)
      %dma_start3A_1652 = arith.constant 0 : i32
      %dma_start3A_1653 = arith.constant 0 : i32
      %dma_start3A_1654 = arith.constant 0 : i32
      %dma_start3A_1655 = arith.constant 0 : i32
      %dma_start3A_1656 = tpu.memref_slice %arg7[%dma_start3A_1652, %dma_start3A_1654, %dma_start3A_1655] : memref<4x80x128xf32, #tpu.memory_space<vmem>> -> memref<1x80x128xf32, #tpu.memory_space<vmem>>
      %dma_start3A_1657 = tpu.memref_squeeze %dma_start3A_1656 : memref<1x80x128xf32, #tpu.memory_space<vmem>> -> memref<80x128xf32, #tpu.memory_space<vmem>>
      %dma_start3A_1658 = arith.constant 0 : i32
      %dma_start3A_1659 = tpu.memref_slice %arg6[%dma_start3A_1653, %dma_start3A_1658] : memref<8x80xi32, #tpu.memory_space<vmem>> -> memref<1x80xi32, #tpu.memory_space<vmem>>
      %dma_start3A_1660 = tpu.memref_squeeze %dma_start3A_1659 : memref<1x80xi32, #tpu.memory_space<vmem>> -> memref<80xi32, #tpu.memory_space<vmem>>
      %dma_start3A_1661 = arith.constant 0 : i32
      %dma_start3A_1662 = arith.constant 0 : i32
      %dma_start3A_1663 = tpu.memref_slice %arg8[%dma_start3A_1661, %dma_start3A_1662] : memref<10000x128xf32, #tpu.memory_space<vmem_shared>> -> memref<10000x128xf32, #tpu.memory_space<vmem_shared>>
      tpu.enqueue_indirect_dma source(%dma_start3A_1657 : memref<80x128xf32, #tpu.memory_space<vmem>>) target(%dma_start3A_1663 : memref<10000x128xf32, #tpu.memory_space<vmem_shared>>) offsets(%dma_start3A_1660 : memref<80xi32, #tpu.memory_space<vmem>>) semaphore(%arg21 : memref<!tpu.dma_semaphore, #tpu.memory_space<semaphore_mem>>) {add = true}
      %dma_wait3A_1664 = arith.constant 3 : i32
      %dma_wait3A_1665 = arith.constant 7 : i32
      %dma_wait3A_1666 = arith.constant 0 : i32
      %dma_wait3A_1667 = arith.constant 0 : i32
      %dma_wait3A_1668 = tpu.memref_slice %arg7[%dma_wait3A_1664, %dma_wait3A_1666, %dma_wait3A_1667] : memref<4x80x128xf32, #tpu.memory_space<vmem>> -> memref<1x80x128xf32, #tpu.memory_space<vmem>>
      %dma_wait3A_1669 = tpu.memref_squeeze %dma_wait3A_1668 : memref<1x80x128xf32, #tpu.memory_space<vmem>> -> memref<80x128xf32, #tpu.memory_space<vmem>>
      %dma_wait3A_1670 = arith.constant 0 : i32
      %dma_wait3A_1671 = tpu.memref_slice %arg6[%dma_wait3A_1665, %dma_wait3A_1670] : memref<8x80xi32, #tpu.memory_space<vmem>> -> memref<1x80xi32, #tpu.memory_space<vmem>>
      %dma_wait3A_1672 = tpu.memref_squeeze %dma_wait3A_1671 : memref<1x80xi32, #tpu.memory_space<vmem>> -> memref<80xi32, #tpu.memory_space<vmem>>
      %dma_wait3A_1673 = arith.constant 0 : i32
      %dma_wait3A_1674 = arith.constant 0 : i32
      %dma_wait3A_1675 = tpu.memref_slice %arg8[%dma_wait3A_1673, %dma_wait3A_1674] : memref<10000x128xf32, #tpu.memory_space<vmem_shared>> -> memref<10000x128xf32, #tpu.memory_space<vmem_shared>>
      tpu.wait_indirect_dma semaphore(%arg24 : memref<!tpu.dma_semaphore, #tpu.memory_space<semaphore_mem>>) src(%dma_wait3A_1669 : memref<80x128xf32, #tpu.memory_space<vmem>>) dst(%dma_wait3A_1675 : memref<10000x128xf32, #tpu.memory_space<vmem_shared>>)
      %dma_wait3A_1676 = arith.constant 3 : i32
      %dma_wait3A_1677 = arith.constant 0 : i32
      %dma_wait3A_1678 = tpu.memref_slice %arg5[%dma_wait3A_1676, %dma_wait3A_1677] : memref<8x80xi32, #tpu.memory_space<vmem>> -> memref<1x80xi32, #tpu.memory_space<vmem>>
      %dma_wait3A_1679 = tpu.memref_squeeze %dma_wait3A_1678 : memref<1x80xi32, #tpu.memory_space<vmem>> -> memref<80xi32, #tpu.memory_space<vmem>>
      %dma_wait3A_1680 = arith.constant 0 : i32
      %dma_wait3A_1681 = tpu.memref_slice %arg3[%dma_wait3A_1680] : memref<640000xi32, #tpu.memory_space<hbm>> -> memref<80xi32, #tpu.memory_space<hbm>>
      %dma_wait3A_1682 = arith.constant 0 : i32
      %dma_wait3A_1683 = tpu.memref_slice %arg5[%dma_wait3A_1676, %dma_wait3A_1682] : memref<8x80xi32, #tpu.memory_space<vmem>> -> memref<1x80xi32, #tpu.memory_space<vmem>>
      %dma_wait3A_1684 = tpu.memref_squeeze %dma_wait3A_1683 : memref<1x80xi32, #tpu.memory_space<vmem>> -> memref<80xi32, #tpu.memory_space<vmem>>
      %dma_wait3A_1685 = arith.constant 0 : i32
      %dma_wait3A_1686 = tpu.memref_slice %arg3[%dma_wait3A_1685] : memref<640000xi32, #tpu.memory_space<hbm>> -> memref<80xi32, #tpu.memory_space<hbm>>
      tpu.wait_dma2 semaphore(%arg12 : memref<!tpu.dma_semaphore, #tpu.memory_space<semaphore_mem>>) src(%dma_wait3A_1686 : memref<80xi32, #tpu.memory_space<hbm>>) dst(%dma_wait3A_1684 : memref<80xi32, #tpu.memory_space<vmem>>)
      %dma_wait3A_1687 = arith.constant 3 : i32
      %dma_wait3A_1688 = arith.constant 0 : i32
      %dma_wait3A_1689 = tpu.memref_slice %arg6[%dma_wait3A_1687, %dma_wait3A_1688] : memref<8x80xi32, #tpu.memory_space<vmem>> -> memref<1x80xi32, #tpu.memory_space<vmem>>
      %dma_wait3A_1690 = tpu.memref_squeeze %dma_wait3A_1689 : memref<1x80xi32, #tpu.memory_space<vmem>> -> memref<80xi32, #tpu.memory_space<vmem>>
      %dma_wait3A_1691 = arith.constant 0 : i32
      %dma_wait3A_1692 = tpu.memref_slice %arg3[%dma_wait3A_1691] : memref<640000xi32, #tpu.memory_space<hbm>> -> memref<80xi32, #tpu.memory_space<hbm>>
      %dma_wait3A_1693 = arith.constant 0 : i32
      %dma_wait3A_1694 = tpu.memref_slice %arg6[%dma_wait3A_1687, %dma_wait3A_1693] : memref<8x80xi32, #tpu.memory_space<vmem>> -> memref<1x80xi32, #tpu.memory_space<vmem>>
      %dma_wait3A_1695 = tpu.memref_squeeze %dma_wait3A_1694 : memref<1x80xi32, #tpu.memory_space<vmem>> -> memref<80xi32, #tpu.memory_space<vmem>>
      %dma_wait3A_1696 = arith.constant 0 : i32
      %dma_wait3A_1697 = tpu.memref_slice %arg3[%dma_wait3A_1696] : memref<640000xi32, #tpu.memory_space<hbm>> -> memref<80xi32, #tpu.memory_space<hbm>>
      tpu.wait_dma2 semaphore(%arg12 : memref<!tpu.dma_semaphore, #tpu.memory_space<semaphore_mem>>) src(%dma_wait3A_1697 : memref<80xi32, #tpu.memory_space<hbm>>) dst(%dma_wait3A_1695 : memref<80xi32, #tpu.memory_space<vmem>>)
      %dma_start3A_1698 = arith.constant 3 : i32
      %dma_start3A_1699 = arith.constant 3 : i32
      %dma_start3A_1700 = arith.constant 0 : i32
      %dma_start3A_1701 = arith.constant 0 : i32
      %dma_start3A_1702 = tpu.memref_slice %arg7[%dma_start3A_1699, %dma_start3A_1700, %dma_start3A_1701] : memref<4x80x128xf32, #tpu.memory_space<vmem>> -> memref<1x80x128xf32, #tpu.memory_space<vmem>>
      %dma_start3A_1703 = tpu.memref_squeeze %dma_start3A_1702 : memref<1x80x128xf32, #tpu.memory_space<vmem>> -> memref<80x128xf32, #tpu.memory_space<vmem>>
      %dma_start3A_1704 = arith.constant 0 : i32
      %dma_start3A_1705 = tpu.memref_slice %arg5[%dma_start3A_1698, %dma_start3A_1704] : memref<8x80xi32, #tpu.memory_space<vmem>> -> memref<1x80xi32, #tpu.memory_space<vmem>>
      %dma_start3A_1706 = tpu.memref_squeeze %dma_start3A_1705 : memref<1x80xi32, #tpu.memory_space<vmem>> -> memref<80xi32, #tpu.memory_space<vmem>>
      %dma_start3A_1707 = arith.constant 0 : i32
      %dma_start3A_1708 = arith.constant 0 : i32
      %dma_start3A_1709 = tpu.memref_slice %arg2[%dma_start3A_1707, %dma_start3A_1708] : memref<10000x128xf32, #tpu.memory_space<hbm>> -> memref<10000x128xf32, #tpu.memory_space<hbm>>
      tpu.enqueue_indirect_dma source(%dma_start3A_1709 : memref<10000x128xf32, #tpu.memory_space<hbm>>) target(%dma_start3A_1703 : memref<80x128xf32, #tpu.memory_space<vmem>>) offsets(%dma_start3A_1706 : memref<80xi32, #tpu.memory_space<vmem>>) semaphore(%arg20 : memref<!tpu.dma_semaphore, #tpu.memory_space<semaphore_mem>>)
      %add3A_1710 = arith.constant 4 : i32
      %add3A_1711 = arith.addi %add3A_1639, %add3A_1710 : i32
      %mul3A_1712 = arith.constant 80 : i32
      %mul3A_1713 = arith.muli %add3A_1711, %mul3A_1712 : i32
      %add3A_1714 = arith.addi %mul3A_24, %mul3A_1713 : i32
      %dma_start3A_1715 = arith.constant 4 : i32
      %dma_start3A_1716 = arith.constant 0 : i32
      %dma_start3A_1717 = tpu.memref_slice %arg5[%dma_start3A_1715, %dma_start3A_1716] : memref<8x80xi32, #tpu.memory_space<vmem>> -> memref<1x80xi32, #tpu.memory_space<vmem>>
      %dma_start3A_1718 = tpu.memref_squeeze %dma_start3A_1717 : memref<1x80xi32, #tpu.memory_space<vmem>> -> memref<80xi32, #tpu.memory_space<vmem>>
      %dma_start3A_1719 = tpu.memref_slice %arg3[%add3A_1714] : memref<640000xi32, #tpu.memory_space<hbm>> -> memref<80xi32, #tpu.memory_space<hbm>>
      %dma_start3A_1720 = arith.constant 0 : i32
      %dma_start3A_1721 = tpu.memref_slice %arg5[%dma_start3A_1715, %dma_start3A_1720] : memref<8x80xi32, #tpu.memory_space<vmem>> -> memref<1x80xi32, #tpu.memory_space<vmem>>
      %dma_start3A_1722 = tpu.memref_squeeze %dma_start3A_1721 : memref<1x80xi32, #tpu.memory_space<vmem>> -> memref<80xi32, #tpu.memory_space<vmem>>
      %dma_start3A_1723 = tpu.memref_slice %arg3[%add3A_1714] : memref<640000xi32, #tpu.memory_space<hbm>> -> memref<80xi32, #tpu.memory_space<hbm>>
      tpu.enqueue_dma source(%dma_start3A_1723 : memref<80xi32, #tpu.memory_space<hbm>>) target(%dma_start3A_1722 : memref<80xi32, #tpu.memory_space<vmem>>) target_semaphore(%arg13 : memref<!tpu.dma_semaphore, #tpu.memory_space<semaphore_mem>>)
      %add3A_1724 = arith.constant 320000 : i32
      %add3A_1725 = arith.addi %add3A_1724, %add3A_1714 : i32
      %dma_start3A_1726 = arith.constant 4 : i32
      %dma_start3A_1727 = arith.constant 0 : i32
      %dma_start3A_1728 = tpu.memref_slice %arg6[%dma_start3A_1726, %dma_start3A_1727] : memref<8x80xi32, #tpu.memory_space<vmem>> -> memref<1x80xi32, #tpu.memory_space<vmem>>
      %dma_start3A_1729 = tpu.memref_squeeze %dma_start3A_1728 : memref<1x80xi32, #tpu.memory_space<vmem>> -> memref<80xi32, #tpu.memory_space<vmem>>
      %dma_start3A_1730 = tpu.memref_slice %arg3[%add3A_1725] : memref<640000xi32, #tpu.memory_space<hbm>> -> memref<80xi32, #tpu.memory_space<hbm>>
      %dma_start3A_1731 = arith.constant 0 : i32
      %dma_start3A_1732 = tpu.memref_slice %arg6[%dma_start3A_1726, %dma_start3A_1731] : memref<8x80xi32, #tpu.memory_space<vmem>> -> memref<1x80xi32, #tpu.memory_space<vmem>>
      %dma_start3A_1733 = tpu.memref_squeeze %dma_start3A_1732 : memref<1x80xi32, #tpu.memory_space<vmem>> -> memref<80xi32, #tpu.memory_space<vmem>>
      %dma_start3A_1734 = tpu.memref_slice %arg3[%add3A_1725] : memref<640000xi32, #tpu.memory_space<hbm>> -> memref<80xi32, #tpu.memory_space<hbm>>
      tpu.enqueue_dma source(%dma_start3A_1734 : memref<80xi32, #tpu.memory_space<hbm>>) target(%dma_start3A_1733 : memref<80xi32, #tpu.memory_space<vmem>>) target_semaphore(%arg13 : memref<!tpu.dma_semaphore, #tpu.memory_space<semaphore_mem>>)
      %add3A_1735 = arith.constant 5 : i32
      %add3A_1736 = arith.addi %add3A_1249, %add3A_1735 : i32
      %dma_wait3A_1737 = arith.constant 1 : i32
      %dma_wait3A_1738 = arith.constant 1 : i32
      %dma_wait3A_1739 = arith.constant 0 : i32
      %dma_wait3A_1740 = arith.constant 0 : i32
      %dma_wait3A_1741 = tpu.memref_slice %arg7[%dma_wait3A_1738, %dma_wait3A_1739, %dma_wait3A_1740] : memref<4x80x128xf32, #tpu.memory_space<vmem>> -> memref<1x80x128xf32, #tpu.memory_space<vmem>>
      %dma_wait3A_1742 = tpu.memref_squeeze %dma_wait3A_1741 : memref<1x80x128xf32, #tpu.memory_space<vmem>> -> memref<80x128xf32, #tpu.memory_space<vmem>>
      %dma_wait3A_1743 = arith.constant 0 : i32
      %dma_wait3A_1744 = tpu.memref_slice %arg5[%dma_wait3A_1737, %dma_wait3A_1743] : memref<8x80xi32, #tpu.memory_space<vmem>> -> memref<1x80xi32, #tpu.memory_space<vmem>>
      %dma_wait3A_1745 = tpu.memref_squeeze %dma_wait3A_1744 : memref<1x80xi32, #tpu.memory_space<vmem>> -> memref<80xi32, #tpu.memory_space<vmem>>
      %dma_wait3A_1746 = arith.constant 0 : i32
      %dma_wait3A_1747 = arith.constant 0 : i32
      %dma_wait3A_1748 = tpu.memref_slice %arg2[%dma_wait3A_1746, %dma_wait3A_1747] : memref<10000x128xf32, #tpu.memory_space<hbm>> -> memref<10000x128xf32, #tpu.memory_space<hbm>>
      tpu.wait_indirect_dma semaphore(%arg18 : memref<!tpu.dma_semaphore, #tpu.memory_space<semaphore_mem>>) src(%dma_wait3A_1748 : memref<10000x128xf32, #tpu.memory_space<hbm>>) dst(%dma_wait3A_1742 : memref<80x128xf32, #tpu.memory_space<vmem>>)
      %dma_start3A_1749 = arith.constant 1 : i32
      %dma_start3A_1750 = arith.constant 1 : i32
      %dma_start3A_1751 = arith.constant 0 : i32
      %dma_start3A_1752 = arith.constant 0 : i32
      %dma_start3A_1753 = tpu.memref_slice %arg7[%dma_start3A_1749, %dma_start3A_1751, %dma_start3A_1752] : memref<4x80x128xf32, #tpu.memory_space<vmem>> -> memref<1x80x128xf32, #tpu.memory_space<vmem>>
      %dma_start3A_1754 = tpu.memref_squeeze %dma_start3A_1753 : memref<1x80x128xf32, #tpu.memory_space<vmem>> -> memref<80x128xf32, #tpu.memory_space<vmem>>
      %dma_start3A_1755 = arith.constant 0 : i32
      %dma_start3A_1756 = tpu.memref_slice %arg6[%dma_start3A_1750, %dma_start3A_1755] : memref<8x80xi32, #tpu.memory_space<vmem>> -> memref<1x80xi32, #tpu.memory_space<vmem>>
      %dma_start3A_1757 = tpu.memref_squeeze %dma_start3A_1756 : memref<1x80xi32, #tpu.memory_space<vmem>> -> memref<80xi32, #tpu.memory_space<vmem>>
      %dma_start3A_1758 = arith.constant 0 : i32
      %dma_start3A_1759 = arith.constant 0 : i32
      %dma_start3A_1760 = tpu.memref_slice %arg8[%dma_start3A_1758, %dma_start3A_1759] : memref<10000x128xf32, #tpu.memory_space<vmem_shared>> -> memref<10000x128xf32, #tpu.memory_space<vmem_shared>>
      tpu.enqueue_indirect_dma source(%dma_start3A_1754 : memref<80x128xf32, #tpu.memory_space<vmem>>) target(%dma_start3A_1760 : memref<10000x128xf32, #tpu.memory_space<vmem_shared>>) offsets(%dma_start3A_1757 : memref<80xi32, #tpu.memory_space<vmem>>) semaphore(%arg22 : memref<!tpu.dma_semaphore, #tpu.memory_space<semaphore_mem>>) {add = true}
      %dma_wait3A_1761 = arith.constant 0 : i32
      %dma_wait3A_1762 = arith.constant 0 : i32
      %dma_wait3A_1763 = arith.constant 0 : i32
      %dma_wait3A_1764 = arith.constant 0 : i32
      %dma_wait3A_1765 = tpu.memref_slice %arg7[%dma_wait3A_1761, %dma_wait3A_1763, %dma_wait3A_1764] : memref<4x80x128xf32, #tpu.memory_space<vmem>> -> memref<1x80x128xf32, #tpu.memory_space<vmem>>
      %dma_wait3A_1766 = tpu.memref_squeeze %dma_wait3A_1765 : memref<1x80x128xf32, #tpu.memory_space<vmem>> -> memref<80x128xf32, #tpu.memory_space<vmem>>
      %dma_wait3A_1767 = arith.constant 0 : i32
      %dma_wait3A_1768 = tpu.memref_slice %arg6[%dma_wait3A_1762, %dma_wait3A_1767] : memref<8x80xi32, #tpu.memory_space<vmem>> -> memref<1x80xi32, #tpu.memory_space<vmem>>
      %dma_wait3A_1769 = tpu.memref_squeeze %dma_wait3A_1768 : memref<1x80xi32, #tpu.memory_space<vmem>> -> memref<80xi32, #tpu.memory_space<vmem>>
      %dma_wait3A_1770 = arith.constant 0 : i32
      %dma_wait3A_1771 = arith.constant 0 : i32
      %dma_wait3A_1772 = tpu.memref_slice %arg8[%dma_wait3A_1770, %dma_wait3A_1771] : memref<10000x128xf32, #tpu.memory_space<vmem_shared>> -> memref<10000x128xf32, #tpu.memory_space<vmem_shared>>
      tpu.wait_indirect_dma semaphore(%arg21 : memref<!tpu.dma_semaphore, #tpu.memory_space<semaphore_mem>>) src(%dma_wait3A_1766 : memref<80x128xf32, #tpu.memory_space<vmem>>) dst(%dma_wait3A_1772 : memref<10000x128xf32, #tpu.memory_space<vmem_shared>>)
      %dma_wait3A_1773 = arith.constant 4 : i32
      %dma_wait3A_1774 = arith.constant 0 : i32
      %dma_wait3A_1775 = tpu.memref_slice %arg5[%dma_wait3A_1773, %dma_wait3A_1774] : memref<8x80xi32, #tpu.memory_space<vmem>> -> memref<1x80xi32, #tpu.memory_space<vmem>>
      %dma_wait3A_1776 = tpu.memref_squeeze %dma_wait3A_1775 : memref<1x80xi32, #tpu.memory_space<vmem>> -> memref<80xi32, #tpu.memory_space<vmem>>
      %dma_wait3A_1777 = arith.constant 0 : i32
      %dma_wait3A_1778 = tpu.memref_slice %arg3[%dma_wait3A_1777] : memref<640000xi32, #tpu.memory_space<hbm>> -> memref<80xi32, #tpu.memory_space<hbm>>
      %dma_wait3A_1779 = arith.constant 0 : i32
      %dma_wait3A_1780 = tpu.memref_slice %arg5[%dma_wait3A_1773, %dma_wait3A_1779] : memref<8x80xi32, #tpu.memory_space<vmem>> -> memref<1x80xi32, #tpu.memory_space<vmem>>
      %dma_wait3A_1781 = tpu.memref_squeeze %dma_wait3A_1780 : memref<1x80xi32, #tpu.memory_space<vmem>> -> memref<80xi32, #tpu.memory_space<vmem>>
      %dma_wait3A_1782 = arith.constant 0 : i32
      %dma_wait3A_1783 = tpu.memref_slice %arg3[%dma_wait3A_1782] : memref<640000xi32, #tpu.memory_space<hbm>> -> memref<80xi32, #tpu.memory_space<hbm>>
      tpu.wait_dma2 semaphore(%arg13 : memref<!tpu.dma_semaphore, #tpu.memory_space<semaphore_mem>>) src(%dma_wait3A_1783 : memref<80xi32, #tpu.memory_space<hbm>>) dst(%dma_wait3A_1781 : memref<80xi32, #tpu.memory_space<vmem>>)
      %dma_wait3A_1784 = arith.constant 4 : i32
      %dma_wait3A_1785 = arith.constant 0 : i32
      %dma_wait3A_1786 = tpu.memref_slice %arg6[%dma_wait3A_1784, %dma_wait3A_1785] : memref<8x80xi32, #tpu.memory_space<vmem>> -> memref<1x80xi32, #tpu.memory_space<vmem>>
      %dma_wait3A_1787 = tpu.memref_squeeze %dma_wait3A_1786 : memref<1x80xi32, #tpu.memory_space<vmem>> -> memref<80xi32, #tpu.memory_space<vmem>>
      %dma_wait3A_1788 = arith.constant 0 : i32
      %dma_wait3A_1789 = tpu.memref_slice %arg3[%dma_wait3A_1788] : memref<640000xi32, #tpu.memory_space<hbm>> -> memref<80xi32, #tpu.memory_space<hbm>>
      %dma_wait3A_1790 = arith.constant 0 : i32
      %dma_wait3A_1791 = tpu.memref_slice %arg6[%dma_wait3A_1784, %dma_wait3A_1790] : memref<8x80xi32, #tpu.memory_space<vmem>> -> memref<1x80xi32, #tpu.memory_space<vmem>>
      %dma_wait3A_1792 = tpu.memref_squeeze %dma_wait3A_1791 : memref<1x80xi32, #tpu.memory_space<vmem>> -> memref<80xi32, #tpu.memory_space<vmem>>
      %dma_wait3A_1793 = arith.constant 0 : i32
      %dma_wait3A_1794 = tpu.memref_slice %arg3[%dma_wait3A_1793] : memref<640000xi32, #tpu.memory_space<hbm>> -> memref<80xi32, #tpu.memory_space<hbm>>
      tpu.wait_dma2 semaphore(%arg13 : memref<!tpu.dma_semaphore, #tpu.memory_space<semaphore_mem>>) src(%dma_wait3A_1794 : memref<80xi32, #tpu.memory_space<hbm>>) dst(%dma_wait3A_1792 : memref<80xi32, #tpu.memory_space<vmem>>)
      %dma_start3A_1795 = arith.constant 4 : i32
      %dma_start3A_1796 = arith.constant 0 : i32
      %dma_start3A_1797 = arith.constant 0 : i32
      %dma_start3A_1798 = arith.constant 0 : i32
      %dma_start3A_1799 = tpu.memref_slice %arg7[%dma_start3A_1796, %dma_start3A_1797, %dma_start3A_1798] : memref<4x80x128xf32, #tpu.memory_space<vmem>> -> memref<1x80x128xf32, #tpu.memory_space<vmem>>
      %dma_start3A_1800 = tpu.memref_squeeze %dma_start3A_1799 : memref<1x80x128xf32, #tpu.memory_space<vmem>> -> memref<80x128xf32, #tpu.memory_space<vmem>>
      %dma_start3A_1801 = arith.constant 0 : i32
      %dma_start3A_1802 = tpu.memref_slice %arg5[%dma_start3A_1795, %dma_start3A_1801] : memref<8x80xi32, #tpu.memory_space<vmem>> -> memref<1x80xi32, #tpu.memory_space<vmem>>
      %dma_start3A_1803 = tpu.memref_squeeze %dma_start3A_1802 : memref<1x80xi32, #tpu.memory_space<vmem>> -> memref<80xi32, #tpu.memory_space<vmem>>
      %dma_start3A_1804 = arith.constant 0 : i32
      %dma_start3A_1805 = arith.constant 0 : i32
      %dma_start3A_1806 = tpu.memref_slice %arg2[%dma_start3A_1804, %dma_start3A_1805] : memref<10000x128xf32, #tpu.memory_space<hbm>> -> memref<10000x128xf32, #tpu.memory_space<hbm>>
      tpu.enqueue_indirect_dma source(%dma_start3A_1806 : memref<10000x128xf32, #tpu.memory_space<hbm>>) target(%dma_start3A_1800 : memref<80x128xf32, #tpu.memory_space<vmem>>) offsets(%dma_start3A_1803 : memref<80xi32, #tpu.memory_space<vmem>>) semaphore(%arg17 : memref<!tpu.dma_semaphore, #tpu.memory_space<semaphore_mem>>)
      %add3A_1807 = arith.constant 4 : i32
      %add3A_1808 = arith.addi %add3A_1736, %add3A_1807 : i32
      %mul3A_1809 = arith.constant 80 : i32
      %mul3A_1810 = arith.muli %add3A_1808, %mul3A_1809 : i32
      %add3A_1811 = arith.addi %mul3A_24, %mul3A_1810 : i32
      %dma_start3A_1812 = arith.constant 5 : i32
      %dma_start3A_1813 = arith.constant 0 : i32
      %dma_start3A_1814 = tpu.memref_slice %arg5[%dma_start3A_1812, %dma_start3A_1813] : memref<8x80xi32, #tpu.memory_space<vmem>> -> memref<1x80xi32, #tpu.memory_space<vmem>>
      %dma_start3A_1815 = tpu.memref_squeeze %dma_start3A_1814 : memref<1x80xi32, #tpu.memory_space<vmem>> -> memref<80xi32, #tpu.memory_space<vmem>>
      %dma_start3A_1816 = tpu.memref_slice %arg3[%add3A_1811] : memref<640000xi32, #tpu.memory_space<hbm>> -> memref<80xi32, #tpu.memory_space<hbm>>
      %dma_start3A_1817 = arith.constant 0 : i32
      %dma_start3A_1818 = tpu.memref_slice %arg5[%dma_start3A_1812, %dma_start3A_1817] : memref<8x80xi32, #tpu.memory_space<vmem>> -> memref<1x80xi32, #tpu.memory_space<vmem>>
      %dma_start3A_1819 = tpu.memref_squeeze %dma_start3A_1818 : memref<1x80xi32, #tpu.memory_space<vmem>> -> memref<80xi32, #tpu.memory_space<vmem>>
      %dma_start3A_1820 = tpu.memref_slice %arg3[%add3A_1811] : memref<640000xi32, #tpu.memory_space<hbm>> -> memref<80xi32, #tpu.memory_space<hbm>>
      tpu.enqueue_dma source(%dma_start3A_1820 : memref<80xi32, #tpu.memory_space<hbm>>) target(%dma_start3A_1819 : memref<80xi32, #tpu.memory_space<vmem>>) target_semaphore(%arg14 : memref<!tpu.dma_semaphore, #tpu.memory_space<semaphore_mem>>)
      %add3A_1821 = arith.constant 320000 : i32
      %add3A_1822 = arith.addi %add3A_1821, %add3A_1811 : i32
      %dma_start3A_1823 = arith.constant 5 : i32
      %dma_start3A_1824 = arith.constant 0 : i32
      %dma_start3A_1825 = tpu.memref_slice %arg6[%dma_start3A_1823, %dma_start3A_1824] : memref<8x80xi32, #tpu.memory_space<vmem>> -> memref<1x80xi32, #tpu.memory_space<vmem>>
      %dma_start3A_1826 = tpu.memref_squeeze %dma_start3A_1825 : memref<1x80xi32, #tpu.memory_space<vmem>> -> memref<80xi32, #tpu.memory_space<vmem>>
      %dma_start3A_1827 = tpu.memref_slice %arg3[%add3A_1822] : memref<640000xi32, #tpu.memory_space<hbm>> -> memref<80xi32, #tpu.memory_space<hbm>>
      %dma_start3A_1828 = arith.constant 0 : i32
      %dma_start3A_1829 = tpu.memref_slice %arg6[%dma_start3A_1823, %dma_start3A_1828] : memref<8x80xi32, #tpu.memory_space<vmem>> -> memref<1x80xi32, #tpu.memory_space<vmem>>
      %dma_start3A_1830 = tpu.memref_squeeze %dma_start3A_1829 : memref<1x80xi32, #tpu.memory_space<vmem>> -> memref<80xi32, #tpu.memory_space<vmem>>
      %dma_start3A_1831 = tpu.memref_slice %arg3[%add3A_1822] : memref<640000xi32, #tpu.memory_space<hbm>> -> memref<80xi32, #tpu.memory_space<hbm>>
      tpu.enqueue_dma source(%dma_start3A_1831 : memref<80xi32, #tpu.memory_space<hbm>>) target(%dma_start3A_1830 : memref<80xi32, #tpu.memory_space<vmem>>) target_semaphore(%arg14 : memref<!tpu.dma_semaphore, #tpu.memory_space<semaphore_mem>>)
      %add3A_1832 = arith.constant 6 : i32
      %add3A_1833 = arith.addi %add3A_1249, %add3A_1832 : i32
      %dma_wait3A_1834 = arith.constant 2 : i32
      %dma_wait3A_1835 = arith.constant 2 : i32
      %dma_wait3A_1836 = arith.constant 0 : i32
      %dma_wait3A_1837 = arith.constant 0 : i32
      %dma_wait3A_1838 = tpu.memref_slice %arg7[%dma_wait3A_1835, %dma_wait3A_1836, %dma_wait3A_1837] : memref<4x80x128xf32, #tpu.memory_space<vmem>> -> memref<1x80x128xf32, #tpu.memory_space<vmem>>
      %dma_wait3A_1839 = tpu.memref_squeeze %dma_wait3A_1838 : memref<1x80x128xf32, #tpu.memory_space<vmem>> -> memref<80x128xf32, #tpu.memory_space<vmem>>
      %dma_wait3A_1840 = arith.constant 0 : i32
      %dma_wait3A_1841 = tpu.memref_slice %arg5[%dma_wait3A_1834, %dma_wait3A_1840] : memref<8x80xi32, #tpu.memory_space<vmem>> -> memref<1x80xi32, #tpu.memory_space<vmem>>
      %dma_wait3A_1842 = tpu.memref_squeeze %dma_wait3A_1841 : memref<1x80xi32, #tpu.memory_space<vmem>> -> memref<80xi32, #tpu.memory_space<vmem>>
      %dma_wait3A_1843 = arith.constant 0 : i32
      %dma_wait3A_1844 = arith.constant 0 : i32
      %dma_wait3A_1845 = tpu.memref_slice %arg2[%dma_wait3A_1843, %dma_wait3A_1844] : memref<10000x128xf32, #tpu.memory_space<hbm>> -> memref<10000x128xf32, #tpu.memory_space<hbm>>
      tpu.wait_indirect_dma semaphore(%arg19 : memref<!tpu.dma_semaphore, #tpu.memory_space<semaphore_mem>>) src(%dma_wait3A_1845 : memref<10000x128xf32, #tpu.memory_space<hbm>>) dst(%dma_wait3A_1839 : memref<80x128xf32, #tpu.memory_space<vmem>>)
      %dma_start3A_1846 = arith.constant 2 : i32
      %dma_start3A_1847 = arith.constant 2 : i32
      %dma_start3A_1848 = arith.constant 0 : i32
      %dma_start3A_1849 = arith.constant 0 : i32
      %dma_start3A_1850 = tpu.memref_slice %arg7[%dma_start3A_1846, %dma_start3A_1848, %dma_start3A_1849] : memref<4x80x128xf32, #tpu.memory_space<vmem>> -> memref<1x80x128xf32, #tpu.memory_space<vmem>>
      %dma_start3A_1851 = tpu.memref_squeeze %dma_start3A_1850 : memref<1x80x128xf32, #tpu.memory_space<vmem>> -> memref<80x128xf32, #tpu.memory_space<vmem>>
      %dma_start3A_1852 = arith.constant 0 : i32
      %dma_start3A_1853 = tpu.memref_slice %arg6[%dma_start3A_1847, %dma_start3A_1852] : memref<8x80xi32, #tpu.memory_space<vmem>> -> memref<1x80xi32, #tpu.memory_space<vmem>>
      %dma_start3A_1854 = tpu.memref_squeeze %dma_start3A_1853 : memref<1x80xi32, #tpu.memory_space<vmem>> -> memref<80xi32, #tpu.memory_space<vmem>>
      %dma_start3A_1855 = arith.constant 0 : i32
      %dma_start3A_1856 = arith.constant 0 : i32
      %dma_start3A_1857 = tpu.memref_slice %arg8[%dma_start3A_1855, %dma_start3A_1856] : memref<10000x128xf32, #tpu.memory_space<vmem_shared>> -> memref<10000x128xf32, #tpu.memory_space<vmem_shared>>
      tpu.enqueue_indirect_dma source(%dma_start3A_1851 : memref<80x128xf32, #tpu.memory_space<vmem>>) target(%dma_start3A_1857 : memref<10000x128xf32, #tpu.memory_space<vmem_shared>>) offsets(%dma_start3A_1854 : memref<80xi32, #tpu.memory_space<vmem>>) semaphore(%arg23 : memref<!tpu.dma_semaphore, #tpu.memory_space<semaphore_mem>>) {add = true}
      %dma_wait3A_1858 = arith.constant 1 : i32
      %dma_wait3A_1859 = arith.constant 1 : i32
      %dma_wait3A_1860 = arith.constant 0 : i32
      %dma_wait3A_1861 = arith.constant 0 : i32
      %dma_wait3A_1862 = tpu.memref_slice %arg7[%dma_wait3A_1858, %dma_wait3A_1860, %dma_wait3A_1861] : memref<4x80x128xf32, #tpu.memory_space<vmem>> -> memref<1x80x128xf32, #tpu.memory_space<vmem>>
      %dma_wait3A_1863 = tpu.memref_squeeze %dma_wait3A_1862 : memref<1x80x128xf32, #tpu.memory_space<vmem>> -> memref<80x128xf32, #tpu.memory_space<vmem>>
      %dma_wait3A_1864 = arith.constant 0 : i32
      %dma_wait3A_1865 = tpu.memref_slice %arg6[%dma_wait3A_1859, %dma_wait3A_1864] : memref<8x80xi32, #tpu.memory_space<vmem>> -> memref<1x80xi32, #tpu.memory_space<vmem>>
      %dma_wait3A_1866 = tpu.memref_squeeze %dma_wait3A_1865 : memref<1x80xi32, #tpu.memory_space<vmem>> -> memref<80xi32, #tpu.memory_space<vmem>>
      %dma_wait3A_1867 = arith.constant 0 : i32
      %dma_wait3A_1868 = arith.constant 0 : i32
      %dma_wait3A_1869 = tpu.memref_slice %arg8[%dma_wait3A_1867, %dma_wait3A_1868] : memref<10000x128xf32, #tpu.memory_space<vmem_shared>> -> memref<10000x128xf32, #tpu.memory_space<vmem_shared>>
      tpu.wait_indirect_dma semaphore(%arg22 : memref<!tpu.dma_semaphore, #tpu.memory_space<semaphore_mem>>) src(%dma_wait3A_1863 : memref<80x128xf32, #tpu.memory_space<vmem>>) dst(%dma_wait3A_1869 : memref<10000x128xf32, #tpu.memory_space<vmem_shared>>)
      %dma_wait3A_1870 = arith.constant 5 : i32
      %dma_wait3A_1871 = arith.constant 0 : i32
      %dma_wait3A_1872 = tpu.memref_slice %arg5[%dma_wait3A_1870, %dma_wait3A_1871] : memref<8x80xi32, #tpu.memory_space<vmem>> -> memref<1x80xi32, #tpu.memory_space<vmem>>
      %dma_wait3A_1873 = tpu.memref_squeeze %dma_wait3A_1872 : memref<1x80xi32, #tpu.memory_space<vmem>> -> memref<80xi32, #tpu.memory_space<vmem>>
      %dma_wait3A_1874 = arith.constant 0 : i32
      %dma_wait3A_1875 = tpu.memref_slice %arg3[%dma_wait3A_1874] : memref<640000xi32, #tpu.memory_space<hbm>> -> memref<80xi32, #tpu.memory_space<hbm>>
      %dma_wait3A_1876 = arith.constant 0 : i32
      %dma_wait3A_1877 = tpu.memref_slice %arg5[%dma_wait3A_1870, %dma_wait3A_1876] : memref<8x80xi32, #tpu.memory_space<vmem>> -> memref<1x80xi32, #tpu.memory_space<vmem>>
      %dma_wait3A_1878 = tpu.memref_squeeze %dma_wait3A_1877 : memref<1x80xi32, #tpu.memory_space<vmem>> -> memref<80xi32, #tpu.memory_space<vmem>>
      %dma_wait3A_1879 = arith.constant 0 : i32
      %dma_wait3A_1880 = tpu.memref_slice %arg3[%dma_wait3A_1879] : memref<640000xi32, #tpu.memory_space<hbm>> -> memref<80xi32, #tpu.memory_space<hbm>>
      tpu.wait_dma2 semaphore(%arg14 : memref<!tpu.dma_semaphore, #tpu.memory_space<semaphore_mem>>) src(%dma_wait3A_1880 : memref<80xi32, #tpu.memory_space<hbm>>) dst(%dma_wait3A_1878 : memref<80xi32, #tpu.memory_space<vmem>>)
      %dma_wait3A_1881 = arith.constant 5 : i32
      %dma_wait3A_1882 = arith.constant 0 : i32
      %dma_wait3A_1883 = tpu.memref_slice %arg6[%dma_wait3A_1881, %dma_wait3A_1882] : memref<8x80xi32, #tpu.memory_space<vmem>> -> memref<1x80xi32, #tpu.memory_space<vmem>>
      %dma_wait3A_1884 = tpu.memref_squeeze %dma_wait3A_1883 : memref<1x80xi32, #tpu.memory_space<vmem>> -> memref<80xi32, #tpu.memory_space<vmem>>
      %dma_wait3A_1885 = arith.constant 0 : i32
      %dma_wait3A_1886 = tpu.memref_slice %arg3[%dma_wait3A_1885] : memref<640000xi32, #tpu.memory_space<hbm>> -> memref<80xi32, #tpu.memory_space<hbm>>
      %dma_wait3A_1887 = arith.constant 0 : i32
      %dma_wait3A_1888 = tpu.memref_slice %arg6[%dma_wait3A_1881, %dma_wait3A_1887] : memref<8x80xi32, #tpu.memory_space<vmem>> -> memref<1x80xi32, #tpu.memory_space<vmem>>
      %dma_wait3A_1889 = tpu.memref_squeeze %dma_wait3A_1888 : memref<1x80xi32, #tpu.memory_space<vmem>> -> memref<80xi32, #tpu.memory_space<vmem>>
      %dma_wait3A_1890 = arith.constant 0 : i32
      %dma_wait3A_1891 = tpu.memref_slice %arg3[%dma_wait3A_1890] : memref<640000xi32, #tpu.memory_space<hbm>> -> memref<80xi32, #tpu.memory_space<hbm>>
      tpu.wait_dma2 semaphore(%arg14 : memref<!tpu.dma_semaphore, #tpu.memory_space<semaphore_mem>>) src(%dma_wait3A_1891 : memref<80xi32, #tpu.memory_space<hbm>>) dst(%dma_wait3A_1889 : memref<80xi32, #tpu.memory_space<vmem>>)
      %dma_start3A_1892 = arith.constant 5 : i32
      %dma_start3A_1893 = arith.constant 1 : i32
      %dma_start3A_1894 = arith.constant 0 : i32
      %dma_start3A_1895 = arith.constant 0 : i32
      %dma_start3A_1896 = tpu.memref_slice %arg7[%dma_start3A_1893, %dma_start3A_1894, %dma_start3A_1895] : memref<4x80x128xf32, #tpu.memory_space<vmem>> -> memref<1x80x128xf32, #tpu.memory_space<vmem>>
      %dma_start3A_1897 = tpu.memref_squeeze %dma_start3A_1896 : memref<1x80x128xf32, #tpu.memory_space<vmem>> -> memref<80x128xf32, #tpu.memory_space<vmem>>
      %dma_start3A_1898 = arith.constant 0 : i32
      %dma_start3A_1899 = tpu.memref_slice %arg5[%dma_start3A_1892, %dma_start3A_1898] : memref<8x80xi32, #tpu.memory_space<vmem>> -> memref<1x80xi32, #tpu.memory_space<vmem>>
      %dma_start3A_1900 = tpu.memref_squeeze %dma_start3A_1899 : memref<1x80xi32, #tpu.memory_space<vmem>> -> memref<80xi32, #tpu.memory_space<vmem>>
      %dma_start3A_1901 = arith.constant 0 : i32
      %dma_start3A_1902 = arith.constant 0 : i32
      %dma_start3A_1903 = tpu.memref_slice %arg2[%dma_start3A_1901, %dma_start3A_1902] : memref<10000x128xf32, #tpu.memory_space<hbm>> -> memref<10000x128xf32, #tpu.memory_space<hbm>>
      tpu.enqueue_indirect_dma source(%dma_start3A_1903 : memref<10000x128xf32, #tpu.memory_space<hbm>>) target(%dma_start3A_1897 : memref<80x128xf32, #tpu.memory_space<vmem>>) offsets(%dma_start3A_1900 : memref<80xi32, #tpu.memory_space<vmem>>) semaphore(%arg18 : memref<!tpu.dma_semaphore, #tpu.memory_space<semaphore_mem>>)
      %add3A_1904 = arith.constant 4 : i32
      %add3A_1905 = arith.addi %add3A_1833, %add3A_1904 : i32
      %mul3A_1906 = arith.constant 80 : i32
      %mul3A_1907 = arith.muli %add3A_1905, %mul3A_1906 : i32
      %add3A_1908 = arith.addi %mul3A_24, %mul3A_1907 : i32
      %dma_start3A_1909 = arith.constant 6 : i32
      %dma_start3A_1910 = arith.constant 0 : i32
      %dma_start3A_1911 = tpu.memref_slice %arg5[%dma_start3A_1909, %dma_start3A_1910] : memref<8x80xi32, #tpu.memory_space<vmem>> -> memref<1x80xi32, #tpu.memory_space<vmem>>
      %dma_start3A_1912 = tpu.memref_squeeze %dma_start3A_1911 : memref<1x80xi32, #tpu.memory_space<vmem>> -> memref<80xi32, #tpu.memory_space<vmem>>
      %dma_start3A_1913 = tpu.memref_slice %arg3[%add3A_1908] : memref<640000xi32, #tpu.memory_space<hbm>> -> memref<80xi32, #tpu.memory_space<hbm>>
      %dma_start3A_1914 = arith.constant 0 : i32
      %dma_start3A_1915 = tpu.memref_slice %arg5[%dma_start3A_1909, %dma_start3A_1914] : memref<8x80xi32, #tpu.memory_space<vmem>> -> memref<1x80xi32, #tpu.memory_space<vmem>>
      %dma_start3A_1916 = tpu.memref_squeeze %dma_start3A_1915 : memref<1x80xi32, #tpu.memory_space<vmem>> -> memref<80xi32, #tpu.memory_space<vmem>>
      %dma_start3A_1917 = tpu.memref_slice %arg3[%add3A_1908] : memref<640000xi32, #tpu.memory_space<hbm>> -> memref<80xi32, #tpu.memory_space<hbm>>
      tpu.enqueue_dma source(%dma_start3A_1917 : memref<80xi32, #tpu.memory_space<hbm>>) target(%dma_start3A_1916 : memref<80xi32, #tpu.memory_space<vmem>>) target_semaphore(%arg15 : memref<!tpu.dma_semaphore, #tpu.memory_space<semaphore_mem>>)
      %add3A_1918 = arith.constant 320000 : i32
      %add3A_1919 = arith.addi %add3A_1918, %add3A_1908 : i32
      %dma_start3A_1920 = arith.constant 6 : i32
      %dma_start3A_1921 = arith.constant 0 : i32
      %dma_start3A_1922 = tpu.memref_slice %arg6[%dma_start3A_1920, %dma_start3A_1921] : memref<8x80xi32, #tpu.memory_space<vmem>> -> memref<1x80xi32, #tpu.memory_space<vmem>>
      %dma_start3A_1923 = tpu.memref_squeeze %dma_start3A_1922 : memref<1x80xi32, #tpu.memory_space<vmem>> -> memref<80xi32, #tpu.memory_space<vmem>>
      %dma_start3A_1924 = tpu.memref_slice %arg3[%add3A_1919] : memref<640000xi32, #tpu.memory_space<hbm>> -> memref<80xi32, #tpu.memory_space<hbm>>
      %dma_start3A_1925 = arith.constant 0 : i32
      %dma_start3A_1926 = tpu.memref_slice %arg6[%dma_start3A_1920, %dma_start3A_1925] : memref<8x80xi32, #tpu.memory_space<vmem>> -> memref<1x80xi32, #tpu.memory_space<vmem>>
      %dma_start3A_1927 = tpu.memref_squeeze %dma_start3A_1926 : memref<1x80xi32, #tpu.memory_space<vmem>> -> memref<80xi32, #tpu.memory_space<vmem>>
      %dma_start3A_1928 = tpu.memref_slice %arg3[%add3A_1919] : memref<640000xi32, #tpu.memory_space<hbm>> -> memref<80xi32, #tpu.memory_space<hbm>>
      tpu.enqueue_dma source(%dma_start3A_1928 : memref<80xi32, #tpu.memory_space<hbm>>) target(%dma_start3A_1927 : memref<80xi32, #tpu.memory_space<vmem>>) target_semaphore(%arg15 : memref<!tpu.dma_semaphore, #tpu.memory_space<semaphore_mem>>)
      %add3A_1929 = arith.constant 7 : i32
      %add3A_1930 = arith.addi %add3A_1249, %add3A_1929 : i32
      %dma_wait3A_1931 = arith.constant 3 : i32
      %dma_wait3A_1932 = arith.constant 3 : i32
      %dma_wait3A_1933 = arith.constant 0 : i32
      %dma_wait3A_1934 = arith.constant 0 : i32
      %dma_wait3A_1935 = tpu.memref_slice %arg7[%dma_wait3A_1932, %dma_wait3A_1933, %dma_wait3A_1934] : memref<4x80x128xf32, #tpu.memory_space<vmem>> -> memref<1x80x128xf32, #tpu.memory_space<vmem>>
      %dma_wait3A_1936 = tpu.memref_squeeze %dma_wait3A_1935 : memref<1x80x128xf32, #tpu.memory_space<vmem>> -> memref<80x128xf32, #tpu.memory_space<vmem>>
      %dma_wait3A_1937 = arith.constant 0 : i32
      %dma_wait3A_1938 = tpu.memref_slice %arg5[%dma_wait3A_1931, %dma_wait3A_1937] : memref<8x80xi32, #tpu.memory_space<vmem>> -> memref<1x80xi32, #tpu.memory_space<vmem>>
      %dma_wait3A_1939 = tpu.memref_squeeze %dma_wait3A_1938 : memref<1x80xi32, #tpu.memory_space<vmem>> -> memref<80xi32, #tpu.memory_space<vmem>>
      %dma_wait3A_1940 = arith.constant 0 : i32
      %dma_wait3A_1941 = arith.constant 0 : i32
      %dma_wait3A_1942 = tpu.memref_slice %arg2[%dma_wait3A_1940, %dma_wait3A_1941] : memref<10000x128xf32, #tpu.memory_space<hbm>> -> memref<10000x128xf32, #tpu.memory_space<hbm>>
      tpu.wait_indirect_dma semaphore(%arg20 : memref<!tpu.dma_semaphore, #tpu.memory_space<semaphore_mem>>) src(%dma_wait3A_1942 : memref<10000x128xf32, #tpu.memory_space<hbm>>) dst(%dma_wait3A_1936 : memref<80x128xf32, #tpu.memory_space<vmem>>)
      %dma_start3A_1943 = arith.constant 3 : i32
      %dma_start3A_1944 = arith.constant 3 : i32
      %dma_start3A_1945 = arith.constant 0 : i32
      %dma_start3A_1946 = arith.constant 0 : i32
      %dma_start3A_1947 = tpu.memref_slice %arg7[%dma_start3A_1943, %dma_start3A_1945, %dma_start3A_1946] : memref<4x80x128xf32, #tpu.memory_space<vmem>> -> memref<1x80x128xf32, #tpu.memory_space<vmem>>
      %dma_start3A_1948 = tpu.memref_squeeze %dma_start3A_1947 : memref<1x80x128xf32, #tpu.memory_space<vmem>> -> memref<80x128xf32, #tpu.memory_space<vmem>>
      %dma_start3A_1949 = arith.constant 0 : i32
      %dma_start3A_1950 = tpu.memref_slice %arg6[%dma_start3A_1944, %dma_start3A_1949] : memref<8x80xi32, #tpu.memory_space<vmem>> -> memref<1x80xi32, #tpu.memory_space<vmem>>
      %dma_start3A_1951 = tpu.memref_squeeze %dma_start3A_1950 : memref<1x80xi32, #tpu.memory_space<vmem>> -> memref<80xi32, #tpu.memory_space<vmem>>
      %dma_start3A_1952 = arith.constant 0 : i32
      %dma_start3A_1953 = arith.constant 0 : i32
      %dma_start3A_1954 = tpu.memref_slice %arg8[%dma_start3A_1952, %dma_start3A_1953] : memref<10000x128xf32, #tpu.memory_space<vmem_shared>> -> memref<10000x128xf32, #tpu.memory_space<vmem_shared>>
      tpu.enqueue_indirect_dma source(%dma_start3A_1948 : memref<80x128xf32, #tpu.memory_space<vmem>>) target(%dma_start3A_1954 : memref<10000x128xf32, #tpu.memory_space<vmem_shared>>) offsets(%dma_start3A_1951 : memref<80xi32, #tpu.memory_space<vmem>>) semaphore(%arg24 : memref<!tpu.dma_semaphore, #tpu.memory_space<semaphore_mem>>) {add = true}
      %dma_wait3A_1955 = arith.constant 2 : i32
      %dma_wait3A_1956 = arith.constant 2 : i32
      %dma_wait3A_1957 = arith.constant 0 : i32
      %dma_wait3A_1958 = arith.constant 0 : i32
      %dma_wait3A_1959 = tpu.memref_slice %arg7[%dma_wait3A_1955, %dma_wait3A_1957, %dma_wait3A_1958] : memref<4x80x128xf32, #tpu.memory_space<vmem>> -> memref<1x80x128xf32, #tpu.memory_space<vmem>>
      %dma_wait3A_1960 = tpu.memref_squeeze %dma_wait3A_1959 : memref<1x80x128xf32, #tpu.memory_space<vmem>> -> memref<80x128xf32, #tpu.memory_space<vmem>>
      %dma_wait3A_1961 = arith.constant 0 : i32
      %dma_wait3A_1962 = tpu.memref_slice %arg6[%dma_wait3A_1956, %dma_wait3A_1961] : memref<8x80xi32, #tpu.memory_space<vmem>> -> memref<1x80xi32, #tpu.memory_space<vmem>>
      %dma_wait3A_1963 = tpu.memref_squeeze %dma_wait3A_1962 : memref<1x80xi32, #tpu.memory_space<vmem>> -> memref<80xi32, #tpu.memory_space<vmem>>
      %dma_wait3A_1964 = arith.constant 0 : i32
      %dma_wait3A_1965 = arith.constant 0 : i32
      %dma_wait3A_1966 = tpu.memref_slice %arg8[%dma_wait3A_1964, %dma_wait3A_1965] : memref<10000x128xf32, #tpu.memory_space<vmem_shared>> -> memref<10000x128xf32, #tpu.memory_space<vmem_shared>>
      tpu.wait_indirect_dma semaphore(%arg23 : memref<!tpu.dma_semaphore, #tpu.memory_space<semaphore_mem>>) src(%dma_wait3A_1960 : memref<80x128xf32, #tpu.memory_space<vmem>>) dst(%dma_wait3A_1966 : memref<10000x128xf32, #tpu.memory_space<vmem_shared>>)
      %dma_wait3A_1967 = arith.constant 6 : i32
      %dma_wait3A_1968 = arith.constant 0 : i32
      %dma_wait3A_1969 = tpu.memref_slice %arg5[%dma_wait3A_1967, %dma_wait3A_1968] : memref<8x80xi32, #tpu.memory_space<vmem>> -> memref<1x80xi32, #tpu.memory_space<vmem>>
      %dma_wait3A_1970 = tpu.memref_squeeze %dma_wait3A_1969 : memref<1x80xi32, #tpu.memory_space<vmem>> -> memref<80xi32, #tpu.memory_space<vmem>>
      %dma_wait3A_1971 = arith.constant 0 : i32
      %dma_wait3A_1972 = tpu.memref_slice %arg3[%dma_wait3A_1971] : memref<640000xi32, #tpu.memory_space<hbm>> -> memref<80xi32, #tpu.memory_space<hbm>>
      %dma_wait3A_1973 = arith.constant 0 : i32
      %dma_wait3A_1974 = tpu.memref_slice %arg5[%dma_wait3A_1967, %dma_wait3A_1973] : memref<8x80xi32, #tpu.memory_space<vmem>> -> memref<1x80xi32, #tpu.memory_space<vmem>>
      %dma_wait3A_1975 = tpu.memref_squeeze %dma_wait3A_1974 : memref<1x80xi32, #tpu.memory_space<vmem>> -> memref<80xi32, #tpu.memory_space<vmem>>
      %dma_wait3A_1976 = arith.constant 0 : i32
      %dma_wait3A_1977 = tpu.memref_slice %arg3[%dma_wait3A_1976] : memref<640000xi32, #tpu.memory_space<hbm>> -> memref<80xi32, #tpu.memory_space<hbm>>
      tpu.wait_dma2 semaphore(%arg15 : memref<!tpu.dma_semaphore, #tpu.memory_space<semaphore_mem>>) src(%dma_wait3A_1977 : memref<80xi32, #tpu.memory_space<hbm>>) dst(%dma_wait3A_1975 : memref<80xi32, #tpu.memory_space<vmem>>)
      %dma_wait3A_1978 = arith.constant 6 : i32
      %dma_wait3A_1979 = arith.constant 0 : i32
      %dma_wait3A_1980 = tpu.memref_slice %arg6[%dma_wait3A_1978, %dma_wait3A_1979] : memref<8x80xi32, #tpu.memory_space<vmem>> -> memref<1x80xi32, #tpu.memory_space<vmem>>
      %dma_wait3A_1981 = tpu.memref_squeeze %dma_wait3A_1980 : memref<1x80xi32, #tpu.memory_space<vmem>> -> memref<80xi32, #tpu.memory_space<vmem>>
      %dma_wait3A_1982 = arith.constant 0 : i32
      %dma_wait3A_1983 = tpu.memref_slice %arg3[%dma_wait3A_1982] : memref<640000xi32, #tpu.memory_space<hbm>> -> memref<80xi32, #tpu.memory_space<hbm>>
      %dma_wait3A_1984 = arith.constant 0 : i32
      %dma_wait3A_1985 = tpu.memref_slice %arg6[%dma_wait3A_1978, %dma_wait3A_1984] : memref<8x80xi32, #tpu.memory_space<vmem>> -> memref<1x80xi32, #tpu.memory_space<vmem>>
      %dma_wait3A_1986 = tpu.memref_squeeze %dma_wait3A_1985 : memref<1x80xi32, #tpu.memory_space<vmem>> -> memref<80xi32, #tpu.memory_space<vmem>>
      %dma_wait3A_1987 = arith.constant 0 : i32
      %dma_wait3A_1988 = tpu.memref_slice %arg3[%dma_wait3A_1987] : memref<640000xi32, #tpu.memory_space<hbm>> -> memref<80xi32, #tpu.memory_space<hbm>>
      tpu.wait_dma2 semaphore(%arg15 : memref<!tpu.dma_semaphore, #tpu.memory_space<semaphore_mem>>) src(%dma_wait3A_1988 : memref<80xi32, #tpu.memory_space<hbm>>) dst(%dma_wait3A_1986 : memref<80xi32, #tpu.memory_space<vmem>>)
      %dma_start3A_1989 = arith.constant 6 : i32
      %dma_start3A_1990 = arith.constant 2 : i32
      %dma_start3A_1991 = arith.constant 0 : i32
      %dma_start3A_1992 = arith.constant 0 : i32
      %dma_start3A_1993 = tpu.memref_slice %arg7[%dma_start3A_1990, %dma_start3A_1991, %dma_start3A_1992] : memref<4x80x128xf32, #tpu.memory_space<vmem>> -> memref<1x80x128xf32, #tpu.memory_space<vmem>>
      %dma_start3A_1994 = tpu.memref_squeeze %dma_start3A_1993 : memref<1x80x128xf32, #tpu.memory_space<vmem>> -> memref<80x128xf32, #tpu.memory_space<vmem>>
      %dma_start3A_1995 = arith.constant 0 : i32
      %dma_start3A_1996 = tpu.memref_slice %arg5[%dma_start3A_1989, %dma_start3A_1995] : memref<8x80xi32, #tpu.memory_space<vmem>> -> memref<1x80xi32, #tpu.memory_space<vmem>>
      %dma_start3A_1997 = tpu.memref_squeeze %dma_start3A_1996 : memref<1x80xi32, #tpu.memory_space<vmem>> -> memref<80xi32, #tpu.memory_space<vmem>>
      %dma_start3A_1998 = arith.constant 0 : i32
      %dma_start3A_1999 = arith.constant 0 : i32
      %dma_start3A_2000 = tpu.memref_slice %arg2[%dma_start3A_1998, %dma_start3A_1999] : memref<10000x128xf32, #tpu.memory_space<hbm>> -> memref<10000x128xf32, #tpu.memory_space<hbm>>
      tpu.enqueue_indirect_dma source(%dma_start3A_2000 : memref<10000x128xf32, #tpu.memory_space<hbm>>) target(%dma_start3A_1994 : memref<80x128xf32, #tpu.memory_space<vmem>>) offsets(%dma_start3A_1997 : memref<80xi32, #tpu.memory_space<vmem>>) semaphore(%arg19 : memref<!tpu.dma_semaphore, #tpu.memory_space<semaphore_mem>>)
      %add3A_2001 = arith.constant 4 : i32
      %add3A_2002 = arith.addi %add3A_1930, %add3A_2001 : i32
      %mul3A_2003 = arith.constant 80 : i32
      %mul3A_2004 = arith.muli %add3A_2002, %mul3A_2003 : i32
      %add3A_2005 = arith.addi %mul3A_24, %mul3A_2004 : i32
      %dma_start3A_2006 = arith.constant 7 : i32
      %dma_start3A_2007 = arith.constant 0 : i32
      %dma_start3A_2008 = tpu.memref_slice %arg5[%dma_start3A_2006, %dma_start3A_2007] : memref<8x80xi32, #tpu.memory_space<vmem>> -> memref<1x80xi32, #tpu.memory_space<vmem>>
      %dma_start3A_2009 = tpu.memref_squeeze %dma_start3A_2008 : memref<1x80xi32, #tpu.memory_space<vmem>> -> memref<80xi32, #tpu.memory_space<vmem>>
      %dma_start3A_2010 = tpu.memref_slice %arg3[%add3A_2005] : memref<640000xi32, #tpu.memory_space<hbm>> -> memref<80xi32, #tpu.memory_space<hbm>>
      %dma_start3A_2011 = arith.constant 0 : i32
      %dma_start3A_2012 = tpu.memref_slice %arg5[%dma_start3A_2006, %dma_start3A_2011] : memref<8x80xi32, #tpu.memory_space<vmem>> -> memref<1x80xi32, #tpu.memory_space<vmem>>
      %dma_start3A_2013 = tpu.memref_squeeze %dma_start3A_2012 : memref<1x80xi32, #tpu.memory_space<vmem>> -> memref<80xi32, #tpu.memory_space<vmem>>
      %dma_start3A_2014 = tpu.memref_slice %arg3[%add3A_2005] : memref<640000xi32, #tpu.memory_space<hbm>> -> memref<80xi32, #tpu.memory_space<hbm>>
      tpu.enqueue_dma source(%dma_start3A_2014 : memref<80xi32, #tpu.memory_space<hbm>>) target(%dma_start3A_2013 : memref<80xi32, #tpu.memory_space<vmem>>) target_semaphore(%arg16 : memref<!tpu.dma_semaphore, #tpu.memory_space<semaphore_mem>>)
      %add3A_2015 = arith.constant 320000 : i32
      %add3A_2016 = arith.addi %add3A_2015, %add3A_2005 : i32
      %dma_start3A_2017 = arith.constant 7 : i32
      %dma_start3A_2018 = arith.constant 0 : i32
      %dma_start3A_2019 = tpu.memref_slice %arg6[%dma_start3A_2017, %dma_start3A_2018] : memref<8x80xi32, #tpu.memory_space<vmem>> -> memref<1x80xi32, #tpu.memory_space<vmem>>
      %dma_start3A_2020 = tpu.memref_squeeze %dma_start3A_2019 : memref<1x80xi32, #tpu.memory_space<vmem>> -> memref<80xi32, #tpu.memory_space<vmem>>
      %dma_start3A_2021 = tpu.memref_slice %arg3[%add3A_2016] : memref<640000xi32, #tpu.memory_space<hbm>> -> memref<80xi32, #tpu.memory_space<hbm>>
      %dma_start3A_2022 = arith.constant 0 : i32
      %dma_start3A_2023 = tpu.memref_slice %arg6[%dma_start3A_2017, %dma_start3A_2022] : memref<8x80xi32, #tpu.memory_space<vmem>> -> memref<1x80xi32, #tpu.memory_space<vmem>>
      %dma_start3A_2024 = tpu.memref_squeeze %dma_start3A_2023 : memref<1x80xi32, #tpu.memory_space<vmem>> -> memref<80xi32, #tpu.memory_space<vmem>>
      %dma_start3A_2025 = tpu.memref_slice %arg3[%add3A_2016] : memref<640000xi32, #tpu.memory_space<hbm>> -> memref<80xi32, #tpu.memory_space<hbm>>
      tpu.enqueue_dma source(%dma_start3A_2025 : memref<80xi32, #tpu.memory_space<hbm>>) target(%dma_start3A_2024 : memref<80xi32, #tpu.memory_space<vmem>>) target_semaphore(%arg16 : memref<!tpu.dma_semaphore, #tpu.memory_space<semaphore_mem>>)
    }
    %scan3A_573 = arith.constant 14 : i32
    %dma_wait3A_574 = arith.constant 4 : i32
    %dma_wait3A_575 = arith.constant 0 : i32
    %dma_wait3A_576 = arith.constant 0 : i32
    %dma_wait3A_577 = arith.constant 0 : i32
    %dma_wait3A_578 = tpu.memref_slice %arg7[%dma_wait3A_575, %dma_wait3A_576, %dma_wait3A_577] : memref<4x80x128xf32, #tpu.memory_space<vmem>> -> memref<1x80x128xf32, #tpu.memory_space<vmem>>
    %dma_wait3A_579 = tpu.memref_squeeze %dma_wait3A_578 : memref<1x80x128xf32, #tpu.memory_space<vmem>> -> memref<80x128xf32, #tpu.memory_space<vmem>>
    %dma_wait3A_580 = arith.constant 0 : i32
    %dma_wait3A_581 = tpu.memref_slice %arg5[%dma_wait3A_574, %dma_wait3A_580] : memref<8x80xi32, #tpu.memory_space<vmem>> -> memref<1x80xi32, #tpu.memory_space<vmem>>
    %dma_wait3A_582 = tpu.memref_squeeze %dma_wait3A_581 : memref<1x80xi32, #tpu.memory_space<vmem>> -> memref<80xi32, #tpu.memory_space<vmem>>
    %dma_wait3A_583 = arith.constant 0 : i32
    %dma_wait3A_584 = arith.constant 0 : i32
    %dma_wait3A_585 = tpu.memref_slice %arg2[%dma_wait3A_583, %dma_wait3A_584] : memref<10000x128xf32, #tpu.memory_space<hbm>> -> memref<10000x128xf32, #tpu.memory_space<hbm>>
    tpu.wait_indirect_dma semaphore(%arg17 : memref<!tpu.dma_semaphore, #tpu.memory_space<semaphore_mem>>) src(%dma_wait3A_585 : memref<10000x128xf32, #tpu.memory_space<hbm>>) dst(%dma_wait3A_579 : memref<80x128xf32, #tpu.memory_space<vmem>>)
    %dma_start3A_586 = arith.constant 0 : i32
    %dma_start3A_587 = arith.constant 4 : i32
    %dma_start3A_588 = arith.constant 0 : i32
    %dma_start3A_589 = arith.constant 0 : i32
    %dma_start3A_590 = tpu.memref_slice %arg7[%dma_start3A_586, %dma_start3A_588, %dma_start3A_589] : memref<4x80x128xf32, #tpu.memory_space<vmem>> -> memref<1x80x128xf32, #tpu.memory_space<vmem>>
    %dma_start3A_591 = tpu.memref_squeeze %dma_start3A_590 : memref<1x80x128xf32, #tpu.memory_space<vmem>> -> memref<80x128xf32, #tpu.memory_space<vmem>>
    %dma_start3A_592 = arith.constant 0 : i32
    %dma_start3A_593 = tpu.memref_slice %arg6[%dma_start3A_587, %dma_start3A_592] : memref<8x80xi32, #tpu.memory_space<vmem>> -> memref<1x80xi32, #tpu.memory_space<vmem>>
    %dma_start3A_594 = tpu.memref_squeeze %dma_start3A_593 : memref<1x80xi32, #tpu.memory_space<vmem>> -> memref<80xi32, #tpu.memory_space<vmem>>
    %dma_start3A_595 = arith.constant 0 : i32
    %dma_start3A_596 = arith.constant 0 : i32
    %dma_start3A_597 = tpu.memref_slice %arg8[%dma_start3A_595, %dma_start3A_596] : memref<10000x128xf32, #tpu.memory_space<vmem_shared>> -> memref<10000x128xf32, #tpu.memory_space<vmem_shared>>
    tpu.enqueue_indirect_dma source(%dma_start3A_591 : memref<80x128xf32, #tpu.memory_space<vmem>>) target(%dma_start3A_597 : memref<10000x128xf32, #tpu.memory_space<vmem_shared>>) offsets(%dma_start3A_594 : memref<80xi32, #tpu.memory_space<vmem>>) semaphore(%arg21 : memref<!tpu.dma_semaphore, #tpu.memory_space<semaphore_mem>>) {add = true}
    %dma_wait3A_598 = arith.constant 3 : i32
    %dma_wait3A_599 = arith.constant 3 : i32
    %dma_wait3A_600 = arith.constant 0 : i32
    %dma_wait3A_601 = arith.constant 0 : i32
    %dma_wait3A_602 = tpu.memref_slice %arg7[%dma_wait3A_598, %dma_wait3A_600, %dma_wait3A_601] : memref<4x80x128xf32, #tpu.memory_space<vmem>> -> memref<1x80x128xf32, #tpu.memory_space<vmem>>
    %dma_wait3A_603 = tpu.memref_squeeze %dma_wait3A_602 : memref<1x80x128xf32, #tpu.memory_space<vmem>> -> memref<80x128xf32, #tpu.memory_space<vmem>>
    %dma_wait3A_604 = arith.constant 0 : i32
    %dma_wait3A_605 = tpu.memref_slice %arg6[%dma_wait3A_599, %dma_wait3A_604] : memref<8x80xi32, #tpu.memory_space<vmem>> -> memref<1x80xi32, #tpu.memory_space<vmem>>
    %dma_wait3A_606 = tpu.memref_squeeze %dma_wait3A_605 : memref<1x80xi32, #tpu.memory_space<vmem>> -> memref<80xi32, #tpu.memory_space<vmem>>
    %dma_wait3A_607 = arith.constant 0 : i32
    %dma_wait3A_608 = arith.constant 0 : i32
    %dma_wait3A_609 = tpu.memref_slice %arg8[%dma_wait3A_607, %dma_wait3A_608] : memref<10000x128xf32, #tpu.memory_space<vmem_shared>> -> memref<10000x128xf32, #tpu.memory_space<vmem_shared>>
    tpu.wait_indirect_dma semaphore(%arg24 : memref<!tpu.dma_semaphore, #tpu.memory_space<semaphore_mem>>) src(%dma_wait3A_603 : memref<80x128xf32, #tpu.memory_space<vmem>>) dst(%dma_wait3A_609 : memref<10000x128xf32, #tpu.memory_space<vmem_shared>>)
    %dma_wait3A_610 = arith.constant 7 : i32
    %dma_wait3A_611 = arith.constant 0 : i32
    %dma_wait3A_612 = tpu.memref_slice %arg5[%dma_wait3A_610, %dma_wait3A_611] : memref<8x80xi32, #tpu.memory_space<vmem>> -> memref<1x80xi32, #tpu.memory_space<vmem>>
    %dma_wait3A_613 = tpu.memref_squeeze %dma_wait3A_612 : memref<1x80xi32, #tpu.memory_space<vmem>> -> memref<80xi32, #tpu.memory_space<vmem>>
    %dma_wait3A_614 = arith.constant 0 : i32
    %dma_wait3A_615 = tpu.memref_slice %arg3[%dma_wait3A_614] : memref<640000xi32, #tpu.memory_space<hbm>> -> memref<80xi32, #tpu.memory_space<hbm>>
    %dma_wait3A_616 = arith.constant 0 : i32
    %dma_wait3A_617 = tpu.memref_slice %arg5[%dma_wait3A_610, %dma_wait3A_616] : memref<8x80xi32, #tpu.memory_space<vmem>> -> memref<1x80xi32, #tpu.memory_space<vmem>>
    %dma_wait3A_618 = tpu.memref_squeeze %dma_wait3A_617 : memref<1x80xi32, #tpu.memory_space<vmem>> -> memref<80xi32, #tpu.memory_space<vmem>>
    %dma_wait3A_619 = arith.constant 0 : i32
    %dma_wait3A_620 = tpu.memref_slice %arg3[%dma_wait3A_619] : memref<640000xi32, #tpu.memory_space<hbm>> -> memref<80xi32, #tpu.memory_space<hbm>>
    tpu.wait_dma2 semaphore(%arg16 : memref<!tpu.dma_semaphore, #tpu.memory_space<semaphore_mem>>) src(%dma_wait3A_620 : memref<80xi32, #tpu.memory_space<hbm>>) dst(%dma_wait3A_618 : memref<80xi32, #tpu.memory_space<vmem>>)
    %dma_wait3A_621 = arith.constant 7 : i32
    %dma_wait3A_622 = arith.constant 0 : i32
    %dma_wait3A_623 = tpu.memref_slice %arg6[%dma_wait3A_621, %dma_wait3A_622] : memref<8x80xi32, #tpu.memory_space<vmem>> -> memref<1x80xi32, #tpu.memory_space<vmem>>
    %dma_wait3A_624 = tpu.memref_squeeze %dma_wait3A_623 : memref<1x80xi32, #tpu.memory_space<vmem>> -> memref<80xi32, #tpu.memory_space<vmem>>
    %dma_wait3A_625 = arith.constant 0 : i32
    %dma_wait3A_626 = tpu.memref_slice %arg3[%dma_wait3A_625] : memref<640000xi32, #tpu.memory_space<hbm>> -> memref<80xi32, #tpu.memory_space<hbm>>
    %dma_wait3A_627 = arith.constant 0 : i32
    %dma_wait3A_628 = tpu.memref_slice %arg6[%dma_wait3A_621, %dma_wait3A_627] : memref<8x80xi32, #tpu.memory_space<vmem>> -> memref<1x80xi32, #tpu.memory_space<vmem>>
    %dma_wait3A_629 = tpu.memref_squeeze %dma_wait3A_628 : memref<1x80xi32, #tpu.memory_space<vmem>> -> memref<80xi32, #tpu.memory_space<vmem>>
    %dma_wait3A_630 = arith.constant 0 : i32
    %dma_wait3A_631 = tpu.memref_slice %arg3[%dma_wait3A_630] : memref<640000xi32, #tpu.memory_space<hbm>> -> memref<80xi32, #tpu.memory_space<hbm>>
    tpu.wait_dma2 semaphore(%arg16 : memref<!tpu.dma_semaphore, #tpu.memory_space<semaphore_mem>>) src(%dma_wait3A_631 : memref<80xi32, #tpu.memory_space<hbm>>) dst(%dma_wait3A_629 : memref<80xi32, #tpu.memory_space<vmem>>)
    %dma_start3A_632 = arith.constant 7 : i32
    %dma_start3A_633 = arith.constant 3 : i32
    %dma_start3A_634 = arith.constant 0 : i32
    %dma_start3A_635 = arith.constant 0 : i32
    %dma_start3A_636 = tpu.memref_slice %arg7[%dma_start3A_633, %dma_start3A_634, %dma_start3A_635] : memref<4x80x128xf32, #tpu.memory_space<vmem>> -> memref<1x80x128xf32, #tpu.memory_space<vmem>>
    %dma_start3A_637 = tpu.memref_squeeze %dma_start3A_636 : memref<1x80x128xf32, #tpu.memory_space<vmem>> -> memref<80x128xf32, #tpu.memory_space<vmem>>
    %dma_start3A_638 = arith.constant 0 : i32
    %dma_start3A_639 = tpu.memref_slice %arg5[%dma_start3A_632, %dma_start3A_638] : memref<8x80xi32, #tpu.memory_space<vmem>> -> memref<1x80xi32, #tpu.memory_space<vmem>>
    %dma_start3A_640 = tpu.memref_squeeze %dma_start3A_639 : memref<1x80xi32, #tpu.memory_space<vmem>> -> memref<80xi32, #tpu.memory_space<vmem>>
    %dma_start3A_641 = arith.constant 0 : i32
    %dma_start3A_642 = arith.constant 0 : i32
    %dma_start3A_643 = tpu.memref_slice %arg2[%dma_start3A_641, %dma_start3A_642] : memref<10000x128xf32, #tpu.memory_space<hbm>> -> memref<10000x128xf32, #tpu.memory_space<hbm>>
    tpu.enqueue_indirect_dma source(%dma_start3A_643 : memref<10000x128xf32, #tpu.memory_space<hbm>>) target(%dma_start3A_637 : memref<80x128xf32, #tpu.memory_space<vmem>>) offsets(%dma_start3A_640 : memref<80xi32, #tpu.memory_space<vmem>>) semaphore(%arg20 : memref<!tpu.dma_semaphore, #tpu.memory_space<semaphore_mem>>)
    %add3A_644 = arith.constant 9600 : i32
    %add3A_645 = arith.addi %mul3A_24, %add3A_644 : i32
    %dma_start3A_646 = arith.constant 0 : i32
    %dma_start3A_647 = arith.constant 0 : i32
    %dma_start3A_648 = tpu.memref_slice %arg5[%dma_start3A_646, %dma_start3A_647] : memref<8x80xi32, #tpu.memory_space<vmem>> -> memref<1x80xi32, #tpu.memory_space<vmem>>
    %dma_start3A_649 = tpu.memref_squeeze %dma_start3A_648 : memref<1x80xi32, #tpu.memory_space<vmem>> -> memref<80xi32, #tpu.memory_space<vmem>>
    %dma_start3A_650 = tpu.memref_slice %arg3[%add3A_645] : memref<640000xi32, #tpu.memory_space<hbm>> -> memref<80xi32, #tpu.memory_space<hbm>>
    %dma_start3A_651 = arith.constant 0 : i32
    %dma_start3A_652 = tpu.memref_slice %arg5[%dma_start3A_646, %dma_start3A_651] : memref<8x80xi32, #tpu.memory_space<vmem>> -> memref<1x80xi32, #tpu.memory_space<vmem>>
    %dma_start3A_653 = tpu.memref_squeeze %dma_start3A_652 : memref<1x80xi32, #tpu.memory_space<vmem>> -> memref<80xi32, #tpu.memory_space<vmem>>
    %dma_start3A_654 = tpu.memref_slice %arg3[%add3A_645] : memref<640000xi32, #tpu.memory_space<hbm>> -> memref<80xi32, #tpu.memory_space<hbm>>
    tpu.enqueue_dma source(%dma_start3A_654 : memref<80xi32, #tpu.memory_space<hbm>>) target(%dma_start3A_653 : memref<80xi32, #tpu.memory_space<vmem>>) target_semaphore(%arg9 : memref<!tpu.dma_semaphore, #tpu.memory_space<semaphore_mem>>)
    %add3A_655 = arith.constant 320000 : i32
    %add3A_656 = arith.addi %add3A_655, %add3A_645 : i32
    %dma_start3A_657 = arith.constant 0 : i32
    %dma_start3A_658 = arith.constant 0 : i32
    %dma_start3A_659 = tpu.memref_slice %arg6[%dma_start3A_657, %dma_start3A_658] : memref<8x80xi32, #tpu.memory_space<vmem>> -> memref<1x80xi32, #tpu.memory_space<vmem>>
    %dma_start3A_660 = tpu.memref_squeeze %dma_start3A_659 : memref<1x80xi32, #tpu.memory_space<vmem>> -> memref<80xi32, #tpu.memory_space<vmem>>
    %dma_start3A_661 = tpu.memref_slice %arg3[%add3A_656] : memref<640000xi32, #tpu.memory_space<hbm>> -> memref<80xi32, #tpu.memory_space<hbm>>
    %dma_start3A_662 = arith.constant 0 : i32
    %dma_start3A_663 = tpu.memref_slice %arg6[%dma_start3A_657, %dma_start3A_662] : memref<8x80xi32, #tpu.memory_space<vmem>> -> memref<1x80xi32, #tpu.memory_space<vmem>>
    %dma_start3A_664 = tpu.memref_squeeze %dma_start3A_663 : memref<1x80xi32, #tpu.memory_space<vmem>> -> memref<80xi32, #tpu.memory_space<vmem>>
    %dma_start3A_665 = tpu.memref_slice %arg3[%add3A_656] : memref<640000xi32, #tpu.memory_space<hbm>> -> memref<80xi32, #tpu.memory_space<hbm>>
    tpu.enqueue_dma source(%dma_start3A_665 : memref<80xi32, #tpu.memory_space<hbm>>) target(%dma_start3A_664 : memref<80xi32, #tpu.memory_space<vmem>>) target_semaphore(%arg9 : memref<!tpu.dma_semaphore, #tpu.memory_space<semaphore_mem>>)
    %dma_wait3A_666 = arith.constant 5 : i32
    %dma_wait3A_667 = arith.constant 1 : i32
    %dma_wait3A_668 = arith.constant 0 : i32
    %dma_wait3A_669 = arith.constant 0 : i32
    %dma_wait3A_670 = tpu.memref_slice %arg7[%dma_wait3A_667, %dma_wait3A_668, %dma_wait3A_669] : memref<4x80x128xf32, #tpu.memory_space<vmem>> -> memref<1x80x128xf32, #tpu.memory_space<vmem>>
    %dma_wait3A_671 = tpu.memref_squeeze %dma_wait3A_670 : memref<1x80x128xf32, #tpu.memory_space<vmem>> -> memref<80x128xf32, #tpu.memory_space<vmem>>
    %dma_wait3A_672 = arith.constant 0 : i32
    %dma_wait3A_673 = tpu.memref_slice %arg5[%dma_wait3A_666, %dma_wait3A_672] : memref<8x80xi32, #tpu.memory_space<vmem>> -> memref<1x80xi32, #tpu.memory_space<vmem>>
    %dma_wait3A_674 = tpu.memref_squeeze %dma_wait3A_673 : memref<1x80xi32, #tpu.memory_space<vmem>> -> memref<80xi32, #tpu.memory_space<vmem>>
    %dma_wait3A_675 = arith.constant 0 : i32
    %dma_wait3A_676 = arith.constant 0 : i32
    %dma_wait3A_677 = tpu.memref_slice %arg2[%dma_wait3A_675, %dma_wait3A_676] : memref<10000x128xf32, #tpu.memory_space<hbm>> -> memref<10000x128xf32, #tpu.memory_space<hbm>>
    tpu.wait_indirect_dma semaphore(%arg18 : memref<!tpu.dma_semaphore, #tpu.memory_space<semaphore_mem>>) src(%dma_wait3A_677 : memref<10000x128xf32, #tpu.memory_space<hbm>>) dst(%dma_wait3A_671 : memref<80x128xf32, #tpu.memory_space<vmem>>)
    %dma_start3A_678 = arith.constant 1 : i32
    %dma_start3A_679 = arith.constant 5 : i32
    %dma_start3A_680 = arith.constant 0 : i32
    %dma_start3A_681 = arith.constant 0 : i32
    %dma_start3A_682 = tpu.memref_slice %arg7[%dma_start3A_678, %dma_start3A_680, %dma_start3A_681] : memref<4x80x128xf32, #tpu.memory_space<vmem>> -> memref<1x80x128xf32, #tpu.memory_space<vmem>>
    %dma_start3A_683 = tpu.memref_squeeze %dma_start3A_682 : memref<1x80x128xf32, #tpu.memory_space<vmem>> -> memref<80x128xf32, #tpu.memory_space<vmem>>
    %dma_start3A_684 = arith.constant 0 : i32
    %dma_start3A_685 = tpu.memref_slice %arg6[%dma_start3A_679, %dma_start3A_684] : memref<8x80xi32, #tpu.memory_space<vmem>> -> memref<1x80xi32, #tpu.memory_space<vmem>>
    %dma_start3A_686 = tpu.memref_squeeze %dma_start3A_685 : memref<1x80xi32, #tpu.memory_space<vmem>> -> memref<80xi32, #tpu.memory_space<vmem>>
    %dma_start3A_687 = arith.constant 0 : i32
    %dma_start3A_688 = arith.constant 0 : i32
    %dma_start3A_689 = tpu.memref_slice %arg8[%dma_start3A_687, %dma_start3A_688] : memref<10000x128xf32, #tpu.memory_space<vmem_shared>> -> memref<10000x128xf32, #tpu.memory_space<vmem_shared>>
    tpu.enqueue_indirect_dma source(%dma_start3A_683 : memref<80x128xf32, #tpu.memory_space<vmem>>) target(%dma_start3A_689 : memref<10000x128xf32, #tpu.memory_space<vmem_shared>>) offsets(%dma_start3A_686 : memref<80xi32, #tpu.memory_space<vmem>>) semaphore(%arg22 : memref<!tpu.dma_semaphore, #tpu.memory_space<semaphore_mem>>) {add = true}
    %dma_wait3A_690 = arith.constant 0 : i32
    %dma_wait3A_691 = arith.constant 4 : i32
    %dma_wait3A_692 = arith.constant 0 : i32
    %dma_wait3A_693 = arith.constant 0 : i32
    %dma_wait3A_694 = tpu.memref_slice %arg7[%dma_wait3A_690, %dma_wait3A_692, %dma_wait3A_693] : memref<4x80x128xf32, #tpu.memory_space<vmem>> -> memref<1x80x128xf32, #tpu.memory_space<vmem>>
    %dma_wait3A_695 = tpu.memref_squeeze %dma_wait3A_694 : memref<1x80x128xf32, #tpu.memory_space<vmem>> -> memref<80x128xf32, #tpu.memory_space<vmem>>
    %dma_wait3A_696 = arith.constant 0 : i32
    %dma_wait3A_697 = tpu.memref_slice %arg6[%dma_wait3A_691, %dma_wait3A_696] : memref<8x80xi32, #tpu.memory_space<vmem>> -> memref<1x80xi32, #tpu.memory_space<vmem>>
    %dma_wait3A_698 = tpu.memref_squeeze %dma_wait3A_697 : memref<1x80xi32, #tpu.memory_space<vmem>> -> memref<80xi32, #tpu.memory_space<vmem>>
    %dma_wait3A_699 = arith.constant 0 : i32
    %dma_wait3A_700 = arith.constant 0 : i32
    %dma_wait3A_701 = tpu.memref_slice %arg8[%dma_wait3A_699, %dma_wait3A_700] : memref<10000x128xf32, #tpu.memory_space<vmem_shared>> -> memref<10000x128xf32, #tpu.memory_space<vmem_shared>>
    tpu.wait_indirect_dma semaphore(%arg21 : memref<!tpu.dma_semaphore, #tpu.memory_space<semaphore_mem>>) src(%dma_wait3A_695 : memref<80x128xf32, #tpu.memory_space<vmem>>) dst(%dma_wait3A_701 : memref<10000x128xf32, #tpu.memory_space<vmem_shared>>)
    %dma_wait3A_702 = arith.constant 0 : i32
    %dma_wait3A_703 = arith.constant 0 : i32
    %dma_wait3A_704 = tpu.memref_slice %arg5[%dma_wait3A_702, %dma_wait3A_703] : memref<8x80xi32, #tpu.memory_space<vmem>> -> memref<1x80xi32, #tpu.memory_space<vmem>>
    %dma_wait3A_705 = tpu.memref_squeeze %dma_wait3A_704 : memref<1x80xi32, #tpu.memory_space<vmem>> -> memref<80xi32, #tpu.memory_space<vmem>>
    %dma_wait3A_706 = arith.constant 0 : i32
    %dma_wait3A_707 = tpu.memref_slice %arg3[%dma_wait3A_706] : memref<640000xi32, #tpu.memory_space<hbm>> -> memref<80xi32, #tpu.memory_space<hbm>>
    %dma_wait3A_708 = arith.constant 0 : i32
    %dma_wait3A_709 = tpu.memref_slice %arg5[%dma_wait3A_702, %dma_wait3A_708] : memref<8x80xi32, #tpu.memory_space<vmem>> -> memref<1x80xi32, #tpu.memory_space<vmem>>
    %dma_wait3A_710 = tpu.memref_squeeze %dma_wait3A_709 : memref<1x80xi32, #tpu.memory_space<vmem>> -> memref<80xi32, #tpu.memory_space<vmem>>
    %dma_wait3A_711 = arith.constant 0 : i32
    %dma_wait3A_712 = tpu.memref_slice %arg3[%dma_wait3A_711] : memref<640000xi32, #tpu.memory_space<hbm>> -> memref<80xi32, #tpu.memory_space<hbm>>
    tpu.wait_dma2 semaphore(%arg9 : memref<!tpu.dma_semaphore, #tpu.memory_space<semaphore_mem>>) src(%dma_wait3A_712 : memref<80xi32, #tpu.memory_space<hbm>>) dst(%dma_wait3A_710 : memref<80xi32, #tpu.memory_space<vmem>>)
    %dma_wait3A_713 = arith.constant 0 : i32
    %dma_wait3A_714 = arith.constant 0 : i32
    %dma_wait3A_715 = tpu.memref_slice %arg6[%dma_wait3A_713, %dma_wait3A_714] : memref<8x80xi32, #tpu.memory_space<vmem>> -> memref<1x80xi32, #tpu.memory_space<vmem>>
    %dma_wait3A_716 = tpu.memref_squeeze %dma_wait3A_715 : memref<1x80xi32, #tpu.memory_space<vmem>> -> memref<80xi32, #tpu.memory_space<vmem>>
    %dma_wait3A_717 = arith.constant 0 : i32
    %dma_wait3A_718 = tpu.memref_slice %arg3[%dma_wait3A_717] : memref<640000xi32, #tpu.memory_space<hbm>> -> memref<80xi32, #tpu.memory_space<hbm>>
    %dma_wait3A_719 = arith.constant 0 : i32
    %dma_wait3A_720 = tpu.memref_slice %arg6[%dma_wait3A_713, %dma_wait3A_719] : memref<8x80xi32, #tpu.memory_space<vmem>> -> memref<1x80xi32, #tpu.memory_space<vmem>>
    %dma_wait3A_721 = tpu.memref_squeeze %dma_wait3A_720 : memref<1x80xi32, #tpu.memory_space<vmem>> -> memref<80xi32, #tpu.memory_space<vmem>>
    %dma_wait3A_722 = arith.constant 0 : i32
    %dma_wait3A_723 = tpu.memref_slice %arg3[%dma_wait3A_722] : memref<640000xi32, #tpu.memory_space<hbm>> -> memref<80xi32, #tpu.memory_space<hbm>>
    tpu.wait_dma2 semaphore(%arg9 : memref<!tpu.dma_semaphore, #tpu.memory_space<semaphore_mem>>) src(%dma_wait3A_723 : memref<80xi32, #tpu.memory_space<hbm>>) dst(%dma_wait3A_721 : memref<80xi32, #tpu.memory_space<vmem>>)
    %dma_start3A_724 = arith.constant 0 : i32
    %dma_start3A_725 = arith.constant 0 : i32
    %dma_start3A_726 = arith.constant 0 : i32
    %dma_start3A_727 = arith.constant 0 : i32
    %dma_start3A_728 = tpu.memref_slice %arg7[%dma_start3A_725, %dma_start3A_726, %dma_start3A_727] : memref<4x80x128xf32, #tpu.memory_space<vmem>> -> memref<1x80x128xf32, #tpu.memory_space<vmem>>
    %dma_start3A_729 = tpu.memref_squeeze %dma_start3A_728 : memref<1x80x128xf32, #tpu.memory_space<vmem>> -> memref<80x128xf32, #tpu.memory_space<vmem>>
    %dma_start3A_730 = arith.constant 0 : i32
    %dma_start3A_731 = tpu.memref_slice %arg5[%dma_start3A_724, %dma_start3A_730] : memref<8x80xi32, #tpu.memory_space<vmem>> -> memref<1x80xi32, #tpu.memory_space<vmem>>
    %dma_start3A_732 = tpu.memref_squeeze %dma_start3A_731 : memref<1x80xi32, #tpu.memory_space<vmem>> -> memref<80xi32, #tpu.memory_space<vmem>>
    %dma_start3A_733 = arith.constant 0 : i32
    %dma_start3A_734 = arith.constant 0 : i32
    %dma_start3A_735 = tpu.memref_slice %arg2[%dma_start3A_733, %dma_start3A_734] : memref<10000x128xf32, #tpu.memory_space<hbm>> -> memref<10000x128xf32, #tpu.memory_space<hbm>>
    tpu.enqueue_indirect_dma source(%dma_start3A_735 : memref<10000x128xf32, #tpu.memory_space<hbm>>) target(%dma_start3A_729 : memref<80x128xf32, #tpu.memory_space<vmem>>) offsets(%dma_start3A_732 : memref<80xi32, #tpu.memory_space<vmem>>) semaphore(%arg17 : memref<!tpu.dma_semaphore, #tpu.memory_space<semaphore_mem>>)
    %add3A_736 = arith.constant 9680 : i32
    %add3A_737 = arith.addi %mul3A_24, %add3A_736 : i32
    %dma_start3A_738 = arith.constant 1 : i32
    %dma_start3A_739 = arith.constant 0 : i32
    %dma_start3A_740 = tpu.memref_slice %arg5[%dma_start3A_738, %dma_start3A_739] : memref<8x80xi32, #tpu.memory_space<vmem>> -> memref<1x80xi32, #tpu.memory_space<vmem>>
    %dma_start3A_741 = tpu.memref_squeeze %dma_start3A_740 : memref<1x80xi32, #tpu.memory_space<vmem>> -> memref<80xi32, #tpu.memory_space<vmem>>
    %dma_start3A_742 = tpu.memref_slice %arg3[%add3A_737] : memref<640000xi32, #tpu.memory_space<hbm>> -> memref<80xi32, #tpu.memory_space<hbm>>
    %dma_start3A_743 = arith.constant 0 : i32
    %dma_start3A_744 = tpu.memref_slice %arg5[%dma_start3A_738, %dma_start3A_743] : memref<8x80xi32, #tpu.memory_space<vmem>> -> memref<1x80xi32, #tpu.memory_space<vmem>>
    %dma_start3A_745 = tpu.memref_squeeze %dma_start3A_744 : memref<1x80xi32, #tpu.memory_space<vmem>> -> memref<80xi32, #tpu.memory_space<vmem>>
    %dma_start3A_746 = tpu.memref_slice %arg3[%add3A_737] : memref<640000xi32, #tpu.memory_space<hbm>> -> memref<80xi32, #tpu.memory_space<hbm>>
    tpu.enqueue_dma source(%dma_start3A_746 : memref<80xi32, #tpu.memory_space<hbm>>) target(%dma_start3A_745 : memref<80xi32, #tpu.memory_space<vmem>>) target_semaphore(%arg10 : memref<!tpu.dma_semaphore, #tpu.memory_space<semaphore_mem>>)
    %add3A_747 = arith.constant 320000 : i32
    %add3A_748 = arith.addi %add3A_747, %add3A_737 : i32
    %dma_start3A_749 = arith.constant 1 : i32
    %dma_start3A_750 = arith.constant 0 : i32
    %dma_start3A_751 = tpu.memref_slice %arg6[%dma_start3A_749, %dma_start3A_750] : memref<8x80xi32, #tpu.memory_space<vmem>> -> memref<1x80xi32, #tpu.memory_space<vmem>>
    %dma_start3A_752 = tpu.memref_squeeze %dma_start3A_751 : memref<1x80xi32, #tpu.memory_space<vmem>> -> memref<80xi32, #tpu.memory_space<vmem>>
    %dma_start3A_753 = tpu.memref_slice %arg3[%add3A_748] : memref<640000xi32, #tpu.memory_space<hbm>> -> memref<80xi32, #tpu.memory_space<hbm>>
    %dma_start3A_754 = arith.constant 0 : i32
    %dma_start3A_755 = tpu.memref_slice %arg6[%dma_start3A_749, %dma_start3A_754] : memref<8x80xi32, #tpu.memory_space<vmem>> -> memref<1x80xi32, #tpu.memory_space<vmem>>
    %dma_start3A_756 = tpu.memref_squeeze %dma_start3A_755 : memref<1x80xi32, #tpu.memory_space<vmem>> -> memref<80xi32, #tpu.memory_space<vmem>>
    %dma_start3A_757 = tpu.memref_slice %arg3[%add3A_748] : memref<640000xi32, #tpu.memory_space<hbm>> -> memref<80xi32, #tpu.memory_space<hbm>>
    tpu.enqueue_dma source(%dma_start3A_757 : memref<80xi32, #tpu.memory_space<hbm>>) target(%dma_start3A_756 : memref<80xi32, #tpu.memory_space<vmem>>) target_semaphore(%arg10 : memref<!tpu.dma_semaphore, #tpu.memory_space<semaphore_mem>>)
    %dma_wait3A_758 = arith.constant 6 : i32
    %dma_wait3A_759 = arith.constant 2 : i32
    %dma_wait3A_760 = arith.constant 0 : i32
    %dma_wait3A_761 = arith.constant 0 : i32
    %dma_wait3A_762 = tpu.memref_slice %arg7[%dma_wait3A_759, %dma_wait3A_760, %dma_wait3A_761] : memref<4x80x128xf32, #tpu.memory_space<vmem>> -> memref<1x80x128xf32, #tpu.memory_space<vmem>>
    %dma_wait3A_763 = tpu.memref_squeeze %dma_wait3A_762 : memref<1x80x128xf32, #tpu.memory_space<vmem>> -> memref<80x128xf32, #tpu.memory_space<vmem>>
    %dma_wait3A_764 = arith.constant 0 : i32
    %dma_wait3A_765 = tpu.memref_slice %arg5[%dma_wait3A_758, %dma_wait3A_764] : memref<8x80xi32, #tpu.memory_space<vmem>> -> memref<1x80xi32, #tpu.memory_space<vmem>>
    %dma_wait3A_766 = tpu.memref_squeeze %dma_wait3A_765 : memref<1x80xi32, #tpu.memory_space<vmem>> -> memref<80xi32, #tpu.memory_space<vmem>>
    %dma_wait3A_767 = arith.constant 0 : i32
    %dma_wait3A_768 = arith.constant 0 : i32
    %dma_wait3A_769 = tpu.memref_slice %arg2[%dma_wait3A_767, %dma_wait3A_768] : memref<10000x128xf32, #tpu.memory_space<hbm>> -> memref<10000x128xf32, #tpu.memory_space<hbm>>
    tpu.wait_indirect_dma semaphore(%arg19 : memref<!tpu.dma_semaphore, #tpu.memory_space<semaphore_mem>>) src(%dma_wait3A_769 : memref<10000x128xf32, #tpu.memory_space<hbm>>) dst(%dma_wait3A_763 : memref<80x128xf32, #tpu.memory_space<vmem>>)
    %dma_start3A_770 = arith.constant 2 : i32
    %dma_start3A_771 = arith.constant 6 : i32
    %dma_start3A_772 = arith.constant 0 : i32
    %dma_start3A_773 = arith.constant 0 : i32
    %dma_start3A_774 = tpu.memref_slice %arg7[%dma_start3A_770, %dma_start3A_772, %dma_start3A_773] : memref<4x80x128xf32, #tpu.memory_space<vmem>> -> memref<1x80x128xf32, #tpu.memory_space<vmem>>
    %dma_start3A_775 = tpu.memref_squeeze %dma_start3A_774 : memref<1x80x128xf32, #tpu.memory_space<vmem>> -> memref<80x128xf32, #tpu.memory_space<vmem>>
    %dma_start3A_776 = arith.constant 0 : i32
    %dma_start3A_777 = tpu.memref_slice %arg6[%dma_start3A_771, %dma_start3A_776] : memref<8x80xi32, #tpu.memory_space<vmem>> -> memref<1x80xi32, #tpu.memory_space<vmem>>
    %dma_start3A_778 = tpu.memref_squeeze %dma_start3A_777 : memref<1x80xi32, #tpu.memory_space<vmem>> -> memref<80xi32, #tpu.memory_space<vmem>>
    %dma_start3A_779 = arith.constant 0 : i32
    %dma_start3A_780 = arith.constant 0 : i32
    %dma_start3A_781 = tpu.memref_slice %arg8[%dma_start3A_779, %dma_start3A_780] : memref<10000x128xf32, #tpu.memory_space<vmem_shared>> -> memref<10000x128xf32, #tpu.memory_space<vmem_shared>>
    tpu.enqueue_indirect_dma source(%dma_start3A_775 : memref<80x128xf32, #tpu.memory_space<vmem>>) target(%dma_start3A_781 : memref<10000x128xf32, #tpu.memory_space<vmem_shared>>) offsets(%dma_start3A_778 : memref<80xi32, #tpu.memory_space<vmem>>) semaphore(%arg23 : memref<!tpu.dma_semaphore, #tpu.memory_space<semaphore_mem>>) {add = true}
    %dma_wait3A_782 = arith.constant 1 : i32
    %dma_wait3A_783 = arith.constant 5 : i32
    %dma_wait3A_784 = arith.constant 0 : i32
    %dma_wait3A_785 = arith.constant 0 : i32
    %dma_wait3A_786 = tpu.memref_slice %arg7[%dma_wait3A_782, %dma_wait3A_784, %dma_wait3A_785] : memref<4x80x128xf32, #tpu.memory_space<vmem>> -> memref<1x80x128xf32, #tpu.memory_space<vmem>>
    %dma_wait3A_787 = tpu.memref_squeeze %dma_wait3A_786 : memref<1x80x128xf32, #tpu.memory_space<vmem>> -> memref<80x128xf32, #tpu.memory_space<vmem>>
    %dma_wait3A_788 = arith.constant 0 : i32
    %dma_wait3A_789 = tpu.memref_slice %arg6[%dma_wait3A_783, %dma_wait3A_788] : memref<8x80xi32, #tpu.memory_space<vmem>> -> memref<1x80xi32, #tpu.memory_space<vmem>>
    %dma_wait3A_790 = tpu.memref_squeeze %dma_wait3A_789 : memref<1x80xi32, #tpu.memory_space<vmem>> -> memref<80xi32, #tpu.memory_space<vmem>>
    %dma_wait3A_791 = arith.constant 0 : i32
    %dma_wait3A_792 = arith.constant 0 : i32
    %dma_wait3A_793 = tpu.memref_slice %arg8[%dma_wait3A_791, %dma_wait3A_792] : memref<10000x128xf32, #tpu.memory_space<vmem_shared>> -> memref<10000x128xf32, #tpu.memory_space<vmem_shared>>
    tpu.wait_indirect_dma semaphore(%arg22 : memref<!tpu.dma_semaphore, #tpu.memory_space<semaphore_mem>>) src(%dma_wait3A_787 : memref<80x128xf32, #tpu.memory_space<vmem>>) dst(%dma_wait3A_793 : memref<10000x128xf32, #tpu.memory_space<vmem_shared>>)
    %dma_wait3A_794 = arith.constant 1 : i32
    %dma_wait3A_795 = arith.constant 0 : i32
    %dma_wait3A_796 = tpu.memref_slice %arg5[%dma_wait3A_794, %dma_wait3A_795] : memref<8x80xi32, #tpu.memory_space<vmem>> -> memref<1x80xi32, #tpu.memory_space<vmem>>
    %dma_wait3A_797 = tpu.memref_squeeze %dma_wait3A_796 : memref<1x80xi32, #tpu.memory_space<vmem>> -> memref<80xi32, #tpu.memory_space<vmem>>
    %dma_wait3A_798 = arith.constant 0 : i32
    %dma_wait3A_799 = tpu.memref_slice %arg3[%dma_wait3A_798] : memref<640000xi32, #tpu.memory_space<hbm>> -> memref<80xi32, #tpu.memory_space<hbm>>
    %dma_wait3A_800 = arith.constant 0 : i32
    %dma_wait3A_801 = tpu.memref_slice %arg5[%dma_wait3A_794, %dma_wait3A_800] : memref<8x80xi32, #tpu.memory_space<vmem>> -> memref<1x80xi32, #tpu.memory_space<vmem>>
    %dma_wait3A_802 = tpu.memref_squeeze %dma_wait3A_801 : memref<1x80xi32, #tpu.memory_space<vmem>> -> memref<80xi32, #tpu.memory_space<vmem>>
    %dma_wait3A_803 = arith.constant 0 : i32
    %dma_wait3A_804 = tpu.memref_slice %arg3[%dma_wait3A_803] : memref<640000xi32, #tpu.memory_space<hbm>> -> memref<80xi32, #tpu.memory_space<hbm>>
    tpu.wait_dma2 semaphore(%arg10 : memref<!tpu.dma_semaphore, #tpu.memory_space<semaphore_mem>>) src(%dma_wait3A_804 : memref<80xi32, #tpu.memory_space<hbm>>) dst(%dma_wait3A_802 : memref<80xi32, #tpu.memory_space<vmem>>)
    %dma_wait3A_805 = arith.constant 1 : i32
    %dma_wait3A_806 = arith.constant 0 : i32
    %dma_wait3A_807 = tpu.memref_slice %arg6[%dma_wait3A_805, %dma_wait3A_806] : memref<8x80xi32, #tpu.memory_space<vmem>> -> memref<1x80xi32, #tpu.memory_space<vmem>>
    %dma_wait3A_808 = tpu.memref_squeeze %dma_wait3A_807 : memref<1x80xi32, #tpu.memory_space<vmem>> -> memref<80xi32, #tpu.memory_space<vmem>>
    %dma_wait3A_809 = arith.constant 0 : i32
    %dma_wait3A_810 = tpu.memref_slice %arg3[%dma_wait3A_809] : memref<640000xi32, #tpu.memory_space<hbm>> -> memref<80xi32, #tpu.memory_space<hbm>>
    %dma_wait3A_811 = arith.constant 0 : i32
    %dma_wait3A_812 = tpu.memref_slice %arg6[%dma_wait3A_805, %dma_wait3A_811] : memref<8x80xi32, #tpu.memory_space<vmem>> -> memref<1x80xi32, #tpu.memory_space<vmem>>
    %dma_wait3A_813 = tpu.memref_squeeze %dma_wait3A_812 : memref<1x80xi32, #tpu.memory_space<vmem>> -> memref<80xi32, #tpu.memory_space<vmem>>
    %dma_wait3A_814 = arith.constant 0 : i32
    %dma_wait3A_815 = tpu.memref_slice %arg3[%dma_wait3A_814] : memref<640000xi32, #tpu.memory_space<hbm>> -> memref<80xi32, #tpu.memory_space<hbm>>
    tpu.wait_dma2 semaphore(%arg10 : memref<!tpu.dma_semaphore, #tpu.memory_space<semaphore_mem>>) src(%dma_wait3A_815 : memref<80xi32, #tpu.memory_space<hbm>>) dst(%dma_wait3A_813 : memref<80xi32, #tpu.memory_space<vmem>>)
    %dma_start3A_816 = arith.constant 1 : i32
    %dma_start3A_817 = arith.constant 1 : i32
    %dma_start3A_818 = arith.constant 0 : i32
    %dma_start3A_819 = arith.constant 0 : i32
    %dma_start3A_820 = tpu.memref_slice %arg7[%dma_start3A_817, %dma_start3A_818, %dma_start3A_819] : memref<4x80x128xf32, #tpu.memory_space<vmem>> -> memref<1x80x128xf32, #tpu.memory_space<vmem>>
    %dma_start3A_821 = tpu.memref_squeeze %dma_start3A_820 : memref<1x80x128xf32, #tpu.memory_space<vmem>> -> memref<80x128xf32, #tpu.memory_space<vmem>>
    %dma_start3A_822 = arith.constant 0 : i32
    %dma_start3A_823 = tpu.memref_slice %arg5[%dma_start3A_816, %dma_start3A_822] : memref<8x80xi32, #tpu.memory_space<vmem>> -> memref<1x80xi32, #tpu.memory_space<vmem>>
    %dma_start3A_824 = tpu.memref_squeeze %dma_start3A_823 : memref<1x80xi32, #tpu.memory_space<vmem>> -> memref<80xi32, #tpu.memory_space<vmem>>
    %dma_start3A_825 = arith.constant 0 : i32
    %dma_start3A_826 = arith.constant 0 : i32
    %dma_start3A_827 = tpu.memref_slice %arg2[%dma_start3A_825, %dma_start3A_826] : memref<10000x128xf32, #tpu.memory_space<hbm>> -> memref<10000x128xf32, #tpu.memory_space<hbm>>
    tpu.enqueue_indirect_dma source(%dma_start3A_827 : memref<10000x128xf32, #tpu.memory_space<hbm>>) target(%dma_start3A_821 : memref<80x128xf32, #tpu.memory_space<vmem>>) offsets(%dma_start3A_824 : memref<80xi32, #tpu.memory_space<vmem>>) semaphore(%arg18 : memref<!tpu.dma_semaphore, #tpu.memory_space<semaphore_mem>>)
    %add3A_828 = arith.constant 9760 : i32
    %add3A_829 = arith.addi %mul3A_24, %add3A_828 : i32
    %dma_start3A_830 = arith.constant 2 : i32
    %dma_start3A_831 = arith.constant 0 : i32
    %dma_start3A_832 = tpu.memref_slice %arg5[%dma_start3A_830, %dma_start3A_831] : memref<8x80xi32, #tpu.memory_space<vmem>> -> memref<1x80xi32, #tpu.memory_space<vmem>>
    %dma_start3A_833 = tpu.memref_squeeze %dma_start3A_832 : memref<1x80xi32, #tpu.memory_space<vmem>> -> memref<80xi32, #tpu.memory_space<vmem>>
    %dma_start3A_834 = tpu.memref_slice %arg3[%add3A_829] : memref<640000xi32, #tpu.memory_space<hbm>> -> memref<80xi32, #tpu.memory_space<hbm>>
    %dma_start3A_835 = arith.constant 0 : i32
    %dma_start3A_836 = tpu.memref_slice %arg5[%dma_start3A_830, %dma_start3A_835] : memref<8x80xi32, #tpu.memory_space<vmem>> -> memref<1x80xi32, #tpu.memory_space<vmem>>
    %dma_start3A_837 = tpu.memref_squeeze %dma_start3A_836 : memref<1x80xi32, #tpu.memory_space<vmem>> -> memref<80xi32, #tpu.memory_space<vmem>>
    %dma_start3A_838 = tpu.memref_slice %arg3[%add3A_829] : memref<640000xi32, #tpu.memory_space<hbm>> -> memref<80xi32, #tpu.memory_space<hbm>>
    tpu.enqueue_dma source(%dma_start3A_838 : memref<80xi32, #tpu.memory_space<hbm>>) target(%dma_start3A_837 : memref<80xi32, #tpu.memory_space<vmem>>) target_semaphore(%arg11 : memref<!tpu.dma_semaphore, #tpu.memory_space<semaphore_mem>>)
    %add3A_839 = arith.constant 320000 : i32
    %add3A_840 = arith.addi %add3A_839, %add3A_829 : i32
    %dma_start3A_841 = arith.constant 2 : i32
    %dma_start3A_842 = arith.constant 0 : i32
    %dma_start3A_843 = tpu.memref_slice %arg6[%dma_start3A_841, %dma_start3A_842] : memref<8x80xi32, #tpu.memory_space<vmem>> -> memref<1x80xi32, #tpu.memory_space<vmem>>
    %dma_start3A_844 = tpu.memref_squeeze %dma_start3A_843 : memref<1x80xi32, #tpu.memory_space<vmem>> -> memref<80xi32, #tpu.memory_space<vmem>>
    %dma_start3A_845 = tpu.memref_slice %arg3[%add3A_840] : memref<640000xi32, #tpu.memory_space<hbm>> -> memref<80xi32, #tpu.memory_space<hbm>>
    %dma_start3A_846 = arith.constant 0 : i32
    %dma_start3A_847 = tpu.memref_slice %arg6[%dma_start3A_841, %dma_start3A_846] : memref<8x80xi32, #tpu.memory_space<vmem>> -> memref<1x80xi32, #tpu.memory_space<vmem>>
    %dma_start3A_848 = tpu.memref_squeeze %dma_start3A_847 : memref<1x80xi32, #tpu.memory_space<vmem>> -> memref<80xi32, #tpu.memory_space<vmem>>
    %dma_start3A_849 = tpu.memref_slice %arg3[%add3A_840] : memref<640000xi32, #tpu.memory_space<hbm>> -> memref<80xi32, #tpu.memory_space<hbm>>
    tpu.enqueue_dma source(%dma_start3A_849 : memref<80xi32, #tpu.memory_space<hbm>>) target(%dma_start3A_848 : memref<80xi32, #tpu.memory_space<vmem>>) target_semaphore(%arg11 : memref<!tpu.dma_semaphore, #tpu.memory_space<semaphore_mem>>)
    %dma_wait3A_850 = arith.constant 7 : i32
    %dma_wait3A_851 = arith.constant 3 : i32
    %dma_wait3A_852 = arith.constant 0 : i32
    %dma_wait3A_853 = arith.constant 0 : i32
    %dma_wait3A_854 = tpu.memref_slice %arg7[%dma_wait3A_851, %dma_wait3A_852, %dma_wait3A_853] : memref<4x80x128xf32, #tpu.memory_space<vmem>> -> memref<1x80x128xf32, #tpu.memory_space<vmem>>
    %dma_wait3A_855 = tpu.memref_squeeze %dma_wait3A_854 : memref<1x80x128xf32, #tpu.memory_space<vmem>> -> memref<80x128xf32, #tpu.memory_space<vmem>>
    %dma_wait3A_856 = arith.constant 0 : i32
    %dma_wait3A_857 = tpu.memref_slice %arg5[%dma_wait3A_850, %dma_wait3A_856] : memref<8x80xi32, #tpu.memory_space<vmem>> -> memref<1x80xi32, #tpu.memory_space<vmem>>
    %dma_wait3A_858 = tpu.memref_squeeze %dma_wait3A_857 : memref<1x80xi32, #tpu.memory_space<vmem>> -> memref<80xi32, #tpu.memory_space<vmem>>
    %dma_wait3A_859 = arith.constant 0 : i32
    %dma_wait3A_860 = arith.constant 0 : i32
    %dma_wait3A_861 = tpu.memref_slice %arg2[%dma_wait3A_859, %dma_wait3A_860] : memref<10000x128xf32, #tpu.memory_space<hbm>> -> memref<10000x128xf32, #tpu.memory_space<hbm>>
    tpu.wait_indirect_dma semaphore(%arg20 : memref<!tpu.dma_semaphore, #tpu.memory_space<semaphore_mem>>) src(%dma_wait3A_861 : memref<10000x128xf32, #tpu.memory_space<hbm>>) dst(%dma_wait3A_855 : memref<80x128xf32, #tpu.memory_space<vmem>>)
    %dma_start3A_862 = arith.constant 3 : i32
    %dma_start3A_863 = arith.constant 7 : i32
    %dma_start3A_864 = arith.constant 0 : i32
    %dma_start3A_865 = arith.constant 0 : i32
    %dma_start3A_866 = tpu.memref_slice %arg7[%dma_start3A_862, %dma_start3A_864, %dma_start3A_865] : memref<4x80x128xf32, #tpu.memory_space<vmem>> -> memref<1x80x128xf32, #tpu.memory_space<vmem>>
    %dma_start3A_867 = tpu.memref_squeeze %dma_start3A_866 : memref<1x80x128xf32, #tpu.memory_space<vmem>> -> memref<80x128xf32, #tpu.memory_space<vmem>>
    %dma_start3A_868 = arith.constant 0 : i32
    %dma_start3A_869 = tpu.memref_slice %arg6[%dma_start3A_863, %dma_start3A_868] : memref<8x80xi32, #tpu.memory_space<vmem>> -> memref<1x80xi32, #tpu.memory_space<vmem>>
    %dma_start3A_870 = tpu.memref_squeeze %dma_start3A_869 : memref<1x80xi32, #tpu.memory_space<vmem>> -> memref<80xi32, #tpu.memory_space<vmem>>
    %dma_start3A_871 = arith.constant 0 : i32
    %dma_start3A_872 = arith.constant 0 : i32
    %dma_start3A_873 = tpu.memref_slice %arg8[%dma_start3A_871, %dma_start3A_872] : memref<10000x128xf32, #tpu.memory_space<vmem_shared>> -> memref<10000x128xf32, #tpu.memory_space<vmem_shared>>
    tpu.enqueue_indirect_dma source(%dma_start3A_867 : memref<80x128xf32, #tpu.memory_space<vmem>>) target(%dma_start3A_873 : memref<10000x128xf32, #tpu.memory_space<vmem_shared>>) offsets(%dma_start3A_870 : memref<80xi32, #tpu.memory_space<vmem>>) semaphore(%arg24 : memref<!tpu.dma_semaphore, #tpu.memory_space<semaphore_mem>>) {add = true}
    %dma_wait3A_874 = arith.constant 2 : i32
    %dma_wait3A_875 = arith.constant 6 : i32
    %dma_wait3A_876 = arith.constant 0 : i32
    %dma_wait3A_877 = arith.constant 0 : i32
    %dma_wait3A_878 = tpu.memref_slice %arg7[%dma_wait3A_874, %dma_wait3A_876, %dma_wait3A_877] : memref<4x80x128xf32, #tpu.memory_space<vmem>> -> memref<1x80x128xf32, #tpu.memory_space<vmem>>
    %dma_wait3A_879 = tpu.memref_squeeze %dma_wait3A_878 : memref<1x80x128xf32, #tpu.memory_space<vmem>> -> memref<80x128xf32, #tpu.memory_space<vmem>>
    %dma_wait3A_880 = arith.constant 0 : i32
    %dma_wait3A_881 = tpu.memref_slice %arg6[%dma_wait3A_875, %dma_wait3A_880] : memref<8x80xi32, #tpu.memory_space<vmem>> -> memref<1x80xi32, #tpu.memory_space<vmem>>
    %dma_wait3A_882 = tpu.memref_squeeze %dma_wait3A_881 : memref<1x80xi32, #tpu.memory_space<vmem>> -> memref<80xi32, #tpu.memory_space<vmem>>
    %dma_wait3A_883 = arith.constant 0 : i32
    %dma_wait3A_884 = arith.constant 0 : i32
    %dma_wait3A_885 = tpu.memref_slice %arg8[%dma_wait3A_883, %dma_wait3A_884] : memref<10000x128xf32, #tpu.memory_space<vmem_shared>> -> memref<10000x128xf32, #tpu.memory_space<vmem_shared>>
    tpu.wait_indirect_dma semaphore(%arg23 : memref<!tpu.dma_semaphore, #tpu.memory_space<semaphore_mem>>) src(%dma_wait3A_879 : memref<80x128xf32, #tpu.memory_space<vmem>>) dst(%dma_wait3A_885 : memref<10000x128xf32, #tpu.memory_space<vmem_shared>>)
    %dma_wait3A_886 = arith.constant 2 : i32
    %dma_wait3A_887 = arith.constant 0 : i32
    %dma_wait3A_888 = tpu.memref_slice %arg5[%dma_wait3A_886, %dma_wait3A_887] : memref<8x80xi32, #tpu.memory_space<vmem>> -> memref<1x80xi32, #tpu.memory_space<vmem>>
    %dma_wait3A_889 = tpu.memref_squeeze %dma_wait3A_888 : memref<1x80xi32, #tpu.memory_space<vmem>> -> memref<80xi32, #tpu.memory_space<vmem>>
    %dma_wait3A_890 = arith.constant 0 : i32
    %dma_wait3A_891 = tpu.memref_slice %arg3[%dma_wait3A_890] : memref<640000xi32, #tpu.memory_space<hbm>> -> memref<80xi32, #tpu.memory_space<hbm>>
    %dma_wait3A_892 = arith.constant 0 : i32
    %dma_wait3A_893 = tpu.memref_slice %arg5[%dma_wait3A_886, %dma_wait3A_892] : memref<8x80xi32, #tpu.memory_space<vmem>> -> memref<1x80xi32, #tpu.memory_space<vmem>>
    %dma_wait3A_894 = tpu.memref_squeeze %dma_wait3A_893 : memref<1x80xi32, #tpu.memory_space<vmem>> -> memref<80xi32, #tpu.memory_space<vmem>>
    %dma_wait3A_895 = arith.constant 0 : i32
    %dma_wait3A_896 = tpu.memref_slice %arg3[%dma_wait3A_895] : memref<640000xi32, #tpu.memory_space<hbm>> -> memref<80xi32, #tpu.memory_space<hbm>>
    tpu.wait_dma2 semaphore(%arg11 : memref<!tpu.dma_semaphore, #tpu.memory_space<semaphore_mem>>) src(%dma_wait3A_896 : memref<80xi32, #tpu.memory_space<hbm>>) dst(%dma_wait3A_894 : memref<80xi32, #tpu.memory_space<vmem>>)
    %dma_wait3A_897 = arith.constant 2 : i32
    %dma_wait3A_898 = arith.constant 0 : i32
    %dma_wait3A_899 = tpu.memref_slice %arg6[%dma_wait3A_897, %dma_wait3A_898] : memref<8x80xi32, #tpu.memory_space<vmem>> -> memref<1x80xi32, #tpu.memory_space<vmem>>
    %dma_wait3A_900 = tpu.memref_squeeze %dma_wait3A_899 : memref<1x80xi32, #tpu.memory_space<vmem>> -> memref<80xi32, #tpu.memory_space<vmem>>
    %dma_wait3A_901 = arith.constant 0 : i32
    %dma_wait3A_902 = tpu.memref_slice %arg3[%dma_wait3A_901] : memref<640000xi32, #tpu.memory_space<hbm>> -> memref<80xi32, #tpu.memory_space<hbm>>
    %dma_wait3A_903 = arith.constant 0 : i32
    %dma_wait3A_904 = tpu.memref_slice %arg6[%dma_wait3A_897, %dma_wait3A_903] : memref<8x80xi32, #tpu.memory_space<vmem>> -> memref<1x80xi32, #tpu.memory_space<vmem>>
    %dma_wait3A_905 = tpu.memref_squeeze %dma_wait3A_904 : memref<1x80xi32, #tpu.memory_space<vmem>> -> memref<80xi32, #tpu.memory_space<vmem>>
    %dma_wait3A_906 = arith.constant 0 : i32
    %dma_wait3A_907 = tpu.memref_slice %arg3[%dma_wait3A_906] : memref<640000xi32, #tpu.memory_space<hbm>> -> memref<80xi32, #tpu.memory_space<hbm>>
    tpu.wait_dma2 semaphore(%arg11 : memref<!tpu.dma_semaphore, #tpu.memory_space<semaphore_mem>>) src(%dma_wait3A_907 : memref<80xi32, #tpu.memory_space<hbm>>) dst(%dma_wait3A_905 : memref<80xi32, #tpu.memory_space<vmem>>)
    %dma_start3A_908 = arith.constant 2 : i32
    %dma_start3A_909 = arith.constant 2 : i32
    %dma_start3A_910 = arith.constant 0 : i32
    %dma_start3A_911 = arith.constant 0 : i32
    %dma_start3A_912 = tpu.memref_slice %arg7[%dma_start3A_909, %dma_start3A_910, %dma_start3A_911] : memref<4x80x128xf32, #tpu.memory_space<vmem>> -> memref<1x80x128xf32, #tpu.memory_space<vmem>>
    %dma_start3A_913 = tpu.memref_squeeze %dma_start3A_912 : memref<1x80x128xf32, #tpu.memory_space<vmem>> -> memref<80x128xf32, #tpu.memory_space<vmem>>
    %dma_start3A_914 = arith.constant 0 : i32
    %dma_start3A_915 = tpu.memref_slice %arg5[%dma_start3A_908, %dma_start3A_914] : memref<8x80xi32, #tpu.memory_space<vmem>> -> memref<1x80xi32, #tpu.memory_space<vmem>>
    %dma_start3A_916 = tpu.memref_squeeze %dma_start3A_915 : memref<1x80xi32, #tpu.memory_space<vmem>> -> memref<80xi32, #tpu.memory_space<vmem>>
    %dma_start3A_917 = arith.constant 0 : i32
    %dma_start3A_918 = arith.constant 0 : i32
    %dma_start3A_919 = tpu.memref_slice %arg2[%dma_start3A_917, %dma_start3A_918] : memref<10000x128xf32, #tpu.memory_space<hbm>> -> memref<10000x128xf32, #tpu.memory_space<hbm>>
    tpu.enqueue_indirect_dma source(%dma_start3A_919 : memref<10000x128xf32, #tpu.memory_space<hbm>>) target(%dma_start3A_913 : memref<80x128xf32, #tpu.memory_space<vmem>>) offsets(%dma_start3A_916 : memref<80xi32, #tpu.memory_space<vmem>>) semaphore(%arg19 : memref<!tpu.dma_semaphore, #tpu.memory_space<semaphore_mem>>)
    %add3A_920 = arith.constant 9840 : i32
    %add3A_921 = arith.addi %mul3A_24, %add3A_920 : i32
    %dma_start3A_922 = arith.constant 3 : i32
    %dma_start3A_923 = arith.constant 0 : i32
    %dma_start3A_924 = tpu.memref_slice %arg5[%dma_start3A_922, %dma_start3A_923] : memref<8x80xi32, #tpu.memory_space<vmem>> -> memref<1x80xi32, #tpu.memory_space<vmem>>
    %dma_start3A_925 = tpu.memref_squeeze %dma_start3A_924 : memref<1x80xi32, #tpu.memory_space<vmem>> -> memref<80xi32, #tpu.memory_space<vmem>>
    %dma_start3A_926 = tpu.memref_slice %arg3[%add3A_921] : memref<640000xi32, #tpu.memory_space<hbm>> -> memref<80xi32, #tpu.memory_space<hbm>>
    %dma_start3A_927 = arith.constant 0 : i32
    %dma_start3A_928 = tpu.memref_slice %arg5[%dma_start3A_922, %dma_start3A_927] : memref<8x80xi32, #tpu.memory_space<vmem>> -> memref<1x80xi32, #tpu.memory_space<vmem>>
    %dma_start3A_929 = tpu.memref_squeeze %dma_start3A_928 : memref<1x80xi32, #tpu.memory_space<vmem>> -> memref<80xi32, #tpu.memory_space<vmem>>
    %dma_start3A_930 = tpu.memref_slice %arg3[%add3A_921] : memref<640000xi32, #tpu.memory_space<hbm>> -> memref<80xi32, #tpu.memory_space<hbm>>
    tpu.enqueue_dma source(%dma_start3A_930 : memref<80xi32, #tpu.memory_space<hbm>>) target(%dma_start3A_929 : memref<80xi32, #tpu.memory_space<vmem>>) target_semaphore(%arg12 : memref<!tpu.dma_semaphore, #tpu.memory_space<semaphore_mem>>)
    %add3A_931 = arith.constant 320000 : i32
    %add3A_932 = arith.addi %add3A_931, %add3A_921 : i32
    %dma_start3A_933 = arith.constant 3 : i32
    %dma_start3A_934 = arith.constant 0 : i32
    %dma_start3A_935 = tpu.memref_slice %arg6[%dma_start3A_933, %dma_start3A_934] : memref<8x80xi32, #tpu.memory_space<vmem>> -> memref<1x80xi32, #tpu.memory_space<vmem>>
    %dma_start3A_936 = tpu.memref_squeeze %dma_start3A_935 : memref<1x80xi32, #tpu.memory_space<vmem>> -> memref<80xi32, #tpu.memory_space<vmem>>
    %dma_start3A_937 = tpu.memref_slice %arg3[%add3A_932] : memref<640000xi32, #tpu.memory_space<hbm>> -> memref<80xi32, #tpu.memory_space<hbm>>
    %dma_start3A_938 = arith.constant 0 : i32
    %dma_start3A_939 = tpu.memref_slice %arg6[%dma_start3A_933, %dma_start3A_938] : memref<8x80xi32, #tpu.memory_space<vmem>> -> memref<1x80xi32, #tpu.memory_space<vmem>>
    %dma_start3A_940 = tpu.memref_squeeze %dma_start3A_939 : memref<1x80xi32, #tpu.memory_space<vmem>> -> memref<80xi32, #tpu.memory_space<vmem>>
    %dma_start3A_941 = tpu.memref_slice %arg3[%add3A_932] : memref<640000xi32, #tpu.memory_space<hbm>> -> memref<80xi32, #tpu.memory_space<hbm>>
    tpu.enqueue_dma source(%dma_start3A_941 : memref<80xi32, #tpu.memory_space<hbm>>) target(%dma_start3A_940 : memref<80xi32, #tpu.memory_space<vmem>>) target_semaphore(%arg12 : memref<!tpu.dma_semaphore, #tpu.memory_space<semaphore_mem>>)
    %dma_wait3A_942 = arith.constant 0 : i32
    %dma_wait3A_943 = arith.constant 0 : i32
    %dma_wait3A_944 = arith.constant 0 : i32
    %dma_wait3A_945 = arith.constant 0 : i32
    %dma_wait3A_946 = tpu.memref_slice %arg7[%dma_wait3A_943, %dma_wait3A_944, %dma_wait3A_945] : memref<4x80x128xf32, #tpu.memory_space<vmem>> -> memref<1x80x128xf32, #tpu.memory_space<vmem>>
    %dma_wait3A_947 = tpu.memref_squeeze %dma_wait3A_946 : memref<1x80x128xf32, #tpu.memory_space<vmem>> -> memref<80x128xf32, #tpu.memory_space<vmem>>
    %dma_wait3A_948 = arith.constant 0 : i32
    %dma_wait3A_949 = tpu.memref_slice %arg5[%dma_wait3A_942, %dma_wait3A_948] : memref<8x80xi32, #tpu.memory_space<vmem>> -> memref<1x80xi32, #tpu.memory_space<vmem>>
    %dma_wait3A_950 = tpu.memref_squeeze %dma_wait3A_949 : memref<1x80xi32, #tpu.memory_space<vmem>> -> memref<80xi32, #tpu.memory_space<vmem>>
    %dma_wait3A_951 = arith.constant 0 : i32
    %dma_wait3A_952 = arith.constant 0 : i32
    %dma_wait3A_953 = tpu.memref_slice %arg2[%dma_wait3A_951, %dma_wait3A_952] : memref<10000x128xf32, #tpu.memory_space<hbm>> -> memref<10000x128xf32, #tpu.memory_space<hbm>>
    tpu.wait_indirect_dma semaphore(%arg17 : memref<!tpu.dma_semaphore, #tpu.memory_space<semaphore_mem>>) src(%dma_wait3A_953 : memref<10000x128xf32, #tpu.memory_space<hbm>>) dst(%dma_wait3A_947 : memref<80x128xf32, #tpu.memory_space<vmem>>)
    %dma_start3A_954 = arith.constant 0 : i32
    %dma_start3A_955 = arith.constant 0 : i32
    %dma_start3A_956 = arith.constant 0 : i32
    %dma_start3A_957 = arith.constant 0 : i32
    %dma_start3A_958 = tpu.memref_slice %arg7[%dma_start3A_954, %dma_start3A_956, %dma_start3A_957] : memref<4x80x128xf32, #tpu.memory_space<vmem>> -> memref<1x80x128xf32, #tpu.memory_space<vmem>>
    %dma_start3A_959 = tpu.memref_squeeze %dma_start3A_958 : memref<1x80x128xf32, #tpu.memory_space<vmem>> -> memref<80x128xf32, #tpu.memory_space<vmem>>
    %dma_start3A_960 = arith.constant 0 : i32
    %dma_start3A_961 = tpu.memref_slice %arg6[%dma_start3A_955, %dma_start3A_960] : memref<8x80xi32, #tpu.memory_space<vmem>> -> memref<1x80xi32, #tpu.memory_space<vmem>>
    %dma_start3A_962 = tpu.memref_squeeze %dma_start3A_961 : memref<1x80xi32, #tpu.memory_space<vmem>> -> memref<80xi32, #tpu.memory_space<vmem>>
    %dma_start3A_963 = arith.constant 0 : i32
    %dma_start3A_964 = arith.constant 0 : i32
    %dma_start3A_965 = tpu.memref_slice %arg8[%dma_start3A_963, %dma_start3A_964] : memref<10000x128xf32, #tpu.memory_space<vmem_shared>> -> memref<10000x128xf32, #tpu.memory_space<vmem_shared>>
    tpu.enqueue_indirect_dma source(%dma_start3A_959 : memref<80x128xf32, #tpu.memory_space<vmem>>) target(%dma_start3A_965 : memref<10000x128xf32, #tpu.memory_space<vmem_shared>>) offsets(%dma_start3A_962 : memref<80xi32, #tpu.memory_space<vmem>>) semaphore(%arg21 : memref<!tpu.dma_semaphore, #tpu.memory_space<semaphore_mem>>) {add = true}
    %dma_wait3A_966 = arith.constant 3 : i32
    %dma_wait3A_967 = arith.constant 7 : i32
    %dma_wait3A_968 = arith.constant 0 : i32
    %dma_wait3A_969 = arith.constant 0 : i32
    %dma_wait3A_970 = tpu.memref_slice %arg7[%dma_wait3A_966, %dma_wait3A_968, %dma_wait3A_969] : memref<4x80x128xf32, #tpu.memory_space<vmem>> -> memref<1x80x128xf32, #tpu.memory_space<vmem>>
    %dma_wait3A_971 = tpu.memref_squeeze %dma_wait3A_970 : memref<1x80x128xf32, #tpu.memory_space<vmem>> -> memref<80x128xf32, #tpu.memory_space<vmem>>
    %dma_wait3A_972 = arith.constant 0 : i32
    %dma_wait3A_973 = tpu.memref_slice %arg6[%dma_wait3A_967, %dma_wait3A_972] : memref<8x80xi32, #tpu.memory_space<vmem>> -> memref<1x80xi32, #tpu.memory_space<vmem>>
    %dma_wait3A_974 = tpu.memref_squeeze %dma_wait3A_973 : memref<1x80xi32, #tpu.memory_space<vmem>> -> memref<80xi32, #tpu.memory_space<vmem>>
    %dma_wait3A_975 = arith.constant 0 : i32
    %dma_wait3A_976 = arith.constant 0 : i32
    %dma_wait3A_977 = tpu.memref_slice %arg8[%dma_wait3A_975, %dma_wait3A_976] : memref<10000x128xf32, #tpu.memory_space<vmem_shared>> -> memref<10000x128xf32, #tpu.memory_space<vmem_shared>>
    tpu.wait_indirect_dma semaphore(%arg24 : memref<!tpu.dma_semaphore, #tpu.memory_space<semaphore_mem>>) src(%dma_wait3A_971 : memref<80x128xf32, #tpu.memory_space<vmem>>) dst(%dma_wait3A_977 : memref<10000x128xf32, #tpu.memory_space<vmem_shared>>)
    %dma_wait3A_978 = arith.constant 3 : i32
    %dma_wait3A_979 = arith.constant 0 : i32
    %dma_wait3A_980 = tpu.memref_slice %arg5[%dma_wait3A_978, %dma_wait3A_979] : memref<8x80xi32, #tpu.memory_space<vmem>> -> memref<1x80xi32, #tpu.memory_space<vmem>>
    %dma_wait3A_981 = tpu.memref_squeeze %dma_wait3A_980 : memref<1x80xi32, #tpu.memory_space<vmem>> -> memref<80xi32, #tpu.memory_space<vmem>>
    %dma_wait3A_982 = arith.constant 0 : i32
    %dma_wait3A_983 = tpu.memref_slice %arg3[%dma_wait3A_982] : memref<640000xi32, #tpu.memory_space<hbm>> -> memref<80xi32, #tpu.memory_space<hbm>>
    %dma_wait3A_984 = arith.constant 0 : i32
    %dma_wait3A_985 = tpu.memref_slice %arg5[%dma_wait3A_978, %dma_wait3A_984] : memref<8x80xi32, #tpu.memory_space<vmem>> -> memref<1x80xi32, #tpu.memory_space<vmem>>
    %dma_wait3A_986 = tpu.memref_squeeze %dma_wait3A_985 : memref<1x80xi32, #tpu.memory_space<vmem>> -> memref<80xi32, #tpu.memory_space<vmem>>
    %dma_wait3A_987 = arith.constant 0 : i32
    %dma_wait3A_988 = tpu.memref_slice %arg3[%dma_wait3A_987] : memref<640000xi32, #tpu.memory_space<hbm>> -> memref<80xi32, #tpu.memory_space<hbm>>
    tpu.wait_dma2 semaphore(%arg12 : memref<!tpu.dma_semaphore, #tpu.memory_space<semaphore_mem>>) src(%dma_wait3A_988 : memref<80xi32, #tpu.memory_space<hbm>>) dst(%dma_wait3A_986 : memref<80xi32, #tpu.memory_space<vmem>>)
    %dma_wait3A_989 = arith.constant 3 : i32
    %dma_wait3A_990 = arith.constant 0 : i32
    %dma_wait3A_991 = tpu.memref_slice %arg6[%dma_wait3A_989, %dma_wait3A_990] : memref<8x80xi32, #tpu.memory_space<vmem>> -> memref<1x80xi32, #tpu.memory_space<vmem>>
    %dma_wait3A_992 = tpu.memref_squeeze %dma_wait3A_991 : memref<1x80xi32, #tpu.memory_space<vmem>> -> memref<80xi32, #tpu.memory_space<vmem>>
    %dma_wait3A_993 = arith.constant 0 : i32
    %dma_wait3A_994 = tpu.memref_slice %arg3[%dma_wait3A_993] : memref<640000xi32, #tpu.memory_space<hbm>> -> memref<80xi32, #tpu.memory_space<hbm>>
    %dma_wait3A_995 = arith.constant 0 : i32
    %dma_wait3A_996 = tpu.memref_slice %arg6[%dma_wait3A_989, %dma_wait3A_995] : memref<8x80xi32, #tpu.memory_space<vmem>> -> memref<1x80xi32, #tpu.memory_space<vmem>>
    %dma_wait3A_997 = tpu.memref_squeeze %dma_wait3A_996 : memref<1x80xi32, #tpu.memory_space<vmem>> -> memref<80xi32, #tpu.memory_space<vmem>>
    %dma_wait3A_998 = arith.constant 0 : i32
    %dma_wait3A_999 = tpu.memref_slice %arg3[%dma_wait3A_998] : memref<640000xi32, #tpu.memory_space<hbm>> -> memref<80xi32, #tpu.memory_space<hbm>>
    tpu.wait_dma2 semaphore(%arg12 : memref<!tpu.dma_semaphore, #tpu.memory_space<semaphore_mem>>) src(%dma_wait3A_999 : memref<80xi32, #tpu.memory_space<hbm>>) dst(%dma_wait3A_997 : memref<80xi32, #tpu.memory_space<vmem>>)
    %dma_start3A_1000 = arith.constant 3 : i32
    %dma_start3A_1001 = arith.constant 3 : i32
    %dma_start3A_1002 = arith.constant 0 : i32
    %dma_start3A_1003 = arith.constant 0 : i32
    %dma_start3A_1004 = tpu.memref_slice %arg7[%dma_start3A_1001, %dma_start3A_1002, %dma_start3A_1003] : memref<4x80x128xf32, #tpu.memory_space<vmem>> -> memref<1x80x128xf32, #tpu.memory_space<vmem>>
    %dma_start3A_1005 = tpu.memref_squeeze %dma_start3A_1004 : memref<1x80x128xf32, #tpu.memory_space<vmem>> -> memref<80x128xf32, #tpu.memory_space<vmem>>
    %dma_start3A_1006 = arith.constant 0 : i32
    %dma_start3A_1007 = tpu.memref_slice %arg5[%dma_start3A_1000, %dma_start3A_1006] : memref<8x80xi32, #tpu.memory_space<vmem>> -> memref<1x80xi32, #tpu.memory_space<vmem>>
    %dma_start3A_1008 = tpu.memref_squeeze %dma_start3A_1007 : memref<1x80xi32, #tpu.memory_space<vmem>> -> memref<80xi32, #tpu.memory_space<vmem>>
    %dma_start3A_1009 = arith.constant 0 : i32
    %dma_start3A_1010 = arith.constant 0 : i32
    %dma_start3A_1011 = tpu.memref_slice %arg2[%dma_start3A_1009, %dma_start3A_1010] : memref<10000x128xf32, #tpu.memory_space<hbm>> -> memref<10000x128xf32, #tpu.memory_space<hbm>>
    tpu.enqueue_indirect_dma source(%dma_start3A_1011 : memref<10000x128xf32, #tpu.memory_space<hbm>>) target(%dma_start3A_1005 : memref<80x128xf32, #tpu.memory_space<vmem>>) offsets(%dma_start3A_1008 : memref<80xi32, #tpu.memory_space<vmem>>) semaphore(%arg20 : memref<!tpu.dma_semaphore, #tpu.memory_space<semaphore_mem>>)
    %add3A_1012 = arith.constant 9920 : i32
    %add3A_1013 = arith.addi %mul3A_24, %add3A_1012 : i32
    %dma_start3A_1014 = arith.constant 4 : i32
    %dma_start3A_1015 = arith.constant 0 : i32
    %dma_start3A_1016 = tpu.memref_slice %arg5[%dma_start3A_1014, %dma_start3A_1015] : memref<8x80xi32, #tpu.memory_space<vmem>> -> memref<1x80xi32, #tpu.memory_space<vmem>>
    %dma_start3A_1017 = tpu.memref_squeeze %dma_start3A_1016 : memref<1x80xi32, #tpu.memory_space<vmem>> -> memref<80xi32, #tpu.memory_space<vmem>>
    %dma_start3A_1018 = tpu.memref_slice %arg3[%add3A_1013] : memref<640000xi32, #tpu.memory_space<hbm>> -> memref<80xi32, #tpu.memory_space<hbm>>
    %dma_start3A_1019 = arith.constant 0 : i32
    %dma_start3A_1020 = tpu.memref_slice %arg5[%dma_start3A_1014, %dma_start3A_1019] : memref<8x80xi32, #tpu.memory_space<vmem>> -> memref<1x80xi32, #tpu.memory_space<vmem>>
    %dma_start3A_1021 = tpu.memref_squeeze %dma_start3A_1020 : memref<1x80xi32, #tpu.memory_space<vmem>> -> memref<80xi32, #tpu.memory_space<vmem>>
    %dma_start3A_1022 = tpu.memref_slice %arg3[%add3A_1013] : memref<640000xi32, #tpu.memory_space<hbm>> -> memref<80xi32, #tpu.memory_space<hbm>>
    tpu.enqueue_dma source(%dma_start3A_1022 : memref<80xi32, #tpu.memory_space<hbm>>) target(%dma_start3A_1021 : memref<80xi32, #tpu.memory_space<vmem>>) target_semaphore(%arg13 : memref<!tpu.dma_semaphore, #tpu.memory_space<semaphore_mem>>)
    %add3A_1023 = arith.constant 320000 : i32
    %add3A_1024 = arith.addi %add3A_1023, %add3A_1013 : i32
    %dma_start3A_1025 = arith.constant 4 : i32
    %dma_start3A_1026 = arith.constant 0 : i32
    %dma_start3A_1027 = tpu.memref_slice %arg6[%dma_start3A_1025, %dma_start3A_1026] : memref<8x80xi32, #tpu.memory_space<vmem>> -> memref<1x80xi32, #tpu.memory_space<vmem>>
    %dma_start3A_1028 = tpu.memref_squeeze %dma_start3A_1027 : memref<1x80xi32, #tpu.memory_space<vmem>> -> memref<80xi32, #tpu.memory_space<vmem>>
    %dma_start3A_1029 = tpu.memref_slice %arg3[%add3A_1024] : memref<640000xi32, #tpu.memory_space<hbm>> -> memref<80xi32, #tpu.memory_space<hbm>>
    %dma_start3A_1030 = arith.constant 0 : i32
    %dma_start3A_1031 = tpu.memref_slice %arg6[%dma_start3A_1025, %dma_start3A_1030] : memref<8x80xi32, #tpu.memory_space<vmem>> -> memref<1x80xi32, #tpu.memory_space<vmem>>
    %dma_start3A_1032 = tpu.memref_squeeze %dma_start3A_1031 : memref<1x80xi32, #tpu.memory_space<vmem>> -> memref<80xi32, #tpu.memory_space<vmem>>
    %dma_start3A_1033 = tpu.memref_slice %arg3[%add3A_1024] : memref<640000xi32, #tpu.memory_space<hbm>> -> memref<80xi32, #tpu.memory_space<hbm>>
    tpu.enqueue_dma source(%dma_start3A_1033 : memref<80xi32, #tpu.memory_space<hbm>>) target(%dma_start3A_1032 : memref<80xi32, #tpu.memory_space<vmem>>) target_semaphore(%arg13 : memref<!tpu.dma_semaphore, #tpu.memory_space<semaphore_mem>>)
    %dma_wait3A_1034 = arith.constant 1 : i32
    %dma_wait3A_1035 = arith.constant 1 : i32
    %dma_wait3A_1036 = arith.constant 0 : i32
    %dma_wait3A_1037 = arith.constant 0 : i32
    %dma_wait3A_1038 = tpu.memref_slice %arg7[%dma_wait3A_1035, %dma_wait3A_1036, %dma_wait3A_1037] : memref<4x80x128xf32, #tpu.memory_space<vmem>> -> memref<1x80x128xf32, #tpu.memory_space<vmem>>
    %dma_wait3A_1039 = tpu.memref_squeeze %dma_wait3A_1038 : memref<1x80x128xf32, #tpu.memory_space<vmem>> -> memref<80x128xf32, #tpu.memory_space<vmem>>
    %dma_wait3A_1040 = arith.constant 0 : i32
    %dma_wait3A_1041 = tpu.memref_slice %arg5[%dma_wait3A_1034, %dma_wait3A_1040] : memref<8x80xi32, #tpu.memory_space<vmem>> -> memref<1x80xi32, #tpu.memory_space<vmem>>
    %dma_wait3A_1042 = tpu.memref_squeeze %dma_wait3A_1041 : memref<1x80xi32, #tpu.memory_space<vmem>> -> memref<80xi32, #tpu.memory_space<vmem>>
    %dma_wait3A_1043 = arith.constant 0 : i32
    %dma_wait3A_1044 = arith.constant 0 : i32
    %dma_wait3A_1045 = tpu.memref_slice %arg2[%dma_wait3A_1043, %dma_wait3A_1044] : memref<10000x128xf32, #tpu.memory_space<hbm>> -> memref<10000x128xf32, #tpu.memory_space<hbm>>
    tpu.wait_indirect_dma semaphore(%arg18 : memref<!tpu.dma_semaphore, #tpu.memory_space<semaphore_mem>>) src(%dma_wait3A_1045 : memref<10000x128xf32, #tpu.memory_space<hbm>>) dst(%dma_wait3A_1039 : memref<80x128xf32, #tpu.memory_space<vmem>>)
    %dma_start3A_1046 = arith.constant 1 : i32
    %dma_start3A_1047 = arith.constant 1 : i32
    %dma_start3A_1048 = arith.constant 0 : i32
    %dma_start3A_1049 = arith.constant 0 : i32
    %dma_start3A_1050 = tpu.memref_slice %arg7[%dma_start3A_1046, %dma_start3A_1048, %dma_start3A_1049] : memref<4x80x128xf32, #tpu.memory_space<vmem>> -> memref<1x80x128xf32, #tpu.memory_space<vmem>>
    %dma_start3A_1051 = tpu.memref_squeeze %dma_start3A_1050 : memref<1x80x128xf32, #tpu.memory_space<vmem>> -> memref<80x128xf32, #tpu.memory_space<vmem>>
    %dma_start3A_1052 = arith.constant 0 : i32
    %dma_start3A_1053 = tpu.memref_slice %arg6[%dma_start3A_1047, %dma_start3A_1052] : memref<8x80xi32, #tpu.memory_space<vmem>> -> memref<1x80xi32, #tpu.memory_space<vmem>>
    %dma_start3A_1054 = tpu.memref_squeeze %dma_start3A_1053 : memref<1x80xi32, #tpu.memory_space<vmem>> -> memref<80xi32, #tpu.memory_space<vmem>>
    %dma_start3A_1055 = arith.constant 0 : i32
    %dma_start3A_1056 = arith.constant 0 : i32
    %dma_start3A_1057 = tpu.memref_slice %arg8[%dma_start3A_1055, %dma_start3A_1056] : memref<10000x128xf32, #tpu.memory_space<vmem_shared>> -> memref<10000x128xf32, #tpu.memory_space<vmem_shared>>
    tpu.enqueue_indirect_dma source(%dma_start3A_1051 : memref<80x128xf32, #tpu.memory_space<vmem>>) target(%dma_start3A_1057 : memref<10000x128xf32, #tpu.memory_space<vmem_shared>>) offsets(%dma_start3A_1054 : memref<80xi32, #tpu.memory_space<vmem>>) semaphore(%arg22 : memref<!tpu.dma_semaphore, #tpu.memory_space<semaphore_mem>>) {add = true}
    %dma_wait3A_1058 = arith.constant 0 : i32
    %dma_wait3A_1059 = arith.constant 0 : i32
    %dma_wait3A_1060 = arith.constant 0 : i32
    %dma_wait3A_1061 = arith.constant 0 : i32
    %dma_wait3A_1062 = tpu.memref_slice %arg7[%dma_wait3A_1058, %dma_wait3A_1060, %dma_wait3A_1061] : memref<4x80x128xf32, #tpu.memory_space<vmem>> -> memref<1x80x128xf32, #tpu.memory_space<vmem>>
    %dma_wait3A_1063 = tpu.memref_squeeze %dma_wait3A_1062 : memref<1x80x128xf32, #tpu.memory_space<vmem>> -> memref<80x128xf32, #tpu.memory_space<vmem>>
    %dma_wait3A_1064 = arith.constant 0 : i32
    %dma_wait3A_1065 = tpu.memref_slice %arg6[%dma_wait3A_1059, %dma_wait3A_1064] : memref<8x80xi32, #tpu.memory_space<vmem>> -> memref<1x80xi32, #tpu.memory_space<vmem>>
    %dma_wait3A_1066 = tpu.memref_squeeze %dma_wait3A_1065 : memref<1x80xi32, #tpu.memory_space<vmem>> -> memref<80xi32, #tpu.memory_space<vmem>>
    %dma_wait3A_1067 = arith.constant 0 : i32
    %dma_wait3A_1068 = arith.constant 0 : i32
    %dma_wait3A_1069 = tpu.memref_slice %arg8[%dma_wait3A_1067, %dma_wait3A_1068] : memref<10000x128xf32, #tpu.memory_space<vmem_shared>> -> memref<10000x128xf32, #tpu.memory_space<vmem_shared>>
    tpu.wait_indirect_dma semaphore(%arg21 : memref<!tpu.dma_semaphore, #tpu.memory_space<semaphore_mem>>) src(%dma_wait3A_1063 : memref<80x128xf32, #tpu.memory_space<vmem>>) dst(%dma_wait3A_1069 : memref<10000x128xf32, #tpu.memory_space<vmem_shared>>)
    %dma_wait3A_1070 = arith.constant 4 : i32
    %dma_wait3A_1071 = arith.constant 0 : i32
    %dma_wait3A_1072 = tpu.memref_slice %arg5[%dma_wait3A_1070, %dma_wait3A_1071] : memref<8x80xi32, #tpu.memory_space<vmem>> -> memref<1x80xi32, #tpu.memory_space<vmem>>
    %dma_wait3A_1073 = tpu.memref_squeeze %dma_wait3A_1072 : memref<1x80xi32, #tpu.memory_space<vmem>> -> memref<80xi32, #tpu.memory_space<vmem>>
    %dma_wait3A_1074 = arith.constant 0 : i32
    %dma_wait3A_1075 = tpu.memref_slice %arg3[%dma_wait3A_1074] : memref<640000xi32, #tpu.memory_space<hbm>> -> memref<80xi32, #tpu.memory_space<hbm>>
    %dma_wait3A_1076 = arith.constant 0 : i32
    %dma_wait3A_1077 = tpu.memref_slice %arg5[%dma_wait3A_1070, %dma_wait3A_1076] : memref<8x80xi32, #tpu.memory_space<vmem>> -> memref<1x80xi32, #tpu.memory_space<vmem>>
    %dma_wait3A_1078 = tpu.memref_squeeze %dma_wait3A_1077 : memref<1x80xi32, #tpu.memory_space<vmem>> -> memref<80xi32, #tpu.memory_space<vmem>>
    %dma_wait3A_1079 = arith.constant 0 : i32
    %dma_wait3A_1080 = tpu.memref_slice %arg3[%dma_wait3A_1079] : memref<640000xi32, #tpu.memory_space<hbm>> -> memref<80xi32, #tpu.memory_space<hbm>>
    tpu.wait_dma2 semaphore(%arg13 : memref<!tpu.dma_semaphore, #tpu.memory_space<semaphore_mem>>) src(%dma_wait3A_1080 : memref<80xi32, #tpu.memory_space<hbm>>) dst(%dma_wait3A_1078 : memref<80xi32, #tpu.memory_space<vmem>>)
    %dma_wait3A_1081 = arith.constant 4 : i32
    %dma_wait3A_1082 = arith.constant 0 : i32
    %dma_wait3A_1083 = tpu.memref_slice %arg6[%dma_wait3A_1081, %dma_wait3A_1082] : memref<8x80xi32, #tpu.memory_space<vmem>> -> memref<1x80xi32, #tpu.memory_space<vmem>>
    %dma_wait3A_1084 = tpu.memref_squeeze %dma_wait3A_1083 : memref<1x80xi32, #tpu.memory_space<vmem>> -> memref<80xi32, #tpu.memory_space<vmem>>
    %dma_wait3A_1085 = arith.constant 0 : i32
    %dma_wait3A_1086 = tpu.memref_slice %arg3[%dma_wait3A_1085] : memref<640000xi32, #tpu.memory_space<hbm>> -> memref<80xi32, #tpu.memory_space<hbm>>
    %dma_wait3A_1087 = arith.constant 0 : i32
    %dma_wait3A_1088 = tpu.memref_slice %arg6[%dma_wait3A_1081, %dma_wait3A_1087] : memref<8x80xi32, #tpu.memory_space<vmem>> -> memref<1x80xi32, #tpu.memory_space<vmem>>
    %dma_wait3A_1089 = tpu.memref_squeeze %dma_wait3A_1088 : memref<1x80xi32, #tpu.memory_space<vmem>> -> memref<80xi32, #tpu.memory_space<vmem>>
    %dma_wait3A_1090 = arith.constant 0 : i32
    %dma_wait3A_1091 = tpu.memref_slice %arg3[%dma_wait3A_1090] : memref<640000xi32, #tpu.memory_space<hbm>> -> memref<80xi32, #tpu.memory_space<hbm>>
    tpu.wait_dma2 semaphore(%arg13 : memref<!tpu.dma_semaphore, #tpu.memory_space<semaphore_mem>>) src(%dma_wait3A_1091 : memref<80xi32, #tpu.memory_space<hbm>>) dst(%dma_wait3A_1089 : memref<80xi32, #tpu.memory_space<vmem>>)
    %dma_start3A_1092 = arith.constant 4 : i32
    %dma_start3A_1093 = arith.constant 0 : i32
    %dma_start3A_1094 = arith.constant 0 : i32
    %dma_start3A_1095 = arith.constant 0 : i32
    %dma_start3A_1096 = tpu.memref_slice %arg7[%dma_start3A_1093, %dma_start3A_1094, %dma_start3A_1095] : memref<4x80x128xf32, #tpu.memory_space<vmem>> -> memref<1x80x128xf32, #tpu.memory_space<vmem>>
    %dma_start3A_1097 = tpu.memref_squeeze %dma_start3A_1096 : memref<1x80x128xf32, #tpu.memory_space<vmem>> -> memref<80x128xf32, #tpu.memory_space<vmem>>
    %dma_start3A_1098 = arith.constant 0 : i32
    %dma_start3A_1099 = tpu.memref_slice %arg5[%dma_start3A_1092, %dma_start3A_1098] : memref<8x80xi32, #tpu.memory_space<vmem>> -> memref<1x80xi32, #tpu.memory_space<vmem>>
    %dma_start3A_1100 = tpu.memref_squeeze %dma_start3A_1099 : memref<1x80xi32, #tpu.memory_space<vmem>> -> memref<80xi32, #tpu.memory_space<vmem>>
    %dma_start3A_1101 = arith.constant 0 : i32
    %dma_start3A_1102 = arith.constant 0 : i32
    %dma_start3A_1103 = tpu.memref_slice %arg2[%dma_start3A_1101, %dma_start3A_1102] : memref<10000x128xf32, #tpu.memory_space<hbm>> -> memref<10000x128xf32, #tpu.memory_space<hbm>>
    tpu.enqueue_indirect_dma source(%dma_start3A_1103 : memref<10000x128xf32, #tpu.memory_space<hbm>>) target(%dma_start3A_1097 : memref<80x128xf32, #tpu.memory_space<vmem>>) offsets(%dma_start3A_1100 : memref<80xi32, #tpu.memory_space<vmem>>) semaphore(%arg17 : memref<!tpu.dma_semaphore, #tpu.memory_space<semaphore_mem>>)
    %dma_wait3A_1104 = arith.constant 2 : i32
    %dma_wait3A_1105 = arith.constant 2 : i32
    %dma_wait3A_1106 = arith.constant 0 : i32
    %dma_wait3A_1107 = arith.constant 0 : i32
    %dma_wait3A_1108 = tpu.memref_slice %arg7[%dma_wait3A_1105, %dma_wait3A_1106, %dma_wait3A_1107] : memref<4x80x128xf32, #tpu.memory_space<vmem>> -> memref<1x80x128xf32, #tpu.memory_space<vmem>>
    %dma_wait3A_1109 = tpu.memref_squeeze %dma_wait3A_1108 : memref<1x80x128xf32, #tpu.memory_space<vmem>> -> memref<80x128xf32, #tpu.memory_space<vmem>>
    %dma_wait3A_1110 = arith.constant 0 : i32
    %dma_wait3A_1111 = tpu.memref_slice %arg5[%dma_wait3A_1104, %dma_wait3A_1110] : memref<8x80xi32, #tpu.memory_space<vmem>> -> memref<1x80xi32, #tpu.memory_space<vmem>>
    %dma_wait3A_1112 = tpu.memref_squeeze %dma_wait3A_1111 : memref<1x80xi32, #tpu.memory_space<vmem>> -> memref<80xi32, #tpu.memory_space<vmem>>
    %dma_wait3A_1113 = arith.constant 0 : i32
    %dma_wait3A_1114 = arith.constant 0 : i32
    %dma_wait3A_1115 = tpu.memref_slice %arg2[%dma_wait3A_1113, %dma_wait3A_1114] : memref<10000x128xf32, #tpu.memory_space<hbm>> -> memref<10000x128xf32, #tpu.memory_space<hbm>>
    tpu.wait_indirect_dma semaphore(%arg19 : memref<!tpu.dma_semaphore, #tpu.memory_space<semaphore_mem>>) src(%dma_wait3A_1115 : memref<10000x128xf32, #tpu.memory_space<hbm>>) dst(%dma_wait3A_1109 : memref<80x128xf32, #tpu.memory_space<vmem>>)
    %dma_start3A_1116 = arith.constant 2 : i32
    %dma_start3A_1117 = arith.constant 2 : i32
    %dma_start3A_1118 = arith.constant 0 : i32
    %dma_start3A_1119 = arith.constant 0 : i32
    %dma_start3A_1120 = tpu.memref_slice %arg7[%dma_start3A_1116, %dma_start3A_1118, %dma_start3A_1119] : memref<4x80x128xf32, #tpu.memory_space<vmem>> -> memref<1x80x128xf32, #tpu.memory_space<vmem>>
    %dma_start3A_1121 = tpu.memref_squeeze %dma_start3A_1120 : memref<1x80x128xf32, #tpu.memory_space<vmem>> -> memref<80x128xf32, #tpu.memory_space<vmem>>
    %dma_start3A_1122 = arith.constant 0 : i32
    %dma_start3A_1123 = tpu.memref_slice %arg6[%dma_start3A_1117, %dma_start3A_1122] : memref<8x80xi32, #tpu.memory_space<vmem>> -> memref<1x80xi32, #tpu.memory_space<vmem>>
    %dma_start3A_1124 = tpu.memref_squeeze %dma_start3A_1123 : memref<1x80xi32, #tpu.memory_space<vmem>> -> memref<80xi32, #tpu.memory_space<vmem>>
    %dma_start3A_1125 = arith.constant 0 : i32
    %dma_start3A_1126 = arith.constant 0 : i32
    %dma_start3A_1127 = tpu.memref_slice %arg8[%dma_start3A_1125, %dma_start3A_1126] : memref<10000x128xf32, #tpu.memory_space<vmem_shared>> -> memref<10000x128xf32, #tpu.memory_space<vmem_shared>>
    tpu.enqueue_indirect_dma source(%dma_start3A_1121 : memref<80x128xf32, #tpu.memory_space<vmem>>) target(%dma_start3A_1127 : memref<10000x128xf32, #tpu.memory_space<vmem_shared>>) offsets(%dma_start3A_1124 : memref<80xi32, #tpu.memory_space<vmem>>) semaphore(%arg23 : memref<!tpu.dma_semaphore, #tpu.memory_space<semaphore_mem>>) {add = true}
    %dma_wait3A_1128 = arith.constant 1 : i32
    %dma_wait3A_1129 = arith.constant 1 : i32
    %dma_wait3A_1130 = arith.constant 0 : i32
    %dma_wait3A_1131 = arith.constant 0 : i32
    %dma_wait3A_1132 = tpu.memref_slice %arg7[%dma_wait3A_1128, %dma_wait3A_1130, %dma_wait3A_1131] : memref<4x80x128xf32, #tpu.memory_space<vmem>> -> memref<1x80x128xf32, #tpu.memory_space<vmem>>
    %dma_wait3A_1133 = tpu.memref_squeeze %dma_wait3A_1132 : memref<1x80x128xf32, #tpu.memory_space<vmem>> -> memref<80x128xf32, #tpu.memory_space<vmem>>
    %dma_wait3A_1134 = arith.constant 0 : i32
    %dma_wait3A_1135 = tpu.memref_slice %arg6[%dma_wait3A_1129, %dma_wait3A_1134] : memref<8x80xi32, #tpu.memory_space<vmem>> -> memref<1x80xi32, #tpu.memory_space<vmem>>
    %dma_wait3A_1136 = tpu.memref_squeeze %dma_wait3A_1135 : memref<1x80xi32, #tpu.memory_space<vmem>> -> memref<80xi32, #tpu.memory_space<vmem>>
    %dma_wait3A_1137 = arith.constant 0 : i32
    %dma_wait3A_1138 = arith.constant 0 : i32
    %dma_wait3A_1139 = tpu.memref_slice %arg8[%dma_wait3A_1137, %dma_wait3A_1138] : memref<10000x128xf32, #tpu.memory_space<vmem_shared>> -> memref<10000x128xf32, #tpu.memory_space<vmem_shared>>
    tpu.wait_indirect_dma semaphore(%arg22 : memref<!tpu.dma_semaphore, #tpu.memory_space<semaphore_mem>>) src(%dma_wait3A_1133 : memref<80x128xf32, #tpu.memory_space<vmem>>) dst(%dma_wait3A_1139 : memref<10000x128xf32, #tpu.memory_space<vmem_shared>>)
    %dma_wait3A_1140 = arith.constant 3 : i32
    %dma_wait3A_1141 = arith.constant 3 : i32
    %dma_wait3A_1142 = arith.constant 0 : i32
    %dma_wait3A_1143 = arith.constant 0 : i32
    %dma_wait3A_1144 = tpu.memref_slice %arg7[%dma_wait3A_1141, %dma_wait3A_1142, %dma_wait3A_1143] : memref<4x80x128xf32, #tpu.memory_space<vmem>> -> memref<1x80x128xf32, #tpu.memory_space<vmem>>
    %dma_wait3A_1145 = tpu.memref_squeeze %dma_wait3A_1144 : memref<1x80x128xf32, #tpu.memory_space<vmem>> -> memref<80x128xf32, #tpu.memory_space<vmem>>
    %dma_wait3A_1146 = arith.constant 0 : i32
    %dma_wait3A_1147 = tpu.memref_slice %arg5[%dma_wait3A_1140, %dma_wait3A_1146] : memref<8x80xi32, #tpu.memory_space<vmem>> -> memref<1x80xi32, #tpu.memory_space<vmem>>
    %dma_wait3A_1148 = tpu.memref_squeeze %dma_wait3A_1147 : memref<1x80xi32, #tpu.memory_space<vmem>> -> memref<80xi32, #tpu.memory_space<vmem>>
    %dma_wait3A_1149 = arith.constant 0 : i32
    %dma_wait3A_1150 = arith.constant 0 : i32
    %dma_wait3A_1151 = tpu.memref_slice %arg2[%dma_wait3A_1149, %dma_wait3A_1150] : memref<10000x128xf32, #tpu.memory_space<hbm>> -> memref<10000x128xf32, #tpu.memory_space<hbm>>
    tpu.wait_indirect_dma semaphore(%arg20 : memref<!tpu.dma_semaphore, #tpu.memory_space<semaphore_mem>>) src(%dma_wait3A_1151 : memref<10000x128xf32, #tpu.memory_space<hbm>>) dst(%dma_wait3A_1145 : memref<80x128xf32, #tpu.memory_space<vmem>>)
    %dma_start3A_1152 = arith.constant 3 : i32
    %dma_start3A_1153 = arith.constant 3 : i32
    %dma_start3A_1154 = arith.constant 0 : i32
    %dma_start3A_1155 = arith.constant 0 : i32
    %dma_start3A_1156 = tpu.memref_slice %arg7[%dma_start3A_1152, %dma_start3A_1154, %dma_start3A_1155] : memref<4x80x128xf32, #tpu.memory_space<vmem>> -> memref<1x80x128xf32, #tpu.memory_space<vmem>>
    %dma_start3A_1157 = tpu.memref_squeeze %dma_start3A_1156 : memref<1x80x128xf32, #tpu.memory_space<vmem>> -> memref<80x128xf32, #tpu.memory_space<vmem>>
    %dma_start3A_1158 = arith.constant 0 : i32
    %dma_start3A_1159 = tpu.memref_slice %arg6[%dma_start3A_1153, %dma_start3A_1158] : memref<8x80xi32, #tpu.memory_space<vmem>> -> memref<1x80xi32, #tpu.memory_space<vmem>>
    %dma_start3A_1160 = tpu.memref_squeeze %dma_start3A_1159 : memref<1x80xi32, #tpu.memory_space<vmem>> -> memref<80xi32, #tpu.memory_space<vmem>>
    %dma_start3A_1161 = arith.constant 0 : i32
    %dma_start3A_1162 = arith.constant 0 : i32
    %dma_start3A_1163 = tpu.memref_slice %arg8[%dma_start3A_1161, %dma_start3A_1162] : memref<10000x128xf32, #tpu.memory_space<vmem_shared>> -> memref<10000x128xf32, #tpu.memory_space<vmem_shared>>
    tpu.enqueue_indirect_dma source(%dma_start3A_1157 : memref<80x128xf32, #tpu.memory_space<vmem>>) target(%dma_start3A_1163 : memref<10000x128xf32, #tpu.memory_space<vmem_shared>>) offsets(%dma_start3A_1160 : memref<80xi32, #tpu.memory_space<vmem>>) semaphore(%arg24 : memref<!tpu.dma_semaphore, #tpu.memory_space<semaphore_mem>>) {add = true}
    %dma_wait3A_1164 = arith.constant 2 : i32
    %dma_wait3A_1165 = arith.constant 2 : i32
    %dma_wait3A_1166 = arith.constant 0 : i32
    %dma_wait3A_1167 = arith.constant 0 : i32
    %dma_wait3A_1168 = tpu.memref_slice %arg7[%dma_wait3A_1164, %dma_wait3A_1166, %dma_wait3A_1167] : memref<4x80x128xf32, #tpu.memory_space<vmem>> -> memref<1x80x128xf32, #tpu.memory_space<vmem>>
    %dma_wait3A_1169 = tpu.memref_squeeze %dma_wait3A_1168 : memref<1x80x128xf32, #tpu.memory_space<vmem>> -> memref<80x128xf32, #tpu.memory_space<vmem>>
    %dma_wait3A_1170 = arith.constant 0 : i32
    %dma_wait3A_1171 = tpu.memref_slice %arg6[%dma_wait3A_1165, %dma_wait3A_1170] : memref<8x80xi32, #tpu.memory_space<vmem>> -> memref<1x80xi32, #tpu.memory_space<vmem>>
    %dma_wait3A_1172 = tpu.memref_squeeze %dma_wait3A_1171 : memref<1x80xi32, #tpu.memory_space<vmem>> -> memref<80xi32, #tpu.memory_space<vmem>>
    %dma_wait3A_1173 = arith.constant 0 : i32
    %dma_wait3A_1174 = arith.constant 0 : i32
    %dma_wait3A_1175 = tpu.memref_slice %arg8[%dma_wait3A_1173, %dma_wait3A_1174] : memref<10000x128xf32, #tpu.memory_space<vmem_shared>> -> memref<10000x128xf32, #tpu.memory_space<vmem_shared>>
    tpu.wait_indirect_dma semaphore(%arg23 : memref<!tpu.dma_semaphore, #tpu.memory_space<semaphore_mem>>) src(%dma_wait3A_1169 : memref<80x128xf32, #tpu.memory_space<vmem>>) dst(%dma_wait3A_1175 : memref<10000x128xf32, #tpu.memory_space<vmem_shared>>)
    %dma_wait3A_1176 = arith.constant 4 : i32
    %dma_wait3A_1177 = arith.constant 0 : i32
    %dma_wait3A_1178 = arith.constant 0 : i32
    %dma_wait3A_1179 = arith.constant 0 : i32
    %dma_wait3A_1180 = tpu.memref_slice %arg7[%dma_wait3A_1177, %dma_wait3A_1178, %dma_wait3A_1179] : memref<4x80x128xf32, #tpu.memory_space<vmem>> -> memref<1x80x128xf32, #tpu.memory_space<vmem>>
    %dma_wait3A_1181 = tpu.memref_squeeze %dma_wait3A_1180 : memref<1x80x128xf32, #tpu.memory_space<vmem>> -> memref<80x128xf32, #tpu.memory_space<vmem>>
    %dma_wait3A_1182 = arith.constant 0 : i32
    %dma_wait3A_1183 = tpu.memref_slice %arg5[%dma_wait3A_1176, %dma_wait3A_1182] : memref<8x80xi32, #tpu.memory_space<vmem>> -> memref<1x80xi32, #tpu.memory_space<vmem>>
    %dma_wait3A_1184 = tpu.memref_squeeze %dma_wait3A_1183 : memref<1x80xi32, #tpu.memory_space<vmem>> -> memref<80xi32, #tpu.memory_space<vmem>>
    %dma_wait3A_1185 = arith.constant 0 : i32
    %dma_wait3A_1186 = arith.constant 0 : i32
    %dma_wait3A_1187 = tpu.memref_slice %arg2[%dma_wait3A_1185, %dma_wait3A_1186] : memref<10000x128xf32, #tpu.memory_space<hbm>> -> memref<10000x128xf32, #tpu.memory_space<hbm>>
    tpu.wait_indirect_dma semaphore(%arg17 : memref<!tpu.dma_semaphore, #tpu.memory_space<semaphore_mem>>) src(%dma_wait3A_1187 : memref<10000x128xf32, #tpu.memory_space<hbm>>) dst(%dma_wait3A_1181 : memref<80x128xf32, #tpu.memory_space<vmem>>)
    %dma_start3A_1188 = arith.constant 0 : i32
    %dma_start3A_1189 = arith.constant 4 : i32
    %dma_start3A_1190 = arith.constant 0 : i32
    %dma_start3A_1191 = arith.constant 0 : i32
    %dma_start3A_1192 = tpu.memref_slice %arg7[%dma_start3A_1188, %dma_start3A_1190, %dma_start3A_1191] : memref<4x80x128xf32, #tpu.memory_space<vmem>> -> memref<1x80x128xf32, #tpu.memory_space<vmem>>
    %dma_start3A_1193 = tpu.memref_squeeze %dma_start3A_1192 : memref<1x80x128xf32, #tpu.memory_space<vmem>> -> memref<80x128xf32, #tpu.memory_space<vmem>>
    %dma_start3A_1194 = arith.constant 0 : i32
    %dma_start3A_1195 = tpu.memref_slice %arg6[%dma_start3A_1189, %dma_start3A_1194] : memref<8x80xi32, #tpu.memory_space<vmem>> -> memref<1x80xi32, #tpu.memory_space<vmem>>
    %dma_start3A_1196 = tpu.memref_squeeze %dma_start3A_1195 : memref<1x80xi32, #tpu.memory_space<vmem>> -> memref<80xi32, #tpu.memory_space<vmem>>
    %dma_start3A_1197 = arith.constant 0 : i32
    %dma_start3A_1198 = arith.constant 0 : i32
    %dma_start3A_1199 = tpu.memref_slice %arg8[%dma_start3A_1197, %dma_start3A_1198] : memref<10000x128xf32, #tpu.memory_space<vmem_shared>> -> memref<10000x128xf32, #tpu.memory_space<vmem_shared>>
    tpu.enqueue_indirect_dma source(%dma_start3A_1193 : memref<80x128xf32, #tpu.memory_space<vmem>>) target(%dma_start3A_1199 : memref<10000x128xf32, #tpu.memory_space<vmem_shared>>) offsets(%dma_start3A_1196 : memref<80xi32, #tpu.memory_space<vmem>>) semaphore(%arg21 : memref<!tpu.dma_semaphore, #tpu.memory_space<semaphore_mem>>) {add = true}
    %dma_wait3A_1200 = arith.constant 3 : i32
    %dma_wait3A_1201 = arith.constant 3 : i32
    %dma_wait3A_1202 = arith.constant 0 : i32
    %dma_wait3A_1203 = arith.constant 0 : i32
    %dma_wait3A_1204 = tpu.memref_slice %arg7[%dma_wait3A_1200, %dma_wait3A_1202, %dma_wait3A_1203] : memref<4x80x128xf32, #tpu.memory_space<vmem>> -> memref<1x80x128xf32, #tpu.memory_space<vmem>>
    %dma_wait3A_1205 = tpu.memref_squeeze %dma_wait3A_1204 : memref<1x80x128xf32, #tpu.memory_space<vmem>> -> memref<80x128xf32, #tpu.memory_space<vmem>>
    %dma_wait3A_1206 = arith.constant 0 : i32
    %dma_wait3A_1207 = tpu.memref_slice %arg6[%dma_wait3A_1201, %dma_wait3A_1206] : memref<8x80xi32, #tpu.memory_space<vmem>> -> memref<1x80xi32, #tpu.memory_space<vmem>>
    %dma_wait3A_1208 = tpu.memref_squeeze %dma_wait3A_1207 : memref<1x80xi32, #tpu.memory_space<vmem>> -> memref<80xi32, #tpu.memory_space<vmem>>
    %dma_wait3A_1209 = arith.constant 0 : i32
    %dma_wait3A_1210 = arith.constant 0 : i32
    %dma_wait3A_1211 = tpu.memref_slice %arg8[%dma_wait3A_1209, %dma_wait3A_1210] : memref<10000x128xf32, #tpu.memory_space<vmem_shared>> -> memref<10000x128xf32, #tpu.memory_space<vmem_shared>>
    tpu.wait_indirect_dma semaphore(%arg24 : memref<!tpu.dma_semaphore, #tpu.memory_space<semaphore_mem>>) src(%dma_wait3A_1205 : memref<80x128xf32, #tpu.memory_space<vmem>>) dst(%dma_wait3A_1211 : memref<10000x128xf32, #tpu.memory_space<vmem_shared>>)
    %dma_wait3A_1212 = arith.constant 0 : i32
    %dma_wait3A_1213 = arith.constant 4 : i32
    %dma_wait3A_1214 = arith.constant 0 : i32
    %dma_wait3A_1215 = arith.constant 0 : i32
    %dma_wait3A_1216 = tpu.memref_slice %arg7[%dma_wait3A_1212, %dma_wait3A_1214, %dma_wait3A_1215] : memref<4x80x128xf32, #tpu.memory_space<vmem>> -> memref<1x80x128xf32, #tpu.memory_space<vmem>>
    %dma_wait3A_1217 = tpu.memref_squeeze %dma_wait3A_1216 : memref<1x80x128xf32, #tpu.memory_space<vmem>> -> memref<80x128xf32, #tpu.memory_space<vmem>>
    %dma_wait3A_1218 = arith.constant 0 : i32
    %dma_wait3A_1219 = tpu.memref_slice %arg6[%dma_wait3A_1213, %dma_wait3A_1218] : memref<8x80xi32, #tpu.memory_space<vmem>> -> memref<1x80xi32, #tpu.memory_space<vmem>>
    %dma_wait3A_1220 = tpu.memref_squeeze %dma_wait3A_1219 : memref<1x80xi32, #tpu.memory_space<vmem>> -> memref<80xi32, #tpu.memory_space<vmem>>
    %dma_wait3A_1221 = arith.constant 0 : i32
    %dma_wait3A_1222 = arith.constant 0 : i32
    %dma_wait3A_1223 = tpu.memref_slice %arg8[%dma_wait3A_1221, %dma_wait3A_1222] : memref<10000x128xf32, #tpu.memory_space<vmem_shared>> -> memref<10000x128xf32, #tpu.memory_space<vmem_shared>>
    tpu.wait_indirect_dma semaphore(%arg21 : memref<!tpu.dma_semaphore, #tpu.memory_space<semaphore_mem>>) src(%dma_wait3A_1217 : memref<80x128xf32, #tpu.memory_space<vmem>>) dst(%dma_wait3A_1223 : memref<10000x128xf32, #tpu.memory_space<vmem_shared>>)
    %barrier3A_1224 = arith.constant 0 : index
    tpu.barrier barrier_id(%barrier3A_1224)
    %mul3A_1225 = arith.constant 80 : i32
    %mul3A_1226 = arith.muli %arg1, %mul3A_1225 : i32
    %sub3A_1227 = arith.constant 10000 : i32
    %sub3A_1228 = arith.subi %sub3A_1227, %mul3A_1226 : i32
    %sub3A_1229 = arith.constant 1280 : i32
    %sub3A_1230 = arith.constant 1 : i32
    %sub3A_1231 = arith.subi %sub3A_1229, %sub3A_1230 : i32
    %add3A_1232 = arith.addi %sub3A_1228, %sub3A_1231 : i32
    %div3A_1233 = arith.constant 1280 : i32
    %div3A_1234 = arith.divsi %add3A_1232, %div3A_1233 : i32
    %while3A_1235 = arith.constant 1280 : i32
    %while3A_1236 = arith.constant 0 : i32
    %while3A_1237 = arith.subi %div3A_1234, %while3A_1236 : i32
    %while3A_1238 = arith.addi %while3A_1236, %while3A_1237 : i32
    %while3A_1239 = arith.constant 1 : i32
    %while3A_1240 = arith.divsi %while3A_1237, %while3A_1239 : i32
    %while3A_1241 = arith.muli %while3A_1240, %while3A_1239 : i32
    %while3A_1242 = arith.addi %while3A_1236, %while3A_1241 : i32
    %while3A_1243 = arith.constant 1 : i32
    scf.for %while3A_1245 = %while3A_1236 to %while3A_1242 step %while3A_1243  : i32 {
      %mul3A_1246 = arith.muli %while3A_1245, %while3A_1235 : i32
      %add3A_1247 = arith.addi %mul3A_1226, %mul3A_1246 : i32
      "tpu.region"() ({
        %run_scoped3A = tpu.sem_alloc : memref<!tpu.dma_semaphore, #tpu.memory_space<semaphore_mem>>
        %dma_start3A_1248 = arith.constant 0 : i32
        %dma_start3A_1249 = tpu.memref_slice %arg4[%arg0, %add3A_1247, %dma_start3A_1248] : memref<2x10000x128xf32, #tpu.memory_space<hbm>> -> memref<1x80x128xf32, #tpu.memory_space<hbm>>
        %dma_start3A_1250 = tpu.memref_squeeze %dma_start3A_1249 : memref<1x80x128xf32, #tpu.memory_space<hbm>> -> memref<80x128xf32, #tpu.memory_space<hbm>>
        %dma_start3A_1251 = arith.constant 0 : i32
        %dma_start3A_1252 = tpu.memref_slice %arg8[%add3A_1247, %dma_start3A_1251] : memref<10000x128xf32, #tpu.memory_space<vmem_shared>> -> memref<80x128xf32, #tpu.memory_space<vmem_shared>>
        tpu.enqueue_dma source(%dma_start3A_1252 : memref<80x128xf32, #tpu.memory_space<vmem_shared>>) target(%dma_start3A_1250 : memref<80x128xf32, #tpu.memory_space<hbm>>) target_semaphore(%run_scoped3A : memref<!tpu.dma_semaphore, #tpu.memory_space<semaphore_mem>>)
        %dma_wait3A_1253 = arith.constant 0 : i32
        %dma_wait3A_1254 = tpu.memref_slice %arg4[%arg0, %add3A_1247, %dma_wait3A_1253] : memref<2x10000x128xf32, #tpu.memory_space<hbm>> -> memref<1x80x128xf32, #tpu.memory_space<hbm>>
        %dma_wait3A_1255 = tpu.memref_squeeze %dma_wait3A_1254 : memref<1x80x128xf32, #tpu.memory_space<hbm>> -> memref<80x128xf32, #tpu.memory_space<hbm>>
        %dma_wait3A_1256 = arith.constant 0 : i32
        %dma_wait3A_1257 = tpu.memref_slice %arg8[%add3A_1247, %dma_wait3A_1256] : memref<10000x128xf32, #tpu.memory_space<vmem_shared>> -> memref<80x128xf32, #tpu.memory_space<vmem_shared>>
        tpu.wait_dma2 semaphore(%run_scoped3A : memref<!tpu.dma_semaphore, #tpu.memory_space<semaphore_mem>>) src(%dma_wait3A_1257 : memref<80x128xf32, #tpu.memory_space<vmem_shared>>) dst(%dma_wait3A_1255 : memref<80x128xf32, #tpu.memory_space<hbm>>)
        tpu.yield
      }) : () -> ()
    }
    %while3A_1244 = arith.constant 1 : i32
    scf.for %while3A_1245 = %while3A_1242 to %while3A_1238 step %while3A_1244  : i32 {
      %mul3A_1246 = arith.muli %while3A_1245, %while3A_1235 : i32
      %add3A_1247 = arith.addi %mul3A_1226, %mul3A_1246 : i32
      "tpu.region"() ({
        %run_scoped3A = tpu.sem_alloc : memref<!tpu.dma_semaphore, #tpu.memory_space<semaphore_mem>>
        %dma_start3A_1248 = arith.constant 0 : i32
        %dma_start3A_1249 = tpu.memref_slice %arg4[%arg0, %add3A_1247, %dma_start3A_1248] : memref<2x10000x128xf32, #tpu.memory_space<hbm>> -> memref<1x80x128xf32, #tpu.memory_space<hbm>>
        %dma_start3A_1250 = tpu.memref_squeeze %dma_start3A_1249 : memref<1x80x128xf32, #tpu.memory_space<hbm>> -> memref<80x128xf32, #tpu.memory_space<hbm>>
        %dma_start3A_1251 = arith.constant 0 : i32
        %dma_start3A_1252 = tpu.memref_slice %arg8[%add3A_1247, %dma_start3A_1251] : memref<10000x128xf32, #tpu.memory_space<vmem_shared>> -> memref<80x128xf32, #tpu.memory_space<vmem_shared>>
        tpu.enqueue_dma source(%dma_start3A_1252 : memref<80x128xf32, #tpu.memory_space<vmem_shared>>) target(%dma_start3A_1250 : memref<80x128xf32, #tpu.memory_space<hbm>>) target_semaphore(%run_scoped3A : memref<!tpu.dma_semaphore, #tpu.memory_space<semaphore_mem>>)
        %dma_wait3A_1253 = arith.constant 0 : i32
        %dma_wait3A_1254 = tpu.memref_slice %arg4[%arg0, %add3A_1247, %dma_wait3A_1253] : memref<2x10000x128xf32, #tpu.memory_space<hbm>> -> memref<1x80x128xf32, #tpu.memory_space<hbm>>
        %dma_wait3A_1255 = tpu.memref_squeeze %dma_wait3A_1254 : memref<1x80x128xf32, #tpu.memory_space<hbm>> -> memref<80x128xf32, #tpu.memory_space<hbm>>
        %dma_wait3A_1256 = arith.constant 0 : i32
        %dma_wait3A_1257 = tpu.memref_slice %arg8[%add3A_1247, %dma_wait3A_1256] : memref<10000x128xf32, #tpu.memory_space<vmem_shared>> -> memref<80x128xf32, #tpu.memory_space<vmem_shared>>
        tpu.wait_dma2 semaphore(%run_scoped3A : memref<!tpu.dma_semaphore, #tpu.memory_space<semaphore_mem>>) src(%dma_wait3A_1257 : memref<80x128xf32, #tpu.memory_space<vmem_shared>>) dst(%dma_wait3A_1255 : memref<80x128xf32, #tpu.memory_space<hbm>>)
        tpu.yield
      }) : () -> ()
    }
    return
  }
}

#map = affine_map<(d0, d1) -> (0)>
#map1 = affine_map<(d0, d1) -> (0, 0)>
module attributes {stable_mosaic.version = 14 : i64} {
  func.func @k(%arg0: i32, %arg1: i32, %arg2: memref<640000xi32, #tpu.memory_space<hbm>>, %arg3: memref<32x10000xf32, #tpu.memory_space<hbm>>, %arg4: memref<2000xi32, #tpu.memory_space<vmem>>, %arg5: memref<10000xf32, #tpu.memory_space<vmem>>) attributes {dimension_semantics = [#tpu.dimension_semantics<core_parallel>, #tpu.dimension_semantics<subcore_parallel>], iteration_bounds = array<i64: 2, 16>, scalar_prefetch = 0 : i64, scratch_operands = 2 : i64, tpu.core_type = #tpu.core_type<sc_vector_subcore>, window_params = [{transform_indices = #map}, {transform_indices = #map1}]} {
    %mul3A = arith.constant 2 : i32
    %mul3A_0 = arith.muli %arg1, %mul3A : i32
    %add3A = arith.addi %mul3A_0, %arg0 : i32
    %broadcast_in_dim3A = arith.constant 0.000000e+00 : f32
    %broadcast_in_dim3A_1 = vector.broadcast %broadcast_in_dim3A : f32 to vector<16xf32>
    %broadcast_in_dim3A_2 = arith.constant 1.000000e+00 : f32
    %broadcast_in_dim3A_3 = vector.broadcast %broadcast_in_dim3A_2 : f32 to vector<16xf32>
    %scan3A = arith.constant 0 : i32
    %scan3A_4 = arith.constant 625 : i32
    %scan3A_5 = arith.addi %scan3A, %scan3A_4 : i32
    %scan3A_6 = arith.constant 1 : i32
    scf.for %scan3A_15 = %scan3A to %scan3A_5 step %scan3A_6  : i32 {
      %mul3A_16 = arith.constant 16 : i32
      %mul3A_17 = arith.muli %scan3A_15, %mul3A_16 : i32
      %add3A_18 = arith.constant 0 : i32
      %add3A_19 = arith.addi %add3A_18, %mul3A_17 : i32
      %swap3A = arith.index_cast %add3A_19 : i32 to index
      %swap3A_20 = tpu.vector_load %arg5[%swap3A] {strides = array<i32>} : memref<10000xf32, #tpu.memory_space<vmem>>, vector<16xf32>,
      tpu.vector_store %arg5[%swap3A], %broadcast_in_dim3A_1 {strides = array<i32>} : memref<10000xf32, #tpu.memory_space<vmem>>, vector<16xf32>,
    }
    %scan3A_7 = arith.constant 625 : i32
    %mul3A_8 = arith.constant 10000 : i32
    %mul3A_9 = arith.muli %add3A, %mul3A_8 : i32
    %scan3A_10 = arith.constant 0 : i32
    %scan3A_11 = arith.constant 5 : i32
    %scan3A_12 = arith.addi %scan3A_10, %scan3A_11 : i32
    %scan3A_13 = arith.constant 1 : i32
    scf.for %scan3A_15 = %scan3A_10 to %scan3A_12 step %scan3A_13  : i32 {
      %mul3A_16 = arith.constant 2000 : i32
      %mul3A_17 = arith.muli %scan3A_15, %mul3A_16 : i32
      %add3A_18 = arith.constant 0 : i32
      %add3A_19 = arith.addi %add3A_18, %mul3A_17 : i32
      %add3A_20 = arith.constant 320000 : i32
      %add3A_21 = arith.addi %add3A_20, %mul3A_9 : i32
      %add3A_22 = arith.addi %add3A_21, %add3A_19 : i32
      "tpu.region"() ({
        %run_scoped3A = tpu.sem_alloc : memref<!tpu.dma_semaphore, #tpu.memory_space<semaphore_mem>>
        %dma_start3A = tpu.memref_slice %arg2[%add3A_22] : memref<640000xi32, #tpu.memory_space<hbm>> -> memref<2000xi32, #tpu.memory_space<hbm>>
        %dma_start3A_28 = tpu.memref_slice %arg2[%add3A_22] : memref<640000xi32, #tpu.memory_space<hbm>> -> memref<2000xi32, #tpu.memory_space<hbm>>
        tpu.enqueue_dma source(%dma_start3A_28 : memref<2000xi32, #tpu.memory_space<hbm>>) target(%arg4 : memref<2000xi32, #tpu.memory_space<vmem>>) target_semaphore(%run_scoped3A : memref<!tpu.dma_semaphore, #tpu.memory_space<semaphore_mem>>)
        %dma_wait3A = tpu.memref_slice %arg2[%add3A_22] : memref<640000xi32, #tpu.memory_space<hbm>> -> memref<2000xi32, #tpu.memory_space<hbm>>
        %dma_wait3A_29 = tpu.memref_slice %arg2[%add3A_22] : memref<640000xi32, #tpu.memory_space<hbm>> -> memref<2000xi32, #tpu.memory_space<hbm>>
        tpu.wait_dma2 semaphore(%run_scoped3A : memref<!tpu.dma_semaphore, #tpu.memory_space<semaphore_mem>>) src(%dma_wait3A_29 : memref<2000xi32, #tpu.memory_space<hbm>>) dst(%arg4 : memref<2000xi32, #tpu.memory_space<vmem>>)
        tpu.yield
      }) : () -> ()
      %scan3A_23 = arith.constant 0 : i32
      %scan3A_24 = arith.constant 125 : i32
      %scan3A_25 = arith.addi %scan3A_23, %scan3A_24 : i32
      %scan3A_26 = arith.constant 1 : i32
      scf.for %scan3A_28 = %scan3A_23 to %scan3A_25 step %scan3A_26  : i32 {
        %mul3A_29 = arith.constant 16 : i32
        %mul3A_30 = arith.muli %scan3A_28, %mul3A_29 : i32
        %add3A_31 = arith.constant 0 : i32
        %add3A_32 = arith.addi %add3A_31, %mul3A_30 : i32
        %get3A = arith.index_cast %add3A_32 : i32 to index
        %get3A_33 = tpu.vector_load %arg4[%get3A] {strides = array<i32>} : memref<2000xi32, #tpu.memory_space<vmem>>, vector<16xi32>,
        tpu.vector_store_idx %arg5[%get3A_33], %broadcast_in_dim3A_3 {add = true} : memref<10000xf32, #tpu.memory_space<vmem>>[vector<16xi32>], vector<16xf32>,
      }
      %scan3A_27 = arith.constant 125 : i32
    }
    %scan3A_14 = arith.constant 5 : i32
    "tpu.region"() ({
      %run_scoped3A = tpu.sem_alloc : memref<!tpu.dma_semaphore, #tpu.memory_space<semaphore_mem>>
      %dma_start3A = arith.constant 0 : i32
      %dma_start3A_15 = tpu.memref_slice %arg3[%add3A, %dma_start3A] : memref<32x10000xf32, #tpu.memory_space<hbm>> -> memref<1x10000xf32, #tpu.memory_space<hbm>>
      %dma_start3A_16 = tpu.memref_squeeze %dma_start3A_15 : memref<1x10000xf32, #tpu.memory_space<hbm>> -> memref<10000xf32, #tpu.memory_space<hbm>>
      %dma_start3A_17 = arith.constant 0 : i32
      %dma_start3A_18 = tpu.memref_slice %arg3[%add3A, %dma_start3A_17] : memref<32x10000xf32, #tpu.memory_space<hbm>> -> memref<1x10000xf32, #tpu.memory_space<hbm>>
      %dma_start3A_19 = tpu.memref_squeeze %dma_start3A_18 : memref<1x10000xf32, #tpu.memory_space<hbm>> -> memref<10000xf32, #tpu.memory_space<hbm>>
      tpu.enqueue_dma source(%arg5 : memref<10000xf32, #tpu.memory_space<vmem>>) target(%dma_start3A_19 : memref<10000xf32, #tpu.memory_space<hbm>>) target_semaphore(%run_scoped3A : memref<!tpu.dma_semaphore, #tpu.memory_space<semaphore_mem>>)
      %dma_wait3A = arith.constant 0 : i32
      %dma_wait3A_20 = tpu.memref_slice %arg3[%add3A, %dma_wait3A] : memref<32x10000xf32, #tpu.memory_space<hbm>> -> memref<1x10000xf32, #tpu.memory_space<hbm>>
      %dma_wait3A_21 = tpu.memref_squeeze %dma_wait3A_20 : memref<1x10000xf32, #tpu.memory_space<hbm>> -> memref<10000xf32, #tpu.memory_space<hbm>>
      %dma_wait3A_22 = arith.constant 0 : i32
      %dma_wait3A_23 = tpu.memref_slice %arg3[%add3A, %dma_wait3A_22] : memref<32x10000xf32, #tpu.memory_space<hbm>> -> memref<1x10000xf32, #tpu.memory_space<hbm>>
      %dma_wait3A_24 = tpu.memref_squeeze %dma_wait3A_23 : memref<1x10000xf32, #tpu.memory_space<hbm>> -> memref<10000xf32, #tpu.memory_space<hbm>>
      tpu.wait_dma2 semaphore(%run_scoped3A : memref<!tpu.dma_semaphore, #tpu.memory_space<semaphore_mem>>) src(%arg5 : memref<10000xf32, #tpu.memory_space<vmem>>) dst(%dma_wait3A_24 : memref<10000xf32, #tpu.memory_space<hbm>>)
      tpu.yield
    }) : () -> ()
    return
  }
}

module attributes {stable_mosaic.version = 14 : i64} {
  func.func @body(%arg0: memref<32x10000xf32, #tpu.memory_space<vmem>>, %arg1: memref<10000x128xf32, #tpu.memory_space<vmem>>, %arg2: memref<10000x128xf32, #tpu.memory_space<vmem>>, %arg3: memref<10000x1xf32, #tpu.memory_space<vmem>>) attributes {dimension_semantics = [], scalar_prefetch = 0 : i64, scratch_operands = 0 : i64, tpu.core_type = #tpu.core_type<tc>} {
    %get3A = arith.constant 0 : index
    %get3A_0 = arith.constant 0 : index
    %get3A_1 = vector.load %arg0[%get3A, %get3A_0] : memref<32x10000xf32, #tpu.memory_space<vmem>>, vector<32x10000xf32>
    %reduce_sum3A = arith.constant dense<0.000000e+00> : vector<10000xf32>
    %reduce_sum3A_2 = vector.multi_reduction <add>, %get3A_1, %reduce_sum3A [0] : vector<32x10000xf32> to vector<10000xf32>
    %broadcast_in_dim3A = vector.shape_cast %reduce_sum3A_2 : vector<10000xf32> to vector<1x10000xf32>
    %gt3A = arith.constant 0.000000e+00 : f32
    %gt3A_3 = vector.broadcast %gt3A : f32 to vector<1x10000xf32>
    %gt3A_4 = arith.cmpf ogt, %broadcast_in_dim3A, %gt3A_3 : vector<1x10000xf32>
    %max3A = arith.constant 9.99999996E-13 : f32
    %max3A_5 = vector.broadcast %max3A : f32 to vector<1x10000xf32>
    %max3A_6 = arith.maximumf %broadcast_in_dim3A, %max3A_5 : vector<1x10000xf32>
    %rsqrt3A = math.rsqrt %max3A_6 : vector<1x10000xf32>
    %jit3A = arith.constant 0.000000e+00 : f32
    %broadcast_in_dim3A_7 = vector.broadcast %jit3A : f32 to vector<1x10000xf32>
    %select_n3A = arith.select %gt3A_4, %rsqrt3A, %broadcast_in_dim3A_7 : vector<1x10000xi1>, vector<1x10000xf32>
    %transpose3A = tpu.transpose %select_n3A, [1, 0] : vector<1x10000xf32> -> vector<10000x1xf32>
    %get3A_8 = arith.constant 0 : index
    %get3A_9 = arith.constant 0 : index
    %get3A_10 = vector.load %arg1[%get3A_8, %get3A_9] : memref<10000x128xf32, #tpu.memory_space<vmem>>, vector<10000x128xf32>
    %mul3A = vector.broadcast %transpose3A : vector<10000x1xf32> to vector<10000x128xf32>
    %mul3A_11 = arith.mulf %get3A_10, %mul3A : vector<10000x128xf32>
    %swap3A = arith.constant 0 : index
    %swap3A_12 = arith.constant 0 : index
    %swap3A_13 = vector.load %arg2[%swap3A, %swap3A_12] : memref<10000x128xf32, #tpu.memory_space<vmem>>, vector<10000x128xf32>
    tpu.vector_store %arg2[%swap3A, %swap3A_12], %mul3A_11 {strides = array<i32>} : memref<10000x128xf32, #tpu.memory_space<vmem>>, vector<10000x128xf32>,
    %swap3A_14 = arith.constant 0 : index
    %swap3A_15 = arith.constant 0 : index
    %swap3A_16 = vector.load %arg3[%swap3A_14, %swap3A_15] : memref<10000x1xf32, #tpu.memory_space<vmem>>, vector<10000x1xf32>
    tpu.vector_store %arg3[%swap3A_14, %swap3A_15], %transpose3A {strides = array<i32>} : memref<10000x1xf32, #tpu.memory_space<vmem>>, vector<10000x1xf32>,
    return
  }
}

module attributes {stable_mosaic.version = 14 : i64} {
  func.func @body(%arg0: i32, %arg1: memref<1000x128xf32, #tpu.memory_space<vmem>>, %arg2: memref<128x128xf32, #tpu.memory_space<vmem>>, %arg3: memref<1x128xf32, #tpu.memory_space<vmem>>, %arg4: memref<128x128xf32, #tpu.memory_space<vmem>>, %arg5: memref<1x128xf32, #tpu.memory_space<vmem>>, %arg6: memref<128x128xf32, #tpu.memory_space<vmem>>, %arg7: memref<1x128xf32, #tpu.memory_space<vmem>>, %arg8: memref<128x128xf32, #tpu.memory_space<vmem>>, %arg9: memref<128x128xf32, #tpu.memory_space<vmem>>, %arg10: memref<1000x128xf32, #tpu.memory_space<vmem>>, %arg11: memref<1000x128xf32, #tpu.memory_space<vmem>>, %arg12: memref<1000x128xf32, #tpu.memory_space<vmem>>) attributes {dimension_semantics = [#tpu.dimension_semantics<arbitrary>], iteration_bounds = array<i64: 10>, scalar_prefetch = 0 : i64, scratch_operands = 0 : i64, tpu.core_type = #tpu.core_type<tc>, window_params = [{transform_indices = @transform_0, window_bounds = array<i64: 1000, 128>}, {pipeline_mode = #tpu.pipeline_mode<synchronous>, transform_indices = @transform_1, window_bounds = array<i64: 128, 128>}, {pipeline_mode = #tpu.pipeline_mode<synchronous>, transform_indices = @transform_2, window_bounds = array<i64: 1, 128>}, {pipeline_mode = #tpu.pipeline_mode<synchronous>, transform_indices = @transform_3, window_bounds = array<i64: 128, 128>}, {pipeline_mode = #tpu.pipeline_mode<synchronous>, transform_indices = @transform_4, window_bounds = array<i64: 1, 128>}, {pipeline_mode = #tpu.pipeline_mode<synchronous>, transform_indices = @transform_5, window_bounds = array<i64: 128, 128>}, {pipeline_mode = #tpu.pipeline_mode<synchronous>, transform_indices = @transform_6, window_bounds = array<i64: 1, 128>}, {pipeline_mode = #tpu.pipeline_mode<synchronous>, transform_indices = @transform_7, window_bounds = array<i64: 128, 128>}, {pipeline_mode = #tpu.pipeline_mode<synchronous>, transform_indices = @transform_8, window_bounds = array<i64: 128, 128>}, {transform_indices = @transform_9, window_bounds = array<i64: 1000, 128>}, {transform_indices = @transform_10, window_bounds = array<i64: 1000, 128>}, {transform_indices = @transform_11, window_bounds = array<i64: 1000, 128>}]} {
    %get3A = arith.constant 0 : index
    %get3A_0 = arith.constant 0 : index
    %get3A_1 = vector.load %arg1[%get3A, %get3A_0] : memref<1000x128xf32, #tpu.memory_space<vmem>>, vector<1000x128xf32>
    %get3A_2 = arith.constant 0 : index
    %get3A_3 = arith.constant 0 : index
    %get3A_4 = vector.load %arg2[%get3A_2, %get3A_3] : memref<128x128xf32, #tpu.memory_space<vmem>>, vector<128x128xf32>
    %convert_element_type3A = arith.truncf %get3A_1 : vector<1000x128xf32> to vector<1000x128xbf16>
    %convert_element_type3A_5 = arith.truncf %get3A_4 : vector<128x128xf32> to vector<128x128xbf16>
    %dot_general3A = arith.constant dense<0.000000e+00> : vector<1000x128xf32>
    %dot_general3A_6 = tpu.matmul %convert_element_type3A, %convert_element_type3A_5, %dot_general3A {dimension_numbers = #tpu.dot_dimension_numbers<[1], [1], [0], [0], [0, 0, 1, 0], [], []>, transpose_lhs_hint = false} : vector<1000x128xbf16>, vector<128x128xbf16>, vector<1000x128xf32> -> vector<1000x128xf32>
    %get3A_7 = arith.constant 0 : index
    %get3A_8 = arith.constant 0 : index
    %get3A_9 = vector.load %arg3[%get3A_7, %get3A_8] : memref<1x128xf32, #tpu.memory_space<vmem>>, vector<1x128xf32>
    %add3A = vector.broadcast %get3A_9 : vector<1x128xf32> to vector<1000x128xf32>
    %add3A_10 = arith.addf %dot_general3A_6, %add3A : vector<1000x128xf32>
    %neg3A = arith.constant 0.000000e+00 : f32
    %neg3A_11 = vector.broadcast %neg3A : f32 to vector<1000x128xf32>
    %neg3A_12 = arith.subf %neg3A_11, %add3A_10 : vector<1000x128xf32>
    %exp3A = math.exp %neg3A_12 : vector<1000x128xf32>
    %add3A_13 = arith.constant 1.000000e+00 : f32
    %add3A_14 = vector.broadcast %add3A_13 : f32 to vector<1000x128xf32>
    %add3A_15 = arith.addf %add3A_14, %exp3A : vector<1000x128xf32>
    %div3A = arith.constant 1.000000e+00 : f32
    %div3A_16 = vector.broadcast %div3A : f32 to vector<1000x128xf32>
    %div3A_17 = arith.divf %div3A_16, %add3A_15 : vector<1000x128xf32>
    %get3A_18 = arith.constant 0 : index
    %get3A_19 = arith.constant 0 : index
    %get3A_20 = vector.load %arg4[%get3A_18, %get3A_19] : memref<128x128xf32, #tpu.memory_space<vmem>>, vector<128x128xf32>
    %convert_element_type3A_21 = arith.truncf %get3A_1 : vector<1000x128xf32> to vector<1000x128xbf16>
    %convert_element_type3A_22 = arith.truncf %get3A_20 : vector<128x128xf32> to vector<128x128xbf16>
    %dot_general3A_23 = arith.constant dense<0.000000e+00> : vector<1000x128xf32>
    %dot_general3A_24 = tpu.matmul %convert_element_type3A_21, %convert_element_type3A_22, %dot_general3A_23 {dimension_numbers = #tpu.dot_dimension_numbers<[1], [1], [0], [0], [0, 0, 1, 0], [], []>, transpose_lhs_hint = false} : vector<1000x128xbf16>, vector<128x128xbf16>, vector<1000x128xf32> -> vector<1000x128xf32>
    %get3A_25 = arith.constant 0 : index
    %get3A_26 = arith.constant 0 : index
    %get3A_27 = vector.load %arg5[%get3A_25, %get3A_26] : memref<1x128xf32, #tpu.memory_space<vmem>>, vector<1x128xf32>
    %add3A_28 = vector.broadcast %get3A_27 : vector<1x128xf32> to vector<1000x128xf32>
    %add3A_29 = arith.addf %dot_general3A_24, %add3A_28 : vector<1000x128xf32>
    %neg3A_30 = arith.constant 0.000000e+00 : f32
    %neg3A_31 = vector.broadcast %neg3A_30 : f32 to vector<1000x128xf32>
    %neg3A_32 = arith.subf %neg3A_31, %add3A_29 : vector<1000x128xf32>
    %exp3A_33 = math.exp %neg3A_32 : vector<1000x128xf32>
    %add3A_34 = arith.constant 1.000000e+00 : f32
    %add3A_35 = vector.broadcast %add3A_34 : f32 to vector<1000x128xf32>
    %add3A_36 = arith.addf %add3A_35, %exp3A_33 : vector<1000x128xf32>
    %div3A_37 = arith.constant 1.000000e+00 : f32
    %div3A_38 = vector.broadcast %div3A_37 : f32 to vector<1000x128xf32>
    %div3A_39 = arith.divf %div3A_38, %add3A_36 : vector<1000x128xf32>
    %swap3A = arith.constant 0 : index
    %swap3A_40 = arith.constant 0 : index
    %swap3A_41 = vector.load %arg10[%swap3A, %swap3A_40] : memref<1000x128xf32, #tpu.memory_space<vmem>>, vector<1000x128xf32>
    tpu.vector_store %arg10[%swap3A, %swap3A_40], %div3A_39 {strides = array<i32>} : memref<1000x128xf32, #tpu.memory_space<vmem>>, vector<1000x128xf32>,
    %mul3A = arith.mulf %div3A_17, %get3A_1 : vector<1000x128xf32>
    %get3A_42 = arith.constant 0 : index
    %get3A_43 = arith.constant 0 : index
    %get3A_44 = vector.load %arg6[%get3A_42, %get3A_43] : memref<128x128xf32, #tpu.memory_space<vmem>>, vector<128x128xf32>
    %convert_element_type3A_45 = arith.truncf %mul3A : vector<1000x128xf32> to vector<1000x128xbf16>
    %convert_element_type3A_46 = arith.truncf %get3A_44 : vector<128x128xf32> to vector<128x128xbf16>
    %dot_general3A_47 = arith.constant dense<0.000000e+00> : vector<1000x128xf32>
    %dot_general3A_48 = tpu.matmul %convert_element_type3A_45, %convert_element_type3A_46, %dot_general3A_47 {dimension_numbers = #tpu.dot_dimension_numbers<[1], [1], [0], [0], [0, 0, 1, 0], [], []>, transpose_lhs_hint = false} : vector<1000x128xbf16>, vector<128x128xbf16>, vector<1000x128xf32> -> vector<1000x128xf32>
    %get3A_49 = arith.constant 0 : index
    %get3A_50 = arith.constant 0 : index
    %get3A_51 = vector.load %arg7[%get3A_49, %get3A_50] : memref<1x128xf32, #tpu.memory_space<vmem>>, vector<1x128xf32>
    %add3A_52 = vector.broadcast %get3A_51 : vector<1x128xf32> to vector<1000x128xf32>
    %add3A_53 = arith.addf %dot_general3A_48, %add3A_52 : vector<1000x128xf32>
    %mul3A_54 = arith.constant 5.000000e-01 : f32
    %mul3A_55 = vector.broadcast %mul3A_54 : f32 to vector<1000x128xf32>
    %mul3A_56 = arith.mulf %mul3A_55, %add3A_53 : vector<1000x128xf32>
    %mul3A_57 = arith.constant 0.707106769 : f32
    %mul3A_58 = vector.broadcast %mul3A_57 : f32 to vector<1000x128xf32>
    %mul3A_59 = arith.mulf %add3A_53, %mul3A_58 : vector<1000x128xf32>
    %erf3A = math.erf %mul3A_59 : vector<1000x128xf32>
    %add3A_60 = arith.constant 1.000000e+00 : f32
    %add3A_61 = vector.broadcast %add3A_60 : f32 to vector<1000x128xf32>
    %add3A_62 = arith.addf %add3A_61, %erf3A : vector<1000x128xf32>
    %mul3A_63 = arith.mulf %mul3A_56, %add3A_62 : vector<1000x128xf32>
    %get3A_64 = arith.constant 0 : index
    %get3A_65 = arith.constant 0 : index
    %get3A_66 = vector.load %arg8[%get3A_64, %get3A_65] : memref<128x128xf32, #tpu.memory_space<vmem>>, vector<128x128xf32>
    %convert_element_type3A_67 = arith.truncf %mul3A_63 : vector<1000x128xf32> to vector<1000x128xbf16>
    %convert_element_type3A_68 = arith.truncf %get3A_66 : vector<128x128xf32> to vector<128x128xbf16>
    %dot_general3A_69 = arith.constant dense<0.000000e+00> : vector<1000x128xf32>
    %dot_general3A_70 = tpu.matmul %convert_element_type3A_67, %convert_element_type3A_68, %dot_general3A_69 {dimension_numbers = #tpu.dot_dimension_numbers<[1], [0], [0], [1], [0, 0, 1, 1], [], []>, transpose_lhs_hint = false} : vector<1000x128xbf16>, vector<128x128xbf16>, vector<1000x128xf32> -> vector<1000x128xf32>
    %swap3A_71 = arith.constant 0 : index
    %swap3A_72 = arith.constant 0 : index
    %swap3A_73 = vector.load %arg12[%swap3A_71, %swap3A_72] : memref<1000x128xf32, #tpu.memory_space<vmem>>, vector<1000x128xf32>
    tpu.vector_store %arg12[%swap3A_71, %swap3A_72], %dot_general3A_70 {strides = array<i32>} : memref<1000x128xf32, #tpu.memory_space<vmem>>, vector<1000x128xf32>,
    %get3A_74 = arith.constant 0 : index
    %get3A_75 = arith.constant 0 : index
    %get3A_76 = vector.load %arg9[%get3A_74, %get3A_75] : memref<128x128xf32, #tpu.memory_space<vmem>>, vector<128x128xf32>
    %convert_element_type3A_77 = arith.truncf %mul3A_63 : vector<1000x128xf32> to vector<1000x128xbf16>
    %convert_element_type3A_78 = arith.truncf %get3A_76 : vector<128x128xf32> to vector<128x128xbf16>
    %dot_general3A_79 = arith.constant dense<0.000000e+00> : vector<1000x128xf32>
    %dot_general3A_80 = tpu.matmul %convert_element_type3A_77, %convert_element_type3A_78, %dot_general3A_79 {dimension_numbers = #tpu.dot_dimension_numbers<[1], [0], [0], [1], [0, 0, 1, 1], [], []>, transpose_lhs_hint = false} : vector<1000x128xbf16>, vector<128x128xbf16>, vector<1000x128xf32> -> vector<1000x128xf32>
    %swap3A_81 = arith.constant 0 : index
    %swap3A_82 = arith.constant 0 : index
    %swap3A_83 = vector.load %arg11[%swap3A_81, %swap3A_82] : memref<1000x128xf32, #tpu.memory_space<vmem>>, vector<1000x128xf32>
    tpu.vector_store %arg11[%swap3A_81, %swap3A_82], %dot_general3A_80 {strides = array<i32>} : memref<1000x128xf32, #tpu.memory_space<vmem>>, vector<1000x128xf32>,
    return
  }
  func.func @transform_0(%arg0: i32) -> (i32, i32) {
    %c0_i32 = arith.constant 0 : i32
    %c0_i32_0 = arith.constant 0 : i32
    return %arg0, %c0_i32 : i32, i32
  }
  func.func @transform_1(%arg0: i32) -> (i32, i32) {
    %c0_i32 = arith.constant 0 : i32
    %c0_i32_0 = arith.constant 0 : i32
    %c0_i32_1 = arith.constant 0 : i32
    return %c0_i32, %c0_i32_0 : i32, i32
  }
  func.func @transform_2(%arg0: i32) -> (i32, i32) {
    %c0_i32 = arith.constant 0 : i32
    %c0_i32_0 = arith.constant 0 : i32
    %c0_i32_1 = arith.constant 0 : i32
    return %c0_i32, %c0_i32_0 : i32, i32
  }
  func.func @transform_3(%arg0: i32) -> (i32, i32) {
    %c0_i32 = arith.constant 0 : i32
    %c0_i32_0 = arith.constant 0 : i32
    %c0_i32_1 = arith.constant 0 : i32
    return %c0_i32, %c0_i32_0 : i32, i32
  }
  func.func @transform_4(%arg0: i32) -> (i32, i32) {
    %c0_i32 = arith.constant 0 : i32
    %c0_i32_0 = arith.constant 0 : i32
    %c0_i32_1 = arith.constant 0 : i32
    return %c0_i32, %c0_i32_0 : i32, i32
  }
  func.func @transform_5(%arg0: i32) -> (i32, i32) {
    %c0_i32 = arith.constant 0 : i32
    %c0_i32_0 = arith.constant 0 : i32
    %c0_i32_1 = arith.constant 0 : i32
    return %c0_i32, %c0_i32_0 : i32, i32
  }
  func.func @transform_6(%arg0: i32) -> (i32, i32) {
    %c0_i32 = arith.constant 0 : i32
    %c0_i32_0 = arith.constant 0 : i32
    %c0_i32_1 = arith.constant 0 : i32
    return %c0_i32, %c0_i32_0 : i32, i32
  }
  func.func @transform_7(%arg0: i32) -> (i32, i32) {
    %c0_i32 = arith.constant 0 : i32
    %c0_i32_0 = arith.constant 0 : i32
    %c0_i32_1 = arith.constant 0 : i32
    return %c0_i32, %c0_i32_0 : i32, i32
  }
  func.func @transform_8(%arg0: i32) -> (i32, i32) {
    %c0_i32 = arith.constant 0 : i32
    %c0_i32_0 = arith.constant 0 : i32
    %c0_i32_1 = arith.constant 0 : i32
    return %c0_i32, %c0_i32_0 : i32, i32
  }
  func.func @transform_9(%arg0: i32) -> (i32, i32) {
    %c0_i32 = arith.constant 0 : i32
    %c0_i32_0 = arith.constant 0 : i32
    return %arg0, %c0_i32 : i32, i32
  }
  func.func @transform_10(%arg0: i32) -> (i32, i32) {
    %c0_i32 = arith.constant 0 : i32
    %c0_i32_0 = arith.constant 0 : i32
    return %arg0, %c0_i32 : i32, i32
  }
  func.func @transform_11(%arg0: i32) -> (i32, i32) {
    %c0_i32 = arith.constant 0 : i32
    %c0_i32_0 = arith.constant 0 : i32
    return %arg0, %c0_i32 : i32, i32
  }
}

module attributes {stable_mosaic.version = 14 : i64} {
  func.func @body(%arg0: i32, %arg1: memref<2x1000x128xf32, #tpu.memory_space<vmem>>, %arg2: memref<1000x1xf32, #tpu.memory_space<vmem>>, %arg3: memref<1000x128xf32, #tpu.memory_space<vmem>>, %arg4: memref<1000x128xf32, #tpu.memory_space<vmem>>, %arg5: memref<128x128xf32, #tpu.memory_space<vmem>>, %arg6: memref<1x128xf32, #tpu.memory_space<vmem>>, %arg7: memref<128x128xf32, #tpu.memory_space<vmem>>, %arg8: memref<1x128xf32, #tpu.memory_space<vmem>>, %arg9: memref<1x128xf32, #tpu.memory_space<vmem>>, %arg10: memref<1000x128xf32, #tpu.memory_space<vmem>>) attributes {dimension_semantics = [#tpu.dimension_semantics<arbitrary>], iteration_bounds = array<i64: 10>, scalar_prefetch = 0 : i64, scratch_operands = 0 : i64, tpu.core_type = #tpu.core_type<tc>, window_params = [{transform_indices = @transform_0, window_bounds = array<i64: 2, 1000, 128>}, {transform_indices = @transform_1, window_bounds = array<i64: 1000, 1>}, {transform_indices = @transform_2, window_bounds = array<i64: 1000, 128>}, {transform_indices = @transform_3, window_bounds = array<i64: 1000, 128>}, {pipeline_mode = #tpu.pipeline_mode<synchronous>, transform_indices = @transform_4, window_bounds = array<i64: 128, 128>}, {pipeline_mode = #tpu.pipeline_mode<synchronous>, transform_indices = @transform_5, window_bounds = array<i64: 1, 128>}, {pipeline_mode = #tpu.pipeline_mode<synchronous>, transform_indices = @transform_6, window_bounds = array<i64: 128, 128>}, {pipeline_mode = #tpu.pipeline_mode<synchronous>, transform_indices = @transform_7, window_bounds = array<i64: 1, 128>}, {pipeline_mode = #tpu.pipeline_mode<synchronous>, transform_indices = @transform_8, window_bounds = array<i64: 1, 128>}, {transform_indices = @transform_9, window_bounds = array<i64: 1000, 128>}]} {
    %get3A = arith.constant 0 : index
    %get3A_0 = arith.constant 0 : index
    %get3A_1 = arith.constant 0 : index
    %get3A_2 = vector.load %arg1[%get3A, %get3A_0, %get3A_1] : memref<2x1000x128xf32, #tpu.memory_space<vmem>>, vector<1x1000x128xf32>
    %get3A_3 = vector.shape_cast %get3A_2 : vector<1x1000x128xf32> to vector<1000x128xf32>
    %get3A_4 = arith.constant 1 : index
    %get3A_5 = arith.constant 0 : index
    %get3A_6 = arith.constant 0 : index
    %get3A_7 = vector.load %arg1[%get3A_4, %get3A_5, %get3A_6] : memref<2x1000x128xf32, #tpu.memory_space<vmem>>, vector<1x1000x128xf32>
    %get3A_8 = vector.shape_cast %get3A_7 : vector<1x1000x128xf32> to vector<1000x128xf32>
    %add3A = arith.addf %get3A_3, %get3A_8 : vector<1000x128xf32>
    %get3A_9 = arith.constant 0 : index
    %get3A_10 = arith.constant 0 : index
    %get3A_11 = vector.load %arg2[%get3A_9, %get3A_10] : memref<1000x1xf32, #tpu.memory_space<vmem>>, vector<1000x1xf32>
    %mul3A = vector.broadcast %get3A_11 : vector<1000x1xf32> to vector<1000x128xf32>
    %mul3A_12 = arith.mulf %add3A, %mul3A : vector<1000x128xf32>
    %get3A_13 = arith.constant 0 : index
    %get3A_14 = arith.constant 0 : index
    %get3A_15 = vector.load %arg3[%get3A_13, %get3A_14] : memref<1000x128xf32, #tpu.memory_space<vmem>>, vector<1000x128xf32>
    %add3A_16 = arith.addf %mul3A_12, %get3A_15 : vector<1000x128xf32>
    %get3A_17 = arith.constant 0 : index
    %get3A_18 = arith.constant 0 : index
    %get3A_19 = vector.load %arg9[%get3A_17, %get3A_18] : memref<1x128xf32, #tpu.memory_space<vmem>>, vector<1x128xf32>
    %add3A_20 = vector.broadcast %get3A_19 : vector<1x128xf32> to vector<1000x128xf32>
    %add3A_21 = arith.addf %add3A_16, %add3A_20 : vector<1000x128xf32>
    %max3A = arith.constant 0.000000e+00 : f32
    %max3A_22 = vector.broadcast %max3A : f32 to vector<1000x128xf32>
    %max3A_23 = arith.maximumf %add3A_21, %max3A_22 : vector<1000x128xf32>
    %get3A_24 = arith.constant 0 : index
    %get3A_25 = arith.constant 0 : index
    %get3A_26 = vector.load %arg5[%get3A_24, %get3A_25] : memref<128x128xf32, #tpu.memory_space<vmem>>, vector<128x128xf32>
    %convert_element_type3A = arith.truncf %max3A_23 : vector<1000x128xf32> to vector<1000x128xbf16>
    %convert_element_type3A_27 = arith.truncf %get3A_26 : vector<128x128xf32> to vector<128x128xbf16>
    %dot_general3A = arith.constant dense<0.000000e+00> : vector<1000x128xf32>
    %dot_general3A_28 = tpu.matmul %convert_element_type3A, %convert_element_type3A_27, %dot_general3A {dimension_numbers = #tpu.dot_dimension_numbers<[1], [1], [0], [0], [0, 0, 1, 0], [], []>, transpose_lhs_hint = false} : vector<1000x128xbf16>, vector<128x128xbf16>, vector<1000x128xf32> -> vector<1000x128xf32>
    %get3A_29 = arith.constant 0 : index
    %get3A_30 = arith.constant 0 : index
    %get3A_31 = vector.load %arg6[%get3A_29, %get3A_30] : memref<1x128xf32, #tpu.memory_space<vmem>>, vector<1x128xf32>
    %add3A_32 = vector.broadcast %get3A_31 : vector<1x128xf32> to vector<1000x128xf32>
    %add3A_33 = arith.addf %dot_general3A_28, %add3A_32 : vector<1000x128xf32>
    %mul3A_34 = arith.constant 5.000000e-01 : f32
    %mul3A_35 = vector.broadcast %mul3A_34 : f32 to vector<1000x128xf32>
    %mul3A_36 = arith.mulf %mul3A_35, %add3A_33 : vector<1000x128xf32>
    %mul3A_37 = arith.constant 0.707106769 : f32
    %mul3A_38 = vector.broadcast %mul3A_37 : f32 to vector<1000x128xf32>
    %mul3A_39 = arith.mulf %add3A_33, %mul3A_38 : vector<1000x128xf32>
    %erf3A = math.erf %mul3A_39 : vector<1000x128xf32>
    %add3A_40 = arith.constant 1.000000e+00 : f32
    %add3A_41 = vector.broadcast %add3A_40 : f32 to vector<1000x128xf32>
    %add3A_42 = arith.addf %add3A_41, %erf3A : vector<1000x128xf32>
    %mul3A_43 = arith.mulf %mul3A_36, %add3A_42 : vector<1000x128xf32>
    %get3A_44 = arith.constant 0 : index
    %get3A_45 = arith.constant 0 : index
    %get3A_46 = vector.load %arg4[%get3A_44, %get3A_45] : memref<1000x128xf32, #tpu.memory_space<vmem>>, vector<1000x128xf32>
    %get3A_47 = arith.constant 0 : index
    %get3A_48 = arith.constant 0 : index
    %get3A_49 = vector.load %arg7[%get3A_47, %get3A_48] : memref<128x128xf32, #tpu.memory_space<vmem>>, vector<128x128xf32>
    %convert_element_type3A_50 = arith.truncf %mul3A_43 : vector<1000x128xf32> to vector<1000x128xbf16>
    %convert_element_type3A_51 = arith.truncf %get3A_49 : vector<128x128xf32> to vector<128x128xbf16>
    %dot_general3A_52 = arith.constant dense<0.000000e+00> : vector<1000x128xf32>
    %dot_general3A_53 = tpu.matmul %convert_element_type3A_50, %convert_element_type3A_51, %dot_general3A_52 {dimension_numbers = #tpu.dot_dimension_numbers<[1], [1], [0], [0], [0, 0, 1, 0], [], []>, transpose_lhs_hint = false} : vector<1000x128xbf16>, vector<128x128xbf16>, vector<1000x128xf32> -> vector<1000x128xf32>
    %get3A_54 = arith.constant 0 : index
    %get3A_55 = arith.constant 0 : index
    %get3A_56 = vector.load %arg8[%get3A_54, %get3A_55] : memref<1x128xf32, #tpu.memory_space<vmem>>, vector<1x128xf32>
    %add3A_57 = vector.broadcast %get3A_56 : vector<1x128xf32> to vector<1000x128xf32>
    %add3A_58 = arith.addf %dot_general3A_53, %add3A_57 : vector<1000x128xf32>
    %mul3A_59 = arith.mulf %get3A_46, %add3A_58 : vector<1000x128xf32>
    %swap3A = arith.constant 0 : index
    %swap3A_60 = arith.constant 0 : index
    %swap3A_61 = vector.load %arg10[%swap3A, %swap3A_60] : memref<1000x128xf32, #tpu.memory_space<vmem>>, vector<1000x128xf32>
    tpu.vector_store %arg10[%swap3A, %swap3A_60], %mul3A_59 {strides = array<i32>} : memref<1000x128xf32, #tpu.memory_space<vmem>>, vector<1000x128xf32>,
    return
  }
  func.func @transform_0(%arg0: i32) -> (i32, i32, i32) {
    %c0_i32 = arith.constant 0 : i32
    %c0_i32_0 = arith.constant 0 : i32
    %c0_i32_1 = arith.constant 0 : i32
    return %c0_i32, %arg0, %c0_i32_0 : i32, i32, i32
  }
  func.func @transform_1(%arg0: i32) -> (i32, i32) {
    %c0_i32 = arith.constant 0 : i32
    %c0_i32_0 = arith.constant 0 : i32
    return %arg0, %c0_i32 : i32, i32
  }
  func.func @transform_2(%arg0: i32) -> (i32, i32) {
    %c0_i32 = arith.constant 0 : i32
    %c0_i32_0 = arith.constant 0 : i32
    return %arg0, %c0_i32 : i32, i32
  }
  func.func @transform_3(%arg0: i32) -> (i32, i32) {
    %c0_i32 = arith.constant 0 : i32
    %c0_i32_0 = arith.constant 0 : i32
    return %arg0, %c0_i32 : i32, i32
  }
  func.func @transform_4(%arg0: i32) -> (i32, i32) {
    %c0_i32 = arith.constant 0 : i32
    %c0_i32_0 = arith.constant 0 : i32
    %c0_i32_1 = arith.constant 0 : i32
    return %c0_i32, %c0_i32_0 : i32, i32
  }
  func.func @transform_5(%arg0: i32) -> (i32, i32) {
    %c0_i32 = arith.constant 0 : i32
    %c0_i32_0 = arith.constant 0 : i32
    %c0_i32_1 = arith.constant 0 : i32
    return %c0_i32, %c0_i32_0 : i32, i32
  }
  func.func @transform_6(%arg0: i32) -> (i32, i32) {
    %c0_i32 = arith.constant 0 : i32
    %c0_i32_0 = arith.constant 0 : i32
    %c0_i32_1 = arith.constant 0 : i32
    return %c0_i32, %c0_i32_0 : i32, i32
  }
  func.func @transform_7(%arg0: i32) -> (i32, i32) {
    %c0_i32 = arith.constant 0 : i32
    %c0_i32_0 = arith.constant 0 : i32
    %c0_i32_1 = arith.constant 0 : i32
    return %c0_i32, %c0_i32_0 : i32, i32
  }
  func.func @transform_8(%arg0: i32) -> (i32, i32) {
    %c0_i32 = arith.constant 0 : i32
    %c0_i32_0 = arith.constant 0 : i32
    %c0_i32_1 = arith.constant 0 : i32
    return %c0_i32, %c0_i32_0 : i32, i32
  }
  func.func @transform_9(%arg0: i32) -> (i32, i32) {
    %c0_i32 = arith.constant 0 : i32
    %c0_i32_0 = arith.constant 0 : i32
    return %arg0, %c0_i32 : i32, i32
  }
}

</mosaic_0001>

<sc_bundles>
// kernel: kernel.10.cloned.1.call-start
scs
__scs_entry_jumppad:
0x0: {  	(pc) =	sbr.rel $0x88, $3  }
0x1: {  	(tag) =	ssettag $0x0;
	lr =	simm.s32 $0x1  }
0x2: {  	[smem:$0x3F92] =	sst lr;
	_ =	strace $0xD0000000  }
0x3: {  	_ = 	snop  }
0x4: {  	_ = 	snop  }
0x5: {  	_ = 	snop  }
0x6: {  	_ = 	snop  }
0x7: {  	_ = 	snop  }
__scs_overlays_trampoline_lowered:
0x8: {  	[smem:$0x3FA1] =	sst s0  }
0x9: {  	[smem:$0x3FA2] =	sst s1  }
0xa: {  	[smem:$0x3FA3] =	sst s2  }
0xb: {  	[smem:$0x3FA4] =	sst s3  }
0xc: {  	[smem:$0x3FA5] =	sst s4  }
0xd: {  	[smem:$0x3FA6] =	sst s5  }
0xe: {  	[smem:$0x3FA7] =	sst s6  }
0xf: {  	[smem:$0x3FA8] =	sst s7  }
0x10: {  	[smem:$0x3FA9] =	sst s8  }
0x11: {  	[smem:$0x3FAA] =	sst s9;
	s0 =	simm.s32 @!p0 $0x0  }
0x12: {  	s1 =	sld [smem:$0x3F90];
	s0 =	simm.s32 @p0 $0x1  }
0x13: {  	[smem:$0x3FAB] =	sst s0;
	s0 =	simm.s32 @!p1 $0x0  }
0x14: {  	s2 =	sld [smem:$0x3F8F];
	s0 =	simm.s32 @p1 $0x1  }
0x15: {  	[smem:$0x3FAC] =	sst s0;
	s0 =	simm.s32 @!p2 $0x0  }
0x16: {  	s3 =	sld [smem:$0x3FDB];
	s0 =	simm.s32 @p2 $0x1  }
0x17: {  	s4 =	simm.s32 $0x1BF5;
	[smem:$0x3FAE] =	sst s0  }
0x18: {  	s0 =	sld [smem:$0x3F91];
	_ =	swait.ge [sflag:s4], $0x0  }
0x19: {  	s7 =	sld [smem:$0x3F92]  }
0x1a: {  	s8 =	sadd.s32 $0xFFFFE003, lr  }
0x1b: {  	s9 =	sadd.s32 $0xFFFFFEF7, lr;
	s5 =	simm.s32 $0xFFFFFFFF;
	p2 =	slt.u32 s8, $0xFFFFF086  }
0x1c: {  	p1 =	slt.u32 s9, $0xF7A;
	s5 =	simm.s32 @!p2 $0x0  }
0x1d: {  	s5 =	simm.s32 @p1 $0x1;
	p0 =	seq.s32 s7, s2  }
0x1e: {  	s7 =	smul.u32 @!p0 $0xF7A, s2;
	p2 =	seq.s32 @!p0 s5, $0x0  }
0x1f: {  	s9 =	smul.u32 $0xF7A, s1;
	s8 =	simm.s32 @!p0 $0x1BF5;
	p2 =	por !p2, p0  }
0x20: {  	[sflag:s8] =	ssyncset.s32 @!p0 $0xFFFFF086;
	s6 =	sadd.s32 @!p0 s3, s7;
	s7 =	simm.s32 @!p0 $0x108  }
0x21: {  	s3 =	sadd.s32 s3, s9;
	s6 =	sadd.s32 @!p0 $0x88, s6;
	s7 =	simm.s32 @p2 $0x1082  }
0x22: {  	[simem:s7], [sflag:s8] =	dma.local @!p0 [hbm:s6], $0xF7A  }
0x23: {  	s9 =	sor.u32 $0xD0000000, s2;
	s6 =	simm.s32 $0x108;
	_ =	swait.ge @!p0 [sflag:s8], $0x0  }
0x24: {  	s3 =	sadd.s32 $0x88, s3;
	s6 =	simm.s32 @!p1 $0x1082;
	[sflag:s4] =	ssyncset.s32 $0xFFFFF086  }
0x25: {  	[simem:s6], [sflag:s4] =	dma.local [hbm:s3], $0xF7A  }
0x26: {  	[smem:$0x3F92] =	sst s1;
	(tag) =	ssettag s2;
	_ =	strace s9  }
0x27: {  	s1 =	sld [smem:$0x3FA2]  }
0x28: {  	s2 =	sld [smem:$0x3FA3]  }
0x29: {  	s4 =	sld [smem:$0x3FA5]  }
0x2a: {  	p0 =	seq.s32 s5, $0x0;
	s5 =	sld [smem:$0x3FA6]  }
0x2b: {  	s6 =	sld [smem:$0x3FA7]  }
0x2c: {  	s7 =	sld [smem:$0x3FA8]  }
0x2d: {  	s3 =	simm.s32 $0x108;
	s8 =	sld [smem:$0x3FA9]  }
0x2e: {  	s3 =	simm.s32 @!p0 $0x1082;
	s9 =	sld [smem:$0x3FAA]  }
0x2f: {  	lr =	sadd.s32 s0, s3;
	s0 =	sld [smem:$0x3FA1]  }
0x30: {  	s3 =	sld [smem:$0x3FA4]  }
0x31: {  	[smem:$0x3FAD] =	sst s10  }
0x32: {  	s10 =	sld [smem:$0x3FAB];
	_ =	sdelay $0x3  }
0x33: {  	p0 =	seq.s32 s10, $0x1;
	s10 =	sld [smem:$0x3FAD];
	_ =	sdelay $0x3  }
0x34: {  	[smem:$0x3FAD] =	sst s10  }
0x35: {  	s10 =	sld [smem:$0x3FAC];
	_ =	sdelay $0x3  }
0x36: {  	p1 =	seq.s32 s10, $0x1;
	s10 =	sld [smem:$0x3FAD];
	_ =	sdelay $0x3  }
0x37: {  	[smem:$0x3FAD] =	sst s10  }
0x38: {  	s10 =	sld [smem:$0x3FAE]  }
0x39: {  	_ = 	snop;
	(pc) =	sbr.ind lr, $3  }
0x3a: {  	_ = 	snop  }
0x3b: {  	_ = 	snop  }
0x3c: {  	p2 =	seq.s32 s10, $0x1;
	s10 =	sld [smem:$0x3FAD]  }
0x3d: {  	_ =	shalt  }
0x3e: {  	_ =	shalt  }
0x3f: {  	_ =	shalt  }
0x40: {  	_ =	shalt  }
0x41: {  	_ =	shalt  }
0x42: {  	_ =	shalt  }
0x43: {  	_ =	shalt  }
0x44: {  	_ =	shalt  }
0x45: {  	_ =	shalt  }
0x46: {  	_ =	shalt  }
0x47: {  	_ =	shalt  }
0x48: {  	_ =	shalt  }
0x49: {  	_ =	shalt  }
0x4a: {  	_ =	shalt  }
0x4b: {  	_ =	shalt  }
0x4c: {  	_ =	shalt  }
0x4d: {  	_ =	shalt  }
0x4e: {  	_ =	shalt  }
0x4f: {  	_ =	shalt  }
0x50: {  	_ =	shalt  }
0x51: {  	_ =	shalt  }
0x52: {  	_ =	shalt  }
0x53: {  	_ =	shalt  }
0x54: {  	_ =	shalt  }
0x55: {  	_ =	shalt  }
0x56: {  	_ =	shalt  }
0x57: {  	_ =	shalt  }
0x58: {  	_ =	shalt  }
0x59: {  	_ =	shalt  }
0x5a: {  	_ =	shalt  }
0x5b: {  	_ =	shalt  }
0x5c: {  	_ =	shalt  }
0x5d: {  	_ =	shalt  }
0x5e: {  	_ =	shalt  }
0x5f: {  	_ =	shalt  }
0x60: {  	_ =	shalt  }
0x61: {  	_ =	shalt  }
0x62: {  	_ =	shalt  }
0x63: {  	_ =	shalt  }
0x64: {  	_ =	shalt  }
0x65: {  	_ =	shalt  }
0x66: {  	_ =	shalt  }
0x67: {  	_ =	shalt  }
0x68: {  	_ =	shalt  }
0x69: {  	_ =	shalt  }
0x6a: {  	_ =	shalt  }
0x6b: {  	_ =	shalt  }
0x6c: {  	_ =	shalt  }
0x6d: {  	_ =	shalt  }
0x6e: {  	_ =	shalt  }
0x6f: {  	_ =	shalt  }
0x70: {  	_ =	shalt  }
0x71: {  	_ =	shalt  }
0x72: {  	_ =	shalt  }
0x73: {  	_ =	shalt  }
0x74: {  	_ =	shalt  }
0x75: {  	_ =	shalt  }
0x76: {  	_ =	shalt  }
0x77: {  	_ =	shalt  }
0x78: {  	_ =	shalt  }
0x79: {  	_ =	shalt  }
0x7a: {  	_ =	shalt  }
0x7b: {  	_ =	shalt  }
0x7c: {  	_ =	shalt  }
0x7d: {  	_ =	shalt  }
0x7e: {  	_ =	shalt  }
0x7f: {  	_ =	shalt  }
0x80: {  	_ =	shalt  }
0x81: {  	_ =	shalt  }
0x82: {  	_ =	shalt  }
0x83: {  	_ =	shalt  }
0x84: {  	_ =	shalt  }
0x85: {  	_ =	shalt  }
0x86: {  	_ =	shalt  }
0x87: {  	_ =	shalt  }
.Lfunc_end0:
.L_simem_size_0:
called_computation.1_lowered:
.L_overlay_start_0:
0x88: {  	s2 =	sld [smem:$0x3FD9]  }
0x89: {  	s3 =	sld [smem:$0x3FFE];
	_ =	sdelay $0x1  }
0x8a: {  	s1 =	srdreg.scid  }
0x8b: {  	s0 =	sand.u32 $0x1, s1  }
0x8c: {  	s17 =	sshll.u32 s0, $0xA;
	s2 =	sadd.s32 s3, s2  }
0x8d: {  	s2 =	sadd.s32 s2, s17  }
0x8e: {  	[smem:$0x3FB9] =	sst s2  }
0x8f: {  	_ = 	snop  }
0x90: {  	s2 =	sld [smem:$0x3FD0];
	(tm) =	ssettm $0x1  }
0x91: {  	s18 =	sld [smem:$0x3FFB];
	_ =	sdelay $0x3  }
0x92: {  	_ =	strace s18  }
0x93: {  	s3 =	sld [smem:$0x3FFC];
	_ =	sdelay $0x3  }
0x94: {  	_ =	strace s3  }
0x95: {  	s3 =	sld [smem:$0x3FFD];
	_ =	sdelay $0x3  }
0x96: {  	_ =	strace s3  }
0x97: {  	_ =	strace $0x8FFFFFFF  }
0x98: {  	s19 =	sld [smem:$0x3FDB];
	_ =	sdelay $0x1  }
0x99: {  	s4 =	simm.s32 $_scs_section_size  }
0x9a: {  	s5 =	simm.s32 $_size__tile_overlayer_lowered;
	s6 =	simm.s32 $_tile_overlayer_lowered  }
0x9b: {  	s22 =	simm.s32 $0x1BFF;
	s21 =	sshll.u32 s6, $0x1;
	s3 =	sadd.s32 s4, s19  }
0x9c: {  	s7 =	simm.s32 $0x0;
	s20 =	sshll.u32 s5, $0x1;
	s5 =	sadd.s32 s21, s3  }
0x9d: {  	[timem:s7], [sflag:s22] =	dma.local [hbm:s5], s20  }
0x9e: {  	_ =	swait.ge [sflag:s22], s20  }
0x9f: {  	s4 =	ssub.s32 $0x0, s20;
	[sflag:s22] =	ssyncset.done $0x0  }
0xa0: {  	[sflag:s22] =	ssyncadd.s32 s4;
	_ =	sdelay $0x1  }
0xa1: {  	s23 =	simm.s32 $0x1B8B  }
0xa2: {  	_ =	swait.ge [sflag:s23], $0x1  }
0xa3: {  	[sflag:s23] =	ssyncset.done $0x0  }
0xa4: {  	s25 =	simm.s32 $0x1B8E;
	s24 =	sld [smem:$0x3FFE];
	[sflag:s23] =	ssyncadd.s32 $0xFFFFFFFF  }
0xa5: {  	s26 =	simm.s32 $execute0_lowered;
	[smem:$0x3FD2] =	sst s25  }
0xa6: {  	s5 =	sshll.u32 s26, $0x1;
	_ =	strace $0x80000049;
	[dreg:$0x1] =	wrdreg $0xFFFFFFFF  }
0xa7: {  	s28 =	simm.s32 $_size_execute0_lowered;
	s3 =	sadd.s32 s3, s5;
	[dreg:$0x0] =	wrdreg $0x0  }
0xa8: {  	s5 =	sshll.u32 s28, $0x1;
	[dreg:$0x2] =	wrdreg s3  }
0xa9: {  	[dreg:$0x3] =	wrdreg s5  }
0xaa: {  	[dreg:$0x4] =	wrdreg $0xC0  }
0xab: {  	_ =	task [dreg:s7], $0x5FFFF  }
0xac: {  	[dreg:$0x1] =	wrdreg $0xFFFFFFFF  }
0xad: {  	[dreg:$0x0] =	wrdreg $0x60  }
0xae: {  	[dreg:$0x2] =	wrdreg s2  }
0xaf: {  	[dreg:$0x3] =	wrdreg s24  }
0xb0: {  	[dreg:$0x4] =	wrdreg $0xA8000  }
0xb1: {  	[dreg:$0x5] =	wrdreg $0x9  }
0xb2: {  	_ =	task.clear_ibuf [dreg:s7], $0x6FFFF;
	_ =	strace $0x90000049  }
0xb3: {  	s29 =	simm.s32 $0x9;
	_ =	strace $0x8000004B  }
0xb4: {  	_ =	swait.ge [sflag:s29], $0x1  }
0xb5: {  	[sflag:s29] =	ssyncadd.s32 $0xFFFFFFFF  }
0xb6: {  	_ =	strace $0x9000004B  }
0xb7: {  	_ =	sfence  }
0xb8: {  	s30 =	sld [smem:$0x0];
	_ =	sdelay $0x2  }
0xb9: {  	s31 =	sshll.u32 s1, $0xD;
	s1 =	sshrl.u32 s1, $0x2  }
0xba: {  	s3 =	sand.u32 $0x4000, s31;
	s1 =	sadd.s32 s1, s30  }
0xbb: {  	s0 =	sor.u32 s3, s0;
	s1 =	sshll.u32 s1, $0x11  }
0xbc: {  	s0 =	sor.u32 s1, s0  }
0xbd: {  	s0 =	sadd.s32 $0x8F2B, s0  }
0xbe: {  	[sflag:s0] =	ssyncadd.remote.s32 $0x1  }
0xbf: {  	_ =	sfence.sel $0xFFFF  }
0xc0: {  	[dreg:$0x0] =	wrdreg $0xFFFFFFFF;
	(pc) =	sbr.abs _section_cstart, $3  }
0xc1: {  	[dreg:$0x1] =	wrdreg $0xFFFFFFFF  }
0xc2: {  	_ =	task.clear_ibuf [dreg:s7], $0x2FFFF;
	_ =	strace $0x9FFFFFFF  }
0xc3: {  	(tm) =	ssettm $0x7FFFFFFF  }
tec
execute0_lowered:
.L_overlay_start_1:
0x0: {  	(tag) =	ssettag $0x1  }
0x1: {  	s3 =	rddreg [dreg:$0x0]  }
0x2: {  	s1 =	rddreg [dreg:$0x1];
	s2 =	srdreg.scid  }
0x3: {  	s31 =	rddreg [dreg:$0x2];
	s9 =	stileid.u32  }
0x4: {  	s4 =	simm.s32 $0x0;
	s30 =	simm.s32 $0x400;
	s6 =	smul.u32 $0x2800, s9  }
0x5: {  	s28 =	simm.s32 $0x100;
	s5 =	sand.u32 $0x1, s2;
	s8 =	smul.u32 $0x50, s9  }
0x6: {  	[smem:$0x7FF] =	sst s4;
	s11 =	sadd.s32 $0x3200, s1;
	s22 =	smul.u32 $0x4E20, s9  }
0x7: {  	s7 =	sshll.u32 s9, $0x1;
	s2 =	smul.u32 $0x138800, s5;
	_ =	strace $0x8000004A  }
0x8: {  	s7 =	sor.u32 s5, s7;
	s18 =	ssub.s32 $0x2, s5;
	s5 =	smul.u32 $0x2710, s5  }
0x9: {  	[dreg:$0x13] =	wrdreg s11;
	s17 =	ssub.s32 $0x2C00, s8;
	s7 =	smul.u32 $0x2710, s7  }
0xa: {  	s19 =	sshrl.u32 s18, $0x1;
	s2 =	sadd.s32 s6, s2;
	s6 =	smul.u32 $0xCCD, s17  }
0xb: {  	s5 =	sadd.s32 s5, s22;
	s2 =	sshrl.u32 s2, $0x3;
	s7 =	sshrl.u32 s7, $0x3  }
0xc: {  	s12 =	sadd.s32 $0x4B0, s5;
	s13 =	sadd.s32 $0x4E6B0, s5;
	s6 =	sshrl.u32 s6, $0x16  }
0xd: {  	s14 =	sadd.s32 $0x460, s5;
	s10 =	sadd.s32 s11, s7;
	[dreg:$0x14] =	wrdreg s6  }
0xe: {  	s1 =	sadd.s32 s2, s1;
	s20 =	sadd.s32 $0x9C40, s10;
	[dreg:$0x15] =	wrdreg s10  }
0xf: {  	s2 =	ssub.s32 s18, s19;
	s21 =	sadd.s32 $0xA, s10;
	[dreg:$0x16] =	wrdreg s20  }
0x10: {  	s16 =	sshrl.u32 s14, $0x3;
	s7 =	sadd.s32 $0x9C4A, s10;
	[dreg:$0x17] =	wrdreg s21  }
0x11: {  	s18 =	sadd.s32 $0x4E660, s5;
	s23 =	sadd.s32 $0x14, s10;
	[dreg:$0x18] =	wrdreg s7  }
0x12: {  	s24 =	sadd.s32 $0x9C54, s10;
	s25 =	sadd.s32 $0x1E, s10;
	[dreg:$0x19] =	wrdreg s23  }
0x13: {  	s26 =	sadd.s32 $0x9C5E, s10;
	s29 =	sadd.s32 $0x28, s10;
	[dreg:$0x1a] =	wrdreg s24  }
0x14: {  	s0 =	sadd.s32 $0x9C68, s10;
	s8 =	sadd.s32 $0x9C72, s10;
	[dreg:$0x1b] =	wrdreg s25  }
0x15: {  	s6 =	sshrl.u32 s12, $0x3;
	s17 =	sadd.s32 s16, s11;
	[dreg:$0x1c] =	wrdreg s26  }
0x16: {  	s19 =	sshrl.u32 s18, $0x3;
	s18 =	sadd.s32 $0x4E520, s5;
	[dreg:$0x1d] =	wrdreg s29  }
0x17: {  	s2 =	smax.u32 s2, $0x1;
	s1 =	sadd.s32 $0x16C00, s1;
	[dreg:$0x1e] =	wrdreg s0  }
0x18: {  	s7 =	sadd.s32 $0x32, s10;
	[smem:$0x7EB] =	sst s8;
	s6 =	sadd.s32 s6, s11  }
0x19: {  	s8 =	sshrl.u32 s13, $0x3;
	[dreg:$0x6] =	wrdreg s17;
	s20 =	sadd.s32 $0x410, s5  }
0x1a: {  	s21 =	sadd.s32 $0x4E610, s5;
	s25 =	sadd.s32 $0x3C0, s5;
	[smem:$0x7EF] =	sst s2  }
0x1b: {  	s29 =	sadd.s32 $0x4E5C0, s5;
	s0 =	sadd.s32 $0x370, s5;
	[smem:$0x7F2] =	sst s1  }
0x1c: {  	s17 =	sadd.s32 $0x320, s5;
	s2 =	simm.s32 $0x0;
	[dreg:$0x1f] =	wrdreg s7  }
0x1d: {  	s7 =	smul.u32 $0xA000, s9;
	[dreg:$0x4] =	wrdreg s6;
	s15 =	sadd.s32 s8, s11  }
0x1e: {  	s6 =	sadd.s32 s19, s11;
	s8 =	sshrl.u32 s20, $0x3;
	[dreg:$0x5] =	wrdreg s15  }
0x1f: {  	s13 =	sshrl.u32 s0, $0x3;
	s0 =	sadd.s32 $0x3C, s10;
	[dreg:$0x7] =	wrdreg s6  }
0x20: {  	s20 =	sshrl.u32 s18, $0x3;
	s18 =	sadd.s32 $0x4B0, s10;
	[smem:$0x7EC] =	sst s0  }
0x21: {  	s23 =	sshrl.u32 s21, $0x3;
	s22 =	sadd.s32 s8, s11;
	[smem:$0x7F4] =	sst s18  }
0x22: {  	s26 =	sshrl.u32 s25, $0x3;
	s24 =	sadd.s32 s23, s11;
	[dreg:$0x8] =	wrdreg s22  }
0x23: {  	s25 =	sadd.s32 $0x4E480, s5;
	s6 =	sadd.s32 s26, s11;
	[dreg:$0x9] =	wrdreg s24  }
0x24: {  	s8 =	sshrl.u32 s29, $0x3;
	s14 =	sadd.s32 s13, s11;
	[dreg:$0xa] =	wrdreg s6  }
0x25: {  	s15 =	sadd.s32 $0x4E570, s5;
	s21 =	sadd.s32 s20, s11;
	[dreg:$0xc] =	wrdreg s14  }
0x26: {  	s29 =	sshrl.u32 s25, $0x3;
	s13 =	sadd.s32 $0x9C7C, s10;
	[dreg:$0xf] =	wrdreg s21  }
0x27: {  	s20 =	sadd.s32 $0x4BA, s10;
	s25 =	sadd.s32 $0xA10E, s10;
	[smem:$0x7ED] =	sst s13  }
0x28: {  	s18 =	simm.s32 $0x7;
	s0 =	simm.s32 $0x8;
	[smem:$0x7F6] =	sst s20  }
0x29: {  	s12 =	sadd.s32 s8, s11;
	s16 =	sshrl.u32 s15, $0x3;
	[smem:$0x7FB] =	sst s25  }
0x2a: {  	s8 =	sshrl.u32 s17, $0x3;
	s14 =	sadd.s32 $0x46, s10;
	[dreg:$0xb] =	wrdreg s12  }
0x2b: {  	s22 =	sadd.s32 $0x2D0, s5;
	s17 =	sadd.s32 $0x9C86, s10;
	[smem:$0x7EE] =	sst s14  }
0x2c: {  	s24 =	sadd.s32 $0x4E4D0, s5;
	s21 =	sadd.s32 $0xA0FA, s10;
	[smem:$0x7F3] =	sst s17  }
0x2d: {  	s7 =	sshrl.u32 s7, $0x2;
	s6 =	sadd.s32 s16, s11;
	[smem:$0x7F7] =	sst s21  }
0x2e: {  	s13 =	simm.s32 $0x11;
	s19 =	sadd.s32 s8, s11;
	[dreg:$0xd] =	wrdreg s6  }
0x2f: {  	s20 =	simm.s32 $0x1;
	s12 =	sadd.s32 s29, s11;
	[dreg:$0xe] =	wrdreg s19  }
0x30: {  	s23 =	sshrl.u32 s22, $0x3;
	s15 =	sadd.s32 s7, s31;
	[dreg:$0x12] =	wrdreg s12  }
0x31: {  	s8 =	sshrl.u32 s24, $0x3;
	s16 =	sadd.s32 $0x280, s5;
	[smem:$0x7F0] =	sst s15  }
0x32: {  	s22 =	sadd.s32 $0x4C4, s10;
	s24 =	sadd.s32 $0x4CE, s10;
	[smem:$0x7F1] =	sst s16  }
0x33: {  	s29 =	sadd.s32 $0xA118, s10;
	s21 =	simm.s32 $0x2;
	[smem:$0x7F8] =	sst s22  }
0x34: {  	s5 =	simm.s32 $0x6;
	s17 =	simm.s32 $0xF;
	[smem:$0x7FA] =	sst s24  }
0x35: {  	s6 =	sadd.s32 s23, s11;
	s26 =	sadd.s32 s8, s11;
	[smem:$0x7FD] =	sst s29  }
0x36: {  	s19 =	sadd.s32 $0xA0F0, s10;
	s23 =	sadd.s32 $0xA104, s10;
	[dreg:$0x10] =	wrdreg s6  }
0x37: {  	s12 =	simm.s32 $0x800;
	s22 =	simm.s32 $0x50;
	[dreg:$0x11] =	wrdreg s26  }
0x38: {  	s16 =	simm.s32 $0xC;
	s8 =	simm.s32 $0x10;
	[smem:$0x7F5] =	sst s19  }
0x39: {  	[smem:$0x7F9] =	sst s23;
	s26 =	sadd.s32 $0x4D8, s10;
	s19 =	simm.s32 $0x80  }
0x3a: {  	v0 =	vimm.f32 $0.0e+00;
	s6 =	simm.s32 $0x480;
	[smem:$0x7FC] =	sst s26;
	s26 =	simm.s32 $0x3  }
.LBB2_1:
0x3b: {  	s14 =	simm.s32 $0x70;
	s24 =	simm.s32 $0x3C0  }
.LBB2_2:
0x3c: {  	p0 =	sne.s32 s24, $0x9FC0;
	[tilespmem:s14+$0x800] =	vst v0  }
0x3d: {  	[tilespmem:s14+$0x790] =	vst v0  }
0x3e: {  	[tilespmem:s14+$0x7A0] =	vst v0  }
.Ltmp0:
0x3f: {  	[tilespmem:s14+$0x7B0] =	vst v0;
	(pc) =	sbr.rel @p0 .LBB2_2-.Ltmp0, $4  }
0x40: {  	[tilespmem:s14+$0x7C0] =	vst v0  }
0x41: {  	[tilespmem:s14+$0x7D0] =	vst v0  }
0x42: {  	[tilespmem:s14+$0x7E0] =	vst v0  }
0x43: {  	[tilespmem:s14+$0x7F0] =	vst v0;
	s14 =	sshra.s32 s24, $0x2;
	s24 =	sadd.s32 $0x200, s24  }
0x44: {  	[tilespmem:s14+$0x800] =	vst v0  }
0x45: {  	[tilespmem:s14+$0x790] =	vst v0  }
0x46: {  	[tilespmem:s14+$0x7A0] =	vst v0  }
0x47: {  	[tilespmem:s14+$0x7B0] =	vst v0  }
0x48: {  	[tilespmem:s14+$0x7C0] =	vst v0;
	s29 =	rddreg [dreg:$0x14]  }
0x49: {  	[tilespmem:s14+$0x7D0] =	vst v0;
	s15 =	sld [smem:$0x7F0];
	p0 =	sne.s32 s29, $0x1  }
.Ltmp1:
0x4a: {  	[tilespmem:s14+$0x7E0] =	vst v0;
	(pc) =	sbr.rel @!p0 .LBB2_5-.Ltmp1, $4  }
0x4b: {  	[smem:$0x7EA] =	sst s2;
	[tilespmem:s14+$0x7F0] =	vst v0  }
0x4c: {  	[spmem:s15] =	stream.linear.scatter [tilespmem:s12], [sflag:$0x11], $0x2800, $0x38;
	[tilespmem:$0x1E080] =	vst v63  }
0x4d: {  	_ =	swait.ge [sflag:s13], $0x2800  }
0x4e: {  	s14 =	sadd.s32 $0xFFFFFFFF, s29;
	[sflag:s13] =	ssyncset.done $0x0  }
.LBB2_4:
0x4f: {  	p1 =	sne.s32 s14, $0x1;
	[sflag:s13] =	ssyncadd.s32 $0xFFFFD800;
	s15 =	sadd.s32 $0x28000, s15  }
.Ltmp2:
0x50: {  	s14 =	sadd.s32 $0xFFFFFFFF, s14;
	(pc) =	sbr.rel @p1 .LBB2_4-.Ltmp2, $4  }
0x51: {  	_ = 	snop  }
0x52: {  	[spmem:s15] =	stream.linear.scatter [tilespmem:s12], [sflag:$0x11], $0x2800, $0x38;
	[tilespmem:$0x1E080] =	vst v63  }
0x53: {  	_ =	swait.ge [sflag:s13], $0x2800  }
0x54: {  	[sflag:s13] =	ssyncset.done $0x0  }
.LBB2_5:
0x55: {  	[sflag:s13] =	ssyncadd.s32 $0xFFFFD800  }
0x56: {  	[bflag:$0x0] =	sbarrier.arrive $0xFFFF  }
0x57: {  	s14 =	simm.s32 $0x0;
	s15 =	rddreg [dreg:$0x15]  }
0x58: {  	[tilespmem:s14], [sflag:$0x1] =	stream.linear.gather [hbm4b:s15+s14], $0x50, $0x38;
	[tilespmem:$0x1E080] =	vst v63  }
0x59: {  	s25 =	rddreg [dreg:$0x16]  }
0x5a: {  	[tilespmem:s30], [sflag:$0x1] =	stream.linear.gather [hbm4b:s25+s14], $0x50, $0x38;
	[tilespmem:$0x1E080] =	vst v63  }
0x5b: {  	s29 =	rddreg [dreg:$0x17]  }
0x5c: {  	[tilespmem:s19], [sflag:$0x2] =	stream.linear.gather [hbm4b:s29+s14], $0x50, $0x38;
	[tilespmem:$0x1E080] =	vst v63  }
0x5d: {  	s1 =	rddreg [dreg:$0x18]  }
0x5e: {  	[tilespmem:s6], [sflag:$0x2] =	stream.linear.gather [hbm4b:s1+s14], $0x50, $0x38;
	[tilespmem:$0x1E080] =	vst v63  }
0x5f: {  	s2 =	rddreg [dreg:$0x19]  }
0x60: {  	[tilespmem:s28], [sflag:$0x3] =	stream.linear.gather [hbm4b:s2+s14], $0x50, $0x38;
	[tilespmem:$0x1E080] =	vst v63  }
0x61: {  	s7 =	rddreg [dreg:$0x1a];
	s1 =	simm.s32 $0x500  }
0x62: {  	[tilespmem:s1], [sflag:$0x3] =	stream.linear.gather [hbm4b:s7+s14], $0x50, $0x38;
	[tilespmem:$0x1E080] =	vst v63  }
0x63: {  	s10 =	simm.s32 $0x180;
	s9 =	rddreg [dreg:$0x1b]  }
0x64: {  	[tilespmem:s10], [sflag:$0x4] =	stream.linear.gather [hbm4b:s9+s14], $0x50, $0x38;
	[tilespmem:$0x1E080] =	vst v63  }
0x65: {  	s13 =	simm.s32 $0x580;
	s11 =	rddreg [dreg:$0x1c]  }
0x66: {  	[tilespmem:s13], [sflag:$0x4] =	stream.linear.gather [hbm4b:s11+s14], $0x50, $0x38;
	[tilespmem:$0x1E080] =	vst v63  }
0x67: {  	_ =	swait.ge [sflag:s20], $0x50  }
0x68: {  	[sflag:s20] =	ssyncset.done $0x0  }
0x69: {  	[sflag:s20] =	ssyncadd.s32 $0xFFFFFFB0  }
0x6a: {  	_ =	swait.ge [sflag:s20], $0x50  }
0x6b: {  	[sflag:s20] =	ssyncset.done $0x0  }
0x6c: {  	[sflag:s20] =	ssyncadd.s32 $0xFFFFFFB0  }
0x6d: {  	[tilespmem:s12], [sflag:$0x9] =	stream.indirect.gather [hbm4b:s3+s22], $0x80, s14, s22, $0xb8;
	[tilespmem:$0x1E080] =	vst v63  }
0x6e: {  	_ =	swait.ge [sflag:s21], $0x50  }
0x6f: {  	[sflag:s21] =	ssyncset.done $0x0  }
0x70: {  	[sflag:s21] =	ssyncadd.s32 $0xFFFFFFB0  }
0x71: {  	_ =	swait.ge [sflag:s21], $0x50  }
0x72: {  	[sflag:s21] =	ssyncset.done $0x0  }
0x73: {  	s20 =	simm.s32 $0x3000;
	[sflag:s21] =	ssyncadd.s32 $0xFFFFFFB0  }
0x74: {  	[tilespmem:s20], [sflag:$0xA] =	stream.indirect.gather [hbm4b:s3+s22], $0x80, s19, s22, $0xb8;
	[tilespmem:$0x1E080] =	vst v63  }
0x75: {  	_ =	swait.ge [sflag:s26], $0x50  }
0x76: {  	[sflag:s26] =	ssyncset.done $0x0  }
0x77: {  	[sflag:s26] =	ssyncadd.s32 $0xFFFFFFB0  }
0x78: {  	_ =	swait.ge [sflag:s26], $0x50  }
0x79: {  	[sflag:s26] =	ssyncset.done $0x0  }
0x7a: {  	s15 =	simm.s32 $0x5800;
	s7 =	simm.s32 $0x9;
	[sflag:s26] =	ssyncadd.s32 $0xFFFFFFB0  }
0x7b: {  	[tilespmem:s15], [sflag:$0xB] =	stream.indirect.gather [hbm4b:s3+s22], $0x80, s28, s22, $0xb8;
	[tilespmem:$0x1E080] =	vst v63  }
0x7c: {  	_ =	swait.ge [sflag:s7], $0x2800  }
0x7d: {  	[sflag:s7] =	ssyncset.done $0x0  }
0x7e: {  	s24 =	simm.s32 $0x800;
	s2 =	simm.s32 $0x4;
	[sflag:s7] =	ssyncadd.s32 $0xFFFFD800  }
0x7f: {  	[spmem:s31] =	stream.indirect.scatter.add.f32 [tilespmem:s24], [sflag:$0xD], $0x80, s30, s22, $0xb8;
	[tilespmem:$0x1E080] =	vst v63  }
0x80: {  	_ =	swait.ge [sflag:s2], $0x50  }
0x81: {  	[sflag:s2] =	ssyncset.done $0x0  }
0x82: {  	[sflag:s2] =	ssyncadd.s32 $0xFFFFFFB0  }
0x83: {  	_ =	swait.ge [sflag:s2], $0x50  }
0x84: {  	[sflag:s2] =	ssyncset.done $0x0  }
0x85: {  	s9 =	simm.s32 $0x180;
	s21 =	simm.s32 $0x8000;
	[sflag:s2] =	ssyncadd.s32 $0xFFFFFFB0  }
0x86: {  	[tilespmem:s21], [sflag:$0xC] =	stream.indirect.gather [hbm4b:s3+s22], $0x80, s9, s22, $0xb8;
	[tilespmem:$0x1E080] =	vst v63  }
0x87: {  	s1 =	rddreg [dreg:$0x1d];
	s9 =	simm.s32 $0x200  }
0x88: {  	[tilespmem:s9], [sflag:$0x5] =	stream.linear.gather [hbm4b:s1+s14], $0x50, $0x38;
	[tilespmem:$0x1E080] =	vst v63  }
0x89: {  	s12 =	rddreg [dreg:$0x1e];
	s21 =	simm.s32 $0x600  }
0x8a: {  	[tilespmem:s21], [sflag:$0x5] =	stream.linear.gather [hbm4b:s12+s14], $0x50, $0x38;
	[tilespmem:$0x1E080] =	vst v63  }
0x8b: {  	s21 =	simm.s32 $0xA  }
0x8c: {  	_ =	swait.ge [sflag:s21], $0x2800  }
0x8d: {  	[sflag:s21] =	ssyncset.done $0x0  }
0x8e: {  	[sflag:s21] =	ssyncadd.s32 $0xFFFFD800  }
0x8f: {  	[spmem:s31] =	stream.indirect.scatter.add.f32 [tilespmem:s20], [sflag:$0xE], $0x80, s6, s22, $0xb8;
	[tilespmem:$0x1E080] =	vst v63  }
0x90: {  	s6 =	simm.s32 $0xD  }
0x91: {  	_ =	swait.ge [sflag:s6], $0x2800  }
0x92: {  	[sflag:s6] =	ssyncset.done $0x0  }
0x93: {  	s9 =	simm.s32 $0x5;
	[sflag:s6] =	ssyncadd.s32 $0xFFFFD800  }
0x94: {  	_ =	swait.ge [sflag:s9], $0x50  }
0x95: {  	[sflag:s9] =	ssyncset.done $0x0  }
0x96: {  	[sflag:s9] =	ssyncadd.s32 $0xFFFFFFB0  }
0x97: {  	_ =	swait.ge [sflag:s9], $0x50  }
0x98: {  	[sflag:s9] =	ssyncset.done $0x0  }
0x99: {  	s1 =	simm.s32 $0x200;
	s15 =	sld [smem:$0x7EB];
	[sflag:s9] =	ssyncadd.s32 $0xFFFFFFB0  }
0x9a: {  	[tilespmem:s24], [sflag:$0x9] =	stream.indirect.gather [hbm4b:s3+s22], $0x80, s1, s22, $0xb8;
	[tilespmem:$0x1E080] =	vst v63  }
0x9b: {  	s12 =	simm.s32 $0x280;
	s1 =	rddreg [dreg:$0x1f]  }
0x9c: {  	[tilespmem:s12], [sflag:$0x6] =	stream.linear.gather [hbm4b:s1+s14], $0x50, $0x38;
	[tilespmem:$0x1E080] =	vst v63  }
0x9d: {  	s1 =	simm.s32 $0x680  }
0x9e: {  	[tilespmem:s1], [sflag:$0x6] =	stream.linear.gather [hbm4b:s15+s14], $0x50, $0x38;
	[tilespmem:$0x1E080] =	vst v63  }
0x9f: {  	s1 =	smov.u32 s31;
	s31 =	simm.s32 $0xB  }
0xa0: {  	_ =	swait.ge [sflag:s31], $0x2800  }
0xa1: {  	s23 =	simm.s32 $0x500;
	[sflag:s31] =	ssyncset.done $0x0  }
0xa2: {  	s26 =	simm.s32 $0x5800;
	s28 =	simm.s32 $0xE;
	[sflag:s31] =	ssyncadd.s32 $0xFFFFD800  }
0xa3: {  	[spmem:s1] =	stream.indirect.scatter.add.f32 [tilespmem:s26], [sflag:$0xF], $0x80, s23, s22, $0xb8;
	[tilespmem:$0x1E080] =	vst v63  }
0xa4: {  	_ =	swait.ge [sflag:s28], $0x2800  }
0xa5: {  	[sflag:s28] =	ssyncset.done $0x0  }
0xa6: {  	[sflag:s28] =	ssyncadd.s32 $0xFFFFD800  }
0xa7: {  	_ =	swait.ge [sflag:s5], $0x50  }
0xa8: {  	[sflag:s5] =	ssyncset.done $0x0  }
0xa9: {  	[sflag:s5] =	ssyncadd.s32 $0xFFFFFFB0  }
0xaa: {  	_ =	swait.ge [sflag:s5], $0x50  }
0xab: {  	[sflag:s5] =	ssyncset.done $0x0  }
0xac: {  	s12 =	simm.s32 $0x280;
	[sflag:s5] =	ssyncadd.s32 $0xFFFFFFB0  }
0xad: {  	[tilespmem:s20], [sflag:$0xA] =	stream.indirect.gather [hbm4b:s3+s22], $0x80, s12, s22, $0xb8;
	[tilespmem:$0x1E080] =	vst v63  }
0xae: {  	s12 =	sld [smem:$0x7EC];
	_ =	sdelay $0x1  }
0xaf: {  	s23 =	simm.s32 $0x300;
	s15 =	sld [smem:$0x7ED]  }
0xb0: {  	[tilespmem:s23], [sflag:$0x7] =	stream.linear.gather [hbm4b:s12+s14], $0x50, $0x38;
	[tilespmem:$0x1E080] =	vst v63  }
0xb1: {  	s23 =	simm.s32 $0x700  }
0xb2: {  	[tilespmem:s23], [sflag:$0x7] =	stream.linear.gather [hbm4b:s15+s14], $0x50, $0x38;
	[tilespmem:$0x1E080] =	vst v63  }
0xb3: {  	_ =	swait.ge [sflag:s16], $0x2800  }
0xb4: {  	[sflag:s16] =	ssyncset.done $0x0  }
0xb5: {  	s10 =	simm.s32 $0x580;
	s13 =	simm.s32 $0x8000;
	[sflag:s16] =	ssyncadd.s32 $0xFFFFD800  }
0xb6: {  	[spmem:s1] =	stream.indirect.scatter.add.f32 [tilespmem:s13], [sflag:$0x10], $0x80, s10, s22, $0xb8;
	[tilespmem:$0x1E080] =	vst v63  }
0xb7: {  	_ =	swait.ge [sflag:s17], $0x2800  }
0xb8: {  	[sflag:s17] =	ssyncset.done $0x0  }
0xb9: {  	[sflag:s17] =	ssyncadd.s32 $0xFFFFD800  }
0xba: {  	_ =	swait.ge [sflag:s18], $0x50  }
0xbb: {  	[sflag:s18] =	ssyncset.done $0x0  }
0xbc: {  	[sflag:s18] =	ssyncadd.s32 $0xFFFFFFB0  }
0xbd: {  	_ =	swait.ge [sflag:s18], $0x50  }
0xbe: {  	[sflag:s18] =	ssyncset.done $0x0  }
0xbf: {  	s12 =	simm.s32 $0x300;
	[sflag:s18] =	ssyncadd.s32 $0xFFFFFFB0  }
0xc0: {  	[tilespmem:s26], [sflag:$0xB] =	stream.indirect.gather [hbm4b:s3+s22], $0x80, s12, s22, $0xb8;
	[tilespmem:$0x1E080] =	vst v63  }
0xc1: {  	s26 =	sld [smem:$0x7EE];
	_ =	sdelay $0x1  }
0xc2: {  	s10 =	simm.s32 $0x380;
	s12 =	sld [smem:$0x7F3]  }
0xc3: {  	[tilespmem:s10], [sflag:$0x8] =	stream.linear.gather [hbm4b:s26+s14], $0x50, $0x38;
	[tilespmem:$0x1E080] =	vst v63  }
0xc4: {  	s26 =	simm.s32 $0x780  }
0xc5: {  	[tilespmem:s26], [sflag:$0x8] =	stream.linear.gather [hbm4b:s12+s14], $0x50, $0x38;
	[tilespmem:$0x1E080] =	vst v63  }
0xc6: {  	_ =	swait.ge [sflag:s7], $0x2800  }
0xc7: {  	[sflag:s7] =	ssyncset.done $0x0  }
0xc8: {  	s23 =	simm.s32 $0x600;
	[sflag:s7] =	ssyncadd.s32 $0xFFFFD800  }
0xc9: {  	[spmem:s1] =	stream.indirect.scatter.add.f32 [tilespmem:s24], [sflag:$0xD], $0x80, s23, s22, $0xb8;
	[tilespmem:$0x1E080] =	vst v63  }
0xca: {  	_ =	swait.ge [sflag:s8], $0x2800  }
0xcb: {  	[sflag:s8] =	ssyncset.done $0x0  }
0xcc: {  	[sflag:s8] =	ssyncadd.s32 $0xFFFFD800  }
0xcd: {  	_ =	swait.ge [sflag:s0], $0x50  }
0xce: {  	[sflag:s0] =	ssyncset.done $0x0  }
0xcf: {  	[sflag:s0] =	ssyncadd.s32 $0xFFFFFFB0  }
0xd0: {  	_ =	swait.ge [sflag:s0], $0x50  }
0xd1: {  	[sflag:s0] =	ssyncset.done $0x0;
	s12 =	sld [smem:$0x7F1]  }
0xd2: {  	s13 =	simm.s32 $0x8000;
	s10 =	simm.s32 $0x380;
	[sflag:s0] =	ssyncadd.s32 $0xFFFFFFB0  }
0xd3: {  	[tilespmem:s13], [sflag:$0xC] =	stream.indirect.gather [hbm4b:s3+s22], $0x80, s10, s22, $0xb8;
	[tilespmem:$0x1E080] =	vst v63  }
0xd4: {  	s10 =	rddreg [dreg:$0x13];
	s0 =	sshrl.u32 s12, $0x3  }
0xd5: {  	s15 =	rddreg [dreg:$0x12];
	s14 =	sadd.s32 s10, s0  }
0xd6: {  	[tilespmem:s4], [sflag:$0x1] =	stream.linear.gather [hbm4b:s14+s4], $0x50, $0x38;
	[tilespmem:$0x1E080] =	vst v63  }
0xd7: {  	s13 =	sadd.s32 $0x0, s15  }
0xd8: {  	[tilespmem:s30], [sflag:$0x1] =	stream.linear.gather [hbm4b:s13+s4], $0x50, $0x38;
	[tilespmem:$0x1E080] =	vst v63  }
0xd9: {  	_ =	swait.ge [sflag:s21], $0x2800  }
0xda: {  	[sflag:s21] =	ssyncset.done $0x0  }
0xdb: {  	s15 =	simm.s32 $0x680;
	[sflag:s21] =	ssyncadd.s32 $0xFFFFD800  }
0xdc: {  	[spmem:s1] =	stream.indirect.scatter.add.f32 [tilespmem:s20], [sflag:$0xE], $0x80, s15, s22, $0xb8;
	[tilespmem:$0x1E080] =	vst v63  }
0xdd: {  	_ =	swait.ge [sflag:s6], $0x2800  }
0xde: {  	[sflag:s6] =	ssyncset.done $0x0  }
0xdf: {  	s29 =	simm.s32 $0x1;
	[sflag:s6] =	ssyncadd.s32 $0xFFFFD800  }
0xe0: {  	_ =	swait.ge [sflag:s29], $0x50  }
0xe1: {  	[sflag:s29] =	ssyncset.done $0x0  }
0xe2: {  	[sflag:s29] =	ssyncadd.s32 $0xFFFFFFB0  }
0xe3: {  	_ =	swait.ge [sflag:s29], $0x50  }
0xe4: {  	[sflag:s29] =	ssyncset.done $0x0  }
0xe5: {  	s0 =	rddreg [dreg:$0x10];
	[sflag:s29] =	ssyncadd.s32 $0xFFFFFFB0  }
0xe6: {  	[tilespmem:s24], [sflag:$0x9] =	stream.indirect.gather [hbm4b:s3+s22], $0x80, s4, s22, $0xb8;
	[tilespmem:$0x1E080] =	vst v63  }
0xe7: {  	s10 =	rddreg [dreg:$0x11];
	s14 =	sadd.s32 $0x0, s0  }
0xe8: {  	[tilespmem:s19], [sflag:$0x2] =	stream.linear.gather [hbm4b:s14+s4], $0x50, $0x38;
	[tilespmem:$0x1E080] =	vst v63  }
0xe9: {  	s13 =	sadd.s32 $0x0, s10;
	s29 =	simm.s32 $0x480  }
0xea: {  	[tilespmem:s29], [sflag:$0x2] =	stream.linear.gather [hbm4b:s13+s4], $0x50, $0x38;
	[tilespmem:$0x1E080] =	vst v63  }
0xeb: {  	_ =	swait.ge [sflag:s31], $0x2800  }
0xec: {  	[sflag:s31] =	ssyncset.done $0x0  }
0xed: {  	s0 =	simm.s32 $0x5800;
	s14 =	simm.s32 $0x700;
	[sflag:s31] =	ssyncadd.s32 $0xFFFFD800  }
0xee: {  	[spmem:s1] =	stream.indirect.scatter.add.f32 [tilespmem:s0], [sflag:$0xF], $0x80, s14, s22, $0xb8;
	[tilespmem:$0x1E080] =	vst v63  }
0xef: {  	_ =	swait.ge [sflag:s28], $0x2800  }
0xf0: {  	[sflag:s28] =	ssyncset.done $0x0  }
0xf1: {  	s25 =	simm.s32 $0x2;
	[sflag:s28] =	ssyncadd.s32 $0xFFFFD800  }
0xf2: {  	_ =	swait.ge [sflag:s25], $0x50  }
0xf3: {  	[sflag:s25] =	ssyncset.done $0x0  }
0xf4: {  	[sflag:s25] =	ssyncadd.s32 $0xFFFFFFB0  }
0xf5: {  	_ =	swait.ge [sflag:s25], $0x50  }
0xf6: {  	[sflag:s25] =	ssyncset.done $0x0  }
0xf7: {  	s15 =	rddreg [dreg:$0xe];
	[sflag:s25] =	ssyncadd.s32 $0xFFFFFFB0  }
0xf8: {  	[tilespmem:s20], [sflag:$0xA] =	stream.indirect.gather [hbm4b:s3+s22], $0x80, s19, s22, $0xb8;
	[tilespmem:$0x1E080] =	vst v63  }
0xf9: {  	s23 =	simm.s32 $0x100;
	s25 =	rddreg [dreg:$0xf];
	s14 =	sadd.s32 $0x0, s15  }
0xfa: {  	[tilespmem:s23], [sflag:$0x3] =	stream.linear.gather [hbm4b:s14+s4], $0x50, $0x38;
	[tilespmem:$0x1E080] =	vst v63  }
0xfb: {  	s10 =	sadd.s32 $0x0, s25;
	s19 =	simm.s32 $0x500  }
0xfc: {  	[tilespmem:s19], [sflag:$0x3] =	stream.linear.gather [hbm4b:s10+s4], $0x50, $0x38;
	[tilespmem:$0x1E080] =	vst v63  }
0xfd: {  	_ =	swait.ge [sflag:s16], $0x2800  }
0xfe: {  	[sflag:s16] =	ssyncset.done $0x0  }
0xff: {  	s25 =	simm.s32 $0x8000;
	[sflag:s16] =	ssyncadd.s32 $0xFFFFD800  }
0x100: {  	[spmem:s1] =	stream.indirect.scatter.add.f32 [tilespmem:s25], [sflag:$0x10], $0x80, s26, s22, $0xb8;
	[tilespmem:$0x1E080] =	vst v63  }
0x101: {  	_ =	swait.ge [sflag:s17], $0x2800  }
0x102: {  	[sflag:s17] =	ssyncset.done $0x0  }
0x103: {  	s11 =	simm.s32 $0x3;
	[sflag:s17] =	ssyncadd.s32 $0xFFFFD800  }
0x104: {  	_ =	swait.ge [sflag:s11], $0x50  }
0x105: {  	[sflag:s11] =	ssyncset.done $0x0  }
0x106: {  	[sflag:s11] =	ssyncadd.s32 $0xFFFFFFB0  }
0x107: {  	_ =	swait.ge [sflag:s11], $0x50  }
0x108: {  	[sflag:s11] =	ssyncset.done $0x0  }
0x109: {  	s15 =	rddreg [dreg:$0xc];
	[sflag:s11] =	ssyncadd.s32 $0xFFFFFFB0  }
0x10a: {  	[tilespmem:s0], [sflag:$0xB] =	stream.indirect.gather [hbm4b:s3+s22], $0x80, s23, s22, $0xb8;
	[tilespmem:$0x1E080] =	vst v63  }
0x10b: {  	s10 =	simm.s32 $0x180;
	s26 =	rddreg [dreg:$0xd];
	s14 =	sadd.s32 $0x0, s15  }
0x10c: {  	[tilespmem:s10], [sflag:$0x4] =	stream.linear.gather [hbm4b:s14+s4], $0x50, $0x38;
	[tilespmem:$0x1E080] =	vst v63  }
0x10d: {  	s23 =	sadd.s32 $0x0, s26;
	s0 =	simm.s32 $0x580  }
0x10e: {  	[tilespmem:s0], [sflag:$0x4] =	stream.linear.gather [hbm4b:s23+s4], $0x50, $0x38;
	[tilespmem:$0x1E080] =	vst v63  }
0x10f: {  	_ =	swait.ge [sflag:s7], $0x2800  }
0x110: {  	[sflag:s7] =	ssyncset.done $0x0  }
0x111: {  	[sflag:s7] =	ssyncadd.s32 $0xFFFFD800  }
0x112: {  	[spmem:s1] =	stream.indirect.scatter.add.f32 [tilespmem:s24], [sflag:$0xD], $0x80, s30, s22, $0xb8;
	[tilespmem:$0x1E080] =	vst v63  }
0x113: {  	_ =	swait.ge [sflag:s8], $0x2800  }
0x114: {  	[sflag:s8] =	ssyncset.done $0x0  }
0x115: {  	[sflag:s8] =	ssyncadd.s32 $0xFFFFD800  }
0x116: {  	_ =	swait.ge [sflag:s2], $0x50  }
0x117: {  	[sflag:s2] =	ssyncset.done $0x0  }
0x118: {  	[sflag:s2] =	ssyncadd.s32 $0xFFFFFFB0  }
0x119: {  	_ =	swait.ge [sflag:s2], $0x50  }
0x11a: {  	[sflag:s2] =	ssyncset.done $0x0  }
0x11b: {  	s26 =	rddreg [dreg:$0xa];
	[sflag:s2] =	ssyncadd.s32 $0xFFFFFFB0  }
0x11c: {  	[tilespmem:s25], [sflag:$0xC] =	stream.indirect.gather [hbm4b:s3+s22], $0x80, s10, s22, $0xb8;
	[tilespmem:$0x1E080] =	vst v63  }
0x11d: {  	s23 =	simm.s32 $0x200;
	s8 =	rddreg [dreg:$0xb];
	s14 =	sadd.s32 $0x0, s26  }
0x11e: {  	[tilespmem:s23], [sflag:$0x5] =	stream.linear.gather [hbm4b:s14+s4], $0x50, $0x38;
	[tilespmem:$0x1E080] =	vst v63  }
0x11f: {  	s26 =	simm.s32 $0x600;
	s25 =	sadd.s32 $0x0, s8  }
0x120: {  	[tilespmem:s26], [sflag:$0x5] =	stream.linear.gather [hbm4b:s25+s4], $0x50, $0x38;
	[tilespmem:$0x1E080] =	vst v63  }
0x121: {  	_ =	swait.ge [sflag:s21], $0x2800  }
0x122: {  	[sflag:s21] =	ssyncset.done $0x0  }
0x123: {  	[sflag:s21] =	ssyncadd.s32 $0xFFFFD800  }
0x124: {  	[spmem:s1] =	stream.indirect.scatter.add.f32 [tilespmem:s20], [sflag:$0xE], $0x80, s29, s22, $0xb8;
	[tilespmem:$0x1E080] =	vst v63  }
0x125: {  	_ =	swait.ge [sflag:s6], $0x2800  }
0x126: {  	[sflag:s6] =	ssyncset.done $0x0  }
0x127: {  	[sflag:s6] =	ssyncadd.s32 $0xFFFFD800  }
0x128: {  	_ =	swait.ge [sflag:s9], $0x50  }
0x129: {  	[sflag:s9] =	ssyncset.done $0x0  }
0x12a: {  	[sflag:s9] =	ssyncadd.s32 $0xFFFFFFB0  }
0x12b: {  	_ =	swait.ge [sflag:s9], $0x50  }
0x12c: {  	[sflag:s9] =	ssyncset.done $0x0  }
0x12d: {  	s6 =	rddreg [dreg:$0x8];
	[sflag:s9] =	ssyncadd.s32 $0xFFFFFFB0  }
0x12e: {  	[tilespmem:s24], [sflag:$0x9] =	stream.indirect.gather [hbm4b:s3+s22], $0x80, s23, s22, $0xb8;
	[tilespmem:$0x1E080] =	vst v63  }
0x12f: {  	s8 =	rddreg [dreg:$0x9];
	s14 =	sadd.s32 $0x0, s6;
	s9 =	simm.s32 $0x280  }
0x130: {  	[tilespmem:s9], [sflag:$0x6] =	stream.linear.gather [hbm4b:s14+s4], $0x50, $0x38;
	[tilespmem:$0x1E080] =	vst v63  }
0x131: {  	s15 =	simm.s32 $0x680;
	s10 =	sadd.s32 $0x0, s8  }
0x132: {  	[tilespmem:s15], [sflag:$0x6] =	stream.linear.gather [hbm4b:s10+s4], $0x50, $0x38;
	[tilespmem:$0x1E080] =	vst v63  }
0x133: {  	_ =	swait.ge [sflag:s31], $0x2800  }
0x134: {  	[sflag:s31] =	ssyncset.done $0x0  }
0x135: {  	s11 =	simm.s32 $0x5800;
	[sflag:s31] =	ssyncadd.s32 $0xFFFFD800  }
0x136: {  	[spmem:s1] =	stream.indirect.scatter.add.f32 [tilespmem:s11], [sflag:$0xF], $0x80, s19, s22, $0xb8;
	[tilespmem:$0x1E080] =	vst v63  }
0x137: {  	_ =	swait.ge [sflag:s28], $0x2800  }
0x138: {  	[sflag:s28] =	ssyncset.done $0x0  }
0x139: {  	[sflag:s28] =	ssyncadd.s32 $0xFFFFD800  }
0x13a: {  	_ =	swait.ge [sflag:s5], $0x50  }
0x13b: {  	[sflag:s5] =	ssyncset.done $0x0  }
0x13c: {  	[sflag:s5] =	ssyncadd.s32 $0xFFFFFFB0  }
0x13d: {  	_ =	swait.ge [sflag:s5], $0x50  }
0x13e: {  	[sflag:s5] =	ssyncset.done $0x0  }
0x13f: {  	s21 =	rddreg [dreg:$0x6];
	[sflag:s5] =	ssyncadd.s32 $0xFFFFFFB0  }
0x140: {  	[tilespmem:s20], [sflag:$0xA] =	stream.indirect.gather [hbm4b:s3+s22], $0x80, s9, s22, $0xb8;
	[tilespmem:$0x1E080] =	vst v63  }
0x141: {  	s24 =	simm.s32 $0x300;
	s23 =	rddreg [dreg:$0x7];
	s14 =	sadd.s32 $0x0, s21  }
0x142: {  	[tilespmem:s24], [sflag:$0x7] =	stream.linear.gather [hbm4b:s14+s4], $0x50, $0x38;
	[tilespmem:$0x1E080] =	vst v63  }
0x143: {  	s13 =	simm.s32 $0x700;
	s25 =	sadd.s32 $0x0, s23  }
0x144: {  	[tilespmem:s13], [sflag:$0x7] =	stream.linear.gather [hbm4b:s25+s4], $0x50, $0x38;
	[tilespmem:$0x1E080] =	vst v63  }
0x145: {  	_ =	swait.ge [sflag:s16], $0x2800  }
0x146: {  	[sflag:s16] =	ssyncset.done $0x0  }
0x147: {  	s7 =	simm.s32 $0x8000;
	[sflag:s16] =	ssyncadd.s32 $0xFFFFD800  }
0x148: {  	[spmem:s1] =	stream.indirect.scatter.add.f32 [tilespmem:s7], [sflag:$0x10], $0x80, s0, s22, $0xb8;
	[tilespmem:$0x1E080] =	vst v63  }
0x149: {  	_ =	swait.ge [sflag:s17], $0x2800  }
0x14a: {  	[sflag:s17] =	ssyncset.done $0x0  }
0x14b: {  	[sflag:s17] =	ssyncadd.s32 $0xFFFFD800  }
0x14c: {  	_ =	swait.ge [sflag:s18], $0x50  }
0x14d: {  	s30 =	simm.s32 $0xA;
	[sflag:s18] =	ssyncset.done $0x0  }
0x14e: {  	s8 =	simm.s32 $0x7;
	s31 =	simm.s32 $0x380;
	[sflag:s18] =	ssyncadd.s32 $0xFFFFFFB0  }
0x14f: {  	s5 =	smov.u32 s3;
	s9 =	simm.s32 $0x10;
	_ =	swait.ge [sflag:s18], $0x50  }
0x150: {  	s25 =	sadd.s32 $0x280, s12;
	s16 =	simm.s32 $0x6;
	[sflag:s18] =	ssyncset.done $0x0  }
0x151: {  	s0 =	simm.s32 $0x8;
	s26 =	rddreg [dreg:$0x4];
	[sflag:s18] =	ssyncadd.s32 $0xFFFFFFB0  }
0x152: {  	[tilespmem:s11], [sflag:$0xB] =	stream.indirect.gather [hbm4b:s3+s22], $0x80, s24, s22, $0xb8;
	[tilespmem:$0x1E080] =	vst v63  }
0x153: {  	s17 =	simm.s32 $0xC;
	s29 =	rddreg [dreg:$0x5];
	s14 =	sadd.s32 $0x0, s26  }
0x154: {  	[tilespmem:s31], [sflag:$0x8] =	stream.linear.gather [hbm4b:s14+s4], $0x50, $0x38;
	[tilespmem:$0x1E080] =	vst v63  }
0x155: {  	s18 =	simm.s32 $0xF;
	s24 =	simm.s32 $0x50;
	s14 =	sadd.s32 $0x0, s29  }
.LBB2_6:
0x156: {  	s12 =	simm.s32 $0x780;
	s7 =	simm.s32 $0x9  }
0x157: {  	[tilespmem:s12], [sflag:$0x8] =	stream.linear.gather [hbm4b:s14+s4], $0x50, $0x38;
	[tilespmem:$0x1E080] =	vst v63  }
0x158: {  	_ =	swait.ge [sflag:s7], $0x2800  }
0x159: {  	[sflag:s7] =	ssyncset.done $0x0  }
0x15a: {  	s20 =	simm.s32 $0x800;
	s2 =	simm.s32 $0x600;
	[sflag:s7] =	ssyncadd.s32 $0xFFFFD800  }
0x15b: {  	[spmem:s1] =	stream.indirect.scatter.add.f32 [tilespmem:s20], [sflag:$0xD], $0x80, s2, s22, $0xb8;
	[tilespmem:$0x1E080] =	vst v63  }
0x15c: {  	_ =	swait.ge [sflag:s9], $0x2800  }
0x15d: {  	[sflag:s9] =	ssyncset.done $0x0  }
0x15e: {  	[sflag:s9] =	ssyncadd.s32 $0xFFFFD800  }
0x15f: {  	_ =	swait.ge [sflag:s0], $0x50  }
0x160: {  	[sflag:s0] =	ssyncset.done $0x0  }
0x161: {  	[sflag:s0] =	ssyncadd.s32 $0xFFFFFFB0  }
0x162: {  	_ =	swait.ge [sflag:s0], $0x50  }
0x163: {  	s15 =	sshrl.u32 s25, $0x3;
	s21 =	simm.s32 $0x8000;
	[sflag:s0] =	ssyncset.done $0x0  }
0x164: {  	s6 =	simm.s32 $0x380;
	s13 =	rddreg [dreg:$0x13];
	[sflag:s0] =	ssyncadd.s32 $0xFFFFFFB0  }
0x165: {  	[tilespmem:s21], [sflag:$0xC] =	stream.indirect.gather [hbm4b:s5+s22], $0x80, s6, s22, $0xb8;
	[tilespmem:$0x1E080] =	vst v63  }
0x166: {  	s14 =	smov.u32 s24;
	s19 =	rddreg [dreg:$0x12];
	s15 =	sadd.s32 s13, s15  }
0x167: {  	[tilespmem:s4], [sflag:$0x1] =	stream.linear.gather [hbm4b:s15+s4], $0x50, $0x38;
	[tilespmem:$0x1E080] =	vst v63  }
0x168: {  	s29 =	simm.s32 $0x400;
	s23 =	sadd.s32 s14, s19  }
0x169: {  	[tilespmem:s29], [sflag:$0x1] =	stream.linear.gather [hbm4b:s23+s4], $0x50, $0x38;
	[tilespmem:$0x1E080] =	vst v63  }
0x16a: {  	_ =	swait.ge [sflag:s30], $0x2800  }
0x16b: {  	s11 =	simm.s32 $0x3000;
	[sflag:s30] =	ssyncset.done $0x0  }
0x16c: {  	s10 =	simm.s32 $0x680;
	s6 =	simm.s32 $0xD;
	[sflag:s30] =	ssyncadd.s32 $0xFFFFD800  }
0x16d: {  	[spmem:s1] =	stream.indirect.scatter.add.f32 [tilespmem:s11], [sflag:$0xE], $0x80, s10, s22, $0xb8;
	[tilespmem:$0x1E080] =	vst v63  }
0x16e: {  	_ =	swait.ge [sflag:s6], $0x2800  }
0x16f: {  	[sflag:s6] =	ssyncset.done $0x0  }
0x170: {  	s26 =	simm.s32 $0x1;
	[sflag:s6] =	ssyncadd.s32 $0xFFFFD800  }
0x171: {  	_ =	swait.ge [sflag:s26], $0x50  }
0x172: {  	[sflag:s26] =	ssyncset.done $0x0  }
0x173: {  	[sflag:s26] =	ssyncadd.s32 $0xFFFFFFB0  }
0x174: {  	_ =	swait.ge [sflag:s26], $0x50  }
0x175: {  	[sflag:s26] =	ssyncset.done $0x0  }
0x176: {  	s31 =	rddreg [dreg:$0x10];
	[sflag:s26] =	ssyncadd.s32 $0xFFFFFFB0  }
0x177: {  	[tilespmem:s20], [sflag:$0x9] =	stream.indirect.gather [hbm4b:s3+s22], $0x80, s4, s22, $0xb8;
	[tilespmem:$0x1E080] =	vst v63  }
0x178: {  	s30 =	simm.s32 $0x80;
	s5 =	rddreg [dreg:$0x11];
	s15 =	sadd.s32 s14, s31  }
0x179: {  	[tilespmem:s30], [sflag:$0x2] =	stream.linear.gather [hbm4b:s15+s4], $0x50, $0x38;
	[tilespmem:$0x1E080] =	vst v63  }
0x17a: {  	s13 =	sadd.s32 s14, s5;
	s26 =	simm.s32 $0x480;
	s31 =	simm.s32 $0xB  }
0x17b: {  	[tilespmem:s26], [sflag:$0x2] =	stream.linear.gather [hbm4b:s13+s4], $0x50, $0x38;
	[tilespmem:$0x1E080] =	vst v63  }
0x17c: {  	_ =	swait.ge [sflag:s31], $0x2800  }
0x17d: {  	[sflag:s31] =	ssyncset.done $0x0  }
0x17e: {  	s23 =	simm.s32 $0x700;
	s13 =	simm.s32 $0x5800;
	[sflag:s31] =	ssyncadd.s32 $0xFFFFD800  }
0x17f: {  	[spmem:s1] =	stream.indirect.scatter.add.f32 [tilespmem:s13], [sflag:$0xF], $0x80, s23, s22, $0xb8;
	[tilespmem:$0x1E080] =	vst v63  }
0x180: {  	_ =	swait.ge [sflag:s28], $0x2800  }
0x181: {  	[sflag:s28] =	ssyncset.done $0x0  }
0x182: {  	s15 =	simm.s32 $0x2;
	[sflag:s28] =	ssyncadd.s32 $0xFFFFD800  }
0x183: {  	_ =	swait.ge [sflag:s15], $0x50  }
0x184: {  	[sflag:s15] =	ssyncset.done $0x0  }
0x185: {  	[sflag:s15] =	ssyncadd.s32 $0xFFFFFFB0  }
0x186: {  	_ =	swait.ge [sflag:s15], $0x50  }
0x187: {  	[sflag:s15] =	ssyncset.done $0x0  }
0x188: {  	s19 =	rddreg [dreg:$0xe];
	[sflag:s15] =	ssyncadd.s32 $0xFFFFFFB0  }
0x189: {  	[tilespmem:s11], [sflag:$0xA] =	stream.indirect.gather [hbm4b:s3+s22], $0x80, s30, s22, $0xb8;
	[tilespmem:$0x1E080] =	vst v63  }
0x18a: {  	s5 =	rddreg [dreg:$0xf];
	s15 =	sadd.s32 s14, s19;
	s30 =	simm.s32 $0x100  }
0x18b: {  	[tilespmem:s30], [sflag:$0x3] =	stream.linear.gather [hbm4b:s15+s4], $0x50, $0x38;
	[tilespmem:$0x1E080] =	vst v63  }
0x18c: {  	s28 =	simm.s32 $0x500;
	s5 =	sadd.s32 s14, s5  }
0x18d: {  	[tilespmem:s28], [sflag:$0x3] =	stream.linear.gather [hbm4b:s5+s4], $0x50, $0x38;
	[tilespmem:$0x1E080] =	vst v63  }
0x18e: {  	_ =	swait.ge [sflag:s17], $0x2800  }
0x18f: {  	[sflag:s17] =	ssyncset.done $0x0  }
0x190: {  	[sflag:s17] =	ssyncadd.s32 $0xFFFFD800  }
0x191: {  	[spmem:s1] =	stream.indirect.scatter.add.f32 [tilespmem:s21], [sflag:$0x10], $0x80, s12, s22, $0xb8;
	[tilespmem:$0x1E080] =	vst v63  }
0x192: {  	_ =	swait.ge [sflag:s18], $0x2800  }
0x193: {  	[sflag:s18] =	ssyncset.done $0x0  }
0x194: {  	s15 =	simm.s32 $0x3;
	[sflag:s18] =	ssyncadd.s32 $0xFFFFD800  }
0x195: {  	_ =	swait.ge [sflag:s15], $0x50  }
0x196: {  	[sflag:s15] =	ssyncset.done $0x0  }
0x197: {  	[sflag:s15] =	ssyncadd.s32 $0xFFFFFFB0  }
0x198: {  	_ =	swait.ge [sflag:s15], $0x50  }
0x199: {  	[sflag:s15] =	ssyncset.done $0x0  }
0x19a: {  	s19 =	rddreg [dreg:$0xc];
	[sflag:s15] =	ssyncadd.s32 $0xFFFFFFB0  }
0x19b: {  	[tilespmem:s13], [sflag:$0xB] =	stream.indirect.gather [hbm4b:s3+s22], $0x80, s30, s22, $0xb8;
	[tilespmem:$0x1E080] =	vst v63  }
0x19c: {  	s12 =	rddreg [dreg:$0xd];
	s15 =	sadd.s32 s14, s19;
	s30 =	simm.s32 $0x180  }
0x19d: {  	[tilespmem:s30], [sflag:$0x4] =	stream.linear.gather [hbm4b:s15+s4], $0x50, $0x38;
	[tilespmem:$0x1E080] =	vst v63  }
0x19e: {  	s5 =	sadd.s32 s14, s12;
	s12 =	simm.s32 $0x580  }
0x19f: {  	[tilespmem:s12], [sflag:$0x4] =	stream.linear.gather [hbm4b:s5+s4], $0x50, $0x38;
	[tilespmem:$0x1E080] =	vst v63  }
0x1a0: {  	_ =	swait.ge [sflag:s7], $0x2800  }
0x1a1: {  	[sflag:s7] =	ssyncset.done $0x0  }
0x1a2: {  	[sflag:s7] =	ssyncadd.s32 $0xFFFFD800  }
0x1a3: {  	[spmem:s1] =	stream.indirect.scatter.add.f32 [tilespmem:s20], [sflag:$0xD], $0x80, s29, s22, $0xb8;
	[tilespmem:$0x1E080] =	vst v63  }
0x1a4: {  	_ =	swait.ge [sflag:s9], $0x2800  }
0x1a5: {  	[sflag:s9] =	ssyncset.done $0x0  }
0x1a6: {  	s19 =	simm.s32 $0x4;
	[sflag:s9] =	ssyncadd.s32 $0xFFFFD800  }
0x1a7: {  	_ =	swait.ge [sflag:s19], $0x50  }
0x1a8: {  	[sflag:s19] =	ssyncset.done $0x0  }
0x1a9: {  	[sflag:s19] =	ssyncadd.s32 $0xFFFFFFB0  }
0x1aa: {  	_ =	swait.ge [sflag:s19], $0x50  }
0x1ab: {  	[sflag:s19] =	ssyncset.done $0x0  }
0x1ac: {  	s29 =	rddreg [dreg:$0xa];
	[sflag:s19] =	ssyncadd.s32 $0xFFFFFFB0  }
0x1ad: {  	[tilespmem:s21], [sflag:$0xC] =	stream.indirect.gather [hbm4b:s3+s22], $0x80, s30, s22, $0xb8;
	[tilespmem:$0x1E080] =	vst v63  }
0x1ae: {  	s7 =	rddreg [dreg:$0xb];
	s15 =	sadd.s32 s14, s29;
	s29 =	simm.s32 $0x200  }
0x1af: {  	[tilespmem:s29], [sflag:$0x5] =	stream.linear.gather [hbm4b:s15+s4], $0x50, $0x38;
	[tilespmem:$0x1E080] =	vst v63  }
0x1b0: {  	s7 =	sadd.s32 s14, s7;
	s30 =	simm.s32 $0xA  }
0x1b1: {  	[tilespmem:s2], [sflag:$0x5] =	stream.linear.gather [hbm4b:s7+s4], $0x50, $0x38;
	[tilespmem:$0x1E080] =	vst v63  }
0x1b2: {  	_ =	swait.ge [sflag:s30], $0x2800  }
0x1b3: {  	[sflag:s30] =	ssyncset.done $0x0  }
0x1b4: {  	[sflag:s30] =	ssyncadd.s32 $0xFFFFD800  }
0x1b5: {  	[spmem:s1] =	stream.indirect.scatter.add.f32 [tilespmem:s11], [sflag:$0xE], $0x80, s26, s22, $0xb8;
	[tilespmem:$0x1E080] =	vst v63  }
0x1b6: {  	_ =	swait.ge [sflag:s6], $0x2800  }
0x1b7: {  	[sflag:s6] =	ssyncset.done $0x0  }
0x1b8: {  	s15 =	simm.s32 $0x5;
	[sflag:s6] =	ssyncadd.s32 $0xFFFFD800  }
0x1b9: {  	_ =	swait.ge [sflag:s15], $0x50  }
0x1ba: {  	[sflag:s15] =	ssyncset.done $0x0  }
0x1bb: {  	[sflag:s15] =	ssyncadd.s32 $0xFFFFFFB0  }
0x1bc: {  	_ =	swait.ge [sflag:s15], $0x50  }
0x1bd: {  	[sflag:s15] =	ssyncset.done $0x0  }
0x1be: {  	s19 =	rddreg [dreg:$0x8];
	[sflag:s15] =	ssyncadd.s32 $0xFFFFFFB0  }
0x1bf: {  	[tilespmem:s20], [sflag:$0x9] =	stream.indirect.gather [hbm4b:s3+s22], $0x80, s29, s22, $0xb8;
	[tilespmem:$0x1E080] =	vst v63  }
0x1c0: {  	s26 =	rddreg [dreg:$0x9];
	s15 =	sadd.s32 s14, s19;
	s29 =	simm.s32 $0x280  }
0x1c1: {  	[tilespmem:s29], [sflag:$0x6] =	stream.linear.gather [hbm4b:s15+s4], $0x50, $0x38;
	[tilespmem:$0x1E080] =	vst v63  }
0x1c2: {  	s5 =	sadd.s32 s14, s26  }
0x1c3: {  	[tilespmem:s10], [sflag:$0x6] =	stream.linear.gather [hbm4b:s5+s4], $0x50, $0x38;
	[tilespmem:$0x1E080] =	vst v63  }
0x1c4: {  	_ =	swait.ge [sflag:s31], $0x2800  }
0x1c5: {  	[sflag:s31] =	ssyncset.done $0x0  }
0x1c6: {  	[sflag:s31] =	ssyncadd.s32 $0xFFFFD800  }
0x1c7: {  	[spmem:s1] =	stream.indirect.scatter.add.f32 [tilespmem:s13], [sflag:$0xF], $0x80, s28, s22, $0xb8;
	[tilespmem:$0x1E080] =	vst v63  }
0x1c8: {  	s28 =	simm.s32 $0xE  }
0x1c9: {  	_ =	swait.ge [sflag:s28], $0x2800  }
0x1ca: {  	[sflag:s28] =	ssyncset.done $0x0  }
0x1cb: {  	[sflag:s28] =	ssyncadd.s32 $0xFFFFD800  }
0x1cc: {  	_ =	swait.ge [sflag:s16], $0x50  }
0x1cd: {  	[sflag:s16] =	ssyncset.done $0x0  }
0x1ce: {  	[sflag:s16] =	ssyncadd.s32 $0xFFFFFFB0  }
0x1cf: {  	_ =	swait.ge [sflag:s16], $0x50  }
0x1d0: {  	[sflag:s16] =	ssyncset.done $0x0  }
0x1d1: {  	s7 =	rddreg [dreg:$0x6];
	[sflag:s16] =	ssyncadd.s32 $0xFFFFFFB0  }
0x1d2: {  	[tilespmem:s11], [sflag:$0xA] =	stream.indirect.gather [hbm4b:s3+s22], $0x80, s29, s22, $0xb8;
	[tilespmem:$0x1E080] =	vst v63  }
0x1d3: {  	s10 =	rddreg [dreg:$0x7];
	s15 =	sadd.s32 s14, s7;
	s11 =	simm.s32 $0x300  }
0x1d4: {  	[tilespmem:s11], [sflag:$0x7] =	stream.linear.gather [hbm4b:s15+s4], $0x50, $0x38;
	[tilespmem:$0x1E080] =	vst v63  }
0x1d5: {  	s20 =	sadd.s32 s14, s10  }
0x1d6: {  	[tilespmem:s23], [sflag:$0x7] =	stream.linear.gather [hbm4b:s20+s4], $0x50, $0x38;
	[tilespmem:$0x1E080] =	vst v63  }
0x1d7: {  	_ =	swait.ge [sflag:s17], $0x2800  }
0x1d8: {  	[sflag:s17] =	ssyncset.done $0x0  }
0x1d9: {  	[sflag:s17] =	ssyncadd.s32 $0xFFFFD800  }
0x1da: {  	[spmem:s1] =	stream.indirect.scatter.add.f32 [tilespmem:s21], [sflag:$0x10], $0x80, s12, s22, $0xb8;
	[tilespmem:$0x1E080] =	vst v63  }
0x1db: {  	_ =	swait.ge [sflag:s18], $0x2800  }
0x1dc: {  	[sflag:s18] =	ssyncset.done $0x0  }
0x1dd: {  	[sflag:s18] =	ssyncadd.s32 $0xFFFFD800  }
0x1de: {  	_ =	swait.ge [sflag:s8], $0x50  }
0x1df: {  	p1 =	sne.s32 s24, $0x410;
	s25 =	sadd.s32 $0x280, s25;
	[sflag:s8] =	ssyncset.done $0x0  }
0x1e0: {  	s24 =	sadd.s32 $0x50, s24;
	s6 =	simm.s32 $0x680;
	[sflag:s8] =	ssyncadd.s32 $0xFFFFFFB0  }
0x1e1: {  	s5 =	smov.u32 s3;
	s31 =	simm.s32 $0x380;
	_ =	swait.ge [sflag:s8], $0x50  }
.Ltmp3:
0x1e2: {  	[sflag:s8] =	ssyncset.done $0x0;
	s26 =	rddreg [dreg:$0x4];
	(pc) =	sbr.rel @p1 .LBB2_6-.Ltmp3, $4  }
0x1e3: {  	s10 =	simm.s32 $0x700;
	s29 =	rddreg [dreg:$0x5];
	[sflag:s8] =	ssyncadd.s32 $0xFFFFFFB0  }
0x1e4: {  	[tilespmem:s13], [sflag:$0xB] =	stream.indirect.gather [hbm4b:s3+s22], $0x80, s11, s22, $0xb8;
	[tilespmem:$0x1E080] =	vst v63  }
0x1e5: {  	s15 =	sadd.s32 s14, s26;
	s14 =	sadd.s32 s14, s29;
	s11 =	simm.s32 $0x380  }
0x1e6: {  	[tilespmem:s31], [sflag:$0x8] =	stream.linear.gather [hbm4b:s15+s4], $0x50, $0x38;
	[tilespmem:$0x1E080] =	vst v63  }
0x1e7: {  	s12 =	simm.s32 $0x780;
	s7 =	simm.s32 $0x9  }
0x1e8: {  	[tilespmem:s12], [sflag:$0x8] =	stream.linear.gather [hbm4b:s14+s4], $0x50, $0x38;
	[tilespmem:$0x1E080] =	vst v63  }
0x1e9: {  	_ =	swait.ge [sflag:s7], $0x2800  }
0x1ea: {  	[sflag:s7] =	ssyncset.done $0x0  }
0x1eb: {  	s19 =	simm.s32 $0x800;
	s2 =	simm.s32 $0x600;
	[sflag:s7] =	ssyncadd.s32 $0xFFFFD800  }
0x1ec: {  	[spmem:s1] =	stream.indirect.scatter.add.f32 [tilespmem:s19], [sflag:$0xD], $0x80, s2, s22, $0xb8;
	[tilespmem:$0x1E080] =	vst v63  }
0x1ed: {  	_ =	swait.ge [sflag:s9], $0x2800  }
0x1ee: {  	[sflag:s9] =	ssyncset.done $0x0  }
0x1ef: {  	[sflag:s9] =	ssyncadd.s32 $0xFFFFD800  }
0x1f0: {  	_ =	swait.ge [sflag:s0], $0x50  }
0x1f1: {  	[sflag:s0] =	ssyncset.done $0x0  }
0x1f2: {  	[sflag:s0] =	ssyncadd.s32 $0xFFFFFFB0  }
0x1f3: {  	_ =	swait.ge [sflag:s0], $0x50  }
0x1f4: {  	[sflag:s0] =	ssyncset.done $0x0  }
0x1f5: {  	s21 =	simm.s32 $0x8000;
	s23 =	sld [smem:$0x7F4];
	[sflag:s0] =	ssyncadd.s32 $0xFFFFFFB0  }
0x1f6: {  	[tilespmem:s21], [sflag:$0xC] =	stream.indirect.gather [hbm4b:s5+s22], $0x80, s11, s22, $0xb8;
	[tilespmem:$0x1E080] =	vst v63  }
0x1f7: {  	s25 =	sld [smem:$0x7F5]  }
0x1f8: {  	[tilespmem:s4], [sflag:$0x1] =	stream.linear.gather [hbm4b:s23+s4], $0x50, $0x38;
	[tilespmem:$0x1E080] =	vst v63  }
0x1f9: {  	s23 =	simm.s32 $0x400  }
0x1fa: {  	[tilespmem:s23], [sflag:$0x1] =	stream.linear.gather [hbm4b:s25+s4], $0x50, $0x38;
	[tilespmem:$0x1E080] =	vst v63  }
0x1fb: {  	_ =	swait.ge [sflag:s30], $0x2800  }
0x1fc: {  	[sflag:s30] =	ssyncset.done $0x0  }
0x1fd: {  	s0 =	simm.s32 $0xD;
	s11 =	simm.s32 $0x3000;
	[sflag:s30] =	ssyncadd.s32 $0xFFFFD800  }
0x1fe: {  	[spmem:s1] =	stream.indirect.scatter.add.f32 [tilespmem:s11], [sflag:$0xE], $0x80, s6, s22, $0xb8;
	[tilespmem:$0x1E080] =	vst v63  }
0x1ff: {  	_ =	swait.ge [sflag:s0], $0x2800  }
0x200: {  	[sflag:s0] =	ssyncset.done $0x0  }
0x201: {  	s26 =	simm.s32 $0x1;
	[sflag:s0] =	ssyncadd.s32 $0xFFFFD800  }
0x202: {  	_ =	swait.ge [sflag:s26], $0x50  }
0x203: {  	[sflag:s26] =	ssyncset.done $0x0  }
0x204: {  	[sflag:s26] =	ssyncadd.s32 $0xFFFFFFB0  }
0x205: {  	_ =	swait.ge [sflag:s26], $0x50  }
0x206: {  	[sflag:s26] =	ssyncset.done $0x0  }
0x207: {  	s28 =	sld [smem:$0x7F6];
	[sflag:s26] =	ssyncadd.s32 $0xFFFFFFB0  }
0x208: {  	[tilespmem:s19], [sflag:$0x9] =	stream.indirect.gather [hbm4b:s3+s22], $0x80, s4, s22, $0xb8;
	[tilespmem:$0x1E080] =	vst v63  }
0x209: {  	s29 =	simm.s32 $0x80;
	s15 =	sld [smem:$0x7F7]  }
0x20a: {  	[tilespmem:s29], [sflag:$0x2] =	stream.linear.gather [hbm4b:s28+s4], $0x50, $0x38;
	[tilespmem:$0x1E080] =	vst v63  }
0x20b: {  	s16 =	simm.s32 $0x480;
	s8 =	simm.s32 $0xB  }
0x20c: {  	[tilespmem:s16], [sflag:$0x2] =	stream.linear.gather [hbm4b:s15+s4], $0x50, $0x38;
	[tilespmem:$0x1E080] =	vst v63  }
0x20d: {  	_ =	swait.ge [sflag:s8], $0x2800  }
0x20e: {  	[sflag:s8] =	ssyncset.done $0x0  }
0x20f: {  	s24 =	simm.s32 $0xE;
	s13 =	simm.s32 $0x5800;
	[sflag:s8] =	ssyncadd.s32 $0xFFFFD800  }
0x210: {  	[spmem:s1] =	stream.indirect.scatter.add.f32 [tilespmem:s13], [sflag:$0xF], $0x80, s10, s22, $0xb8;
	[tilespmem:$0x1E080] =	vst v63  }
0x211: {  	_ =	swait.ge [sflag:s24], $0x2800  }
0x212: {  	[sflag:s24] =	ssyncset.done $0x0  }
0x213: {  	s20 =	simm.s32 $0x2;
	[sflag:s24] =	ssyncadd.s32 $0xFFFFD800  }
0x214: {  	_ =	swait.ge [sflag:s20], $0x50  }
0x215: {  	[sflag:s20] =	ssyncset.done $0x0  }
0x216: {  	[sflag:s20] =	ssyncadd.s32 $0xFFFFFFB0  }
0x217: {  	_ =	swait.ge [sflag:s20], $0x50  }
0x218: {  	[sflag:s20] =	ssyncset.done $0x0  }
0x219: {  	s25 =	sld [smem:$0x7F8];
	[sflag:s20] =	ssyncadd.s32 $0xFFFFFFB0  }
0x21a: {  	[tilespmem:s11], [sflag:$0xA] =	stream.indirect.gather [hbm4b:s3+s22], $0x80, s29, s22, $0xb8;
	[tilespmem:$0x1E080] =	vst v63  }
0x21b: {  	s26 =	simm.s32 $0x100;
	s28 =	sld [smem:$0x7F9]  }
0x21c: {  	[tilespmem:s26], [sflag:$0x3] =	stream.linear.gather [hbm4b:s25+s4], $0x50, $0x38;
	[tilespmem:$0x1E080] =	vst v63  }
0x21d: {  	s15 =	simm.s32 $0x500  }
0x21e: {  	[tilespmem:s15], [sflag:$0x3] =	stream.linear.gather [hbm4b:s28+s4], $0x50, $0x38;
	[tilespmem:$0x1E080] =	vst v63  }
0x21f: {  	_ =	swait.ge [sflag:s17], $0x2800  }
0x220: {  	[sflag:s17] =	ssyncset.done $0x0  }
0x221: {  	[sflag:s17] =	ssyncadd.s32 $0xFFFFD800  }
0x222: {  	[spmem:s1] =	stream.indirect.scatter.add.f32 [tilespmem:s21], [sflag:$0x10], $0x80, s12, s22, $0xb8;
	[tilespmem:$0x1E080] =	vst v63  }
0x223: {  	_ =	swait.ge [sflag:s18], $0x2800  }
0x224: {  	[sflag:s18] =	ssyncset.done $0x0  }
0x225: {  	s29 =	simm.s32 $0x3;
	[sflag:s18] =	ssyncadd.s32 $0xFFFFD800  }
0x226: {  	_ =	swait.ge [sflag:s29], $0x50  }
0x227: {  	[sflag:s29] =	ssyncset.done $0x0  }
0x228: {  	[sflag:s29] =	ssyncadd.s32 $0xFFFFFFB0  }
0x229: {  	_ =	swait.ge [sflag:s29], $0x50  }
0x22a: {  	[sflag:s29] =	ssyncset.done $0x0  }
0x22b: {  	s5 =	sld [smem:$0x7FA];
	[sflag:s29] =	ssyncadd.s32 $0xFFFFFFB0  }
0x22c: {  	[tilespmem:s13], [sflag:$0xB] =	stream.indirect.gather [hbm4b:s3+s22], $0x80, s26, s22, $0xb8;
	[tilespmem:$0x1E080] =	vst v63  }
0x22d: {  	s20 =	simm.s32 $0x180;
	s6 =	sld [smem:$0x7FB]  }
0x22e: {  	[tilespmem:s20], [sflag:$0x4] =	stream.linear.gather [hbm4b:s5+s4], $0x50, $0x38;
	[tilespmem:$0x1E080] =	vst v63  }
0x22f: {  	s10 =	simm.s32 $0x580  }
0x230: {  	[tilespmem:s10], [sflag:$0x4] =	stream.linear.gather [hbm4b:s6+s4], $0x50, $0x38;
	[tilespmem:$0x1E080] =	vst v63  }
0x231: {  	_ =	swait.ge [sflag:s7], $0x2800  }
0x232: {  	[sflag:s7] =	ssyncset.done $0x0  }
0x233: {  	[sflag:s7] =	ssyncadd.s32 $0xFFFFD800  }
0x234: {  	[spmem:s1] =	stream.indirect.scatter.add.f32 [tilespmem:s19], [sflag:$0xD], $0x80, s23, s22, $0xb8;
	[tilespmem:$0x1E080] =	vst v63  }
0x235: {  	_ =	swait.ge [sflag:s9], $0x2800  }
0x236: {  	[sflag:s9] =	ssyncset.done $0x0  }
0x237: {  	s14 =	simm.s32 $0x4;
	[sflag:s9] =	ssyncadd.s32 $0xFFFFD800  }
0x238: {  	_ =	swait.ge [sflag:s14], $0x50  }
0x239: {  	[sflag:s14] =	ssyncset.done $0x0  }
0x23a: {  	[sflag:s14] =	ssyncadd.s32 $0xFFFFFFB0  }
0x23b: {  	_ =	swait.ge [sflag:s14], $0x50  }
0x23c: {  	[sflag:s14] =	ssyncset.done $0x0  }
0x23d: {  	[sflag:s14] =	ssyncadd.s32 $0xFFFFFFB0  }
0x23e: {  	[tilespmem:s21], [sflag:$0xC] =	stream.indirect.gather [hbm4b:s3+s22], $0x80, s20, s22, $0xb8;
	[tilespmem:$0x1E080] =	vst v63  }
0x23f: {  	s20 =	sld [smem:$0x7FC];
	_ =	sdelay $0x1  }
0x240: {  	s23 =	simm.s32 $0x200;
	s25 =	sld [smem:$0x7FD]  }
0x241: {  	[tilespmem:s23], [sflag:$0x5] =	stream.linear.gather [hbm4b:s20+s4], $0x50, $0x38;
	[tilespmem:$0x1E080] =	vst v63  }
0x242: {  	_ = 	snop  }
0x243: {  	[tilespmem:s2], [sflag:$0x5] =	stream.linear.gather [hbm4b:s25+s4], $0x50, $0x38;
	[tilespmem:$0x1E080] =	vst v63  }
0x244: {  	_ =	swait.ge [sflag:s30], $0x2800  }
0x245: {  	[sflag:s30] =	ssyncset.done $0x0  }
0x246: {  	[sflag:s30] =	ssyncadd.s32 $0xFFFFD800  }
0x247: {  	[spmem:s1] =	stream.indirect.scatter.add.f32 [tilespmem:s11], [sflag:$0xE], $0x80, s16, s22, $0xb8;
	[tilespmem:$0x1E080] =	vst v63  }
0x248: {  	_ =	swait.ge [sflag:s0], $0x2800  }
0x249: {  	[sflag:s0] =	ssyncset.done $0x0  }
0x24a: {  	s26 =	simm.s32 $0x5;
	[sflag:s0] =	ssyncadd.s32 $0xFFFFD800  }
0x24b: {  	_ =	swait.ge [sflag:s26], $0x50  }
0x24c: {  	[sflag:s26] =	ssyncset.done $0x0  }
0x24d: {  	[sflag:s26] =	ssyncadd.s32 $0xFFFFFFB0  }
0x24e: {  	_ =	swait.ge [sflag:s26], $0x50  }
0x24f: {  	[sflag:s26] =	ssyncset.done $0x0  }
0x250: {  	[sflag:s26] =	ssyncadd.s32 $0xFFFFFFB0  }
0x251: {  	[tilespmem:s19], [sflag:$0x9] =	stream.indirect.gather [hbm4b:s3+s22], $0x80, s23, s22, $0xb8;
	[tilespmem:$0x1E080] =	vst v63  }
0x252: {  	_ =	swait.ge [sflag:s8], $0x2800  }
0x253: {  	[sflag:s8] =	ssyncset.done $0x0  }
0x254: {  	[sflag:s8] =	ssyncadd.s32 $0xFFFFD800  }
0x255: {  	[spmem:s1] =	stream.indirect.scatter.add.f32 [tilespmem:s13], [sflag:$0xF], $0x80, s15, s22, $0xb8;
	[tilespmem:$0x1E080] =	vst v63  }
0x256: {  	_ =	swait.ge [sflag:s24], $0x2800  }
0x257: {  	[sflag:s24] =	ssyncset.done $0x0  }
0x258: {  	[sflag:s24] =	ssyncadd.s32 $0xFFFFD800  }
0x259: {  	_ =	swait.ge [sflag:s17], $0x2800  }
0x25a: {  	[sflag:s17] =	ssyncset.done $0x0  }
0x25b: {  	[sflag:s17] =	ssyncadd.s32 $0xFFFFD800  }
0x25c: {  	[spmem:s1] =	stream.indirect.scatter.add.f32 [tilespmem:s21], [sflag:$0x10], $0x80, s10, s22, $0xb8;
	[tilespmem:$0x1E080] =	vst v63  }
0x25d: {  	_ =	swait.ge [sflag:s18], $0x2800  }
0x25e: {  	[sflag:s18] =	ssyncset.done $0x0  }
0x25f: {  	[sflag:s18] =	ssyncadd.s32 $0xFFFFD800  }
0x260: {  	_ =	swait.ge [sflag:s7], $0x2800  }
0x261: {  	[sflag:s7] =	ssyncset.done $0x0  }
0x262: {  	[sflag:s7] =	ssyncadd.s32 $0xFFFFD800  }
0x263: {  	[spmem:s1] =	stream.indirect.scatter.add.f32 [tilespmem:s19], [sflag:$0xD], $0x80, s2, s22, $0xb8;
	[tilespmem:$0x1E080] =	vst v63  }
0x264: {  	_ =	swait.ge [sflag:s9], $0x2800  }
0x265: {  	[sflag:s9] =	ssyncset.done $0x0  }
0x266: {  	[sflag:s9] =	ssyncadd.s32 $0xFFFFD800  }
0x267: {  	_ =	swait.ge [sflag:s0], $0x2800  }
0x268: {  	[sflag:s0] =	ssyncset.done $0x0  }
0x269: {  	s31 =	smov.u32 s1;
	s28 =	stileid.u32;
	[sflag:s0] =	ssyncadd.s32 $0xFFFFD800  }
0x26a: {  	s12 =	simm.s32 $0x800;
	s14 =	sshll.u32 s28, $0x6;
	[bflag:$0x0] =	sbarrier.arrive $0xFFFF  }
0x26b: {  	s6 =	simm.s32 $0x480;
	s14 =	sor.u32 $0x1C11, s14;
	s29 =	sld [smem:$0x7F0]  }
0x26c: {  	s20 =	simm.s32 $0x1;
	s16 =	simm.s32 $0xC;
	s25 =	sld [smem:$0x7F2]  }
.Ltmp4:
0x26d: {  	s26 =	simm.s32 $0x3;
	s8 =	simm.s32 $0x10;
	(pc) =	sbr.rel @!p0 .LBB2_9-.Ltmp4, $4  }
0x26e: {  	s13 =	simm.s32 $0x11;
	s17 =	simm.s32 $0xF;
	s30 =	sshrl.u32 s29, $0x3  }
0x26f: {  	[hbm:s25], [sflag:s14] =	dma.local [spmem:s30], $0x500  }
0x270: {  	s21 =	simm.s32 $0x2;
	s25 =	sadd.s32 $0x5000, s25;
	s15 =	rddreg [dreg:$0x14]  }
0x271: {  	_ =	swait.ge [sflag:s13], $0x500;
	s24 =	sadd.s32 $0xFFFFFFFF, s15;
	s15 =	smov.u32 s29  }
.LBB2_8:
0x272: {  	[sflag:s13] =	ssyncset.done $0x0;
	s15 =	sadd.s32 $0x28000, s15;
	p0 =	sne.s32 s24, $0x1  }
.Ltmp5:
0x273: {  	s19 =	sshrl.u32 s15, $0x3;
	[sflag:s13] =	ssyncadd.s32 $0xFFFFFB00;
	(pc) =	sbr.rel @p0 .LBB2_8-.Ltmp5, $3  }
0x274: {  	[hbm:s25], [sflag:s14] =	dma.local [spmem:s19], $0x500  }
0x275: {  	s24 =	sadd.s32 $0xFFFFFFFF, s24;
	_ =	sdelay $0x1  }
0x276: {  	s25 =	sadd.s32 $0x5000, s25;
	_ =	swait.ge [sflag:s13], $0x500  }
.LBB2_9:
0x277: {  	s2 =	sld [smem:$0x7EA]  }
0x278: {  	s14 =	sld [smem:$0x7EF];
	_ =	sdelay $0x1  }
0x279: {  	s2 =	sadd.s32 $0x1, s2  }
0x27a: {  	p0 =	sne.s32 s2, s14  }
.Ltmp6:
0x27b: {  	_ = 	snop;
	(pc) =	sbr.rel @p0 .LBB2_1-.Ltmp6, $4  }
0x27c: {  	_ = 	snop  }
0x27d: {  	[sflag:s13] =	ssyncset.done $0x0;
	s30 =	simm.s32 $0x400  }
0x27e: {  	s19 =	simm.s32 $0x80;
	s28 =	simm.s32 $0x100;
	s5 =	simm.s32 $0x6  }
0x27f: {  	s18 =	simm.s32 $0x7;
	s0 =	simm.s32 $0x8;
	[sflag:s13] =	ssyncadd.s32 $0xFFFFFB00  }
0x280: {  	_ =	sfence.sel $0x180000  }
0x281: {  	[bflag:$0x0] =	sbarrier.arrive $0xFFFF  }
0x282: {  	_ =	strace $0x9000004A  }
0x283: {  	s0 =	stileid.u32;
	[bflag:$0x2] =	sbarrier.arrive $0xFFFF  }
0x284: {  	p0 =	sne.s32 s0, $0x0;
	s0 =	rddreg [dreg:$0x3]  }
0x285: {  	s0 =	sadd.s32 @!p0 $0x100000, s0  }
0x286: {  	[sflag:s0] =	ssyncadd.tile.s32 @!p0 $0x1;
	_ =	shalt  }
.Lfunc_end2:
_tile_overlayer_lowered:
.L_overlay_start_2:
0x287: {  	(tag) =	ssettag $0x2  }
0x288: {  	s0 =	rddreg [dreg:$0x0];
	s2 =	stileid.u32  }
0x289: {  	s1 =	rddreg [dreg:$0x1];
	p0 =	sne.s32 s2, $0x0  }
0x28a: {  	s3 =	rddreg [dreg:$0x2];
	[bflag:$0x3] =	sbarrier.arrive $0xFFFF;
	s2 =	simm.s32 @!p0 $0x1C11  }
0x28b: {  	[timem:s3], [sflag:s2] =	dma.local @!p0 [hbm:s0], s1  }
0x28c: {  	s0 =	simm.s32 @!p0 $0x11  }
0x28d: {  	_ =	swait.ge @!p0 [sflag:s0], s1  }
0x28e: {  	s1 =	ssub.s32 @!p0 $0x0, s1;
	[sflag:s0] =	ssyncset.done @!p0 $0x0  }
0x28f: {  	[sflag:s0] =	ssyncadd.s32 @!p0 s1  }
0x290: {  	[bflag:$0x3] =	sbarrier.arrive $0xFFFF  }
0x291: {  	_ =	shalt  }

// kernel: kernel.7.cloned.1.call-start
scs
__scs_entry_jumppad:
0x0: {  	(pc) =	sbr.rel $0x88, $3  }
0x1: {  	(tag) =	ssettag $0x0;
	lr =	simm.s32 $0x1  }
0x2: {  	[smem:$0x3F92] =	sst lr;
	_ =	strace $0xD0000000  }
0x3: {  	_ = 	snop  }
0x4: {  	_ = 	snop  }
0x5: {  	_ = 	snop  }
0x6: {  	_ = 	snop  }
0x7: {  	_ = 	snop  }
__scs_overlays_trampoline_lowered:
0x8: {  	[smem:$0x3FA1] =	sst s0  }
0x9: {  	[smem:$0x3FA2] =	sst s1  }
0xa: {  	[smem:$0x3FA3] =	sst s2  }
0xb: {  	[smem:$0x3FA4] =	sst s3  }
0xc: {  	[smem:$0x3FA5] =	sst s4  }
0xd: {  	[smem:$0x3FA6] =	sst s5  }
0xe: {  	[smem:$0x3FA7] =	sst s6  }
0xf: {  	[smem:$0x3FA8] =	sst s7  }
0x10: {  	[smem:$0x3FA9] =	sst s8  }
0x11: {  	[smem:$0x3FAA] =	sst s9;
	s0 =	simm.s32 @!p0 $0x0  }
0x12: {  	s1 =	sld [smem:$0x3F90];
	s0 =	simm.s32 @p0 $0x1  }
0x13: {  	[smem:$0x3FAB] =	sst s0;
	s0 =	simm.s32 @!p1 $0x0  }
0x14: {  	s2 =	sld [smem:$0x3F8F];
	s0 =	simm.s32 @p1 $0x1  }
0x15: {  	[smem:$0x3FAC] =	sst s0;
	s0 =	simm.s32 @!p2 $0x0  }
0x16: {  	s3 =	sld [smem:$0x3FDB];
	s0 =	simm.s32 @p2 $0x1  }
0x17: {  	s4 =	simm.s32 $0x1BF5;
	[smem:$0x3FAE] =	sst s0  }
0x18: {  	s0 =	sld [smem:$0x3F91];
	_ =	swait.ge [sflag:s4], $0x0  }
0x19: {  	s7 =	sld [smem:$0x3F92]  }
0x1a: {  	s8 =	sadd.s32 $0xFFFFE003, lr  }
0x1b: {  	s9 =	sadd.s32 $0xFFFFFEF7, lr;
	s5 =	simm.s32 $0xFFFFFFFF;
	p2 =	slt.u32 s8, $0xFFFFF086  }
0x1c: {  	p1 =	slt.u32 s9, $0xF7A;
	s5 =	simm.s32 @!p2 $0x0  }
0x1d: {  	s5 =	simm.s32 @p1 $0x1;
	p0 =	seq.s32 s7, s2  }
0x1e: {  	s7 =	smul.u32 @!p0 $0xF7A, s2;
	p2 =	seq.s32 @!p0 s5, $0x0  }
0x1f: {  	s9 =	smul.u32 $0xF7A, s1;
	s8 =	simm.s32 @!p0 $0x1BF5;
	p2 =	por !p2, p0  }
0x20: {  	[sflag:s8] =	ssyncset.s32 @!p0 $0xFFFFF086;
	s6 =	sadd.s32 @!p0 s3, s7;
	s7 =	simm.s32 @!p0 $0x108  }
0x21: {  	s3 =	sadd.s32 s3, s9;
	s6 =	sadd.s32 @!p0 $0x88, s6;
	s7 =	simm.s32 @p2 $0x1082  }
0x22: {  	[simem:s7], [sflag:s8] =	dma.local @!p0 [hbm:s6], $0xF7A  }
0x23: {  	s9 =	sor.u32 $0xD0000000, s2;
	s6 =	simm.s32 $0x108;
	_ =	swait.ge @!p0 [sflag:s8], $0x0  }
0x24: {  	s3 =	sadd.s32 $0x88, s3;
	s6 =	simm.s32 @!p1 $0x1082;
	[sflag:s4] =	ssyncset.s32 $0xFFFFF086  }
0x25: {  	[simem:s6], [sflag:s4] =	dma.local [hbm:s3], $0xF7A  }
0x26: {  	[smem:$0x3F92] =	sst s1;
	(tag) =	ssettag s2;
	_ =	strace s9  }
0x27: {  	s1 =	sld [smem:$0x3FA2]  }
0x28: {  	s2 =	sld [smem:$0x3FA3]  }
0x29: {  	s4 =	sld [smem:$0x3FA5]  }
0x2a: {  	p0 =	seq.s32 s5, $0x0;
	s5 =	sld [smem:$0x3FA6]  }
0x2b: {  	s6 =	sld [smem:$0x3FA7]  }
0x2c: {  	s7 =	sld [smem:$0x3FA8]  }
0x2d: {  	s3 =	simm.s32 $0x108;
	s8 =	sld [smem:$0x3FA9]  }
0x2e: {  	s3 =	simm.s32 @!p0 $0x1082;
	s9 =	sld [smem:$0x3FAA]  }
0x2f: {  	lr =	sadd.s32 s0, s3;
	s0 =	sld [smem:$0x3FA1]  }
0x30: {  	s3 =	sld [smem:$0x3FA4]  }
0x31: {  	[smem:$0x3FAD] =	sst s10  }
0x32: {  	s10 =	sld [smem:$0x3FAB];
	_ =	sdelay $0x3  }
0x33: {  	p0 =	seq.s32 s10, $0x1;
	s10 =	sld [smem:$0x3FAD];
	_ =	sdelay $0x3  }
0x34: {  	[smem:$0x3FAD] =	sst s10  }
0x35: {  	s10 =	sld [smem:$0x3FAC];
	_ =	sdelay $0x3  }
0x36: {  	p1 =	seq.s32 s10, $0x1;
	s10 =	sld [smem:$0x3FAD];
	_ =	sdelay $0x3  }
0x37: {  	[smem:$0x3FAD] =	sst s10  }
0x38: {  	s10 =	sld [smem:$0x3FAE]  }
0x39: {  	_ = 	snop;
	(pc) =	sbr.ind lr, $3  }
0x3a: {  	_ = 	snop  }
0x3b: {  	_ = 	snop  }
0x3c: {  	p2 =	seq.s32 s10, $0x1;
	s10 =	sld [smem:$0x3FAD]  }
0x3d: {  	_ =	shalt  }
0x3e: {  	_ =	shalt  }
0x3f: {  	_ =	shalt  }
0x40: {  	_ =	shalt  }
0x41: {  	_ =	shalt  }
0x42: {  	_ =	shalt  }
0x43: {  	_ =	shalt  }
0x44: {  	_ =	shalt  }
0x45: {  	_ =	shalt  }
0x46: {  	_ =	shalt  }
0x47: {  	_ =	shalt  }
0x48: {  	_ =	shalt  }
0x49: {  	_ =	shalt  }
0x4a: {  	_ =	shalt  }
0x4b: {  	_ =	shalt  }
0x4c: {  	_ =	shalt  }
0x4d: {  	_ =	shalt  }
0x4e: {  	_ =	shalt  }
0x4f: {  	_ =	shalt  }
0x50: {  	_ =	shalt  }
0x51: {  	_ =	shalt  }
0x52: {  	_ =	shalt  }
0x53: {  	_ =	shalt  }
0x54: {  	_ =	shalt  }
0x55: {  	_ =	shalt  }
0x56: {  	_ =	shalt  }
0x57: {  	_ =	shalt  }
0x58: {  	_ =	shalt  }
0x59: {  	_ =	shalt  }
0x5a: {  	_ =	shalt  }
0x5b: {  	_ =	shalt  }
0x5c: {  	_ =	shalt  }
0x5d: {  	_ =	shalt  }
0x5e: {  	_ =	shalt  }
0x5f: {  	_ =	shalt  }
0x60: {  	_ =	shalt  }
0x61: {  	_ =	shalt  }
0x62: {  	_ =	shalt  }
0x63: {  	_ =	shalt  }
0x64: {  	_ =	shalt  }
0x65: {  	_ =	shalt  }
0x66: {  	_ =	shalt  }
0x67: {  	_ =	shalt  }
0x68: {  	_ =	shalt  }
0x69: {  	_ =	shalt  }
0x6a: {  	_ =	shalt  }
0x6b: {  	_ =	shalt  }
0x6c: {  	_ =	shalt  }
0x6d: {  	_ =	shalt  }
0x6e: {  	_ =	shalt  }
0x6f: {  	_ =	shalt  }
0x70: {  	_ =	shalt  }
0x71: {  	_ =	shalt  }
0x72: {  	_ =	shalt  }
0x73: {  	_ =	shalt  }
0x74: {  	_ =	shalt  }
0x75: {  	_ =	shalt  }
0x76: {  	_ =	shalt  }
0x77: {  	_ =	shalt  }
0x78: {  	_ =	shalt  }
0x79: {  	_ =	shalt  }
0x7a: {  	_ =	shalt  }
0x7b: {  	_ =	shalt  }
0x7c: {  	_ =	shalt  }
0x7d: {  	_ =	shalt  }
0x7e: {  	_ =	shalt  }
0x7f: {  	_ =	shalt  }
0x80: {  	_ =	shalt  }
0x81: {  	_ =	shalt  }
0x82: {  	_ =	shalt  }
0x83: {  	_ =	shalt  }
0x84: {  	_ =	shalt  }
0x85: {  	_ =	shalt  }
0x86: {  	_ =	shalt  }
0x87: {  	_ =	shalt  }
.Lfunc_end0:
.L_simem_size_0:
called_computation_lowered:
.L_overlay_start_0:
0x88: {  	s2 =	sld [smem:$0x3FD9]  }
0x89: {  	s3 =	sld [smem:$0x3FFE];
	_ =	sdelay $0x1  }
0x8a: {  	s1 =	srdreg.scid  }
0x8b: {  	s0 =	sand.u32 $0x1, s1  }
0x8c: {  	s17 =	sshll.u32 s0, $0xA;
	s2 =	sadd.s32 s3, s2  }
0x8d: {  	s2 =	sadd.s32 s2, s17  }
0x8e: {  	[smem:$0x3FB9] =	sst s2  }
0x8f: {  	_ = 	snop  }
0x90: {  	s2 =	sld [smem:$0x3FD0];
	(tm) =	ssettm $0x1  }
0x91: {  	s18 =	sld [smem:$0x3FFB];
	_ =	sdelay $0x3  }
0x92: {  	_ =	strace s18  }
0x93: {  	s3 =	sld [smem:$0x3FFC];
	_ =	sdelay $0x3  }
0x94: {  	_ =	strace s3  }
0x95: {  	s3 =	sld [smem:$0x3FFD];
	_ =	sdelay $0x3  }
0x96: {  	_ =	strace s3  }
0x97: {  	_ =	strace $0x8FFFFFFF  }
0x98: {  	s19 =	sld [smem:$0x3FDB];
	_ =	sdelay $0x1  }
0x99: {  	s4 =	simm.s32 $_scs_section_size  }
0x9a: {  	s5 =	simm.s32 $_size__tile_overlayer_lowered;
	s6 =	simm.s32 $_tile_overlayer_lowered  }
0x9b: {  	s22 =	simm.s32 $0x1BFF;
	s21 =	sshll.u32 s6, $0x1;
	s3 =	sadd.s32 s4, s19  }
0x9c: {  	s7 =	simm.s32 $0x0;
	s20 =	sshll.u32 s5, $0x1;
	s5 =	sadd.s32 s21, s3  }
0x9d: {  	[timem:s7], [sflag:s22] =	dma.local [hbm:s5], s20  }
0x9e: {  	_ =	swait.ge [sflag:s22], s20  }
0x9f: {  	s4 =	ssub.s32 $0x0, s20;
	[sflag:s22] =	ssyncset.done $0x0  }
0xa0: {  	[sflag:s22] =	ssyncadd.s32 s4;
	_ =	sdelay $0x1  }
0xa1: {  	s23 =	simm.s32 $0x1B8B  }
0xa2: {  	_ =	swait.ge [sflag:s23], $0x1  }
0xa3: {  	[sflag:s23] =	ssyncset.done $0x0  }
0xa4: {  	s25 =	simm.s32 $0x1B8E;
	s24 =	sld [smem:$0x3FFE];
	[sflag:s23] =	ssyncadd.s32 $0xFFFFFFFF  }
0xa5: {  	s26 =	simm.s32 $execute0_lowered;
	[smem:$0x3FD2] =	sst s25  }
0xa6: {  	s5 =	sshll.u32 s26, $0x1;
	_ =	strace $0x80000046;
	[dreg:$0x1] =	wrdreg $0xFFFFFFFF  }
0xa7: {  	s28 =	simm.s32 $_size_execute0_lowered;
	s3 =	sadd.s32 s3, s5;
	[dreg:$0x0] =	wrdreg $0x0  }
0xa8: {  	s5 =	sshll.u32 s28, $0x1;
	[dreg:$0x2] =	wrdreg s3  }
0xa9: {  	[dreg:$0x3] =	wrdreg s5  }
0xaa: {  	[dreg:$0x4] =	wrdreg $0xC0  }
0xab: {  	_ =	task [dreg:s7], $0x5FFFF  }
0xac: {  	[dreg:$0x1] =	wrdreg $0xFFFFFFFF  }
0xad: {  	[dreg:$0x0] =	wrdreg $0x60  }
0xae: {  	[dreg:$0x2] =	wrdreg s24  }
0xaf: {  	[dreg:$0x3] =	wrdreg s2  }
0xb0: {  	[dreg:$0x4] =	wrdreg $0x9  }
0xb1: {  	_ =	task.clear_ibuf [dreg:s7], $0x5FFFF;
	_ =	strace $0x90000046  }
0xb2: {  	s29 =	simm.s32 $0x9;
	_ =	strace $0x80000048  }
0xb3: {  	_ =	swait.ge [sflag:s29], $0x1  }
0xb4: {  	[sflag:s29] =	ssyncadd.s32 $0xFFFFFFFF  }
0xb5: {  	_ =	strace $0x90000048  }
0xb6: {  	_ =	sfence  }
0xb7: {  	s30 =	sld [smem:$0x0];
	_ =	sdelay $0x2  }
0xb8: {  	s31 =	sshll.u32 s1, $0xD;
	s1 =	sshrl.u32 s1, $0x2  }
0xb9: {  	s3 =	sand.u32 $0x4000, s31;
	s1 =	sadd.s32 s1, s30  }
0xba: {  	s0 =	sor.u32 s3, s0;
	s1 =	sshll.u32 s1, $0x11  }
0xbb: {  	s0 =	sor.u32 s1, s0  }
0xbc: {  	s0 =	sadd.s32 $0x8F2B, s0  }
0xbd: {  	[sflag:s0] =	ssyncadd.remote.s32 $0x1  }
0xbe: {  	_ =	sfence.sel $0xFFFF  }
0xbf: {  	[dreg:$0x0] =	wrdreg $0xFFFFFFFF;
	(pc) =	sbr.abs _section_cstart, $3  }
0xc0: {  	[dreg:$0x1] =	wrdreg $0xFFFFFFFF  }
0xc1: {  	_ =	task.clear_ibuf [dreg:s7], $0x2FFFF;
	_ =	strace $0x9FFFFFFF  }
0xc2: {  	(tm) =	ssettm $0x7FFFFFFF  }
0xc3: {  	_ =	shalt  }
tec
execute0_lowered:
.L_overlay_start_1:
0x0: {  	(tag) =	ssettag $0x1  }
0x1: {  	s3 =	rddreg [dreg:$0x0]  }
0x2: {  	s4 =	rddreg [dreg:$0x1]  }
0x3: {  	s2 =	srdreg.scid;
	s1 =	stileid.u32  }
0x4: {  	s0 =	rddreg [dreg:$0x2];
	s10 =	simm.s32 $0x1;
	s11 =	simm.s32 $0x800  }
0x5: {  	s12 =	simm.s32 $0x80;
	s5 =	sand.u32 $0x1, s2;
	s6 =	sshll.u32 s1, $0x1  }
0x6: {  	s13 =	simm.s32 $0x400;
	s7 =	sshrl.u32 s1, $0x2;
	s6 =	sor.u32 s5, s6  }
0x7: {  	s2 =	simm.s32 $0x0;
	s7 =	smul.u32 $0x13C00, s7;
	s8 =	sshll.u32 s6, $0x7  }
0x8: {  	[smem:$0x7FF] =	sst s2;
	s6 =	smul.u32 $0x2710, s6;
	s8 =	sand.u32 $0x380, s8  }
0x9: {  	s5 =	ssub.s32 $0x2, s5;
	_ =	strace $0x80000047;
	s7 =	sor.u32 s7, s8  }
0xa: {  	s9 =	sshrl.u32 s5, $0x1;
	s6 =	sshrl.u32 s6, $0x3;
	s7 =	sshrl.u32 s7, $0x3  }
0xb: {  	s5 =	ssub.s32 s5, s9;
	s31 =	sadd.s32 s6, s3;
	s3 =	sadd.s32 s4, s7  }
0xc: {  	s4 =	smax.u32 s5, $0x1;
	s5 =	sadd.s32 $0xCE40, s31;
	s6 =	sadd.s32 $0xCF3A, s31  }
0xd: {  	v0 =	vimm.f32 $0.0e+00;
	v1 =	vimm.f32 $1.000000000e+00;
	s7 =	sadd.s32 $0xD034, s31;
	s8 =	sadd.s32 $0xD12E, s31;
	s9 =	sadd.s32 $0xD228, s31  }
.LBB2_1:
0xe: {  	s14 =	simm.s32 $0x40;
	s15 =	simm.s32 $0x0  }
.LBB2_2:
0xf: {  	p0 =	sne.s32 s14, $0x9C00;
	[tilespmem:s15+$0x800] =	vst v0;
	s15 =	smov.u32 s14;
	s14 =	sadd.s32 $0x40, s14  }
.Ltmp0:
0x10: {  	(pc) =	sbr.rel @p0 .LBB2_2-.Ltmp0, $2  }
0x11: {  	_ =	sdelay $0x2  }
0x12: {  	s15 =	sshra.s32 s15, $0x2  }
0x13: {  	[tilespmem:s15+$0x800] =	vst v0;
	s14 =	simm.s32 $0x0  }
0x14: {  	[tilespmem:s14], [sflag:$0x1] =	stream.linear.gather [hbm4b:s5+s14], $0x7D0, $0x38;
	[tilespmem:$0x2F80] =	vst v63  }
0x15: {  	_ =	swait.ge [sflag:s10], $0x7D0  }
0x16: {  	[sflag:s10] =	ssyncset.done $0x0  }
0x17: {  	s15 =	simm.s32 $0x0;
	s14 =	simm.s32 $0x40;
	[sflag:s10] =	ssyncadd.s32 $0xFFFFF830  }
.LBB2_4:
0x18: {  	p0 =	sne.s32 s14, $0x1F00;
	v2 =	vld [tilespmem:s15+$0x0];
	_ =	sdelay $0x3  }
.Ltmp1:
0x19: {  	(pc) =	sbr.rel @p0 .LBB2_4-.Ltmp1, $2  }
0x1a: {  	_ =	sdelay $0x2  }
0x1b: {  	s15 =	sshra.s32 s14, $0x2;
	s14 =	sadd.s32 $0x40, s14;
	[tilespmem:v2+s11+$0x0] =	vst.idx.add.f32.msk $0xffff, v1  }
0x1c: {  	v2 =	vld [tilespmem:s15+$0x0];
	_ =	sdelay $0x7  }
0x1d: {  	s14 =	simm.s32 $0x0;
	[tilespmem:v2+s11+$0x0] =	vst.idx.add.f32.msk $0xffff, v1  }
0x1e: {  	[tilespmem:s14], [sflag:$0x1] =	stream.linear.gather [hbm4b:s6+s14], $0x7D0, $0x38;
	[tilespmem:$0x2F80] =	vst v63  }
0x1f: {  	_ =	swait.ge [sflag:s10], $0x7D0  }
0x20: {  	[sflag:s10] =	ssyncset.done $0x0  }
0x21: {  	s15 =	simm.s32 $0x0;
	s14 =	simm.s32 $0x40;
	[sflag:s10] =	ssyncadd.s32 $0xFFFFF830  }
.LBB2_6:
0x22: {  	p0 =	sne.s32 s14, $0x1F00;
	v2 =	vld [tilespmem:s15+$0x0];
	_ =	sdelay $0x3  }
.Ltmp2:
0x23: {  	(pc) =	sbr.rel @p0 .LBB2_6-.Ltmp2, $2  }
0x24: {  	_ =	sdelay $0x2  }
0x25: {  	s15 =	sshra.s32 s14, $0x2;
	s14 =	sadd.s32 $0x40, s14;
	[tilespmem:v2+s11+$0x0] =	vst.idx.add.f32.msk $0xffff, v1  }
0x26: {  	v2 =	vld [tilespmem:s15+$0x0];
	_ =	sdelay $0x7  }
0x27: {  	s14 =	simm.s32 $0x0;
	[tilespmem:v2+s11+$0x0] =	vst.idx.add.f32.msk $0xffff, v1  }
0x28: {  	[tilespmem:s14], [sflag:$0x1] =	stream.linear.gather [hbm4b:s7+s14], $0x7D0, $0x38;
	[tilespmem:$0x2F80] =	vst v63  }
0x29: {  	_ =	swait.ge [sflag:s10], $0x7D0  }
0x2a: {  	[sflag:s10] =	ssyncset.done $0x0  }
0x2b: {  	s15 =	simm.s32 $0x0;
	s14 =	simm.s32 $0x40;
	[sflag:s10] =	ssyncadd.s32 $0xFFFFF830  }
.LBB2_8:
0x2c: {  	p0 =	sne.s32 s14, $0x1F00;
	v2 =	vld [tilespmem:s15+$0x0];
	_ =	sdelay $0x3  }
.Ltmp3:
0x2d: {  	(pc) =	sbr.rel @p0 .LBB2_8-.Ltmp3, $2  }
0x2e: {  	_ =	sdelay $0x2  }
0x2f: {  	s15 =	sshra.s32 s14, $0x2;
	s14 =	sadd.s32 $0x40, s14;
	[tilespmem:v2+s11+$0x0] =	vst.idx.add.f32.msk $0xffff, v1  }
0x30: {  	v2 =	vld [tilespmem:s15+$0x0];
	_ =	sdelay $0x7  }
0x31: {  	s14 =	simm.s32 $0x0;
	[tilespmem:v2+s11+$0x0] =	vst.idx.add.f32.msk $0xffff, v1  }
0x32: {  	[tilespmem:s14], [sflag:$0x1] =	stream.linear.gather [hbm4b:s8+s14], $0x7D0, $0x38;
	[tilespmem:$0x2F80] =	vst v63  }
0x33: {  	_ =	swait.ge [sflag:s10], $0x7D0  }
0x34: {  	[sflag:s10] =	ssyncset.done $0x0  }
0x35: {  	s15 =	simm.s32 $0x0;
	s14 =	simm.s32 $0x40;
	[sflag:s10] =	ssyncadd.s32 $0xFFFFF830  }
.LBB2_10:
0x36: {  	p0 =	sne.s32 s14, $0x1F00;
	v2 =	vld [tilespmem:s15+$0x0];
	_ =	sdelay $0x3  }
.Ltmp4:
0x37: {  	(pc) =	sbr.rel @p0 .LBB2_10-.Ltmp4, $2  }
0x38: {  	_ =	sdelay $0x2  }
0x39: {  	s15 =	sshra.s32 s14, $0x2;
	s14 =	sadd.s32 $0x40, s14;
	[tilespmem:v2+s11+$0x0] =	vst.idx.add.f32.msk $0xffff, v1  }
0x3a: {  	v2 =	vld [tilespmem:s15+$0x0];
	_ =	sdelay $0x7  }
0x3b: {  	s14 =	simm.s32 $0x0;
	[tilespmem:v2+s11+$0x0] =	vst.idx.add.f32.msk $0xffff, v1  }
0x3c: {  	[tilespmem:s14], [sflag:$0x1] =	stream.linear.gather [hbm4b:s9+s14], $0x7D0, $0x38;
	[tilespmem:$0x2F80] =	vst v63  }
0x3d: {  	_ =	swait.ge [sflag:s10], $0x7D0  }
0x3e: {  	[sflag:s10] =	ssyncset.done $0x0  }
0x3f: {  	s15 =	simm.s32 $0x0;
	s14 =	simm.s32 $0x40;
	[sflag:s10] =	ssyncadd.s32 $0xFFFFF830  }
.LBB2_12:
0x40: {  	p0 =	sne.s32 s14, $0x1F00;
	v2 =	vld [tilespmem:s15+$0x0];
	_ =	sdelay $0x3  }
.Ltmp5:
0x41: {  	(pc) =	sbr.rel @p0 .LBB2_12-.Ltmp5, $2  }
0x42: {  	_ =	sdelay $0x2  }
0x43: {  	s15 =	sshra.s32 s14, $0x2;
	s14 =	sadd.s32 $0x40, s14;
	[tilespmem:v2+s11+$0x0] =	vst.idx.add.f32.msk $0xffff, v1  }
0x44: {  	v2 =	vld [tilespmem:s15+$0x0];
	_ =	sdelay $0x5  }
0x45: {  	s2 =	sadd.s32 $0x1, s2  }
0x46: {  	p0 =	sne.s32 s2, s4  }
.Ltmp6:
0x47: {  	[tilespmem:v2+s11+$0x0] =	vst.idx.add.f32.msk $0xffff, v1;
	(pc) =	sbr.rel @p0 .LBB2_1-.Ltmp6, $4  }
0x48: {  	[hbm4b:s3+s12] =	stream.strided.scatter [tilespmem:s11], [sflag:$0x1], $0x2780, s13, s12, $0x38;
	[tilespmem:$0x2F80] =	vst v63  }
0x49: {  	_ =	swait.ge [sflag:s10], $0x2780  }
0x4a: {  	[sflag:s10] =	ssyncset.done $0x0  }
0x4b: {  	[sflag:s10] =	ssyncadd.s32 $0xFFFFD880  }
0x4c: {  	_ =	sfence.sel $0x180000  }
0x4d: {  	[bflag:$0x0] =	sbarrier.arrive $0xFFFF  }
0x4e: {  	p0 =	sne.s32 s1, $0x0;
	_ =	strace $0x90000047  }
0x4f: {  	s0 =	sadd.s32 @!p0 $0x100000, s0;
	[bflag:$0x2] =	sbarrier.arrive $0xFFFF  }
0x50: {  	[sflag:s0] =	ssyncadd.tile.s32 @!p0 $0x1;
	_ =	shalt  }
.Lfunc_end2:
_tile_overlayer_lowered:
.L_overlay_start_2:
0x51: {  	(tag) =	ssettag $0x2  }
0x52: {  	s0 =	rddreg [dreg:$0x0];
	s2 =	stileid.u32  }
0x53: {  	s1 =	rddreg [dreg:$0x1];
	p0 =	sne.s32 s2, $0x0  }
0x54: {  	s3 =	rddreg [dreg:$0x2];
	[bflag:$0x3] =	sbarrier.arrive $0xFFFF;
	s2 =	simm.s32 @!p0 $0x1C01  }
0x55: {  	[timem:s3], [sflag:s2] =	dma.local @!p0 [hbm:s0], s1  }
0x56: {  	s0 =	simm.s32 @!p0 $0x1  }
0x57: {  	_ =	swait.ge @!p0 [sflag:s0], s1  }
0x58: {  	s1 =	ssub.s32 @!p0 $0x0, s1;
	[sflag:s0] =	ssyncset.done @!p0 $0x0  }
0x59: {  	[sflag:s0] =	ssyncadd.s32 @!p0 s1  }
0x5a: {  	[bflag:$0x3] =	sbarrier.arrive $0xFFFF  }
0x5b: {  	_ =	shalt  }

</sc_bundles>
